<compile_context>
chip_gen: v7x
topology: tpu7x:2x2x1
jax: 0.10.2.dev20260603
libtpu: 0.0.44.dev20260713+nightly
codegen_flags: <defaults>
</compile_context>

<pallas_src>
import jax
import jax.numpy as jnp
from jax import lax
from jax.experimental import pallas as pl
from jax.experimental.pallas import tpu as pltpu
from jax.experimental.pallas import tpu_sc as plsc

N = 10000
F = 64
KK = 8
POS_PER_ROW = KK * KK
ROWS_PER_GROUP = 8
GROUPS = N // ROWS_PER_GROUP
POS_PER_GROUP = ROWS_PER_GROUP * POS_PER_ROW
SRC_PER_GROUP = POS_PER_GROUP * 2
OUT_ROW = 2 * F
OUT_ROWS_PER_GROUP = POS_PER_GROUP * F // OUT_ROW
NUM_WORKERS = 32
MAX_GPW = (GROUPS + NUM_WORKERS - 1) // NUM_WORKERS
NBUF = 2
LANES = 16


def _sc_body(dst_hbm, src_hbm, e1_hbm, e2_hbm, e3_hbm, out_hbm,
             dst_v, e1_v, e2_v, e3_v, t2_v, *bufs_and_sems):
    cid = lax.axis_index("c")
    sid = lax.axis_index("s")
    wid = sid * 2 + cid

    src_bufs = bufs_and_sems[:NBUF]
    out_bufs = bufs_and_sems[NBUF:2 * NBUF]
    src_sems = bufs_and_sems[2 * NBUF:3 * NBUF]
    out_sems = bufs_and_sems[3 * NBUF:]

    def fire_src(gi, b):
        g = wid + gi * NUM_WORKERS

        @pl.when(g < GROUPS)
        def _():
            pltpu.async_copy(
                src_hbm.at[pl.ds(g * SRC_PER_GROUP, SRC_PER_GROUP)],
                src_bufs[b],
                src_sems[b])

    pltpu.sync_copy(dst_hbm, dst_v.at[pl.ds(0, N)])
    pltpu.sync_copy(e1_hbm, e1_v)
    pltpu.sync_copy(e2_hbm, e2_v)
    pltpu.sync_copy(e3_hbm, e3_v)

    for b in range(NBUF):
        fire_src(jnp.int32(b), b)

    for r in range(8):
        b2, b1, b0 = (r >> 2) & 1, (r >> 1) & 1, r & 1
        for c in range(F // LANES):
            off = c * LANES
            t2_v[pl.ds(r * F + off, LANES)] = (
                e2_v[pl.ds(b2 * F + off, LANES)]
                + e1_v[pl.ds(b1 * F + off, LANES)]
                + e3_v[pl.ds(b0 * F + off, LANES)])

    def ring_body(p, carry):
        for b in range(NBUF):
            gi = p * NBUF + b
            g = wid + gi * NUM_WORKERS

            @pl.when(g < GROUPS)
            def _():
                src_v = src_bufs[b]
                out_v = out_bufs[b]
                pltpu.make_async_copy(
                    src_hbm.at[pl.ds(0, SRC_PER_GROUP)],
                    src_v,
                    src_sems[b]).wait()
                @pl.when(gi >= NBUF)
                def _():
                    pltpu.make_async_copy(
                        out_v,
                        out_hbm.at[pl.ds(0, OUT_ROWS_PER_GROUP)],
                        out_sems[b]).wait()

                @plsc.parallel_loop(0, POS_PER_GROUP // 8, unroll=2)
                def chunk_body(cp):
                    pairv = src_v[pl.ds(cp * 16, 16)]
                    zav = dst_v[pl.ds(g * ROWS_PER_GROUP + (cp >> 3), 16)]
                    za = zav[0]
                    for j in range(8):
                        zb = pairv[2 * j]
                        zc = pairv[2 * j + 1]
                        idx = (((za == zb).astype(jnp.int32) << 2)
                               | ((za == zc).astype(jnp.int32) << 1)
                               | (zb == zc).astype(jnp.int32))
                        tbase = idx << 6
                        orow = cp * 4 + (j >> 1)
                        ocol = (j & 1) * F
                        for fb in range(0, F, LANES):
                            out_v[orow, pl.ds(ocol + fb, LANES)] = (
                                t2_v[pl.ds(tbase + fb, LANES)])

                pltpu.async_copy(
                    out_v,
                    out_hbm.at[pl.ds(g * OUT_ROWS_PER_GROUP,
                                     OUT_ROWS_PER_GROUP)],
                    out_sems[b])
                fire_src(gi + NBUF, b)

        return carry

    lax.fori_loop(0, (MAX_GPW + NBUF - 1) // NBUF, ring_body, 0)

    for b in range(NBUF):
        pltpu.make_async_copy(
            out_bufs[b],
            out_hbm.at[pl.ds(0, OUT_ROWS_PER_GROUP)],
            out_sems[b]).wait()


@jax.jit
def _run(dst_adj, src_flat, e1f, e2f, e3f):
    mesh = plsc.VectorSubcoreMesh(core_axis_name="c", subcore_axis_name="s",
                                  num_cores=2, num_subcores=16)
    f = pl.kernel(
        _sc_body,
        out_type=jax.ShapeDtypeStruct((N * POS_PER_ROW * F // OUT_ROW,
                                       OUT_ROW), jnp.float32),
        mesh=mesh,
        compiler_params=pltpu.CompilerParams(needs_layout_passes=False),
        scratch_types=[
            pltpu.VMEM((N + 16,), jnp.int32),
            pltpu.VMEM((2 * F,), jnp.float32),
            pltpu.VMEM((2 * F,), jnp.float32),
            pltpu.VMEM((2 * F,), jnp.float32),
            pltpu.VMEM((8 * F,), jnp.float32),
        ] + [pltpu.VMEM((SRC_PER_GROUP,), jnp.int32)] * NBUF
          + [pltpu.VMEM((OUT_ROWS_PER_GROUP, OUT_ROW), jnp.float32)] * NBUF
          + [pltpu.SemaphoreType.DMA] * (2 * NBUF),
    )
    return f(dst_adj, src_flat, e1f, e2f, e3f)


def kernel(dst_z, src_z, k, e1_weight, e2_weight, e3_weight):
    kk = src_z.shape[1]
    dst_adj = (dst_z + (jnp.asarray(k, jnp.int32) - kk)).astype(jnp.int32)
    src_flat = src_z.reshape(-1)
    out_rows = _run(dst_adj, src_flat,
                    e1_weight.reshape(-1), e2_weight.reshape(-1),
                    e3_weight.reshape(-1))
    return out_rows.reshape(N, KK, KK, F)

# --- scband reference (transcript-rebuilt; emitter-appended) ---
"""Pipeline reference for scband-color-invariant-triplet-90666759618713 (READ-ONLY COPY).

The authoritative reference and input builder live on the scoring server;
editing this copy changes nothing except your own understanding.
"""

import jax, jax.numpy as jnp
import numpy as np

N = 10000
K = 8
F = 64

def setup_inputs(seed: int = 0) -> dict:
    key = jax.random.key(seed)
    k1, k2, k3, k4, k5 = jax.random.split(key, 5)
    dst_z = jax.random.randint(k1, (N,), 0, 2, dtype=jnp.int32)
    src_z = jax.random.randint(k2, (N, K, K, 2), 0, 2, dtype=jnp.int32)
    e1_weight = jax.random.normal(k3, (2, F), dtype=jnp.float32)
    e2_weight = jax.random.normal(k4, (2, F), dtype=jnp.float32)
    e3_weight = jax.random.normal(k5, (2, F), dtype=jnp.float32)
    return {
        "dst_z": dst_z,
        "src_z": src_z,
        "k": K,
        "e1_weight": e1_weight,
        "e2_weight": e2_weight,
        "e3_weight": e3_weight,
    }

def reference(dst_z, src_z, k, e1_weight, e2_weight, e3_weight):
    # za = dst_z[:, None, None].expand(-1, k, k)
    kk = src_z.shape[1]
    za = jnp.broadcast_to(dst_z[:, None, None], (dst_z.shape[0], kk, kk))
    za = za + (jnp.asarray(k, dtype=jnp.int32) - kk)
    # zb = src_z[..., 0]; zc = src_z[..., 1]
    zb = src_z[..., 0]
    zc = src_z[..., 1]
    zab = (za == zb).astype(jnp.int32)
    zac = (za == zc).astype(jnp.int32)
    zbc = (zb == zc).astype(jnp.int32)
    # embedding lookups: table[idx] with table shape [2, F]
    out = jnp.take(e1_weight, zac, axis=0) + jnp.take(e2_weight, zab, axis=0) + jnp.take(e3_weight, zbc, axis=0)
    return out

if __name__ == "__main__":
    import jax
    _d = setup_inputs()
    print(jax.jit(kernel)(*tuple(_d.values())))

</pallas_src>

<mosaic_0001>
#map = affine_map<(d0, d1) -> (0)>
#map1 = affine_map<(d0, d1) -> (0, 0)>
module attributes {stable_mosaic.version = 14 : i64} {
  func.func @_sc_body(%arg0: i32, %arg1: i32, %arg2: memref<10000xi32, #tpu.memory_space<hbm>>, %arg3: memref<1280000xi32, #tpu.memory_space<hbm>>, %arg4: memref<128xf32, #tpu.memory_space<hbm>>, %arg5: memref<128xf32, #tpu.memory_space<hbm>>, %arg6: memref<128xf32, #tpu.memory_space<hbm>>, %arg7: memref<320000x128xf32, #tpu.memory_space<hbm>>, %arg8: memref<10016xi32, #tpu.memory_space<vmem>>, %arg9: memref<128xf32, #tpu.memory_space<vmem>>, %arg10: memref<128xf32, #tpu.memory_space<vmem>>, %arg11: memref<128xf32, #tpu.memory_space<vmem>>, %arg12: memref<512xf32, #tpu.memory_space<vmem>>, %arg13: memref<1024xi32, #tpu.memory_space<vmem>>, %arg14: memref<1024xi32, #tpu.memory_space<vmem>>, %arg15: memref<256x128xf32, #tpu.memory_space<vmem>>, %arg16: memref<256x128xf32, #tpu.memory_space<vmem>>, %arg17: memref<!tpu.dma_semaphore, #tpu.memory_space<semaphore_mem>>, %arg18: memref<!tpu.dma_semaphore, #tpu.memory_space<semaphore_mem>>, %arg19: memref<!tpu.dma_semaphore, #tpu.memory_space<semaphore_mem>>, %arg20: memref<!tpu.dma_semaphore, #tpu.memory_space<semaphore_mem>>) attributes {dimension_semantics = [#tpu.dimension_semantics<core_parallel>, #tpu.dimension_semantics<subcore_parallel>], iteration_bounds = array<i64: 2, 16>, scalar_prefetch = 0 : i64, scratch_operands = 13 : i64, tpu.core_type = #tpu.core_type<sc_vector_subcore>, window_params = [{transform_indices = #map}, {transform_indices = #map}, {transform_indices = #map}, {transform_indices = #map}, {transform_indices = #map}, {transform_indices = #map1}]} {
    %mul3A = arith.constant 2 : i32
    %mul3A_0 = arith.muli %arg1, %mul3A : i32
    %add3A = arith.addi %mul3A_0, %arg0 : i32
    "tpu.region"() ({
      %run_scoped3A = tpu.sem_alloc : memref<!tpu.dma_semaphore, #tpu.memory_space<semaphore_mem>>
      %dma_start3A = arith.constant 0 : i32
      %dma_start3A_350 = tpu.memref_slice %arg8[%dma_start3A] : memref<10016xi32, #tpu.memory_space<vmem>> -> memref<10000xi32, #tpu.memory_space<vmem>>
      %dma_start3A_351 = arith.constant 0 : i32
      %dma_start3A_352 = tpu.memref_slice %arg8[%dma_start3A_351] : memref<10016xi32, #tpu.memory_space<vmem>> -> memref<10000xi32, #tpu.memory_space<vmem>>
      tpu.enqueue_dma source(%arg2 : memref<10000xi32, #tpu.memory_space<hbm>>) target(%dma_start3A_352 : memref<10000xi32, #tpu.memory_space<vmem>>) target_semaphore(%run_scoped3A : memref<!tpu.dma_semaphore, #tpu.memory_space<semaphore_mem>>)
      %dma_wait3A_353 = arith.constant 0 : i32
      %dma_wait3A_354 = tpu.memref_slice %arg8[%dma_wait3A_353] : memref<10016xi32, #tpu.memory_space<vmem>> -> memref<10000xi32, #tpu.memory_space<vmem>>
      %dma_wait3A_355 = arith.constant 0 : i32
      %dma_wait3A_356 = tpu.memref_slice %arg8[%dma_wait3A_355] : memref<10016xi32, #tpu.memory_space<vmem>> -> memref<10000xi32, #tpu.memory_space<vmem>>
      tpu.wait_dma2 semaphore(%run_scoped3A : memref<!tpu.dma_semaphore, #tpu.memory_space<semaphore_mem>>) src(%arg2 : memref<10000xi32, #tpu.memory_space<hbm>>) dst(%dma_wait3A_356 : memref<10000xi32, #tpu.memory_space<vmem>>)
      tpu.yield
    }) : () -> ()
    "tpu.region"() ({
      %run_scoped3A = tpu.sem_alloc : memref<!tpu.dma_semaphore, #tpu.memory_space<semaphore_mem>>
      tpu.enqueue_dma source(%arg4 : memref<128xf32, #tpu.memory_space<hbm>>) target(%arg9 : memref<128xf32, #tpu.memory_space<vmem>>) target_semaphore(%run_scoped3A : memref<!tpu.dma_semaphore, #tpu.memory_space<semaphore_mem>>)
      tpu.wait_dma2 semaphore(%run_scoped3A : memref<!tpu.dma_semaphore, #tpu.memory_space<semaphore_mem>>) src(%arg4 : memref<128xf32, #tpu.memory_space<hbm>>) dst(%arg9 : memref<128xf32, #tpu.memory_space<vmem>>)
      tpu.yield
    }) : () -> ()
    "tpu.region"() ({
      %run_scoped3A = tpu.sem_alloc : memref<!tpu.dma_semaphore, #tpu.memory_space<semaphore_mem>>
      tpu.enqueue_dma source(%arg5 : memref<128xf32, #tpu.memory_space<hbm>>) target(%arg10 : memref<128xf32, #tpu.memory_space<vmem>>) target_semaphore(%run_scoped3A : memref<!tpu.dma_semaphore, #tpu.memory_space<semaphore_mem>>)
      tpu.wait_dma2 semaphore(%run_scoped3A : memref<!tpu.dma_semaphore, #tpu.memory_space<semaphore_mem>>) src(%arg5 : memref<128xf32, #tpu.memory_space<hbm>>) dst(%arg10 : memref<128xf32, #tpu.memory_space<vmem>>)
      tpu.yield
    }) : () -> ()
    "tpu.region"() ({
      %run_scoped3A = tpu.sem_alloc : memref<!tpu.dma_semaphore, #tpu.memory_space<semaphore_mem>>
      tpu.enqueue_dma source(%arg6 : memref<128xf32, #tpu.memory_space<hbm>>) target(%arg11 : memref<128xf32, #tpu.memory_space<vmem>>) target_semaphore(%run_scoped3A : memref<!tpu.dma_semaphore, #tpu.memory_space<semaphore_mem>>)
      tpu.wait_dma2 semaphore(%run_scoped3A : memref<!tpu.dma_semaphore, #tpu.memory_space<semaphore_mem>>) src(%arg6 : memref<128xf32, #tpu.memory_space<hbm>>) dst(%arg11 : memref<128xf32, #tpu.memory_space<vmem>>)
      tpu.yield
    }) : () -> ()
    %mul3A_1 = arith.constant 0 : i32
    %mul3A_2 = arith.constant 32 : i32
    %mul3A_3 = arith.muli %mul3A_1, %mul3A_2 : i32
    %add3A_4 = arith.addi %add3A, %mul3A_3 : i32
    %lt3A = arith.constant 1250 : i32
    %lt3A_5 = arith.cmpi slt, %add3A_4, %lt3A : i32
    %convert_element_type3A = arith.extui %lt3A_5 : i1 to i32
    %cond3A = arith.constant 0 : i32
    %cond3A_6 = arith.cmpi ne, %convert_element_type3A, %cond3A : i32
    scf.if %cond3A_6 {
      %mul3A_350 = arith.constant 1024 : i32
      %mul3A_351 = arith.muli %add3A_4, %mul3A_350 : i32
      %dma_start3A = tpu.memref_slice %arg3[%mul3A_351] : memref<1280000xi32, #tpu.memory_space<hbm>> -> memref<1024xi32, #tpu.memory_space<hbm>>
      %dma_start3A_352 = tpu.memref_slice %arg3[%mul3A_351] : memref<1280000xi32, #tpu.memory_space<hbm>> -> memref<1024xi32, #tpu.memory_space<hbm>>
      tpu.enqueue_dma source(%dma_start3A_352 : memref<1024xi32, #tpu.memory_space<hbm>>) target(%arg13 : memref<1024xi32, #tpu.memory_space<vmem>>) target_semaphore(%arg17 : memref<!tpu.dma_semaphore, #tpu.memory_space<semaphore_mem>>)
    } else {
    }
    %mul3A_7 = arith.constant 1 : i32
    %mul3A_8 = arith.constant 32 : i32
    %mul3A_9 = arith.muli %mul3A_7, %mul3A_8 : i32
    %add3A_10 = arith.addi %add3A, %mul3A_9 : i32
    %lt3A_11 = arith.constant 1250 : i32
    %lt3A_12 = arith.cmpi slt, %add3A_10, %lt3A_11 : i32
    %convert_element_type3A_13 = arith.extui %lt3A_12 : i1 to i32
    %cond3A_14 = arith.constant 0 : i32
    %cond3A_15 = arith.cmpi ne, %convert_element_type3A_13, %cond3A_14 : i32
    scf.if %cond3A_15 {
      %mul3A_350 = arith.constant 1024 : i32
      %mul3A_351 = arith.muli %add3A_10, %mul3A_350 : i32
      %dma_start3A = tpu.memref_slice %arg3[%mul3A_351] : memref<1280000xi32, #tpu.memory_space<hbm>> -> memref<1024xi32, #tpu.memory_space<hbm>>
      %dma_start3A_352 = tpu.memref_slice %arg3[%mul3A_351] : memref<1280000xi32, #tpu.memory_space<hbm>> -> memref<1024xi32, #tpu.memory_space<hbm>>
      tpu.enqueue_dma source(%dma_start3A_352 : memref<1024xi32, #tpu.memory_space<hbm>>) target(%arg14 : memref<1024xi32, #tpu.memory_space<vmem>>) target_semaphore(%arg18 : memref<!tpu.dma_semaphore, #tpu.memory_space<semaphore_mem>>)
    } else {
    }
    %get3A = arith.constant 0 : index
    %get3A_16 = tpu.vector_load %arg10[%get3A] {strides = array<i32>} : memref<128xf32, #tpu.memory_space<vmem>>, vector<16xf32>,
    %get3A_17 = arith.constant 0 : index
    %get3A_18 = tpu.vector_load %arg9[%get3A_17] {strides = array<i32>} : memref<128xf32, #tpu.memory_space<vmem>>, vector<16xf32>,
    %add3A_19 = arith.addf %get3A_16, %get3A_18 : vector<16xf32>
    %get3A_20 = arith.constant 0 : index
    %get3A_21 = tpu.vector_load %arg11[%get3A_20] {strides = array<i32>} : memref<128xf32, #tpu.memory_space<vmem>>, vector<16xf32>,
    %add3A_22 = arith.addf %add3A_19, %get3A_21 : vector<16xf32>
    %swap3A = arith.constant 0 : index
    %swap3A_23 = tpu.vector_load %arg12[%swap3A] {strides = array<i32>} : memref<512xf32, #tpu.memory_space<vmem>>, vector<16xf32>,
    tpu.vector_store %arg12[%swap3A], %add3A_22 {strides = array<i32>} : memref<512xf32, #tpu.memory_space<vmem>>, vector<16xf32>,
    %get3A_24 = arith.constant 16 : index
    %get3A_25 = tpu.vector_load %arg10[%get3A_24] {strides = array<i32>} : memref<128xf32, #tpu.memory_space<vmem>>, vector<16xf32>,
    %get3A_26 = arith.constant 16 : index
    %get3A_27 = tpu.vector_load %arg9[%get3A_26] {strides = array<i32>} : memref<128xf32, #tpu.memory_space<vmem>>, vector<16xf32>,
    %add3A_28 = arith.addf %get3A_25, %get3A_27 : vector<16xf32>
    %get3A_29 = arith.constant 16 : index
    %get3A_30 = tpu.vector_load %arg11[%get3A_29] {strides = array<i32>} : memref<128xf32, #tpu.memory_space<vmem>>, vector<16xf32>,
    %add3A_31 = arith.addf %add3A_28, %get3A_30 : vector<16xf32>
    %swap3A_32 = arith.constant 16 : index
    %swap3A_33 = tpu.vector_load %arg12[%swap3A_32] {strides = array<i32>} : memref<512xf32, #tpu.memory_space<vmem>>, vector<16xf32>,
    tpu.vector_store %arg12[%swap3A_32], %add3A_31 {strides = array<i32>} : memref<512xf32, #tpu.memory_space<vmem>>, vector<16xf32>,
    %get3A_34 = arith.constant 32 : index
    %get3A_35 = tpu.vector_load %arg10[%get3A_34] {strides = array<i32>} : memref<128xf32, #tpu.memory_space<vmem>>, vector<16xf32>,
    %get3A_36 = arith.constant 32 : index
    %get3A_37 = tpu.vector_load %arg9[%get3A_36] {strides = array<i32>} : memref<128xf32, #tpu.memory_space<vmem>>, vector<16xf32>,
    %add3A_38 = arith.addf %get3A_35, %get3A_37 : vector<16xf32>
    %get3A_39 = arith.constant 32 : index
    %get3A_40 = tpu.vector_load %arg11[%get3A_39] {strides = array<i32>} : memref<128xf32, #tpu.memory_space<vmem>>, vector<16xf32>,
    %add3A_41 = arith.addf %add3A_38, %get3A_40 : vector<16xf32>
    %swap3A_42 = arith.constant 32 : index
    %swap3A_43 = tpu.vector_load %arg12[%swap3A_42] {strides = array<i32>} : memref<512xf32, #tpu.memory_space<vmem>>, vector<16xf32>,
    tpu.vector_store %arg12[%swap3A_42], %add3A_41 {strides = array<i32>} : memref<512xf32, #tpu.memory_space<vmem>>, vector<16xf32>,
    %get3A_44 = arith.constant 48 : index
    %get3A_45 = tpu.vector_load %arg10[%get3A_44] {strides = array<i32>} : memref<128xf32, #tpu.memory_space<vmem>>, vector<16xf32>,
    %get3A_46 = arith.constant 48 : index
    %get3A_47 = tpu.vector_load %arg9[%get3A_46] {strides = array<i32>} : memref<128xf32, #tpu.memory_space<vmem>>, vector<16xf32>,
    %add3A_48 = arith.addf %get3A_45, %get3A_47 : vector<16xf32>
    %get3A_49 = arith.constant 48 : index
    %get3A_50 = tpu.vector_load %arg11[%get3A_49] {strides = array<i32>} : memref<128xf32, #tpu.memory_space<vmem>>, vector<16xf32>,
    %add3A_51 = arith.addf %add3A_48, %get3A_50 : vector<16xf32>
    %swap3A_52 = arith.constant 48 : index
    %swap3A_53 = tpu.vector_load %arg12[%swap3A_52] {strides = array<i32>} : memref<512xf32, #tpu.memory_space<vmem>>, vector<16xf32>,
    tpu.vector_store %arg12[%swap3A_52], %add3A_51 {strides = array<i32>} : memref<512xf32, #tpu.memory_space<vmem>>, vector<16xf32>,
    %get3A_54 = arith.constant 0 : index
    %get3A_55 = tpu.vector_load %arg10[%get3A_54] {strides = array<i32>} : memref<128xf32, #tpu.memory_space<vmem>>, vector<16xf32>,
    %get3A_56 = arith.constant 0 : index
    %get3A_57 = tpu.vector_load %arg9[%get3A_56] {strides = array<i32>} : memref<128xf32, #tpu.memory_space<vmem>>, vector<16xf32>,
    %add3A_58 = arith.addf %get3A_55, %get3A_57 : vector<16xf32>
    %get3A_59 = arith.constant 64 : index
    %get3A_60 = tpu.vector_load %arg11[%get3A_59] {strides = array<i32>} : memref<128xf32, #tpu.memory_space<vmem>>, vector<16xf32>,
    %add3A_61 = arith.addf %add3A_58, %get3A_60 : vector<16xf32>
    %swap3A_62 = arith.constant 64 : index
    %swap3A_63 = tpu.vector_load %arg12[%swap3A_62] {strides = array<i32>} : memref<512xf32, #tpu.memory_space<vmem>>, vector<16xf32>,
    tpu.vector_store %arg12[%swap3A_62], %add3A_61 {strides = array<i32>} : memref<512xf32, #tpu.memory_space<vmem>>, vector<16xf32>,
    %get3A_64 = arith.constant 16 : index
    %get3A_65 = tpu.vector_load %arg10[%get3A_64] {strides = array<i32>} : memref<128xf32, #tpu.memory_space<vmem>>, vector<16xf32>,
    %get3A_66 = arith.constant 16 : index
    %get3A_67 = tpu.vector_load %arg9[%get3A_66] {strides = array<i32>} : memref<128xf32, #tpu.memory_space<vmem>>, vector<16xf32>,
    %add3A_68 = arith.addf %get3A_65, %get3A_67 : vector<16xf32>
    %get3A_69 = arith.constant 80 : index
    %get3A_70 = tpu.vector_load %arg11[%get3A_69] {strides = array<i32>} : memref<128xf32, #tpu.memory_space<vmem>>, vector<16xf32>,
    %add3A_71 = arith.addf %add3A_68, %get3A_70 : vector<16xf32>
    %swap3A_72 = arith.constant 80 : index
    %swap3A_73 = tpu.vector_load %arg12[%swap3A_72] {strides = array<i32>} : memref<512xf32, #tpu.memory_space<vmem>>, vector<16xf32>,
    tpu.vector_store %arg12[%swap3A_72], %add3A_71 {strides = array<i32>} : memref<512xf32, #tpu.memory_space<vmem>>, vector<16xf32>,
    %get3A_74 = arith.constant 32 : index
    %get3A_75 = tpu.vector_load %arg10[%get3A_74] {strides = array<i32>} : memref<128xf32, #tpu.memory_space<vmem>>, vector<16xf32>,
    %get3A_76 = arith.constant 32 : index
    %get3A_77 = tpu.vector_load %arg9[%get3A_76] {strides = array<i32>} : memref<128xf32, #tpu.memory_space<vmem>>, vector<16xf32>,
    %add3A_78 = arith.addf %get3A_75, %get3A_77 : vector<16xf32>
    %get3A_79 = arith.constant 96 : index
    %get3A_80 = tpu.vector_load %arg11[%get3A_79] {strides = array<i32>} : memref<128xf32, #tpu.memory_space<vmem>>, vector<16xf32>,
    %add3A_81 = arith.addf %add3A_78, %get3A_80 : vector<16xf32>
    %swap3A_82 = arith.constant 96 : index
    %swap3A_83 = tpu.vector_load %arg12[%swap3A_82] {strides = array<i32>} : memref<512xf32, #tpu.memory_space<vmem>>, vector<16xf32>,
    tpu.vector_store %arg12[%swap3A_82], %add3A_81 {strides = array<i32>} : memref<512xf32, #tpu.memory_space<vmem>>, vector<16xf32>,
    %get3A_84 = arith.constant 48 : index
    %get3A_85 = tpu.vector_load %arg10[%get3A_84] {strides = array<i32>} : memref<128xf32, #tpu.memory_space<vmem>>, vector<16xf32>,
    %get3A_86 = arith.constant 48 : index
    %get3A_87 = tpu.vector_load %arg9[%get3A_86] {strides = array<i32>} : memref<128xf32, #tpu.memory_space<vmem>>, vector<16xf32>,
    %add3A_88 = arith.addf %get3A_85, %get3A_87 : vector<16xf32>
    %get3A_89 = arith.constant 112 : index
    %get3A_90 = tpu.vector_load %arg11[%get3A_89] {strides = array<i32>} : memref<128xf32, #tpu.memory_space<vmem>>, vector<16xf32>,
    %add3A_91 = arith.addf %add3A_88, %get3A_90 : vector<16xf32>
    %swap3A_92 = arith.constant 112 : index
    %swap3A_93 = tpu.vector_load %arg12[%swap3A_92] {strides = array<i32>} : memref<512xf32, #tpu.memory_space<vmem>>, vector<16xf32>,
    tpu.vector_store %arg12[%swap3A_92], %add3A_91 {strides = array<i32>} : memref<512xf32, #tpu.memory_space<vmem>>, vector<16xf32>,
    %get3A_94 = arith.constant 0 : index
    %get3A_95 = tpu.vector_load %arg10[%get3A_94] {strides = array<i32>} : memref<128xf32, #tpu.memory_space<vmem>>, vector<16xf32>,
    %get3A_96 = arith.constant 64 : index
    %get3A_97 = tpu.vector_load %arg9[%get3A_96] {strides = array<i32>} : memref<128xf32, #tpu.memory_space<vmem>>, vector<16xf32>,
    %add3A_98 = arith.addf %get3A_95, %get3A_97 : vector<16xf32>
    %get3A_99 = arith.constant 0 : index
    %get3A_100 = tpu.vector_load %arg11[%get3A_99] {strides = array<i32>} : memref<128xf32, #tpu.memory_space<vmem>>, vector<16xf32>,
    %add3A_101 = arith.addf %add3A_98, %get3A_100 : vector<16xf32>
    %swap3A_102 = arith.constant 128 : index
    %swap3A_103 = tpu.vector_load %arg12[%swap3A_102] {strides = array<i32>} : memref<512xf32, #tpu.memory_space<vmem>>, vector<16xf32>,
    tpu.vector_store %arg12[%swap3A_102], %add3A_101 {strides = array<i32>} : memref<512xf32, #tpu.memory_space<vmem>>, vector<16xf32>,
    %get3A_104 = arith.constant 16 : index
    %get3A_105 = tpu.vector_load %arg10[%get3A_104] {strides = array<i32>} : memref<128xf32, #tpu.memory_space<vmem>>, vector<16xf32>,
    %get3A_106 = arith.constant 80 : index
    %get3A_107 = tpu.vector_load %arg9[%get3A_106] {strides = array<i32>} : memref<128xf32, #tpu.memory_space<vmem>>, vector<16xf32>,
    %add3A_108 = arith.addf %get3A_105, %get3A_107 : vector<16xf32>
    %get3A_109 = arith.constant 16 : index
    %get3A_110 = tpu.vector_load %arg11[%get3A_109] {strides = array<i32>} : memref<128xf32, #tpu.memory_space<vmem>>, vector<16xf32>,
    %add3A_111 = arith.addf %add3A_108, %get3A_110 : vector<16xf32>
    %swap3A_112 = arith.constant 144 : index
    %swap3A_113 = tpu.vector_load %arg12[%swap3A_112] {strides = array<i32>} : memref<512xf32, #tpu.memory_space<vmem>>, vector<16xf32>,
    tpu.vector_store %arg12[%swap3A_112], %add3A_111 {strides = array<i32>} : memref<512xf32, #tpu.memory_space<vmem>>, vector<16xf32>,
    %get3A_114 = arith.constant 32 : index
    %get3A_115 = tpu.vector_load %arg10[%get3A_114] {strides = array<i32>} : memref<128xf32, #tpu.memory_space<vmem>>, vector<16xf32>,
    %get3A_116 = arith.constant 96 : index
    %get3A_117 = tpu.vector_load %arg9[%get3A_116] {strides = array<i32>} : memref<128xf32, #tpu.memory_space<vmem>>, vector<16xf32>,
    %add3A_118 = arith.addf %get3A_115, %get3A_117 : vector<16xf32>
    %get3A_119 = arith.constant 32 : index
    %get3A_120 = tpu.vector_load %arg11[%get3A_119] {strides = array<i32>} : memref<128xf32, #tpu.memory_space<vmem>>, vector<16xf32>,
    %add3A_121 = arith.addf %add3A_118, %get3A_120 : vector<16xf32>
    %swap3A_122 = arith.constant 160 : index
    %swap3A_123 = tpu.vector_load %arg12[%swap3A_122] {strides = array<i32>} : memref<512xf32, #tpu.memory_space<vmem>>, vector<16xf32>,
    tpu.vector_store %arg12[%swap3A_122], %add3A_121 {strides = array<i32>} : memref<512xf32, #tpu.memory_space<vmem>>, vector<16xf32>,
    %get3A_124 = arith.constant 48 : index
    %get3A_125 = tpu.vector_load %arg10[%get3A_124] {strides = array<i32>} : memref<128xf32, #tpu.memory_space<vmem>>, vector<16xf32>,
    %get3A_126 = arith.constant 112 : index
    %get3A_127 = tpu.vector_load %arg9[%get3A_126] {strides = array<i32>} : memref<128xf32, #tpu.memory_space<vmem>>, vector<16xf32>,
    %add3A_128 = arith.addf %get3A_125, %get3A_127 : vector<16xf32>
    %get3A_129 = arith.constant 48 : index
    %get3A_130 = tpu.vector_load %arg11[%get3A_129] {strides = array<i32>} : memref<128xf32, #tpu.memory_space<vmem>>, vector<16xf32>,
    %add3A_131 = arith.addf %add3A_128, %get3A_130 : vector<16xf32>
    %swap3A_132 = arith.constant 176 : index
    %swap3A_133 = tpu.vector_load %arg12[%swap3A_132] {strides = array<i32>} : memref<512xf32, #tpu.memory_space<vmem>>, vector<16xf32>,
    tpu.vector_store %arg12[%swap3A_132], %add3A_131 {strides = array<i32>} : memref<512xf32, #tpu.memory_space<vmem>>, vector<16xf32>,
    %get3A_134 = arith.constant 0 : index
    %get3A_135 = tpu.vector_load %arg10[%get3A_134] {strides = array<i32>} : memref<128xf32, #tpu.memory_space<vmem>>, vector<16xf32>,
    %get3A_136 = arith.constant 64 : index
    %get3A_137 = tpu.vector_load %arg9[%get3A_136] {strides = array<i32>} : memref<128xf32, #tpu.memory_space<vmem>>, vector<16xf32>,
    %add3A_138 = arith.addf %get3A_135, %get3A_137 : vector<16xf32>
    %get3A_139 = arith.constant 64 : index
    %get3A_140 = tpu.vector_load %arg11[%get3A_139] {strides = array<i32>} : memref<128xf32, #tpu.memory_space<vmem>>, vector<16xf32>,
    %add3A_141 = arith.addf %add3A_138, %get3A_140 : vector<16xf32>
    %swap3A_142 = arith.constant 192 : index
    %swap3A_143 = tpu.vector_load %arg12[%swap3A_142] {strides = array<i32>} : memref<512xf32, #tpu.memory_space<vmem>>, vector<16xf32>,
    tpu.vector_store %arg12[%swap3A_142], %add3A_141 {strides = array<i32>} : memref<512xf32, #tpu.memory_space<vmem>>, vector<16xf32>,
    %get3A_144 = arith.constant 16 : index
    %get3A_145 = tpu.vector_load %arg10[%get3A_144] {strides = array<i32>} : memref<128xf32, #tpu.memory_space<vmem>>, vector<16xf32>,
    %get3A_146 = arith.constant 80 : index
    %get3A_147 = tpu.vector_load %arg9[%get3A_146] {strides = array<i32>} : memref<128xf32, #tpu.memory_space<vmem>>, vector<16xf32>,
    %add3A_148 = arith.addf %get3A_145, %get3A_147 : vector<16xf32>
    %get3A_149 = arith.constant 80 : index
    %get3A_150 = tpu.vector_load %arg11[%get3A_149] {strides = array<i32>} : memref<128xf32, #tpu.memory_space<vmem>>, vector<16xf32>,
    %add3A_151 = arith.addf %add3A_148, %get3A_150 : vector<16xf32>
    %swap3A_152 = arith.constant 208 : index
    %swap3A_153 = tpu.vector_load %arg12[%swap3A_152] {strides = array<i32>} : memref<512xf32, #tpu.memory_space<vmem>>, vector<16xf32>,
    tpu.vector_store %arg12[%swap3A_152], %add3A_151 {strides = array<i32>} : memref<512xf32, #tpu.memory_space<vmem>>, vector<16xf32>,
    %get3A_154 = arith.constant 32 : index
    %get3A_155 = tpu.vector_load %arg10[%get3A_154] {strides = array<i32>} : memref<128xf32, #tpu.memory_space<vmem>>, vector<16xf32>,
    %get3A_156 = arith.constant 96 : index
    %get3A_157 = tpu.vector_load %arg9[%get3A_156] {strides = array<i32>} : memref<128xf32, #tpu.memory_space<vmem>>, vector<16xf32>,
    %add3A_158 = arith.addf %get3A_155, %get3A_157 : vector<16xf32>
    %get3A_159 = arith.constant 96 : index
    %get3A_160 = tpu.vector_load %arg11[%get3A_159] {strides = array<i32>} : memref<128xf32, #tpu.memory_space<vmem>>, vector<16xf32>,
    %add3A_161 = arith.addf %add3A_158, %get3A_160 : vector<16xf32>
    %swap3A_162 = arith.constant 224 : index
    %swap3A_163 = tpu.vector_load %arg12[%swap3A_162] {strides = array<i32>} : memref<512xf32, #tpu.memory_space<vmem>>, vector<16xf32>,
    tpu.vector_store %arg12[%swap3A_162], %add3A_161 {strides = array<i32>} : memref<512xf32, #tpu.memory_space<vmem>>, vector<16xf32>,
    %get3A_164 = arith.constant 48 : index
    %get3A_165 = tpu.vector_load %arg10[%get3A_164] {strides = array<i32>} : memref<128xf32, #tpu.memory_space<vmem>>, vector<16xf32>,
    %get3A_166 = arith.constant 112 : index
    %get3A_167 = tpu.vector_load %arg9[%get3A_166] {strides = array<i32>} : memref<128xf32, #tpu.memory_space<vmem>>, vector<16xf32>,
    %add3A_168 = arith.addf %get3A_165, %get3A_167 : vector<16xf32>
    %get3A_169 = arith.constant 112 : index
    %get3A_170 = tpu.vector_load %arg11[%get3A_169] {strides = array<i32>} : memref<128xf32, #tpu.memory_space<vmem>>, vector<16xf32>,
    %add3A_171 = arith.addf %add3A_168, %get3A_170 : vector<16xf32>
    %swap3A_172 = arith.constant 240 : index
    %swap3A_173 = tpu.vector_load %arg12[%swap3A_172] {strides = array<i32>} : memref<512xf32, #tpu.memory_space<vmem>>, vector<16xf32>,
    tpu.vector_store %arg12[%swap3A_172], %add3A_171 {strides = array<i32>} : memref<512xf32, #tpu.memory_space<vmem>>, vector<16xf32>,
    %get3A_174 = arith.constant 64 : index
    %get3A_175 = tpu.vector_load %arg10[%get3A_174] {strides = array<i32>} : memref<128xf32, #tpu.memory_space<vmem>>, vector<16xf32>,
    %get3A_176 = arith.constant 0 : index
    %get3A_177 = tpu.vector_load %arg9[%get3A_176] {strides = array<i32>} : memref<128xf32, #tpu.memory_space<vmem>>, vector<16xf32>,
    %add3A_178 = arith.addf %get3A_175, %get3A_177 : vector<16xf32>
    %get3A_179 = arith.constant 0 : index
    %get3A_180 = tpu.vector_load %arg11[%get3A_179] {strides = array<i32>} : memref<128xf32, #tpu.memory_space<vmem>>, vector<16xf32>,
    %add3A_181 = arith.addf %add3A_178, %get3A_180 : vector<16xf32>
    %swap3A_182 = arith.constant 256 : index
    %swap3A_183 = tpu.vector_load %arg12[%swap3A_182] {strides = array<i32>} : memref<512xf32, #tpu.memory_space<vmem>>, vector<16xf32>,
    tpu.vector_store %arg12[%swap3A_182], %add3A_181 {strides = array<i32>} : memref<512xf32, #tpu.memory_space<vmem>>, vector<16xf32>,
    %get3A_184 = arith.constant 80 : index
    %get3A_185 = tpu.vector_load %arg10[%get3A_184] {strides = array<i32>} : memref<128xf32, #tpu.memory_space<vmem>>, vector<16xf32>,
    %get3A_186 = arith.constant 16 : index
    %get3A_187 = tpu.vector_load %arg9[%get3A_186] {strides = array<i32>} : memref<128xf32, #tpu.memory_space<vmem>>, vector<16xf32>,
    %add3A_188 = arith.addf %get3A_185, %get3A_187 : vector<16xf32>
    %get3A_189 = arith.constant 16 : index
    %get3A_190 = tpu.vector_load %arg11[%get3A_189] {strides = array<i32>} : memref<128xf32, #tpu.memory_space<vmem>>, vector<16xf32>,
    %add3A_191 = arith.addf %add3A_188, %get3A_190 : vector<16xf32>
    %swap3A_192 = arith.constant 272 : index
    %swap3A_193 = tpu.vector_load %arg12[%swap3A_192] {strides = array<i32>} : memref<512xf32, #tpu.memory_space<vmem>>, vector<16xf32>,
    tpu.vector_store %arg12[%swap3A_192], %add3A_191 {strides = array<i32>} : memref<512xf32, #tpu.memory_space<vmem>>, vector<16xf32>,
    %get3A_194 = arith.constant 96 : index
    %get3A_195 = tpu.vector_load %arg10[%get3A_194] {strides = array<i32>} : memref<128xf32, #tpu.memory_space<vmem>>, vector<16xf32>,
    %get3A_196 = arith.constant 32 : index
    %get3A_197 = tpu.vector_load %arg9[%get3A_196] {strides = array<i32>} : memref<128xf32, #tpu.memory_space<vmem>>, vector<16xf32>,
    %add3A_198 = arith.addf %get3A_195, %get3A_197 : vector<16xf32>
    %get3A_199 = arith.constant 32 : index
    %get3A_200 = tpu.vector_load %arg11[%get3A_199] {strides = array<i32>} : memref<128xf32, #tpu.memory_space<vmem>>, vector<16xf32>,
    %add3A_201 = arith.addf %add3A_198, %get3A_200 : vector<16xf32>
    %swap3A_202 = arith.constant 288 : index
    %swap3A_203 = tpu.vector_load %arg12[%swap3A_202] {strides = array<i32>} : memref<512xf32, #tpu.memory_space<vmem>>, vector<16xf32>,
    tpu.vector_store %arg12[%swap3A_202], %add3A_201 {strides = array<i32>} : memref<512xf32, #tpu.memory_space<vmem>>, vector<16xf32>,
    %get3A_204 = arith.constant 112 : index
    %get3A_205 = tpu.vector_load %arg10[%get3A_204] {strides = array<i32>} : memref<128xf32, #tpu.memory_space<vmem>>, vector<16xf32>,
    %get3A_206 = arith.constant 48 : index
    %get3A_207 = tpu.vector_load %arg9[%get3A_206] {strides = array<i32>} : memref<128xf32, #tpu.memory_space<vmem>>, vector<16xf32>,
    %add3A_208 = arith.addf %get3A_205, %get3A_207 : vector<16xf32>
    %get3A_209 = arith.constant 48 : index
    %get3A_210 = tpu.vector_load %arg11[%get3A_209] {strides = array<i32>} : memref<128xf32, #tpu.memory_space<vmem>>, vector<16xf32>,
    %add3A_211 = arith.addf %add3A_208, %get3A_210 : vector<16xf32>
    %swap3A_212 = arith.constant 304 : index
    %swap3A_213 = tpu.vector_load %arg12[%swap3A_212] {strides = array<i32>} : memref<512xf32, #tpu.memory_space<vmem>>, vector<16xf32>,
    tpu.vector_store %arg12[%swap3A_212], %add3A_211 {strides = array<i32>} : memref<512xf32, #tpu.memory_space<vmem>>, vector<16xf32>,
    %get3A_214 = arith.constant 64 : index
    %get3A_215 = tpu.vector_load %arg10[%get3A_214] {strides = array<i32>} : memref<128xf32, #tpu.memory_space<vmem>>, vector<16xf32>,
    %get3A_216 = arith.constant 0 : index
    %get3A_217 = tpu.vector_load %arg9[%get3A_216] {strides = array<i32>} : memref<128xf32, #tpu.memory_space<vmem>>, vector<16xf32>,
    %add3A_218 = arith.addf %get3A_215, %get3A_217 : vector<16xf32>
    %get3A_219 = arith.constant 64 : index
    %get3A_220 = tpu.vector_load %arg11[%get3A_219] {strides = array<i32>} : memref<128xf32, #tpu.memory_space<vmem>>, vector<16xf32>,
    %add3A_221 = arith.addf %add3A_218, %get3A_220 : vector<16xf32>
    %swap3A_222 = arith.constant 320 : index
    %swap3A_223 = tpu.vector_load %arg12[%swap3A_222] {strides = array<i32>} : memref<512xf32, #tpu.memory_space<vmem>>, vector<16xf32>,
    tpu.vector_store %arg12[%swap3A_222], %add3A_221 {strides = array<i32>} : memref<512xf32, #tpu.memory_space<vmem>>, vector<16xf32>,
    %get3A_224 = arith.constant 80 : index
    %get3A_225 = tpu.vector_load %arg10[%get3A_224] {strides = array<i32>} : memref<128xf32, #tpu.memory_space<vmem>>, vector<16xf32>,
    %get3A_226 = arith.constant 16 : index
    %get3A_227 = tpu.vector_load %arg9[%get3A_226] {strides = array<i32>} : memref<128xf32, #tpu.memory_space<vmem>>, vector<16xf32>,
    %add3A_228 = arith.addf %get3A_225, %get3A_227 : vector<16xf32>
    %get3A_229 = arith.constant 80 : index
    %get3A_230 = tpu.vector_load %arg11[%get3A_229] {strides = array<i32>} : memref<128xf32, #tpu.memory_space<vmem>>, vector<16xf32>,
    %add3A_231 = arith.addf %add3A_228, %get3A_230 : vector<16xf32>
    %swap3A_232 = arith.constant 336 : index
    %swap3A_233 = tpu.vector_load %arg12[%swap3A_232] {strides = array<i32>} : memref<512xf32, #tpu.memory_space<vmem>>, vector<16xf32>,
    tpu.vector_store %arg12[%swap3A_232], %add3A_231 {strides = array<i32>} : memref<512xf32, #tpu.memory_space<vmem>>, vector<16xf32>,
    %get3A_234 = arith.constant 96 : index
    %get3A_235 = tpu.vector_load %arg10[%get3A_234] {strides = array<i32>} : memref<128xf32, #tpu.memory_space<vmem>>, vector<16xf32>,
    %get3A_236 = arith.constant 32 : index
    %get3A_237 = tpu.vector_load %arg9[%get3A_236] {strides = array<i32>} : memref<128xf32, #tpu.memory_space<vmem>>, vector<16xf32>,
    %add3A_238 = arith.addf %get3A_235, %get3A_237 : vector<16xf32>
    %get3A_239 = arith.constant 96 : index
    %get3A_240 = tpu.vector_load %arg11[%get3A_239] {strides = array<i32>} : memref<128xf32, #tpu.memory_space<vmem>>, vector<16xf32>,
    %add3A_241 = arith.addf %add3A_238, %get3A_240 : vector<16xf32>
    %swap3A_242 = arith.constant 352 : index
    %swap3A_243 = tpu.vector_load %arg12[%swap3A_242] {strides = array<i32>} : memref<512xf32, #tpu.memory_space<vmem>>, vector<16xf32>,
    tpu.vector_store %arg12[%swap3A_242], %add3A_241 {strides = array<i32>} : memref<512xf32, #tpu.memory_space<vmem>>, vector<16xf32>,
    %get3A_244 = arith.constant 112 : index
    %get3A_245 = tpu.vector_load %arg10[%get3A_244] {strides = array<i32>} : memref<128xf32, #tpu.memory_space<vmem>>, vector<16xf32>,
    %get3A_246 = arith.constant 48 : index
    %get3A_247 = tpu.vector_load %arg9[%get3A_246] {strides = array<i32>} : memref<128xf32, #tpu.memory_space<vmem>>, vector<16xf32>,
    %add3A_248 = arith.addf %get3A_245, %get3A_247 : vector<16xf32>
    %get3A_249 = arith.constant 112 : index
    %get3A_250 = tpu.vector_load %arg11[%get3A_249] {strides = array<i32>} : memref<128xf32, #tpu.memory_space<vmem>>, vector<16xf32>,
    %add3A_251 = arith.addf %add3A_248, %get3A_250 : vector<16xf32>
    %swap3A_252 = arith.constant 368 : index
    %swap3A_253 = tpu.vector_load %arg12[%swap3A_252] {strides = array<i32>} : memref<512xf32, #tpu.memory_space<vmem>>, vector<16xf32>,
    tpu.vector_store %arg12[%swap3A_252], %add3A_251 {strides = array<i32>} : memref<512xf32, #tpu.memory_space<vmem>>, vector<16xf32>,
    %get3A_254 = arith.constant 64 : index
    %get3A_255 = tpu.vector_load %arg10[%get3A_254] {strides = array<i32>} : memref<128xf32, #tpu.memory_space<vmem>>, vector<16xf32>,
    %get3A_256 = arith.constant 64 : index
    %get3A_257 = tpu.vector_load %arg9[%get3A_256] {strides = array<i32>} : memref<128xf32, #tpu.memory_space<vmem>>, vector<16xf32>,
    %add3A_258 = arith.addf %get3A_255, %get3A_257 : vector<16xf32>
    %get3A_259 = arith.constant 0 : index
    %get3A_260 = tpu.vector_load %arg11[%get3A_259] {strides = array<i32>} : memref<128xf32, #tpu.memory_space<vmem>>, vector<16xf32>,
    %add3A_261 = arith.addf %add3A_258, %get3A_260 : vector<16xf32>
    %swap3A_262 = arith.constant 384 : index
    %swap3A_263 = tpu.vector_load %arg12[%swap3A_262] {strides = array<i32>} : memref<512xf32, #tpu.memory_space<vmem>>, vector<16xf32>,
    tpu.vector_store %arg12[%swap3A_262], %add3A_261 {strides = array<i32>} : memref<512xf32, #tpu.memory_space<vmem>>, vector<16xf32>,
    %get3A_264 = arith.constant 80 : index
    %get3A_265 = tpu.vector_load %arg10[%get3A_264] {strides = array<i32>} : memref<128xf32, #tpu.memory_space<vmem>>, vector<16xf32>,
    %get3A_266 = arith.constant 80 : index
    %get3A_267 = tpu.vector_load %arg9[%get3A_266] {strides = array<i32>} : memref<128xf32, #tpu.memory_space<vmem>>, vector<16xf32>,
    %add3A_268 = arith.addf %get3A_265, %get3A_267 : vector<16xf32>
    %get3A_269 = arith.constant 16 : index
    %get3A_270 = tpu.vector_load %arg11[%get3A_269] {strides = array<i32>} : memref<128xf32, #tpu.memory_space<vmem>>, vector<16xf32>,
    %add3A_271 = arith.addf %add3A_268, %get3A_270 : vector<16xf32>
    %swap3A_272 = arith.constant 400 : index
    %swap3A_273 = tpu.vector_load %arg12[%swap3A_272] {strides = array<i32>} : memref<512xf32, #tpu.memory_space<vmem>>, vector<16xf32>,
    tpu.vector_store %arg12[%swap3A_272], %add3A_271 {strides = array<i32>} : memref<512xf32, #tpu.memory_space<vmem>>, vector<16xf32>,
    %get3A_274 = arith.constant 96 : index
    %get3A_275 = tpu.vector_load %arg10[%get3A_274] {strides = array<i32>} : memref<128xf32, #tpu.memory_space<vmem>>, vector<16xf32>,
    %get3A_276 = arith.constant 96 : index
    %get3A_277 = tpu.vector_load %arg9[%get3A_276] {strides = array<i32>} : memref<128xf32, #tpu.memory_space<vmem>>, vector<16xf32>,
    %add3A_278 = arith.addf %get3A_275, %get3A_277 : vector<16xf32>
    %get3A_279 = arith.constant 32 : index
    %get3A_280 = tpu.vector_load %arg11[%get3A_279] {strides = array<i32>} : memref<128xf32, #tpu.memory_space<vmem>>, vector<16xf32>,
    %add3A_281 = arith.addf %add3A_278, %get3A_280 : vector<16xf32>
    %swap3A_282 = arith.constant 416 : index
    %swap3A_283 = tpu.vector_load %arg12[%swap3A_282] {strides = array<i32>} : memref<512xf32, #tpu.memory_space<vmem>>, vector<16xf32>,
    tpu.vector_store %arg12[%swap3A_282], %add3A_281 {strides = array<i32>} : memref<512xf32, #tpu.memory_space<vmem>>, vector<16xf32>,
    %get3A_284 = arith.constant 112 : index
    %get3A_285 = tpu.vector_load %arg10[%get3A_284] {strides = array<i32>} : memref<128xf32, #tpu.memory_space<vmem>>, vector<16xf32>,
    %get3A_286 = arith.constant 112 : index
    %get3A_287 = tpu.vector_load %arg9[%get3A_286] {strides = array<i32>} : memref<128xf32, #tpu.memory_space<vmem>>, vector<16xf32>,
    %add3A_288 = arith.addf %get3A_285, %get3A_287 : vector<16xf32>
    %get3A_289 = arith.constant 48 : index
    %get3A_290 = tpu.vector_load %arg11[%get3A_289] {strides = array<i32>} : memref<128xf32, #tpu.memory_space<vmem>>, vector<16xf32>,
    %add3A_291 = arith.addf %add3A_288, %get3A_290 : vector<16xf32>
    %swap3A_292 = arith.constant 432 : index
    %swap3A_293 = tpu.vector_load %arg12[%swap3A_292] {strides = array<i32>} : memref<512xf32, #tpu.memory_space<vmem>>, vector<16xf32>,
    tpu.vector_store %arg12[%swap3A_292], %add3A_291 {strides = array<i32>} : memref<512xf32, #tpu.memory_space<vmem>>, vector<16xf32>,
    %get3A_294 = arith.constant 64 : index
    %get3A_295 = tpu.vector_load %arg10[%get3A_294] {strides = array<i32>} : memref<128xf32, #tpu.memory_space<vmem>>, vector<16xf32>,
    %get3A_296 = arith.constant 64 : index
    %get3A_297 = tpu.vector_load %arg9[%get3A_296] {strides = array<i32>} : memref<128xf32, #tpu.memory_space<vmem>>, vector<16xf32>,
    %add3A_298 = arith.addf %get3A_295, %get3A_297 : vector<16xf32>
    %get3A_299 = arith.constant 64 : index
    %get3A_300 = tpu.vector_load %arg11[%get3A_299] {strides = array<i32>} : memref<128xf32, #tpu.memory_space<vmem>>, vector<16xf32>,
    %add3A_301 = arith.addf %add3A_298, %get3A_300 : vector<16xf32>
    %swap3A_302 = arith.constant 448 : index
    %swap3A_303 = tpu.vector_load %arg12[%swap3A_302] {strides = array<i32>} : memref<512xf32, #tpu.memory_space<vmem>>, vector<16xf32>,
    tpu.vector_store %arg12[%swap3A_302], %add3A_301 {strides = array<i32>} : memref<512xf32, #tpu.memory_space<vmem>>, vector<16xf32>,
    %get3A_304 = arith.constant 80 : index
    %get3A_305 = tpu.vector_load %arg10[%get3A_304] {strides = array<i32>} : memref<128xf32, #tpu.memory_space<vmem>>, vector<16xf32>,
    %get3A_306 = arith.constant 80 : index
    %get3A_307 = tpu.vector_load %arg9[%get3A_306] {strides = array<i32>} : memref<128xf32, #tpu.memory_space<vmem>>, vector<16xf32>,
    %add3A_308 = arith.addf %get3A_305, %get3A_307 : vector<16xf32>
    %get3A_309 = arith.constant 80 : index
    %get3A_310 = tpu.vector_load %arg11[%get3A_309] {strides = array<i32>} : memref<128xf32, #tpu.memory_space<vmem>>, vector<16xf32>,
    %add3A_311 = arith.addf %add3A_308, %get3A_310 : vector<16xf32>
    %swap3A_312 = arith.constant 464 : index
    %swap3A_313 = tpu.vector_load %arg12[%swap3A_312] {strides = array<i32>} : memref<512xf32, #tpu.memory_space<vmem>>, vector<16xf32>,
    tpu.vector_store %arg12[%swap3A_312], %add3A_311 {strides = array<i32>} : memref<512xf32, #tpu.memory_space<vmem>>, vector<16xf32>,
    %get3A_314 = arith.constant 96 : index
    %get3A_315 = tpu.vector_load %arg10[%get3A_314] {strides = array<i32>} : memref<128xf32, #tpu.memory_space<vmem>>, vector<16xf32>,
    %get3A_316 = arith.constant 96 : index
    %get3A_317 = tpu.vector_load %arg9[%get3A_316] {strides = array<i32>} : memref<128xf32, #tpu.memory_space<vmem>>, vector<16xf32>,
    %add3A_318 = arith.addf %get3A_315, %get3A_317 : vector<16xf32>
    %get3A_319 = arith.constant 96 : index
    %get3A_320 = tpu.vector_load %arg11[%get3A_319] {strides = array<i32>} : memref<128xf32, #tpu.memory_space<vmem>>, vector<16xf32>,
    %add3A_321 = arith.addf %add3A_318, %get3A_320 : vector<16xf32>
    %swap3A_322 = arith.constant 480 : index
    %swap3A_323 = tpu.vector_load %arg12[%swap3A_322] {strides = array<i32>} : memref<512xf32, #tpu.memory_space<vmem>>, vector<16xf32>,
    tpu.vector_store %arg12[%swap3A_322], %add3A_321 {strides = array<i32>} : memref<512xf32, #tpu.memory_space<vmem>>, vector<16xf32>,
    %get3A_324 = arith.constant 112 : index
    %get3A_325 = tpu.vector_load %arg10[%get3A_324] {strides = array<i32>} : memref<128xf32, #tpu.memory_space<vmem>>, vector<16xf32>,
    %get3A_326 = arith.constant 112 : index
    %get3A_327 = tpu.vector_load %arg9[%get3A_326] {strides = array<i32>} : memref<128xf32, #tpu.memory_space<vmem>>, vector<16xf32>,
    %add3A_328 = arith.addf %get3A_325, %get3A_327 : vector<16xf32>
    %get3A_329 = arith.constant 112 : index
    %get3A_330 = tpu.vector_load %arg11[%get3A_329] {strides = array<i32>} : memref<128xf32, #tpu.memory_space<vmem>>, vector<16xf32>,
    %add3A_331 = arith.addf %add3A_328, %get3A_330 : vector<16xf32>
    %swap3A_332 = arith.constant 496 : index
    %swap3A_333 = tpu.vector_load %arg12[%swap3A_332] {strides = array<i32>} : memref<512xf32, #tpu.memory_space<vmem>>, vector<16xf32>,
    tpu.vector_store %arg12[%swap3A_332], %add3A_331 {strides = array<i32>} : memref<512xf32, #tpu.memory_space<vmem>>, vector<16xf32>,
    %scan3A = arith.constant 0 : i32
    %scan3A_334 = arith.constant 0 : i32
    %scan3A_335 = arith.constant 20 : i32
    %scan3A_336 = arith.addi %scan3A_334, %scan3A_335 : i32
    %scan3A_337 = arith.constant 1 : i32
    scf.for %scan3A_350 = %scan3A_334 to %scan3A_336 step %scan3A_337  : i32 {
      %mul3A_351 = arith.constant 2 : i32
      %mul3A_352 = arith.muli %scan3A_350, %mul3A_351 : i32
      %add3A_353 = arith.constant 0 : i32
      %add3A_354 = arith.addi %mul3A_352, %add3A_353 : i32
      %mul3A_355 = arith.constant 32 : i32
      %mul3A_356 = arith.muli %add3A_354, %mul3A_355 : i32
      %add3A_357 = arith.addi %add3A, %mul3A_356 : i32
      %lt3A_358 = arith.constant 1250 : i32
      %lt3A_359 = arith.cmpi slt, %add3A_357, %lt3A_358 : i32
      %convert_element_type3A_360 = arith.extui %lt3A_359 : i1 to i32
      %cond3A_361 = arith.constant 0 : i32
      %cond3A_362 = arith.cmpi ne, %convert_element_type3A_360, %cond3A_361 : i32
      scf.if %cond3A_362 {
        %dma_wait3A_375 = arith.constant 0 : i32
        %dma_wait3A_376 = tpu.memref_slice %arg3[%dma_wait3A_375] : memref<1280000xi32, #tpu.memory_space<hbm>> -> memref<1024xi32, #tpu.memory_space<hbm>>
        %dma_wait3A_377 = arith.constant 0 : i32
        %dma_wait3A_378 = tpu.memref_slice %arg3[%dma_wait3A_377] : memref<1280000xi32, #tpu.memory_space<hbm>> -> memref<1024xi32, #tpu.memory_space<hbm>>
        tpu.wait_dma2 semaphore(%arg17 : memref<!tpu.dma_semaphore, #tpu.memory_space<semaphore_mem>>) src(%dma_wait3A_378 : memref<1024xi32, #tpu.memory_space<hbm>>) dst(%arg13 : memref<1024xi32, #tpu.memory_space<vmem>>)
        %ge3A = arith.constant 2 : i32
        %ge3A_379 = arith.cmpi sge, %add3A_354, %ge3A : i32
        %convert_element_type3A_380 = arith.extui %ge3A_379 : i1 to i32
        %cond3A_381 = arith.constant 0 : i32
        %cond3A_382 = arith.cmpi ne, %convert_element_type3A_380, %cond3A_381 : i32
        scf.if %cond3A_382 {
          %dma_wait3A_400 = arith.constant 0 : i32
          %dma_wait3A_401 = arith.constant 0 : i32
          %dma_wait3A_402 = tpu.memref_slice %arg7[%dma_wait3A_400, %dma_wait3A_401] : memref<320000x128xf32, #tpu.memory_space<hbm>> -> memref<256x128xf32, #tpu.memory_space<hbm>>
          %dma_wait3A_403 = arith.constant 0 : i32
          %dma_wait3A_404 = arith.constant 0 : i32
          %dma_wait3A_405 = tpu.memref_slice %arg7[%dma_wait3A_403, %dma_wait3A_404] : memref<320000x128xf32, #tpu.memory_space<hbm>> -> memref<256x128xf32, #tpu.memory_space<hbm>>
          tpu.wait_dma2 semaphore(%arg19 : memref<!tpu.dma_semaphore, #tpu.memory_space<semaphore_mem>>) src(%arg15 : memref<256x128xf32, #tpu.memory_space<vmem>>) dst(%dma_wait3A_405 : memref<256x128xf32, #tpu.memory_space<hbm>>)
        } else {
        }
        %parallel_loop3A = arith.constant 0 : i32
        %parallel_loop3A_383 = arith.constant 64 : i32
        %parallel_loop3A_384 = arith.constant 1 : i32
        scf.for %parallel_loop3A_400 = %parallel_loop3A to %parallel_loop3A_383 step %parallel_loop3A_384  : i32 {
          %parallel_loop3A_401 = arith.constant 16 : i32
          %parallel_loop3A_402 = arith.muli %parallel_loop3A_400, %parallel_loop3A_401 : i32
          %parallel_loop3A_403 = arith.index_cast %parallel_loop3A_402 : i32 to index
          %parallel_loop3A_404 = tpu.vector_load %arg13[%parallel_loop3A_403] {strides = array<i32>} : memref<1024xi32, #tpu.memory_space<vmem>>, vector<16xi32>,
          %parallel_loop3A_405 = arith.constant 8 : i32
          %parallel_loop3A_406 = arith.muli %add3A_357, %parallel_loop3A_405 : i32
          %parallel_loop3A_407 = arith.constant 3 : i32
          %parallel_loop3A_408 = arith.shrsi %parallel_loop3A_400, %parallel_loop3A_407 : i32
          %parallel_loop3A_409 = arith.addi %parallel_loop3A_406, %parallel_loop3A_408 : i32
          %parallel_loop3A_410 = arith.index_cast %parallel_loop3A_409 : i32 to index
          %parallel_loop3A_411 = tpu.vector_load %arg8[%parallel_loop3A_410] {strides = array<i32>} : memref<10016xi32, #tpu.memory_space<vmem>>, vector<16xi32>,
          %parallel_loop3A_412 = vector.extract_strided_slice %parallel_loop3A_411 {offsets = [0], sizes = [1], strides = [1]} : vector<16xi32> to vector<1xi32>
          %parallel_loop3A_413 = vector.extract %parallel_loop3A_412[0] : i32 from vector<1xi32>
          %parallel_loop3A_414 = vector.extract_strided_slice %parallel_loop3A_404 {offsets = [0], sizes = [1], strides = [1]} : vector<16xi32> to vector<1xi32>
          %parallel_loop3A_415 = vector.extract %parallel_loop3A_414[0] : i32 from vector<1xi32>
          %parallel_loop3A_416 = vector.extract_strided_slice %parallel_loop3A_404 {offsets = [1], sizes = [1], strides = [1]} : vector<16xi32> to vector<1xi32>
          %parallel_loop3A_417 = vector.extract %parallel_loop3A_416[0] : i32 from vector<1xi32>
          %parallel_loop3A_418 = arith.cmpi eq, %parallel_loop3A_413, %parallel_loop3A_415 : i32
          %parallel_loop3A_419 = arith.extui %parallel_loop3A_418 : i1 to i32
          %parallel_loop3A_420 = arith.constant 2 : i32
          %parallel_loop3A_421 = arith.shli %parallel_loop3A_419, %parallel_loop3A_420 : i32
          %parallel_loop3A_422 = arith.cmpi eq, %parallel_loop3A_413, %parallel_loop3A_417 : i32
          %parallel_loop3A_423 = arith.extui %parallel_loop3A_422 : i1 to i32
          %parallel_loop3A_424 = arith.constant 1 : i32
          %parallel_loop3A_425 = arith.shli %parallel_loop3A_423, %parallel_loop3A_424 : i32
          %parallel_loop3A_426 = arith.ori %parallel_loop3A_421, %parallel_loop3A_425 : i32
          %parallel_loop3A_427 = arith.cmpi eq, %parallel_loop3A_415, %parallel_loop3A_417 : i32
          %parallel_loop3A_428 = arith.extui %parallel_loop3A_427 : i1 to i32
          %parallel_loop3A_429 = arith.ori %parallel_loop3A_426, %parallel_loop3A_428 : i32
          %parallel_loop3A_430 = arith.constant 6 : i32
          %parallel_loop3A_431 = arith.shli %parallel_loop3A_429, %parallel_loop3A_430 : i32
          %parallel_loop3A_432 = arith.constant 4 : i32
          %parallel_loop3A_433 = arith.muli %parallel_loop3A_400, %parallel_loop3A_432 : i32
          %parallel_loop3A_434 = arith.constant 0 : i32
          %parallel_loop3A_435 = arith.addi %parallel_loop3A_433, %parallel_loop3A_434 : i32
          %parallel_loop3A_436 = arith.constant 0 : i32
          %parallel_loop3A_437 = arith.addi %parallel_loop3A_431, %parallel_loop3A_436 : i32
          %parallel_loop3A_438 = arith.index_cast %parallel_loop3A_437 : i32 to index
          %parallel_loop3A_439 = tpu.vector_load %arg12[%parallel_loop3A_438] {strides = array<i32>} : memref<512xf32, #tpu.memory_space<vmem>>, vector<16xf32>,
          %parallel_loop3A_440 = arith.index_cast %parallel_loop3A_435 : i32 to index
          %parallel_loop3A_441 = arith.constant 0 : index
          %parallel_loop3A_442 = tpu.vector_load %arg15[%parallel_loop3A_440, %parallel_loop3A_441] {strides = array<i32>} : memref<256x128xf32, #tpu.memory_space<vmem>>, vector<16xf32>,
          tpu.vector_store %arg15[%parallel_loop3A_440, %parallel_loop3A_441], %parallel_loop3A_439 {strides = array<i32>} : memref<256x128xf32, #tpu.memory_space<vmem>>, vector<16xf32>,
          %parallel_loop3A_443 = arith.constant 16 : i32
          %parallel_loop3A_444 = arith.addi %parallel_loop3A_431, %parallel_loop3A_443 : i32
          %parallel_loop3A_445 = arith.index_cast %parallel_loop3A_444 : i32 to index
          %parallel_loop3A_446 = tpu.vector_load %arg12[%parallel_loop3A_445] {strides = array<i32>} : memref<512xf32, #tpu.memory_space<vmem>>, vector<16xf32>,
          %parallel_loop3A_447 = arith.index_cast %parallel_loop3A_435 : i32 to index
          %parallel_loop3A_448 = arith.constant 16 : index
          %parallel_loop3A_449 = tpu.vector_load %arg15[%parallel_loop3A_447, %parallel_loop3A_448] {strides = array<i32>} : memref<256x128xf32, #tpu.memory_space<vmem>>, vector<16xf32>,
          tpu.vector_store %arg15[%parallel_loop3A_447, %parallel_loop3A_448], %parallel_loop3A_446 {strides = array<i32>} : memref<256x128xf32, #tpu.memory_space<vmem>>, vector<16xf32>,
          %parallel_loop3A_450 = arith.constant 32 : i32
          %parallel_loop3A_451 = arith.addi %parallel_loop3A_431, %parallel_loop3A_450 : i32
          %parallel_loop3A_452 = arith.index_cast %parallel_loop3A_451 : i32 to index
          %parallel_loop3A_453 = tpu.vector_load %arg12[%parallel_loop3A_452] {strides = array<i32>} : memref<512xf32, #tpu.memory_space<vmem>>, vector<16xf32>,
          %parallel_loop3A_454 = arith.index_cast %parallel_loop3A_435 : i32 to index
          %parallel_loop3A_455 = arith.constant 32 : index
          %parallel_loop3A_456 = tpu.vector_load %arg15[%parallel_loop3A_454, %parallel_loop3A_455] {strides = array<i32>} : memref<256x128xf32, #tpu.memory_space<vmem>>, vector<16xf32>,
          tpu.vector_store %arg15[%parallel_loop3A_454, %parallel_loop3A_455], %parallel_loop3A_453 {strides = array<i32>} : memref<256x128xf32, #tpu.memory_space<vmem>>, vector<16xf32>,
          %parallel_loop3A_457 = arith.constant 48 : i32
          %parallel_loop3A_458 = arith.addi %parallel_loop3A_431, %parallel_loop3A_457 : i32
          %parallel_loop3A_459 = arith.index_cast %parallel_loop3A_458 : i32 to index
          %parallel_loop3A_460 = tpu.vector_load %arg12[%parallel_loop3A_459] {strides = array<i32>} : memref<512xf32, #tpu.memory_space<vmem>>, vector<16xf32>,
          %parallel_loop3A_461 = arith.index_cast %parallel_loop3A_435 : i32 to index
          %parallel_loop3A_462 = arith.constant 48 : index
          %parallel_loop3A_463 = tpu.vector_load %arg15[%parallel_loop3A_461, %parallel_loop3A_462] {strides = array<i32>} : memref<256x128xf32, #tpu.memory_space<vmem>>, vector<16xf32>,
          tpu.vector_store %arg15[%parallel_loop3A_461, %parallel_loop3A_462], %parallel_loop3A_460 {strides = array<i32>} : memref<256x128xf32, #tpu.memory_space<vmem>>, vector<16xf32>,
          %parallel_loop3A_464 = vector.extract_strided_slice %parallel_loop3A_404 {offsets = [2], sizes = [1], strides = [1]} : vector<16xi32> to vector<1xi32>
          %parallel_loop3A_465 = vector.extract %parallel_loop3A_464[0] : i32 from vector<1xi32>
          %parallel_loop3A_466 = vector.extract_strided_slice %parallel_loop3A_404 {offsets = [3], sizes = [1], strides = [1]} : vector<16xi32> to vector<1xi32>
          %parallel_loop3A_467 = vector.extract %parallel_loop3A_466[0] : i32 from vector<1xi32>
          %parallel_loop3A_468 = arith.cmpi eq, %parallel_loop3A_413, %parallel_loop3A_465 : i32
          %parallel_loop3A_469 = arith.extui %parallel_loop3A_468 : i1 to i32
          %parallel_loop3A_470 = arith.constant 2 : i32
          %parallel_loop3A_471 = arith.shli %parallel_loop3A_469, %parallel_loop3A_470 : i32
          %parallel_loop3A_472 = arith.cmpi eq, %parallel_loop3A_413, %parallel_loop3A_467 : i32
          %parallel_loop3A_473 = arith.extui %parallel_loop3A_472 : i1 to i32
          %parallel_loop3A_474 = arith.constant 1 : i32
          %parallel_loop3A_475 = arith.shli %parallel_loop3A_473, %parallel_loop3A_474 : i32
          %parallel_loop3A_476 = arith.ori %parallel_loop3A_471, %parallel_loop3A_475 : i32
          %parallel_loop3A_477 = arith.cmpi eq, %parallel_loop3A_465, %parallel_loop3A_467 : i32
          %parallel_loop3A_478 = arith.extui %parallel_loop3A_477 : i1 to i32
          %parallel_loop3A_479 = arith.ori %parallel_loop3A_476, %parallel_loop3A_478 : i32
          %parallel_loop3A_480 = arith.constant 6 : i32
          %parallel_loop3A_481 = arith.shli %parallel_loop3A_479, %parallel_loop3A_480 : i32
          %parallel_loop3A_482 = arith.constant 4 : i32
          %parallel_loop3A_483 = arith.muli %parallel_loop3A_400, %parallel_loop3A_482 : i32
          %parallel_loop3A_484 = arith.constant 0 : i32
          %parallel_loop3A_485 = arith.addi %parallel_loop3A_483, %parallel_loop3A_484 : i32
          %parallel_loop3A_486 = arith.constant 0 : i32
          %parallel_loop3A_487 = arith.addi %parallel_loop3A_481, %parallel_loop3A_486 : i32
          %parallel_loop3A_488 = arith.index_cast %parallel_loop3A_487 : i32 to index
          %parallel_loop3A_489 = tpu.vector_load %arg12[%parallel_loop3A_488] {strides = array<i32>} : memref<512xf32, #tpu.memory_space<vmem>>, vector<16xf32>,
          %parallel_loop3A_490 = arith.index_cast %parallel_loop3A_485 : i32 to index
          %parallel_loop3A_491 = arith.constant 64 : index
          %parallel_loop3A_492 = tpu.vector_load %arg15[%parallel_loop3A_490, %parallel_loop3A_491] {strides = array<i32>} : memref<256x128xf32, #tpu.memory_space<vmem>>, vector<16xf32>,
          tpu.vector_store %arg15[%parallel_loop3A_490, %parallel_loop3A_491], %parallel_loop3A_489 {strides = array<i32>} : memref<256x128xf32, #tpu.memory_space<vmem>>, vector<16xf32>,
          %parallel_loop3A_493 = arith.constant 16 : i32
          %parallel_loop3A_494 = arith.addi %parallel_loop3A_481, %parallel_loop3A_493 : i32
          %parallel_loop3A_495 = arith.index_cast %parallel_loop3A_494 : i32 to index
          %parallel_loop3A_496 = tpu.vector_load %arg12[%parallel_loop3A_495] {strides = array<i32>} : memref<512xf32, #tpu.memory_space<vmem>>, vector<16xf32>,
          %parallel_loop3A_497 = arith.index_cast %parallel_loop3A_485 : i32 to index
          %parallel_loop3A_498 = arith.constant 80 : index
          %parallel_loop3A_499 = tpu.vector_load %arg15[%parallel_loop3A_497, %parallel_loop3A_498] {strides = array<i32>} : memref<256x128xf32, #tpu.memory_space<vmem>>, vector<16xf32>,
          tpu.vector_store %arg15[%parallel_loop3A_497, %parallel_loop3A_498], %parallel_loop3A_496 {strides = array<i32>} : memref<256x128xf32, #tpu.memory_space<vmem>>, vector<16xf32>,
          %parallel_loop3A_500 = arith.constant 32 : i32
          %parallel_loop3A_501 = arith.addi %parallel_loop3A_481, %parallel_loop3A_500 : i32
          %parallel_loop3A_502 = arith.index_cast %parallel_loop3A_501 : i32 to index
          %parallel_loop3A_503 = tpu.vector_load %arg12[%parallel_loop3A_502] {strides = array<i32>} : memref<512xf32, #tpu.memory_space<vmem>>, vector<16xf32>,
          %parallel_loop3A_504 = arith.index_cast %parallel_loop3A_485 : i32 to index
          %parallel_loop3A_505 = arith.constant 96 : index
          %parallel_loop3A_506 = tpu.vector_load %arg15[%parallel_loop3A_504, %parallel_loop3A_505] {strides = array<i32>} : memref<256x128xf32, #tpu.memory_space<vmem>>, vector<16xf32>,
          tpu.vector_store %arg15[%parallel_loop3A_504, %parallel_loop3A_505], %parallel_loop3A_503 {strides = array<i32>} : memref<256x128xf32, #tpu.memory_space<vmem>>, vector<16xf32>,
          %parallel_loop3A_507 = arith.constant 48 : i32
          %parallel_loop3A_508 = arith.addi %parallel_loop3A_481, %parallel_loop3A_507 : i32
          %parallel_loop3A_509 = arith.index_cast %parallel_loop3A_508 : i32 to index
          %parallel_loop3A_510 = tpu.vector_load %arg12[%parallel_loop3A_509] {strides = array<i32>} : memref<512xf32, #tpu.memory_space<vmem>>, vector<16xf32>,
          %parallel_loop3A_511 = arith.index_cast %parallel_loop3A_485 : i32 to index
          %parallel_loop3A_512 = arith.constant 112 : index
          %parallel_loop3A_513 = tpu.vector_load %arg15[%parallel_loop3A_511, %parallel_loop3A_512] {strides = array<i32>} : memref<256x128xf32, #tpu.memory_space<vmem>>, vector<16xf32>,
          tpu.vector_store %arg15[%parallel_loop3A_511, %parallel_loop3A_512], %parallel_loop3A_510 {strides = array<i32>} : memref<256x128xf32, #tpu.memory_space<vmem>>, vector<16xf32>,
          %parallel_loop3A_514 = vector.extract_strided_slice %parallel_loop3A_404 {offsets = [4], sizes = [1], strides = [1]} : vector<16xi32> to vector<1xi32>
          %parallel_loop3A_515 = vector.extract %parallel_loop3A_514[0] : i32 from vector<1xi32>
          %parallel_loop3A_516 = vector.extract_strided_slice %parallel_loop3A_404 {offsets = [5], sizes = [1], strides = [1]} : vector<16xi32> to vector<1xi32>
          %parallel_loop3A_517 = vector.extract %parallel_loop3A_516[0] : i32 from vector<1xi32>
          %parallel_loop3A_518 = arith.cmpi eq, %parallel_loop3A_413, %parallel_loop3A_515 : i32
          %parallel_loop3A_519 = arith.extui %parallel_loop3A_518 : i1 to i32
          %parallel_loop3A_520 = arith.constant 2 : i32
          %parallel_loop3A_521 = arith.shli %parallel_loop3A_519, %parallel_loop3A_520 : i32
          %parallel_loop3A_522 = arith.cmpi eq, %parallel_loop3A_413, %parallel_loop3A_517 : i32
          %parallel_loop3A_523 = arith.extui %parallel_loop3A_522 : i1 to i32
          %parallel_loop3A_524 = arith.constant 1 : i32
          %parallel_loop3A_525 = arith.shli %parallel_loop3A_523, %parallel_loop3A_524 : i32
          %parallel_loop3A_526 = arith.ori %parallel_loop3A_521, %parallel_loop3A_525 : i32
          %parallel_loop3A_527 = arith.cmpi eq, %parallel_loop3A_515, %parallel_loop3A_517 : i32
          %parallel_loop3A_528 = arith.extui %parallel_loop3A_527 : i1 to i32
          %parallel_loop3A_529 = arith.ori %parallel_loop3A_526, %parallel_loop3A_528 : i32
          %parallel_loop3A_530 = arith.constant 6 : i32
          %parallel_loop3A_531 = arith.shli %parallel_loop3A_529, %parallel_loop3A_530 : i32
          %parallel_loop3A_532 = arith.constant 4 : i32
          %parallel_loop3A_533 = arith.muli %parallel_loop3A_400, %parallel_loop3A_532 : i32
          %parallel_loop3A_534 = arith.constant 1 : i32
          %parallel_loop3A_535 = arith.addi %parallel_loop3A_533, %parallel_loop3A_534 : i32
          %parallel_loop3A_536 = arith.constant 0 : i32
          %parallel_loop3A_537 = arith.addi %parallel_loop3A_531, %parallel_loop3A_536 : i32
          %parallel_loop3A_538 = arith.index_cast %parallel_loop3A_537 : i32 to index
          %parallel_loop3A_539 = tpu.vector_load %arg12[%parallel_loop3A_538] {strides = array<i32>} : memref<512xf32, #tpu.memory_space<vmem>>, vector<16xf32>,
          %parallel_loop3A_540 = arith.index_cast %parallel_loop3A_535 : i32 to index
          %parallel_loop3A_541 = arith.constant 0 : index
          %parallel_loop3A_542 = tpu.vector_load %arg15[%parallel_loop3A_540, %parallel_loop3A_541] {strides = array<i32>} : memref<256x128xf32, #tpu.memory_space<vmem>>, vector<16xf32>,
          tpu.vector_store %arg15[%parallel_loop3A_540, %parallel_loop3A_541], %parallel_loop3A_539 {strides = array<i32>} : memref<256x128xf32, #tpu.memory_space<vmem>>, vector<16xf32>,
          %parallel_loop3A_543 = arith.constant 16 : i32
          %parallel_loop3A_544 = arith.addi %parallel_loop3A_531, %parallel_loop3A_543 : i32
          %parallel_loop3A_545 = arith.index_cast %parallel_loop3A_544 : i32 to index
          %parallel_loop3A_546 = tpu.vector_load %arg12[%parallel_loop3A_545] {strides = array<i32>} : memref<512xf32, #tpu.memory_space<vmem>>, vector<16xf32>,
          %parallel_loop3A_547 = arith.index_cast %parallel_loop3A_535 : i32 to index
          %parallel_loop3A_548 = arith.constant 16 : index
          %parallel_loop3A_549 = tpu.vector_load %arg15[%parallel_loop3A_547, %parallel_loop3A_548] {strides = array<i32>} : memref<256x128xf32, #tpu.memory_space<vmem>>, vector<16xf32>,
          tpu.vector_store %arg15[%parallel_loop3A_547, %parallel_loop3A_548], %parallel_loop3A_546 {strides = array<i32>} : memref<256x128xf32, #tpu.memory_space<vmem>>, vector<16xf32>,
          %parallel_loop3A_550 = arith.constant 32 : i32
          %parallel_loop3A_551 = arith.addi %parallel_loop3A_531, %parallel_loop3A_550 : i32
          %parallel_loop3A_552 = arith.index_cast %parallel_loop3A_551 : i32 to index
          %parallel_loop3A_553 = tpu.vector_load %arg12[%parallel_loop3A_552] {strides = array<i32>} : memref<512xf32, #tpu.memory_space<vmem>>, vector<16xf32>,
          %parallel_loop3A_554 = arith.index_cast %parallel_loop3A_535 : i32 to index
          %parallel_loop3A_555 = arith.constant 32 : index
          %parallel_loop3A_556 = tpu.vector_load %arg15[%parallel_loop3A_554, %parallel_loop3A_555] {strides = array<i32>} : memref<256x128xf32, #tpu.memory_space<vmem>>, vector<16xf32>,
          tpu.vector_store %arg15[%parallel_loop3A_554, %parallel_loop3A_555], %parallel_loop3A_553 {strides = array<i32>} : memref<256x128xf32, #tpu.memory_space<vmem>>, vector<16xf32>,
          %parallel_loop3A_557 = arith.constant 48 : i32
          %parallel_loop3A_558 = arith.addi %parallel_loop3A_531, %parallel_loop3A_557 : i32
          %parallel_loop3A_559 = arith.index_cast %parallel_loop3A_558 : i32 to index
          %parallel_loop3A_560 = tpu.vector_load %arg12[%parallel_loop3A_559] {strides = array<i32>} : memref<512xf32, #tpu.memory_space<vmem>>, vector<16xf32>,
          %parallel_loop3A_561 = arith.index_cast %parallel_loop3A_535 : i32 to index
          %parallel_loop3A_562 = arith.constant 48 : index
          %parallel_loop3A_563 = tpu.vector_load %arg15[%parallel_loop3A_561, %parallel_loop3A_562] {strides = array<i32>} : memref<256x128xf32, #tpu.memory_space<vmem>>, vector<16xf32>,
          tpu.vector_store %arg15[%parallel_loop3A_561, %parallel_loop3A_562], %parallel_loop3A_560 {strides = array<i32>} : memref<256x128xf32, #tpu.memory_space<vmem>>, vector<16xf32>,
          %parallel_loop3A_564 = vector.extract_strided_slice %parallel_loop3A_404 {offsets = [6], sizes = [1], strides = [1]} : vector<16xi32> to vector<1xi32>
          %parallel_loop3A_565 = vector.extract %parallel_loop3A_564[0] : i32 from vector<1xi32>
          %parallel_loop3A_566 = vector.extract_strided_slice %parallel_loop3A_404 {offsets = [7], sizes = [1], strides = [1]} : vector<16xi32> to vector<1xi32>
          %parallel_loop3A_567 = vector.extract %parallel_loop3A_566[0] : i32 from vector<1xi32>
          %parallel_loop3A_568 = arith.cmpi eq, %parallel_loop3A_413, %parallel_loop3A_565 : i32
          %parallel_loop3A_569 = arith.extui %parallel_loop3A_568 : i1 to i32
          %parallel_loop3A_570 = arith.constant 2 : i32
          %parallel_loop3A_571 = arith.shli %parallel_loop3A_569, %parallel_loop3A_570 : i32
          %parallel_loop3A_572 = arith.cmpi eq, %parallel_loop3A_413, %parallel_loop3A_567 : i32
          %parallel_loop3A_573 = arith.extui %parallel_loop3A_572 : i1 to i32
          %parallel_loop3A_574 = arith.constant 1 : i32
          %parallel_loop3A_575 = arith.shli %parallel_loop3A_573, %parallel_loop3A_574 : i32
          %parallel_loop3A_576 = arith.ori %parallel_loop3A_571, %parallel_loop3A_575 : i32
          %parallel_loop3A_577 = arith.cmpi eq, %parallel_loop3A_565, %parallel_loop3A_567 : i32
          %parallel_loop3A_578 = arith.extui %parallel_loop3A_577 : i1 to i32
          %parallel_loop3A_579 = arith.ori %parallel_loop3A_576, %parallel_loop3A_578 : i32
          %parallel_loop3A_580 = arith.constant 6 : i32
          %parallel_loop3A_581 = arith.shli %parallel_loop3A_579, %parallel_loop3A_580 : i32
          %parallel_loop3A_582 = arith.constant 4 : i32
          %parallel_loop3A_583 = arith.muli %parallel_loop3A_400, %parallel_loop3A_582 : i32
          %parallel_loop3A_584 = arith.constant 1 : i32
          %parallel_loop3A_585 = arith.addi %parallel_loop3A_583, %parallel_loop3A_584 : i32
          %parallel_loop3A_586 = arith.constant 0 : i32
          %parallel_loop3A_587 = arith.addi %parallel_loop3A_581, %parallel_loop3A_586 : i32
          %parallel_loop3A_588 = arith.index_cast %parallel_loop3A_587 : i32 to index
          %parallel_loop3A_589 = tpu.vector_load %arg12[%parallel_loop3A_588] {strides = array<i32>} : memref<512xf32, #tpu.memory_space<vmem>>, vector<16xf32>,
          %parallel_loop3A_590 = arith.index_cast %parallel_loop3A_585 : i32 to index
          %parallel_loop3A_591 = arith.constant 64 : index
          %parallel_loop3A_592 = tpu.vector_load %arg15[%parallel_loop3A_590, %parallel_loop3A_591] {strides = array<i32>} : memref<256x128xf32, #tpu.memory_space<vmem>>, vector<16xf32>,
          tpu.vector_store %arg15[%parallel_loop3A_590, %parallel_loop3A_591], %parallel_loop3A_589 {strides = array<i32>} : memref<256x128xf32, #tpu.memory_space<vmem>>, vector<16xf32>,
          %parallel_loop3A_593 = arith.constant 16 : i32
          %parallel_loop3A_594 = arith.addi %parallel_loop3A_581, %parallel_loop3A_593 : i32
          %parallel_loop3A_595 = arith.index_cast %parallel_loop3A_594 : i32 to index
          %parallel_loop3A_596 = tpu.vector_load %arg12[%parallel_loop3A_595] {strides = array<i32>} : memref<512xf32, #tpu.memory_space<vmem>>, vector<16xf32>,
          %parallel_loop3A_597 = arith.index_cast %parallel_loop3A_585 : i32 to index
          %parallel_loop3A_598 = arith.constant 80 : index
          %parallel_loop3A_599 = tpu.vector_load %arg15[%parallel_loop3A_597, %parallel_loop3A_598] {strides = array<i32>} : memref<256x128xf32, #tpu.memory_space<vmem>>, vector<16xf32>,
          tpu.vector_store %arg15[%parallel_loop3A_597, %parallel_loop3A_598], %parallel_loop3A_596 {strides = array<i32>} : memref<256x128xf32, #tpu.memory_space<vmem>>, vector<16xf32>,
          %parallel_loop3A_600 = arith.constant 32 : i32
          %parallel_loop3A_601 = arith.addi %parallel_loop3A_581, %parallel_loop3A_600 : i32
          %parallel_loop3A_602 = arith.index_cast %parallel_loop3A_601 : i32 to index
          %parallel_loop3A_603 = tpu.vector_load %arg12[%parallel_loop3A_602] {strides = array<i32>} : memref<512xf32, #tpu.memory_space<vmem>>, vector<16xf32>,
          %parallel_loop3A_604 = arith.index_cast %parallel_loop3A_585 : i32 to index
          %parallel_loop3A_605 = arith.constant 96 : index
          %parallel_loop3A_606 = tpu.vector_load %arg15[%parallel_loop3A_604, %parallel_loop3A_605] {strides = array<i32>} : memref<256x128xf32, #tpu.memory_space<vmem>>, vector<16xf32>,
          tpu.vector_store %arg15[%parallel_loop3A_604, %parallel_loop3A_605], %parallel_loop3A_603 {strides = array<i32>} : memref<256x128xf32, #tpu.memory_space<vmem>>, vector<16xf32>,
          %parallel_loop3A_607 = arith.constant 48 : i32
          %parallel_loop3A_608 = arith.addi %parallel_loop3A_581, %parallel_loop3A_607 : i32
          %parallel_loop3A_609 = arith.index_cast %parallel_loop3A_608 : i32 to index
          %parallel_loop3A_610 = tpu.vector_load %arg12[%parallel_loop3A_609] {strides = array<i32>} : memref<512xf32, #tpu.memory_space<vmem>>, vector<16xf32>,
          %parallel_loop3A_611 = arith.index_cast %parallel_loop3A_585 : i32 to index
          %parallel_loop3A_612 = arith.constant 112 : index
          %parallel_loop3A_613 = tpu.vector_load %arg15[%parallel_loop3A_611, %parallel_loop3A_612] {strides = array<i32>} : memref<256x128xf32, #tpu.memory_space<vmem>>, vector<16xf32>,
          tpu.vector_store %arg15[%parallel_loop3A_611, %parallel_loop3A_612], %parallel_loop3A_610 {strides = array<i32>} : memref<256x128xf32, #tpu.memory_space<vmem>>, vector<16xf32>,
          %parallel_loop3A_614 = vector.extract_strided_slice %parallel_loop3A_404 {offsets = [8], sizes = [1], strides = [1]} : vector<16xi32> to vector<1xi32>
          %parallel_loop3A_615 = vector.extract %parallel_loop3A_614[0] : i32 from vector<1xi32>
          %parallel_loop3A_616 = vector.extract_strided_slice %parallel_loop3A_404 {offsets = [9], sizes = [1], strides = [1]} : vector<16xi32> to vector<1xi32>
          %parallel_loop3A_617 = vector.extract %parallel_loop3A_616[0] : i32 from vector<1xi32>
          %parallel_loop3A_618 = arith.cmpi eq, %parallel_loop3A_413, %parallel_loop3A_615 : i32
          %parallel_loop3A_619 = arith.extui %parallel_loop3A_618 : i1 to i32
          %parallel_loop3A_620 = arith.constant 2 : i32
          %parallel_loop3A_621 = arith.shli %parallel_loop3A_619, %parallel_loop3A_620 : i32
          %parallel_loop3A_622 = arith.cmpi eq, %parallel_loop3A_413, %parallel_loop3A_617 : i32
          %parallel_loop3A_623 = arith.extui %parallel_loop3A_622 : i1 to i32
          %parallel_loop3A_624 = arith.constant 1 : i32
          %parallel_loop3A_625 = arith.shli %parallel_loop3A_623, %parallel_loop3A_624 : i32
          %parallel_loop3A_626 = arith.ori %parallel_loop3A_621, %parallel_loop3A_625 : i32
          %parallel_loop3A_627 = arith.cmpi eq, %parallel_loop3A_615, %parallel_loop3A_617 : i32
          %parallel_loop3A_628 = arith.extui %parallel_loop3A_627 : i1 to i32
          %parallel_loop3A_629 = arith.ori %parallel_loop3A_626, %parallel_loop3A_628 : i32
          %parallel_loop3A_630 = arith.constant 6 : i32
          %parallel_loop3A_631 = arith.shli %parallel_loop3A_629, %parallel_loop3A_630 : i32
          %parallel_loop3A_632 = arith.constant 4 : i32
          %parallel_loop3A_633 = arith.muli %parallel_loop3A_400, %parallel_loop3A_632 : i32
          %parallel_loop3A_634 = arith.constant 2 : i32
          %parallel_loop3A_635 = arith.addi %parallel_loop3A_633, %parallel_loop3A_634 : i32
          %parallel_loop3A_636 = arith.constant 0 : i32
          %parallel_loop3A_637 = arith.addi %parallel_loop3A_631, %parallel_loop3A_636 : i32
          %parallel_loop3A_638 = arith.index_cast %parallel_loop3A_637 : i32 to index
          %parallel_loop3A_639 = tpu.vector_load %arg12[%parallel_loop3A_638] {strides = array<i32>} : memref<512xf32, #tpu.memory_space<vmem>>, vector<16xf32>,
          %parallel_loop3A_640 = arith.index_cast %parallel_loop3A_635 : i32 to index
          %parallel_loop3A_641 = arith.constant 0 : index
          %parallel_loop3A_642 = tpu.vector_load %arg15[%parallel_loop3A_640, %parallel_loop3A_641] {strides = array<i32>} : memref<256x128xf32, #tpu.memory_space<vmem>>, vector<16xf32>,
          tpu.vector_store %arg15[%parallel_loop3A_640, %parallel_loop3A_641], %parallel_loop3A_639 {strides = array<i32>} : memref<256x128xf32, #tpu.memory_space<vmem>>, vector<16xf32>,
          %parallel_loop3A_643 = arith.constant 16 : i32
          %parallel_loop3A_644 = arith.addi %parallel_loop3A_631, %parallel_loop3A_643 : i32
          %parallel_loop3A_645 = arith.index_cast %parallel_loop3A_644 : i32 to index
          %parallel_loop3A_646 = tpu.vector_load %arg12[%parallel_loop3A_645] {strides = array<i32>} : memref<512xf32, #tpu.memory_space<vmem>>, vector<16xf32>,
          %parallel_loop3A_647 = arith.index_cast %parallel_loop3A_635 : i32 to index
          %parallel_loop3A_648 = arith.constant 16 : index
          %parallel_loop3A_649 = tpu.vector_load %arg15[%parallel_loop3A_647, %parallel_loop3A_648] {strides = array<i32>} : memref<256x128xf32, #tpu.memory_space<vmem>>, vector<16xf32>,
          tpu.vector_store %arg15[%parallel_loop3A_647, %parallel_loop3A_648], %parallel_loop3A_646 {strides = array<i32>} : memref<256x128xf32, #tpu.memory_space<vmem>>, vector<16xf32>,
          %parallel_loop3A_650 = arith.constant 32 : i32
          %parallel_loop3A_651 = arith.addi %parallel_loop3A_631, %parallel_loop3A_650 : i32
          %parallel_loop3A_652 = arith.index_cast %parallel_loop3A_651 : i32 to index
          %parallel_loop3A_653 = tpu.vector_load %arg12[%parallel_loop3A_652] {strides = array<i32>} : memref<512xf32, #tpu.memory_space<vmem>>, vector<16xf32>,
          %parallel_loop3A_654 = arith.index_cast %parallel_loop3A_635 : i32 to index
          %parallel_loop3A_655 = arith.constant 32 : index
          %parallel_loop3A_656 = tpu.vector_load %arg15[%parallel_loop3A_654, %parallel_loop3A_655] {strides = array<i32>} : memref<256x128xf32, #tpu.memory_space<vmem>>, vector<16xf32>,
          tpu.vector_store %arg15[%parallel_loop3A_654, %parallel_loop3A_655], %parallel_loop3A_653 {strides = array<i32>} : memref<256x128xf32, #tpu.memory_space<vmem>>, vector<16xf32>,
          %parallel_loop3A_657 = arith.constant 48 : i32
          %parallel_loop3A_658 = arith.addi %parallel_loop3A_631, %parallel_loop3A_657 : i32
          %parallel_loop3A_659 = arith.index_cast %parallel_loop3A_658 : i32 to index
          %parallel_loop3A_660 = tpu.vector_load %arg12[%parallel_loop3A_659] {strides = array<i32>} : memref<512xf32, #tpu.memory_space<vmem>>, vector<16xf32>,
          %parallel_loop3A_661 = arith.index_cast %parallel_loop3A_635 : i32 to index
          %parallel_loop3A_662 = arith.constant 48 : index
          %parallel_loop3A_663 = tpu.vector_load %arg15[%parallel_loop3A_661, %parallel_loop3A_662] {strides = array<i32>} : memref<256x128xf32, #tpu.memory_space<vmem>>, vector<16xf32>,
          tpu.vector_store %arg15[%parallel_loop3A_661, %parallel_loop3A_662], %parallel_loop3A_660 {strides = array<i32>} : memref<256x128xf32, #tpu.memory_space<vmem>>, vector<16xf32>,
          %parallel_loop3A_664 = vector.extract_strided_slice %parallel_loop3A_404 {offsets = [10], sizes = [1], strides = [1]} : vector<16xi32> to vector<1xi32>
          %parallel_loop3A_665 = vector.extract %parallel_loop3A_664[0] : i32 from vector<1xi32>
          %parallel_loop3A_666 = vector.extract_strided_slice %parallel_loop3A_404 {offsets = [11], sizes = [1], strides = [1]} : vector<16xi32> to vector<1xi32>
          %parallel_loop3A_667 = vector.extract %parallel_loop3A_666[0] : i32 from vector<1xi32>
          %parallel_loop3A_668 = arith.cmpi eq, %parallel_loop3A_413, %parallel_loop3A_665 : i32
          %parallel_loop3A_669 = arith.extui %parallel_loop3A_668 : i1 to i32
          %parallel_loop3A_670 = arith.constant 2 : i32
          %parallel_loop3A_671 = arith.shli %parallel_loop3A_669, %parallel_loop3A_670 : i32
          %parallel_loop3A_672 = arith.cmpi eq, %parallel_loop3A_413, %parallel_loop3A_667 : i32
          %parallel_loop3A_673 = arith.extui %parallel_loop3A_672 : i1 to i32
          %parallel_loop3A_674 = arith.constant 1 : i32
          %parallel_loop3A_675 = arith.shli %parallel_loop3A_673, %parallel_loop3A_674 : i32
          %parallel_loop3A_676 = arith.ori %parallel_loop3A_671, %parallel_loop3A_675 : i32
          %parallel_loop3A_677 = arith.cmpi eq, %parallel_loop3A_665, %parallel_loop3A_667 : i32
          %parallel_loop3A_678 = arith.extui %parallel_loop3A_677 : i1 to i32
          %parallel_loop3A_679 = arith.ori %parallel_loop3A_676, %parallel_loop3A_678 : i32
          %parallel_loop3A_680 = arith.constant 6 : i32
          %parallel_loop3A_681 = arith.shli %parallel_loop3A_679, %parallel_loop3A_680 : i32
          %parallel_loop3A_682 = arith.constant 4 : i32
          %parallel_loop3A_683 = arith.muli %parallel_loop3A_400, %parallel_loop3A_682 : i32
          %parallel_loop3A_684 = arith.constant 2 : i32
          %parallel_loop3A_685 = arith.addi %parallel_loop3A_683, %parallel_loop3A_684 : i32
          %parallel_loop3A_686 = arith.constant 0 : i32
          %parallel_loop3A_687 = arith.addi %parallel_loop3A_681, %parallel_loop3A_686 : i32
          %parallel_loop3A_688 = arith.index_cast %parallel_loop3A_687 : i32 to index
          %parallel_loop3A_689 = tpu.vector_load %arg12[%parallel_loop3A_688] {strides = array<i32>} : memref<512xf32, #tpu.memory_space<vmem>>, vector<16xf32>,
          %parallel_loop3A_690 = arith.index_cast %parallel_loop3A_685 : i32 to index
          %parallel_loop3A_691 = arith.constant 64 : index
          %parallel_loop3A_692 = tpu.vector_load %arg15[%parallel_loop3A_690, %parallel_loop3A_691] {strides = array<i32>} : memref<256x128xf32, #tpu.memory_space<vmem>>, vector<16xf32>,
          tpu.vector_store %arg15[%parallel_loop3A_690, %parallel_loop3A_691], %parallel_loop3A_689 {strides = array<i32>} : memref<256x128xf32, #tpu.memory_space<vmem>>, vector<16xf32>,
          %parallel_loop3A_693 = arith.constant 16 : i32
          %parallel_loop3A_694 = arith.addi %parallel_loop3A_681, %parallel_loop3A_693 : i32
          %parallel_loop3A_695 = arith.index_cast %parallel_loop3A_694 : i32 to index
          %parallel_loop3A_696 = tpu.vector_load %arg12[%parallel_loop3A_695] {strides = array<i32>} : memref<512xf32, #tpu.memory_space<vmem>>, vector<16xf32>,
          %parallel_loop3A_697 = arith.index_cast %parallel_loop3A_685 : i32 to index
          %parallel_loop3A_698 = arith.constant 80 : index
          %parallel_loop3A_699 = tpu.vector_load %arg15[%parallel_loop3A_697, %parallel_loop3A_698] {strides = array<i32>} : memref<256x128xf32, #tpu.memory_space<vmem>>, vector<16xf32>,
          tpu.vector_store %arg15[%parallel_loop3A_697, %parallel_loop3A_698], %parallel_loop3A_696 {strides = array<i32>} : memref<256x128xf32, #tpu.memory_space<vmem>>, vector<16xf32>,
          %parallel_loop3A_700 = arith.constant 32 : i32
          %parallel_loop3A_701 = arith.addi %parallel_loop3A_681, %parallel_loop3A_700 : i32
          %parallel_loop3A_702 = arith.index_cast %parallel_loop3A_701 : i32 to index
          %parallel_loop3A_703 = tpu.vector_load %arg12[%parallel_loop3A_702] {strides = array<i32>} : memref<512xf32, #tpu.memory_space<vmem>>, vector<16xf32>,
          %parallel_loop3A_704 = arith.index_cast %parallel_loop3A_685 : i32 to index
          %parallel_loop3A_705 = arith.constant 96 : index
          %parallel_loop3A_706 = tpu.vector_load %arg15[%parallel_loop3A_704, %parallel_loop3A_705] {strides = array<i32>} : memref<256x128xf32, #tpu.memory_space<vmem>>, vector<16xf32>,
          tpu.vector_store %arg15[%parallel_loop3A_704, %parallel_loop3A_705], %parallel_loop3A_703 {strides = array<i32>} : memref<256x128xf32, #tpu.memory_space<vmem>>, vector<16xf32>,
          %parallel_loop3A_707 = arith.constant 48 : i32
          %parallel_loop3A_708 = arith.addi %parallel_loop3A_681, %parallel_loop3A_707 : i32
          %parallel_loop3A_709 = arith.index_cast %parallel_loop3A_708 : i32 to index
          %parallel_loop3A_710 = tpu.vector_load %arg12[%parallel_loop3A_709] {strides = array<i32>} : memref<512xf32, #tpu.memory_space<vmem>>, vector<16xf32>,
          %parallel_loop3A_711 = arith.index_cast %parallel_loop3A_685 : i32 to index
          %parallel_loop3A_712 = arith.constant 112 : index
          %parallel_loop3A_713 = tpu.vector_load %arg15[%parallel_loop3A_711, %parallel_loop3A_712] {strides = array<i32>} : memref<256x128xf32, #tpu.memory_space<vmem>>, vector<16xf32>,
          tpu.vector_store %arg15[%parallel_loop3A_711, %parallel_loop3A_712], %parallel_loop3A_710 {strides = array<i32>} : memref<256x128xf32, #tpu.memory_space<vmem>>, vector<16xf32>,
          %parallel_loop3A_714 = vector.extract_strided_slice %parallel_loop3A_404 {offsets = [12], sizes = [1], strides = [1]} : vector<16xi32> to vector<1xi32>
          %parallel_loop3A_715 = vector.extract %parallel_loop3A_714[0] : i32 from vector<1xi32>
          %parallel_loop3A_716 = vector.extract_strided_slice %parallel_loop3A_404 {offsets = [13], sizes = [1], strides = [1]} : vector<16xi32> to vector<1xi32>
          %parallel_loop3A_717 = vector.extract %parallel_loop3A_716[0] : i32 from vector<1xi32>
          %parallel_loop3A_718 = arith.cmpi eq, %parallel_loop3A_413, %parallel_loop3A_715 : i32
          %parallel_loop3A_719 = arith.extui %parallel_loop3A_718 : i1 to i32
          %parallel_loop3A_720 = arith.constant 2 : i32
          %parallel_loop3A_721 = arith.shli %parallel_loop3A_719, %parallel_loop3A_720 : i32
          %parallel_loop3A_722 = arith.cmpi eq, %parallel_loop3A_413, %parallel_loop3A_717 : i32
          %parallel_loop3A_723 = arith.extui %parallel_loop3A_722 : i1 to i32
          %parallel_loop3A_724 = arith.constant 1 : i32
          %parallel_loop3A_725 = arith.shli %parallel_loop3A_723, %parallel_loop3A_724 : i32
          %parallel_loop3A_726 = arith.ori %parallel_loop3A_721, %parallel_loop3A_725 : i32
          %parallel_loop3A_727 = arith.cmpi eq, %parallel_loop3A_715, %parallel_loop3A_717 : i32
          %parallel_loop3A_728 = arith.extui %parallel_loop3A_727 : i1 to i32
          %parallel_loop3A_729 = arith.ori %parallel_loop3A_726, %parallel_loop3A_728 : i32
          %parallel_loop3A_730 = arith.constant 6 : i32
          %parallel_loop3A_731 = arith.shli %parallel_loop3A_729, %parallel_loop3A_730 : i32
          %parallel_loop3A_732 = arith.constant 4 : i32
          %parallel_loop3A_733 = arith.muli %parallel_loop3A_400, %parallel_loop3A_732 : i32
          %parallel_loop3A_734 = arith.constant 3 : i32
          %parallel_loop3A_735 = arith.addi %parallel_loop3A_733, %parallel_loop3A_734 : i32
          %parallel_loop3A_736 = arith.constant 0 : i32
          %parallel_loop3A_737 = arith.addi %parallel_loop3A_731, %parallel_loop3A_736 : i32
          %parallel_loop3A_738 = arith.index_cast %parallel_loop3A_737 : i32 to index
          %parallel_loop3A_739 = tpu.vector_load %arg12[%parallel_loop3A_738] {strides = array<i32>} : memref<512xf32, #tpu.memory_space<vmem>>, vector<16xf32>,
          %parallel_loop3A_740 = arith.index_cast %parallel_loop3A_735 : i32 to index
          %parallel_loop3A_741 = arith.constant 0 : index
          %parallel_loop3A_742 = tpu.vector_load %arg15[%parallel_loop3A_740, %parallel_loop3A_741] {strides = array<i32>} : memref<256x128xf32, #tpu.memory_space<vmem>>, vector<16xf32>,
          tpu.vector_store %arg15[%parallel_loop3A_740, %parallel_loop3A_741], %parallel_loop3A_739 {strides = array<i32>} : memref<256x128xf32, #tpu.memory_space<vmem>>, vector<16xf32>,
          %parallel_loop3A_743 = arith.constant 16 : i32
          %parallel_loop3A_744 = arith.addi %parallel_loop3A_731, %parallel_loop3A_743 : i32
          %parallel_loop3A_745 = arith.index_cast %parallel_loop3A_744 : i32 to index
          %parallel_loop3A_746 = tpu.vector_load %arg12[%parallel_loop3A_745] {strides = array<i32>} : memref<512xf32, #tpu.memory_space<vmem>>, vector<16xf32>,
          %parallel_loop3A_747 = arith.index_cast %parallel_loop3A_735 : i32 to index
          %parallel_loop3A_748 = arith.constant 16 : index
          %parallel_loop3A_749 = tpu.vector_load %arg15[%parallel_loop3A_747, %parallel_loop3A_748] {strides = array<i32>} : memref<256x128xf32, #tpu.memory_space<vmem>>, vector<16xf32>,
          tpu.vector_store %arg15[%parallel_loop3A_747, %parallel_loop3A_748], %parallel_loop3A_746 {strides = array<i32>} : memref<256x128xf32, #tpu.memory_space<vmem>>, vector<16xf32>,
          %parallel_loop3A_750 = arith.constant 32 : i32
          %parallel_loop3A_751 = arith.addi %parallel_loop3A_731, %parallel_loop3A_750 : i32
          %parallel_loop3A_752 = arith.index_cast %parallel_loop3A_751 : i32 to index
          %parallel_loop3A_753 = tpu.vector_load %arg12[%parallel_loop3A_752] {strides = array<i32>} : memref<512xf32, #tpu.memory_space<vmem>>, vector<16xf32>,
          %parallel_loop3A_754 = arith.index_cast %parallel_loop3A_735 : i32 to index
          %parallel_loop3A_755 = arith.constant 32 : index
          %parallel_loop3A_756 = tpu.vector_load %arg15[%parallel_loop3A_754, %parallel_loop3A_755] {strides = array<i32>} : memref<256x128xf32, #tpu.memory_space<vmem>>, vector<16xf32>,
          tpu.vector_store %arg15[%parallel_loop3A_754, %parallel_loop3A_755], %parallel_loop3A_753 {strides = array<i32>} : memref<256x128xf32, #tpu.memory_space<vmem>>, vector<16xf32>,
          %parallel_loop3A_757 = arith.constant 48 : i32
          %parallel_loop3A_758 = arith.addi %parallel_loop3A_731, %parallel_loop3A_757 : i32
          %parallel_loop3A_759 = arith.index_cast %parallel_loop3A_758 : i32 to index
          %parallel_loop3A_760 = tpu.vector_load %arg12[%parallel_loop3A_759] {strides = array<i32>} : memref<512xf32, #tpu.memory_space<vmem>>, vector<16xf32>,
          %parallel_loop3A_761 = arith.index_cast %parallel_loop3A_735 : i32 to index
          %parallel_loop3A_762 = arith.constant 48 : index
          %parallel_loop3A_763 = tpu.vector_load %arg15[%parallel_loop3A_761, %parallel_loop3A_762] {strides = array<i32>} : memref<256x128xf32, #tpu.memory_space<vmem>>, vector<16xf32>,
          tpu.vector_store %arg15[%parallel_loop3A_761, %parallel_loop3A_762], %parallel_loop3A_760 {strides = array<i32>} : memref<256x128xf32, #tpu.memory_space<vmem>>, vector<16xf32>,
          %parallel_loop3A_764 = vector.extract_strided_slice %parallel_loop3A_404 {offsets = [14], sizes = [1], strides = [1]} : vector<16xi32> to vector<1xi32>
          %parallel_loop3A_765 = vector.extract %parallel_loop3A_764[0] : i32 from vector<1xi32>
          %parallel_loop3A_766 = vector.extract_strided_slice %parallel_loop3A_404 {offsets = [15], sizes = [1], strides = [1]} : vector<16xi32> to vector<1xi32>
          %parallel_loop3A_767 = vector.extract %parallel_loop3A_766[0] : i32 from vector<1xi32>
          %parallel_loop3A_768 = arith.cmpi eq, %parallel_loop3A_413, %parallel_loop3A_765 : i32
          %parallel_loop3A_769 = arith.extui %parallel_loop3A_768 : i1 to i32
          %parallel_loop3A_770 = arith.constant 2 : i32
          %parallel_loop3A_771 = arith.shli %parallel_loop3A_769, %parallel_loop3A_770 : i32
          %parallel_loop3A_772 = arith.cmpi eq, %parallel_loop3A_413, %parallel_loop3A_767 : i32
          %parallel_loop3A_773 = arith.extui %parallel_loop3A_772 : i1 to i32
          %parallel_loop3A_774 = arith.constant 1 : i32
          %parallel_loop3A_775 = arith.shli %parallel_loop3A_773, %parallel_loop3A_774 : i32
          %parallel_loop3A_776 = arith.ori %parallel_loop3A_771, %parallel_loop3A_775 : i32
          %parallel_loop3A_777 = arith.cmpi eq, %parallel_loop3A_765, %parallel_loop3A_767 : i32
          %parallel_loop3A_778 = arith.extui %parallel_loop3A_777 : i1 to i32
          %parallel_loop3A_779 = arith.ori %parallel_loop3A_776, %parallel_loop3A_778 : i32
          %parallel_loop3A_780 = arith.constant 6 : i32
          %parallel_loop3A_781 = arith.shli %parallel_loop3A_779, %parallel_loop3A_780 : i32
          %parallel_loop3A_782 = arith.constant 4 : i32
          %parallel_loop3A_783 = arith.muli %parallel_loop3A_400, %parallel_loop3A_782 : i32
          %parallel_loop3A_784 = arith.constant 3 : i32
          %parallel_loop3A_785 = arith.addi %parallel_loop3A_783, %parallel_loop3A_784 : i32
          %parallel_loop3A_786 = arith.constant 0 : i32
          %parallel_loop3A_787 = arith.addi %parallel_loop3A_781, %parallel_loop3A_786 : i32
          %parallel_loop3A_788 = arith.index_cast %parallel_loop3A_787 : i32 to index
          %parallel_loop3A_789 = tpu.vector_load %arg12[%parallel_loop3A_788] {strides = array<i32>} : memref<512xf32, #tpu.memory_space<vmem>>, vector<16xf32>,
          %parallel_loop3A_790 = arith.index_cast %parallel_loop3A_785 : i32 to index
          %parallel_loop3A_791 = arith.constant 64 : index
          %parallel_loop3A_792 = tpu.vector_load %arg15[%parallel_loop3A_790, %parallel_loop3A_791] {strides = array<i32>} : memref<256x128xf32, #tpu.memory_space<vmem>>, vector<16xf32>,
          tpu.vector_store %arg15[%parallel_loop3A_790, %parallel_loop3A_791], %parallel_loop3A_789 {strides = array<i32>} : memref<256x128xf32, #tpu.memory_space<vmem>>, vector<16xf32>,
          %parallel_loop3A_793 = arith.constant 16 : i32
          %parallel_loop3A_794 = arith.addi %parallel_loop3A_781, %parallel_loop3A_793 : i32
          %parallel_loop3A_795 = arith.index_cast %parallel_loop3A_794 : i32 to index
          %parallel_loop3A_796 = tpu.vector_load %arg12[%parallel_loop3A_795] {strides = array<i32>} : memref<512xf32, #tpu.memory_space<vmem>>, vector<16xf32>,
          %parallel_loop3A_797 = arith.index_cast %parallel_loop3A_785 : i32 to index
          %parallel_loop3A_798 = arith.constant 80 : index
          %parallel_loop3A_799 = tpu.vector_load %arg15[%parallel_loop3A_797, %parallel_loop3A_798] {strides = array<i32>} : memref<256x128xf32, #tpu.memory_space<vmem>>, vector<16xf32>,
          tpu.vector_store %arg15[%parallel_loop3A_797, %parallel_loop3A_798], %parallel_loop3A_796 {strides = array<i32>} : memref<256x128xf32, #tpu.memory_space<vmem>>, vector<16xf32>,
          %parallel_loop3A_800 = arith.constant 32 : i32
          %parallel_loop3A_801 = arith.addi %parallel_loop3A_781, %parallel_loop3A_800 : i32
          %parallel_loop3A_802 = arith.index_cast %parallel_loop3A_801 : i32 to index
          %parallel_loop3A_803 = tpu.vector_load %arg12[%parallel_loop3A_802] {strides = array<i32>} : memref<512xf32, #tpu.memory_space<vmem>>, vector<16xf32>,
          %parallel_loop3A_804 = arith.index_cast %parallel_loop3A_785 : i32 to index
          %parallel_loop3A_805 = arith.constant 96 : index
          %parallel_loop3A_806 = tpu.vector_load %arg15[%parallel_loop3A_804, %parallel_loop3A_805] {strides = array<i32>} : memref<256x128xf32, #tpu.memory_space<vmem>>, vector<16xf32>,
          tpu.vector_store %arg15[%parallel_loop3A_804, %parallel_loop3A_805], %parallel_loop3A_803 {strides = array<i32>} : memref<256x128xf32, #tpu.memory_space<vmem>>, vector<16xf32>,
          %parallel_loop3A_807 = arith.constant 48 : i32
          %parallel_loop3A_808 = arith.addi %parallel_loop3A_781, %parallel_loop3A_807 : i32
          %parallel_loop3A_809 = arith.index_cast %parallel_loop3A_808 : i32 to index
          %parallel_loop3A_810 = tpu.vector_load %arg12[%parallel_loop3A_809] {strides = array<i32>} : memref<512xf32, #tpu.memory_space<vmem>>, vector<16xf32>,
          %parallel_loop3A_811 = arith.index_cast %parallel_loop3A_785 : i32 to index
          %parallel_loop3A_812 = arith.constant 112 : index
          %parallel_loop3A_813 = tpu.vector_load %arg15[%parallel_loop3A_811, %parallel_loop3A_812] {strides = array<i32>} : memref<256x128xf32, #tpu.memory_space<vmem>>, vector<16xf32>,
          tpu.vector_store %arg15[%parallel_loop3A_811, %parallel_loop3A_812], %parallel_loop3A_810 {strides = array<i32>} : memref<256x128xf32, #tpu.memory_space<vmem>>, vector<16xf32>,
        } {sc.loop_unroll_factor = 2 : i64, sc.parallel_access}
        %mul3A_385 = arith.constant 256 : i32
        %mul3A_386 = arith.muli %add3A_357, %mul3A_385 : i32
        %dma_start3A = arith.constant 0 : i32
        %dma_start3A_387 = tpu.memref_slice %arg7[%mul3A_386, %dma_start3A] : memref<320000x128xf32, #tpu.memory_space<hbm>> -> memref<256x128xf32, #tpu.memory_space<hbm>>
        %dma_start3A_388 = arith.constant 0 : i32
        %dma_start3A_389 = tpu.memref_slice %arg7[%mul3A_386, %dma_start3A_388] : memref<320000x128xf32, #tpu.memory_space<hbm>> -> memref<256x128xf32, #tpu.memory_space<hbm>>
        tpu.enqueue_dma source(%arg15 : memref<256x128xf32, #tpu.memory_space<vmem>>) target(%dma_start3A_389 : memref<256x128xf32, #tpu.memory_space<hbm>>) target_semaphore(%arg19 : memref<!tpu.dma_semaphore, #tpu.memory_space<semaphore_mem>>)
        %add3A_390 = arith.constant 2 : i32
        %add3A_391 = arith.addi %add3A_354, %add3A_390 : i32
        %mul3A_392 = arith.constant 32 : i32
        %mul3A_393 = arith.muli %add3A_391, %mul3A_392 : i32
        %add3A_394 = arith.addi %add3A, %mul3A_393 : i32
        %lt3A_395 = arith.constant 1250 : i32
        %lt3A_396 = arith.cmpi slt, %add3A_394, %lt3A_395 : i32
        %convert_element_type3A_397 = arith.extui %lt3A_396 : i1 to i32
        %cond3A_398 = arith.constant 0 : i32
        %cond3A_399 = arith.cmpi ne, %convert_element_type3A_397, %cond3A_398 : i32
        scf.if %cond3A_399 {
          %mul3A_400 = arith.constant 1024 : i32
          %mul3A_401 = arith.muli %add3A_394, %mul3A_400 : i32
          %dma_start3A_402 = tpu.memref_slice %arg3[%mul3A_401] : memref<1280000xi32, #tpu.memory_space<hbm>> -> memref<1024xi32, #tpu.memory_space<hbm>>
          %dma_start3A_403 = tpu.memref_slice %arg3[%mul3A_401] : memref<1280000xi32, #tpu.memory_space<hbm>> -> memref<1024xi32, #tpu.memory_space<hbm>>
          tpu.enqueue_dma source(%dma_start3A_403 : memref<1024xi32, #tpu.memory_space<hbm>>) target(%arg13 : memref<1024xi32, #tpu.memory_space<vmem>>) target_semaphore(%arg17 : memref<!tpu.dma_semaphore, #tpu.memory_space<semaphore_mem>>)
        } else {
        }
      } else {
      }
      %mul3A_363 = arith.constant 2 : i32
      %mul3A_364 = arith.muli %scan3A_350, %mul3A_363 : i32
      %add3A_365 = arith.constant 1 : i32
      %add3A_366 = arith.addi %mul3A_364, %add3A_365 : i32
      %mul3A_367 = arith.constant 32 : i32
      %mul3A_368 = arith.muli %add3A_366, %mul3A_367 : i32
      %add3A_369 = arith.addi %add3A, %mul3A_368 : i32
      %lt3A_370 = arith.constant 1250 : i32
      %lt3A_371 = arith.cmpi slt, %add3A_369, %lt3A_370 : i32
      %convert_element_type3A_372 = arith.extui %lt3A_371 : i1 to i32
      %cond3A_373 = arith.constant 0 : i32
      %cond3A_374 = arith.cmpi ne, %convert_element_type3A_372, %cond3A_373 : i32
      scf.if %cond3A_374 {
        %dma_wait3A_375 = arith.constant 0 : i32
        %dma_wait3A_376 = tpu.memref_slice %arg3[%dma_wait3A_375] : memref<1280000xi32, #tpu.memory_space<hbm>> -> memref<1024xi32, #tpu.memory_space<hbm>>
        %dma_wait3A_377 = arith.constant 0 : i32
        %dma_wait3A_378 = tpu.memref_slice %arg3[%dma_wait3A_377] : memref<1280000xi32, #tpu.memory_space<hbm>> -> memref<1024xi32, #tpu.memory_space<hbm>>
        tpu.wait_dma2 semaphore(%arg18 : memref<!tpu.dma_semaphore, #tpu.memory_space<semaphore_mem>>) src(%dma_wait3A_378 : memref<1024xi32, #tpu.memory_space<hbm>>) dst(%arg14 : memref<1024xi32, #tpu.memory_space<vmem>>)
        %ge3A = arith.constant 2 : i32
        %ge3A_379 = arith.cmpi sge, %add3A_366, %ge3A : i32
        %convert_element_type3A_380 = arith.extui %ge3A_379 : i1 to i32
        %cond3A_381 = arith.constant 0 : i32
        %cond3A_382 = arith.cmpi ne, %convert_element_type3A_380, %cond3A_381 : i32
        scf.if %cond3A_382 {
          %dma_wait3A_400 = arith.constant 0 : i32
          %dma_wait3A_401 = arith.constant 0 : i32
          %dma_wait3A_402 = tpu.memref_slice %arg7[%dma_wait3A_400, %dma_wait3A_401] : memref<320000x128xf32, #tpu.memory_space<hbm>> -> memref<256x128xf32, #tpu.memory_space<hbm>>
          %dma_wait3A_403 = arith.constant 0 : i32
          %dma_wait3A_404 = arith.constant 0 : i32
          %dma_wait3A_405 = tpu.memref_slice %arg7[%dma_wait3A_403, %dma_wait3A_404] : memref<320000x128xf32, #tpu.memory_space<hbm>> -> memref<256x128xf32, #tpu.memory_space<hbm>>
          tpu.wait_dma2 semaphore(%arg20 : memref<!tpu.dma_semaphore, #tpu.memory_space<semaphore_mem>>) src(%arg16 : memref<256x128xf32, #tpu.memory_space<vmem>>) dst(%dma_wait3A_405 : memref<256x128xf32, #tpu.memory_space<hbm>>)
        } else {
        }
        %parallel_loop3A = arith.constant 0 : i32
        %parallel_loop3A_383 = arith.constant 64 : i32
        %parallel_loop3A_384 = arith.constant 1 : i32
        scf.for %parallel_loop3A_400 = %parallel_loop3A to %parallel_loop3A_383 step %parallel_loop3A_384  : i32 {
          %parallel_loop3A_401 = arith.constant 16 : i32
          %parallel_loop3A_402 = arith.muli %parallel_loop3A_400, %parallel_loop3A_401 : i32
          %parallel_loop3A_403 = arith.index_cast %parallel_loop3A_402 : i32 to index
          %parallel_loop3A_404 = tpu.vector_load %arg14[%parallel_loop3A_403] {strides = array<i32>} : memref<1024xi32, #tpu.memory_space<vmem>>, vector<16xi32>,
          %parallel_loop3A_405 = arith.constant 8 : i32
          %parallel_loop3A_406 = arith.muli %add3A_369, %parallel_loop3A_405 : i32
          %parallel_loop3A_407 = arith.constant 3 : i32
          %parallel_loop3A_408 = arith.shrsi %parallel_loop3A_400, %parallel_loop3A_407 : i32
          %parallel_loop3A_409 = arith.addi %parallel_loop3A_406, %parallel_loop3A_408 : i32
          %parallel_loop3A_410 = arith.index_cast %parallel_loop3A_409 : i32 to index
          %parallel_loop3A_411 = tpu.vector_load %arg8[%parallel_loop3A_410] {strides = array<i32>} : memref<10016xi32, #tpu.memory_space<vmem>>, vector<16xi32>,
          %parallel_loop3A_412 = vector.extract_strided_slice %parallel_loop3A_411 {offsets = [0], sizes = [1], strides = [1]} : vector<16xi32> to vector<1xi32>
          %parallel_loop3A_413 = vector.extract %parallel_loop3A_412[0] : i32 from vector<1xi32>
          %parallel_loop3A_414 = vector.extract_strided_slice %parallel_loop3A_404 {offsets = [0], sizes = [1], strides = [1]} : vector<16xi32> to vector<1xi32>
          %parallel_loop3A_415 = vector.extract %parallel_loop3A_414[0] : i32 from vector<1xi32>
          %parallel_loop3A_416 = vector.extract_strided_slice %parallel_loop3A_404 {offsets = [1], sizes = [1], strides = [1]} : vector<16xi32> to vector<1xi32>
          %parallel_loop3A_417 = vector.extract %parallel_loop3A_416[0] : i32 from vector<1xi32>
          %parallel_loop3A_418 = arith.cmpi eq, %parallel_loop3A_413, %parallel_loop3A_415 : i32
          %parallel_loop3A_419 = arith.extui %parallel_loop3A_418 : i1 to i32
          %parallel_loop3A_420 = arith.constant 2 : i32
          %parallel_loop3A_421 = arith.shli %parallel_loop3A_419, %parallel_loop3A_420 : i32
          %parallel_loop3A_422 = arith.cmpi eq, %parallel_loop3A_413, %parallel_loop3A_417 : i32
          %parallel_loop3A_423 = arith.extui %parallel_loop3A_422 : i1 to i32
          %parallel_loop3A_424 = arith.constant 1 : i32
          %parallel_loop3A_425 = arith.shli %parallel_loop3A_423, %parallel_loop3A_424 : i32
          %parallel_loop3A_426 = arith.ori %parallel_loop3A_421, %parallel_loop3A_425 : i32
          %parallel_loop3A_427 = arith.cmpi eq, %parallel_loop3A_415, %parallel_loop3A_417 : i32
          %parallel_loop3A_428 = arith.extui %parallel_loop3A_427 : i1 to i32
          %parallel_loop3A_429 = arith.ori %parallel_loop3A_426, %parallel_loop3A_428 : i32
          %parallel_loop3A_430 = arith.constant 6 : i32
          %parallel_loop3A_431 = arith.shli %parallel_loop3A_429, %parallel_loop3A_430 : i32
          %parallel_loop3A_432 = arith.constant 4 : i32
          %parallel_loop3A_433 = arith.muli %parallel_loop3A_400, %parallel_loop3A_432 : i32
          %parallel_loop3A_434 = arith.constant 0 : i32
          %parallel_loop3A_435 = arith.addi %parallel_loop3A_433, %parallel_loop3A_434 : i32
          %parallel_loop3A_436 = arith.constant 0 : i32
          %parallel_loop3A_437 = arith.addi %parallel_loop3A_431, %parallel_loop3A_436 : i32
          %parallel_loop3A_438 = arith.index_cast %parallel_loop3A_437 : i32 to index
          %parallel_loop3A_439 = tpu.vector_load %arg12[%parallel_loop3A_438] {strides = array<i32>} : memref<512xf32, #tpu.memory_space<vmem>>, vector<16xf32>,
          %parallel_loop3A_440 = arith.index_cast %parallel_loop3A_435 : i32 to index
          %parallel_loop3A_441 = arith.constant 0 : index
          %parallel_loop3A_442 = tpu.vector_load %arg16[%parallel_loop3A_440, %parallel_loop3A_441] {strides = array<i32>} : memref<256x128xf32, #tpu.memory_space<vmem>>, vector<16xf32>,
          tpu.vector_store %arg16[%parallel_loop3A_440, %parallel_loop3A_441], %parallel_loop3A_439 {strides = array<i32>} : memref<256x128xf32, #tpu.memory_space<vmem>>, vector<16xf32>,
          %parallel_loop3A_443 = arith.constant 16 : i32
          %parallel_loop3A_444 = arith.addi %parallel_loop3A_431, %parallel_loop3A_443 : i32
          %parallel_loop3A_445 = arith.index_cast %parallel_loop3A_444 : i32 to index
          %parallel_loop3A_446 = tpu.vector_load %arg12[%parallel_loop3A_445] {strides = array<i32>} : memref<512xf32, #tpu.memory_space<vmem>>, vector<16xf32>,
          %parallel_loop3A_447 = arith.index_cast %parallel_loop3A_435 : i32 to index
          %parallel_loop3A_448 = arith.constant 16 : index
          %parallel_loop3A_449 = tpu.vector_load %arg16[%parallel_loop3A_447, %parallel_loop3A_448] {strides = array<i32>} : memref<256x128xf32, #tpu.memory_space<vmem>>, vector<16xf32>,
          tpu.vector_store %arg16[%parallel_loop3A_447, %parallel_loop3A_448], %parallel_loop3A_446 {strides = array<i32>} : memref<256x128xf32, #tpu.memory_space<vmem>>, vector<16xf32>,
          %parallel_loop3A_450 = arith.constant 32 : i32
          %parallel_loop3A_451 = arith.addi %parallel_loop3A_431, %parallel_loop3A_450 : i32
          %parallel_loop3A_452 = arith.index_cast %parallel_loop3A_451 : i32 to index
          %parallel_loop3A_453 = tpu.vector_load %arg12[%parallel_loop3A_452] {strides = array<i32>} : memref<512xf32, #tpu.memory_space<vmem>>, vector<16xf32>,
          %parallel_loop3A_454 = arith.index_cast %parallel_loop3A_435 : i32 to index
          %parallel_loop3A_455 = arith.constant 32 : index
          %parallel_loop3A_456 = tpu.vector_load %arg16[%parallel_loop3A_454, %parallel_loop3A_455] {strides = array<i32>} : memref<256x128xf32, #tpu.memory_space<vmem>>, vector<16xf32>,
          tpu.vector_store %arg16[%parallel_loop3A_454, %parallel_loop3A_455], %parallel_loop3A_453 {strides = array<i32>} : memref<256x128xf32, #tpu.memory_space<vmem>>, vector<16xf32>,
          %parallel_loop3A_457 = arith.constant 48 : i32
          %parallel_loop3A_458 = arith.addi %parallel_loop3A_431, %parallel_loop3A_457 : i32
          %parallel_loop3A_459 = arith.index_cast %parallel_loop3A_458 : i32 to index
          %parallel_loop3A_460 = tpu.vector_load %arg12[%parallel_loop3A_459] {strides = array<i32>} : memref<512xf32, #tpu.memory_space<vmem>>, vector<16xf32>,
          %parallel_loop3A_461 = arith.index_cast %parallel_loop3A_435 : i32 to index
          %parallel_loop3A_462 = arith.constant 48 : index
          %parallel_loop3A_463 = tpu.vector_load %arg16[%parallel_loop3A_461, %parallel_loop3A_462] {strides = array<i32>} : memref<256x128xf32, #tpu.memory_space<vmem>>, vector<16xf32>,
          tpu.vector_store %arg16[%parallel_loop3A_461, %parallel_loop3A_462], %parallel_loop3A_460 {strides = array<i32>} : memref<256x128xf32, #tpu.memory_space<vmem>>, vector<16xf32>,
          %parallel_loop3A_464 = vector.extract_strided_slice %parallel_loop3A_404 {offsets = [2], sizes = [1], strides = [1]} : vector<16xi32> to vector<1xi32>
          %parallel_loop3A_465 = vector.extract %parallel_loop3A_464[0] : i32 from vector<1xi32>
          %parallel_loop3A_466 = vector.extract_strided_slice %parallel_loop3A_404 {offsets = [3], sizes = [1], strides = [1]} : vector<16xi32> to vector<1xi32>
          %parallel_loop3A_467 = vector.extract %parallel_loop3A_466[0] : i32 from vector<1xi32>
          %parallel_loop3A_468 = arith.cmpi eq, %parallel_loop3A_413, %parallel_loop3A_465 : i32
          %parallel_loop3A_469 = arith.extui %parallel_loop3A_468 : i1 to i32
          %parallel_loop3A_470 = arith.constant 2 : i32
          %parallel_loop3A_471 = arith.shli %parallel_loop3A_469, %parallel_loop3A_470 : i32
          %parallel_loop3A_472 = arith.cmpi eq, %parallel_loop3A_413, %parallel_loop3A_467 : i32
          %parallel_loop3A_473 = arith.extui %parallel_loop3A_472 : i1 to i32
          %parallel_loop3A_474 = arith.constant 1 : i32
          %parallel_loop3A_475 = arith.shli %parallel_loop3A_473, %parallel_loop3A_474 : i32
          %parallel_loop3A_476 = arith.ori %parallel_loop3A_471, %parallel_loop3A_475 : i32
          %parallel_loop3A_477 = arith.cmpi eq, %parallel_loop3A_465, %parallel_loop3A_467 : i32
          %parallel_loop3A_478 = arith.extui %parallel_loop3A_477 : i1 to i32
          %parallel_loop3A_479 = arith.ori %parallel_loop3A_476, %parallel_loop3A_478 : i32
          %parallel_loop3A_480 = arith.constant 6 : i32
          %parallel_loop3A_481 = arith.shli %parallel_loop3A_479, %parallel_loop3A_480 : i32
          %parallel_loop3A_482 = arith.constant 4 : i32
          %parallel_loop3A_483 = arith.muli %parallel_loop3A_400, %parallel_loop3A_482 : i32
          %parallel_loop3A_484 = arith.constant 0 : i32
          %parallel_loop3A_485 = arith.addi %parallel_loop3A_483, %parallel_loop3A_484 : i32
          %parallel_loop3A_486 = arith.constant 0 : i32
          %parallel_loop3A_487 = arith.addi %parallel_loop3A_481, %parallel_loop3A_486 : i32
          %parallel_loop3A_488 = arith.index_cast %parallel_loop3A_487 : i32 to index
          %parallel_loop3A_489 = tpu.vector_load %arg12[%parallel_loop3A_488] {strides = array<i32>} : memref<512xf32, #tpu.memory_space<vmem>>, vector<16xf32>,
          %parallel_loop3A_490 = arith.index_cast %parallel_loop3A_485 : i32 to index
          %parallel_loop3A_491 = arith.constant 64 : index
          %parallel_loop3A_492 = tpu.vector_load %arg16[%parallel_loop3A_490, %parallel_loop3A_491] {strides = array<i32>} : memref<256x128xf32, #tpu.memory_space<vmem>>, vector<16xf32>,
          tpu.vector_store %arg16[%parallel_loop3A_490, %parallel_loop3A_491], %parallel_loop3A_489 {strides = array<i32>} : memref<256x128xf32, #tpu.memory_space<vmem>>, vector<16xf32>,
          %parallel_loop3A_493 = arith.constant 16 : i32
          %parallel_loop3A_494 = arith.addi %parallel_loop3A_481, %parallel_loop3A_493 : i32
          %parallel_loop3A_495 = arith.index_cast %parallel_loop3A_494 : i32 to index
          %parallel_loop3A_496 = tpu.vector_load %arg12[%parallel_loop3A_495] {strides = array<i32>} : memref<512xf32, #tpu.memory_space<vmem>>, vector<16xf32>,
          %parallel_loop3A_497 = arith.index_cast %parallel_loop3A_485 : i32 to index
          %parallel_loop3A_498 = arith.constant 80 : index
          %parallel_loop3A_499 = tpu.vector_load %arg16[%parallel_loop3A_497, %parallel_loop3A_498] {strides = array<i32>} : memref<256x128xf32, #tpu.memory_space<vmem>>, vector<16xf32>,
          tpu.vector_store %arg16[%parallel_loop3A_497, %parallel_loop3A_498], %parallel_loop3A_496 {strides = array<i32>} : memref<256x128xf32, #tpu.memory_space<vmem>>, vector<16xf32>,
          %parallel_loop3A_500 = arith.constant 32 : i32
          %parallel_loop3A_501 = arith.addi %parallel_loop3A_481, %parallel_loop3A_500 : i32
          %parallel_loop3A_502 = arith.index_cast %parallel_loop3A_501 : i32 to index
          %parallel_loop3A_503 = tpu.vector_load %arg12[%parallel_loop3A_502] {strides = array<i32>} : memref<512xf32, #tpu.memory_space<vmem>>, vector<16xf32>,
          %parallel_loop3A_504 = arith.index_cast %parallel_loop3A_485 : i32 to index
          %parallel_loop3A_505 = arith.constant 96 : index
          %parallel_loop3A_506 = tpu.vector_load %arg16[%parallel_loop3A_504, %parallel_loop3A_505] {strides = array<i32>} : memref<256x128xf32, #tpu.memory_space<vmem>>, vector<16xf32>,
          tpu.vector_store %arg16[%parallel_loop3A_504, %parallel_loop3A_505], %parallel_loop3A_503 {strides = array<i32>} : memref<256x128xf32, #tpu.memory_space<vmem>>, vector<16xf32>,
          %parallel_loop3A_507 = arith.constant 48 : i32
          %parallel_loop3A_508 = arith.addi %parallel_loop3A_481, %parallel_loop3A_507 : i32
          %parallel_loop3A_509 = arith.index_cast %parallel_loop3A_508 : i32 to index
          %parallel_loop3A_510 = tpu.vector_load %arg12[%parallel_loop3A_509] {strides = array<i32>} : memref<512xf32, #tpu.memory_space<vmem>>, vector<16xf32>,
          %parallel_loop3A_511 = arith.index_cast %parallel_loop3A_485 : i32 to index
          %parallel_loop3A_512 = arith.constant 112 : index
          %parallel_loop3A_513 = tpu.vector_load %arg16[%parallel_loop3A_511, %parallel_loop3A_512] {strides = array<i32>} : memref<256x128xf32, #tpu.memory_space<vmem>>, vector<16xf32>,
          tpu.vector_store %arg16[%parallel_loop3A_511, %parallel_loop3A_512], %parallel_loop3A_510 {strides = array<i32>} : memref<256x128xf32, #tpu.memory_space<vmem>>, vector<16xf32>,
          %parallel_loop3A_514 = vector.extract_strided_slice %parallel_loop3A_404 {offsets = [4], sizes = [1], strides = [1]} : vector<16xi32> to vector<1xi32>
          %parallel_loop3A_515 = vector.extract %parallel_loop3A_514[0] : i32 from vector<1xi32>
          %parallel_loop3A_516 = vector.extract_strided_slice %parallel_loop3A_404 {offsets = [5], sizes = [1], strides = [1]} : vector<16xi32> to vector<1xi32>
          %parallel_loop3A_517 = vector.extract %parallel_loop3A_516[0] : i32 from vector<1xi32>
          %parallel_loop3A_518 = arith.cmpi eq, %parallel_loop3A_413, %parallel_loop3A_515 : i32
          %parallel_loop3A_519 = arith.extui %parallel_loop3A_518 : i1 to i32
          %parallel_loop3A_520 = arith.constant 2 : i32
          %parallel_loop3A_521 = arith.shli %parallel_loop3A_519, %parallel_loop3A_520 : i32
          %parallel_loop3A_522 = arith.cmpi eq, %parallel_loop3A_413, %parallel_loop3A_517 : i32
          %parallel_loop3A_523 = arith.extui %parallel_loop3A_522 : i1 to i32
          %parallel_loop3A_524 = arith.constant 1 : i32
          %parallel_loop3A_525 = arith.shli %parallel_loop3A_523, %parallel_loop3A_524 : i32
          %parallel_loop3A_526 = arith.ori %parallel_loop3A_521, %parallel_loop3A_525 : i32
          %parallel_loop3A_527 = arith.cmpi eq, %parallel_loop3A_515, %parallel_loop3A_517 : i32
          %parallel_loop3A_528 = arith.extui %parallel_loop3A_527 : i1 to i32
          %parallel_loop3A_529 = arith.ori %parallel_loop3A_526, %parallel_loop3A_528 : i32
          %parallel_loop3A_530 = arith.constant 6 : i32
          %parallel_loop3A_531 = arith.shli %parallel_loop3A_529, %parallel_loop3A_530 : i32
          %parallel_loop3A_532 = arith.constant 4 : i32
          %parallel_loop3A_533 = arith.muli %parallel_loop3A_400, %parallel_loop3A_532 : i32
          %parallel_loop3A_534 = arith.constant 1 : i32
          %parallel_loop3A_535 = arith.addi %parallel_loop3A_533, %parallel_loop3A_534 : i32
          %parallel_loop3A_536 = arith.constant 0 : i32
          %parallel_loop3A_537 = arith.addi %parallel_loop3A_531, %parallel_loop3A_536 : i32
          %parallel_loop3A_538 = arith.index_cast %parallel_loop3A_537 : i32 to index
          %parallel_loop3A_539 = tpu.vector_load %arg12[%parallel_loop3A_538] {strides = array<i32>} : memref<512xf32, #tpu.memory_space<vmem>>, vector<16xf32>,
          %parallel_loop3A_540 = arith.index_cast %parallel_loop3A_535 : i32 to index
          %parallel_loop3A_541 = arith.constant 0 : index
          %parallel_loop3A_542 = tpu.vector_load %arg16[%parallel_loop3A_540, %parallel_loop3A_541] {strides = array<i32>} : memref<256x128xf32, #tpu.memory_space<vmem>>, vector<16xf32>,
          tpu.vector_store %arg16[%parallel_loop3A_540, %parallel_loop3A_541], %parallel_loop3A_539 {strides = array<i32>} : memref<256x128xf32, #tpu.memory_space<vmem>>, vector<16xf32>,
          %parallel_loop3A_543 = arith.constant 16 : i32
          %parallel_loop3A_544 = arith.addi %parallel_loop3A_531, %parallel_loop3A_543 : i32
          %parallel_loop3A_545 = arith.index_cast %parallel_loop3A_544 : i32 to index
          %parallel_loop3A_546 = tpu.vector_load %arg12[%parallel_loop3A_545] {strides = array<i32>} : memref<512xf32, #tpu.memory_space<vmem>>, vector<16xf32>,
          %parallel_loop3A_547 = arith.index_cast %parallel_loop3A_535 : i32 to index
          %parallel_loop3A_548 = arith.constant 16 : index
          %parallel_loop3A_549 = tpu.vector_load %arg16[%parallel_loop3A_547, %parallel_loop3A_548] {strides = array<i32>} : memref<256x128xf32, #tpu.memory_space<vmem>>, vector<16xf32>,
          tpu.vector_store %arg16[%parallel_loop3A_547, %parallel_loop3A_548], %parallel_loop3A_546 {strides = array<i32>} : memref<256x128xf32, #tpu.memory_space<vmem>>, vector<16xf32>,
          %parallel_loop3A_550 = arith.constant 32 : i32
          %parallel_loop3A_551 = arith.addi %parallel_loop3A_531, %parallel_loop3A_550 : i32
          %parallel_loop3A_552 = arith.index_cast %parallel_loop3A_551 : i32 to index
          %parallel_loop3A_553 = tpu.vector_load %arg12[%parallel_loop3A_552] {strides = array<i32>} : memref<512xf32, #tpu.memory_space<vmem>>, vector<16xf32>,
          %parallel_loop3A_554 = arith.index_cast %parallel_loop3A_535 : i32 to index
          %parallel_loop3A_555 = arith.constant 32 : index
          %parallel_loop3A_556 = tpu.vector_load %arg16[%parallel_loop3A_554, %parallel_loop3A_555] {strides = array<i32>} : memref<256x128xf32, #tpu.memory_space<vmem>>, vector<16xf32>,
          tpu.vector_store %arg16[%parallel_loop3A_554, %parallel_loop3A_555], %parallel_loop3A_553 {strides = array<i32>} : memref<256x128xf32, #tpu.memory_space<vmem>>, vector<16xf32>,
          %parallel_loop3A_557 = arith.constant 48 : i32
          %parallel_loop3A_558 = arith.addi %parallel_loop3A_531, %parallel_loop3A_557 : i32
          %parallel_loop3A_559 = arith.index_cast %parallel_loop3A_558 : i32 to index
          %parallel_loop3A_560 = tpu.vector_load %arg12[%parallel_loop3A_559] {strides = array<i32>} : memref<512xf32, #tpu.memory_space<vmem>>, vector<16xf32>,
          %parallel_loop3A_561 = arith.index_cast %parallel_loop3A_535 : i32 to index
          %parallel_loop3A_562 = arith.constant 48 : index
          %parallel_loop3A_563 = tpu.vector_load %arg16[%parallel_loop3A_561, %parallel_loop3A_562] {strides = array<i32>} : memref<256x128xf32, #tpu.memory_space<vmem>>, vector<16xf32>,
          tpu.vector_store %arg16[%parallel_loop3A_561, %parallel_loop3A_562], %parallel_loop3A_560 {strides = array<i32>} : memref<256x128xf32, #tpu.memory_space<vmem>>, vector<16xf32>,
          %parallel_loop3A_564 = vector.extract_strided_slice %parallel_loop3A_404 {offsets = [6], sizes = [1], strides = [1]} : vector<16xi32> to vector<1xi32>
          %parallel_loop3A_565 = vector.extract %parallel_loop3A_564[0] : i32 from vector<1xi32>
          %parallel_loop3A_566 = vector.extract_strided_slice %parallel_loop3A_404 {offsets = [7], sizes = [1], strides = [1]} : vector<16xi32> to vector<1xi32>
          %parallel_loop3A_567 = vector.extract %parallel_loop3A_566[0] : i32 from vector<1xi32>
          %parallel_loop3A_568 = arith.cmpi eq, %parallel_loop3A_413, %parallel_loop3A_565 : i32
          %parallel_loop3A_569 = arith.extui %parallel_loop3A_568 : i1 to i32
          %parallel_loop3A_570 = arith.constant 2 : i32
          %parallel_loop3A_571 = arith.shli %parallel_loop3A_569, %parallel_loop3A_570 : i32
          %parallel_loop3A_572 = arith.cmpi eq, %parallel_loop3A_413, %parallel_loop3A_567 : i32
          %parallel_loop3A_573 = arith.extui %parallel_loop3A_572 : i1 to i32
          %parallel_loop3A_574 = arith.constant 1 : i32
          %parallel_loop3A_575 = arith.shli %parallel_loop3A_573, %parallel_loop3A_574 : i32
          %parallel_loop3A_576 = arith.ori %parallel_loop3A_571, %parallel_loop3A_575 : i32
          %parallel_loop3A_577 = arith.cmpi eq, %parallel_loop3A_565, %parallel_loop3A_567 : i32
          %parallel_loop3A_578 = arith.extui %parallel_loop3A_577 : i1 to i32
          %parallel_loop3A_579 = arith.ori %parallel_loop3A_576, %parallel_loop3A_578 : i32
          %parallel_loop3A_580 = arith.constant 6 : i32
          %parallel_loop3A_581 = arith.shli %parallel_loop3A_579, %parallel_loop3A_580 : i32
          %parallel_loop3A_582 = arith.constant 4 : i32
          %parallel_loop3A_583 = arith.muli %parallel_loop3A_400, %parallel_loop3A_582 : i32
          %parallel_loop3A_584 = arith.constant 1 : i32
          %parallel_loop3A_585 = arith.addi %parallel_loop3A_583, %parallel_loop3A_584 : i32
          %parallel_loop3A_586 = arith.constant 0 : i32
          %parallel_loop3A_587 = arith.addi %parallel_loop3A_581, %parallel_loop3A_586 : i32
          %parallel_loop3A_588 = arith.index_cast %parallel_loop3A_587 : i32 to index
          %parallel_loop3A_589 = tpu.vector_load %arg12[%parallel_loop3A_588] {strides = array<i32>} : memref<512xf32, #tpu.memory_space<vmem>>, vector<16xf32>,
          %parallel_loop3A_590 = arith.index_cast %parallel_loop3A_585 : i32 to index
          %parallel_loop3A_591 = arith.constant 64 : index
          %parallel_loop3A_592 = tpu.vector_load %arg16[%parallel_loop3A_590, %parallel_loop3A_591] {strides = array<i32>} : memref<256x128xf32, #tpu.memory_space<vmem>>, vector<16xf32>,
          tpu.vector_store %arg16[%parallel_loop3A_590, %parallel_loop3A_591], %parallel_loop3A_589 {strides = array<i32>} : memref<256x128xf32, #tpu.memory_space<vmem>>, vector<16xf32>,
          %parallel_loop3A_593 = arith.constant 16 : i32
          %parallel_loop3A_594 = arith.addi %parallel_loop3A_581, %parallel_loop3A_593 : i32
          %parallel_loop3A_595 = arith.index_cast %parallel_loop3A_594 : i32 to index
          %parallel_loop3A_596 = tpu.vector_load %arg12[%parallel_loop3A_595] {strides = array<i32>} : memref<512xf32, #tpu.memory_space<vmem>>, vector<16xf32>,
          %parallel_loop3A_597 = arith.index_cast %parallel_loop3A_585 : i32 to index
          %parallel_loop3A_598 = arith.constant 80 : index
          %parallel_loop3A_599 = tpu.vector_load %arg16[%parallel_loop3A_597, %parallel_loop3A_598] {strides = array<i32>} : memref<256x128xf32, #tpu.memory_space<vmem>>, vector<16xf32>,
          tpu.vector_store %arg16[%parallel_loop3A_597, %parallel_loop3A_598], %parallel_loop3A_596 {strides = array<i32>} : memref<256x128xf32, #tpu.memory_space<vmem>>, vector<16xf32>,
          %parallel_loop3A_600 = arith.constant 32 : i32
          %parallel_loop3A_601 = arith.addi %parallel_loop3A_581, %parallel_loop3A_600 : i32
          %parallel_loop3A_602 = arith.index_cast %parallel_loop3A_601 : i32 to index
          %parallel_loop3A_603 = tpu.vector_load %arg12[%parallel_loop3A_602] {strides = array<i32>} : memref<512xf32, #tpu.memory_space<vmem>>, vector<16xf32>,
          %parallel_loop3A_604 = arith.index_cast %parallel_loop3A_585 : i32 to index
          %parallel_loop3A_605 = arith.constant 96 : index
          %parallel_loop3A_606 = tpu.vector_load %arg16[%parallel_loop3A_604, %parallel_loop3A_605] {strides = array<i32>} : memref<256x128xf32, #tpu.memory_space<vmem>>, vector<16xf32>,
          tpu.vector_store %arg16[%parallel_loop3A_604, %parallel_loop3A_605], %parallel_loop3A_603 {strides = array<i32>} : memref<256x128xf32, #tpu.memory_space<vmem>>, vector<16xf32>,
          %parallel_loop3A_607 = arith.constant 48 : i32
          %parallel_loop3A_608 = arith.addi %parallel_loop3A_581, %parallel_loop3A_607 : i32
          %parallel_loop3A_609 = arith.index_cast %parallel_loop3A_608 : i32 to index
          %parallel_loop3A_610 = tpu.vector_load %arg12[%parallel_loop3A_609] {strides = array<i32>} : memref<512xf32, #tpu.memory_space<vmem>>, vector<16xf32>,
          %parallel_loop3A_611 = arith.index_cast %parallel_loop3A_585 : i32 to index
          %parallel_loop3A_612 = arith.constant 112 : index
          %parallel_loop3A_613 = tpu.vector_load %arg16[%parallel_loop3A_611, %parallel_loop3A_612] {strides = array<i32>} : memref<256x128xf32, #tpu.memory_space<vmem>>, vector<16xf32>,
          tpu.vector_store %arg16[%parallel_loop3A_611, %parallel_loop3A_612], %parallel_loop3A_610 {strides = array<i32>} : memref<256x128xf32, #tpu.memory_space<vmem>>, vector<16xf32>,
          %parallel_loop3A_614 = vector.extract_strided_slice %parallel_loop3A_404 {offsets = [8], sizes = [1], strides = [1]} : vector<16xi32> to vector<1xi32>
          %parallel_loop3A_615 = vector.extract %parallel_loop3A_614[0] : i32 from vector<1xi32>
          %parallel_loop3A_616 = vector.extract_strided_slice %parallel_loop3A_404 {offsets = [9], sizes = [1], strides = [1]} : vector<16xi32> to vector<1xi32>
          %parallel_loop3A_617 = vector.extract %parallel_loop3A_616[0] : i32 from vector<1xi32>
          %parallel_loop3A_618 = arith.cmpi eq, %parallel_loop3A_413, %parallel_loop3A_615 : i32
          %parallel_loop3A_619 = arith.extui %parallel_loop3A_618 : i1 to i32
          %parallel_loop3A_620 = arith.constant 2 : i32
          %parallel_loop3A_621 = arith.shli %parallel_loop3A_619, %parallel_loop3A_620 : i32
          %parallel_loop3A_622 = arith.cmpi eq, %parallel_loop3A_413, %parallel_loop3A_617 : i32
          %parallel_loop3A_623 = arith.extui %parallel_loop3A_622 : i1 to i32
          %parallel_loop3A_624 = arith.constant 1 : i32
          %parallel_loop3A_625 = arith.shli %parallel_loop3A_623, %parallel_loop3A_624 : i32
          %parallel_loop3A_626 = arith.ori %parallel_loop3A_621, %parallel_loop3A_625 : i32
          %parallel_loop3A_627 = arith.cmpi eq, %parallel_loop3A_615, %parallel_loop3A_617 : i32
          %parallel_loop3A_628 = arith.extui %parallel_loop3A_627 : i1 to i32
          %parallel_loop3A_629 = arith.ori %parallel_loop3A_626, %parallel_loop3A_628 : i32
          %parallel_loop3A_630 = arith.constant 6 : i32
          %parallel_loop3A_631 = arith.shli %parallel_loop3A_629, %parallel_loop3A_630 : i32
          %parallel_loop3A_632 = arith.constant 4 : i32
          %parallel_loop3A_633 = arith.muli %parallel_loop3A_400, %parallel_loop3A_632 : i32
          %parallel_loop3A_634 = arith.constant 2 : i32
          %parallel_loop3A_635 = arith.addi %parallel_loop3A_633, %parallel_loop3A_634 : i32
          %parallel_loop3A_636 = arith.constant 0 : i32
          %parallel_loop3A_637 = arith.addi %parallel_loop3A_631, %parallel_loop3A_636 : i32
          %parallel_loop3A_638 = arith.index_cast %parallel_loop3A_637 : i32 to index
          %parallel_loop3A_639 = tpu.vector_load %arg12[%parallel_loop3A_638] {strides = array<i32>} : memref<512xf32, #tpu.memory_space<vmem>>, vector<16xf32>,
          %parallel_loop3A_640 = arith.index_cast %parallel_loop3A_635 : i32 to index
          %parallel_loop3A_641 = arith.constant 0 : index
          %parallel_loop3A_642 = tpu.vector_load %arg16[%parallel_loop3A_640, %parallel_loop3A_641] {strides = array<i32>} : memref<256x128xf32, #tpu.memory_space<vmem>>, vector<16xf32>,
          tpu.vector_store %arg16[%parallel_loop3A_640, %parallel_loop3A_641], %parallel_loop3A_639 {strides = array<i32>} : memref<256x128xf32, #tpu.memory_space<vmem>>, vector<16xf32>,
          %parallel_loop3A_643 = arith.constant 16 : i32
          %parallel_loop3A_644 = arith.addi %parallel_loop3A_631, %parallel_loop3A_643 : i32
          %parallel_loop3A_645 = arith.index_cast %parallel_loop3A_644 : i32 to index
          %parallel_loop3A_646 = tpu.vector_load %arg12[%parallel_loop3A_645] {strides = array<i32>} : memref<512xf32, #tpu.memory_space<vmem>>, vector<16xf32>,
          %parallel_loop3A_647 = arith.index_cast %parallel_loop3A_635 : i32 to index
          %parallel_loop3A_648 = arith.constant 16 : index
          %parallel_loop3A_649 = tpu.vector_load %arg16[%parallel_loop3A_647, %parallel_loop3A_648] {strides = array<i32>} : memref<256x128xf32, #tpu.memory_space<vmem>>, vector<16xf32>,
          tpu.vector_store %arg16[%parallel_loop3A_647, %parallel_loop3A_648], %parallel_loop3A_646 {strides = array<i32>} : memref<256x128xf32, #tpu.memory_space<vmem>>, vector<16xf32>,
          %parallel_loop3A_650 = arith.constant 32 : i32
          %parallel_loop3A_651 = arith.addi %parallel_loop3A_631, %parallel_loop3A_650 : i32
          %parallel_loop3A_652 = arith.index_cast %parallel_loop3A_651 : i32 to index
          %parallel_loop3A_653 = tpu.vector_load %arg12[%parallel_loop3A_652] {strides = array<i32>} : memref<512xf32, #tpu.memory_space<vmem>>, vector<16xf32>,
          %parallel_loop3A_654 = arith.index_cast %parallel_loop3A_635 : i32 to index
          %parallel_loop3A_655 = arith.constant 32 : index
          %parallel_loop3A_656 = tpu.vector_load %arg16[%parallel_loop3A_654, %parallel_loop3A_655] {strides = array<i32>} : memref<256x128xf32, #tpu.memory_space<vmem>>, vector<16xf32>,
          tpu.vector_store %arg16[%parallel_loop3A_654, %parallel_loop3A_655], %parallel_loop3A_653 {strides = array<i32>} : memref<256x128xf32, #tpu.memory_space<vmem>>, vector<16xf32>,
          %parallel_loop3A_657 = arith.constant 48 : i32
          %parallel_loop3A_658 = arith.addi %parallel_loop3A_631, %parallel_loop3A_657 : i32
          %parallel_loop3A_659 = arith.index_cast %parallel_loop3A_658 : i32 to index
          %parallel_loop3A_660 = tpu.vector_load %arg12[%parallel_loop3A_659] {strides = array<i32>} : memref<512xf32, #tpu.memory_space<vmem>>, vector<16xf32>,
          %parallel_loop3A_661 = arith.index_cast %parallel_loop3A_635 : i32 to index
          %parallel_loop3A_662 = arith.constant 48 : index
          %parallel_loop3A_663 = tpu.vector_load %arg16[%parallel_loop3A_661, %parallel_loop3A_662] {strides = array<i32>} : memref<256x128xf32, #tpu.memory_space<vmem>>, vector<16xf32>,
          tpu.vector_store %arg16[%parallel_loop3A_661, %parallel_loop3A_662], %parallel_loop3A_660 {strides = array<i32>} : memref<256x128xf32, #tpu.memory_space<vmem>>, vector<16xf32>,
          %parallel_loop3A_664 = vector.extract_strided_slice %parallel_loop3A_404 {offsets = [10], sizes = [1], strides = [1]} : vector<16xi32> to vector<1xi32>
          %parallel_loop3A_665 = vector.extract %parallel_loop3A_664[0] : i32 from vector<1xi32>
          %parallel_loop3A_666 = vector.extract_strided_slice %parallel_loop3A_404 {offsets = [11], sizes = [1], strides = [1]} : vector<16xi32> to vector<1xi32>
          %parallel_loop3A_667 = vector.extract %parallel_loop3A_666[0] : i32 from vector<1xi32>
          %parallel_loop3A_668 = arith.cmpi eq, %parallel_loop3A_413, %parallel_loop3A_665 : i32
          %parallel_loop3A_669 = arith.extui %parallel_loop3A_668 : i1 to i32
          %parallel_loop3A_670 = arith.constant 2 : i32
          %parallel_loop3A_671 = arith.shli %parallel_loop3A_669, %parallel_loop3A_670 : i32
          %parallel_loop3A_672 = arith.cmpi eq, %parallel_loop3A_413, %parallel_loop3A_667 : i32
          %parallel_loop3A_673 = arith.extui %parallel_loop3A_672 : i1 to i32
          %parallel_loop3A_674 = arith.constant 1 : i32
          %parallel_loop3A_675 = arith.shli %parallel_loop3A_673, %parallel_loop3A_674 : i32
          %parallel_loop3A_676 = arith.ori %parallel_loop3A_671, %parallel_loop3A_675 : i32
          %parallel_loop3A_677 = arith.cmpi eq, %parallel_loop3A_665, %parallel_loop3A_667 : i32
          %parallel_loop3A_678 = arith.extui %parallel_loop3A_677 : i1 to i32
          %parallel_loop3A_679 = arith.ori %parallel_loop3A_676, %parallel_loop3A_678 : i32
          %parallel_loop3A_680 = arith.constant 6 : i32
          %parallel_loop3A_681 = arith.shli %parallel_loop3A_679, %parallel_loop3A_680 : i32
          %parallel_loop3A_682 = arith.constant 4 : i32
          %parallel_loop3A_683 = arith.muli %parallel_loop3A_400, %parallel_loop3A_682 : i32
          %parallel_loop3A_684 = arith.constant 2 : i32
          %parallel_loop3A_685 = arith.addi %parallel_loop3A_683, %parallel_loop3A_684 : i32
          %parallel_loop3A_686 = arith.constant 0 : i32
          %parallel_loop3A_687 = arith.addi %parallel_loop3A_681, %parallel_loop3A_686 : i32
          %parallel_loop3A_688 = arith.index_cast %parallel_loop3A_687 : i32 to index
          %parallel_loop3A_689 = tpu.vector_load %arg12[%parallel_loop3A_688] {strides = array<i32>} : memref<512xf32, #tpu.memory_space<vmem>>, vector<16xf32>,
          %parallel_loop3A_690 = arith.index_cast %parallel_loop3A_685 : i32 to index
          %parallel_loop3A_691 = arith.constant 64 : index
          %parallel_loop3A_692 = tpu.vector_load %arg16[%parallel_loop3A_690, %parallel_loop3A_691] {strides = array<i32>} : memref<256x128xf32, #tpu.memory_space<vmem>>, vector<16xf32>,
          tpu.vector_store %arg16[%parallel_loop3A_690, %parallel_loop3A_691], %parallel_loop3A_689 {strides = array<i32>} : memref<256x128xf32, #tpu.memory_space<vmem>>, vector<16xf32>,
          %parallel_loop3A_693 = arith.constant 16 : i32
          %parallel_loop3A_694 = arith.addi %parallel_loop3A_681, %parallel_loop3A_693 : i32
          %parallel_loop3A_695 = arith.index_cast %parallel_loop3A_694 : i32 to index
          %parallel_loop3A_696 = tpu.vector_load %arg12[%parallel_loop3A_695] {strides = array<i32>} : memref<512xf32, #tpu.memory_space<vmem>>, vector<16xf32>,
          %parallel_loop3A_697 = arith.index_cast %parallel_loop3A_685 : i32 to index
          %parallel_loop3A_698 = arith.constant 80 : index
          %parallel_loop3A_699 = tpu.vector_load %arg16[%parallel_loop3A_697, %parallel_loop3A_698] {strides = array<i32>} : memref<256x128xf32, #tpu.memory_space<vmem>>, vector<16xf32>,
          tpu.vector_store %arg16[%parallel_loop3A_697, %parallel_loop3A_698], %parallel_loop3A_696 {strides = array<i32>} : memref<256x128xf32, #tpu.memory_space<vmem>>, vector<16xf32>,
          %parallel_loop3A_700 = arith.constant 32 : i32
          %parallel_loop3A_701 = arith.addi %parallel_loop3A_681, %parallel_loop3A_700 : i32
          %parallel_loop3A_702 = arith.index_cast %parallel_loop3A_701 : i32 to index
          %parallel_loop3A_703 = tpu.vector_load %arg12[%parallel_loop3A_702] {strides = array<i32>} : memref<512xf32, #tpu.memory_space<vmem>>, vector<16xf32>,
          %parallel_loop3A_704 = arith.index_cast %parallel_loop3A_685 : i32 to index
          %parallel_loop3A_705 = arith.constant 96 : index
          %parallel_loop3A_706 = tpu.vector_load %arg16[%parallel_loop3A_704, %parallel_loop3A_705] {strides = array<i32>} : memref<256x128xf32, #tpu.memory_space<vmem>>, vector<16xf32>,
          tpu.vector_store %arg16[%parallel_loop3A_704, %parallel_loop3A_705], %parallel_loop3A_703 {strides = array<i32>} : memref<256x128xf32, #tpu.memory_space<vmem>>, vector<16xf32>,
          %parallel_loop3A_707 = arith.constant 48 : i32
          %parallel_loop3A_708 = arith.addi %parallel_loop3A_681, %parallel_loop3A_707 : i32
          %parallel_loop3A_709 = arith.index_cast %parallel_loop3A_708 : i32 to index
          %parallel_loop3A_710 = tpu.vector_load %arg12[%parallel_loop3A_709] {strides = array<i32>} : memref<512xf32, #tpu.memory_space<vmem>>, vector<16xf32>,
          %parallel_loop3A_711 = arith.index_cast %parallel_loop3A_685 : i32 to index
          %parallel_loop3A_712 = arith.constant 112 : index
          %parallel_loop3A_713 = tpu.vector_load %arg16[%parallel_loop3A_711, %parallel_loop3A_712] {strides = array<i32>} : memref<256x128xf32, #tpu.memory_space<vmem>>, vector<16xf32>,
          tpu.vector_store %arg16[%parallel_loop3A_711, %parallel_loop3A_712], %parallel_loop3A_710 {strides = array<i32>} : memref<256x128xf32, #tpu.memory_space<vmem>>, vector<16xf32>,
          %parallel_loop3A_714 = vector.extract_strided_slice %parallel_loop3A_404 {offsets = [12], sizes = [1], strides = [1]} : vector<16xi32> to vector<1xi32>
          %parallel_loop3A_715 = vector.extract %parallel_loop3A_714[0] : i32 from vector<1xi32>
          %parallel_loop3A_716 = vector.extract_strided_slice %parallel_loop3A_404 {offsets = [13], sizes = [1], strides = [1]} : vector<16xi32> to vector<1xi32>
          %parallel_loop3A_717 = vector.extract %parallel_loop3A_716[0] : i32 from vector<1xi32>
          %parallel_loop3A_718 = arith.cmpi eq, %parallel_loop3A_413, %parallel_loop3A_715 : i32
          %parallel_loop3A_719 = arith.extui %parallel_loop3A_718 : i1 to i32
          %parallel_loop3A_720 = arith.constant 2 : i32
          %parallel_loop3A_721 = arith.shli %parallel_loop3A_719, %parallel_loop3A_720 : i32
          %parallel_loop3A_722 = arith.cmpi eq, %parallel_loop3A_413, %parallel_loop3A_717 : i32
          %parallel_loop3A_723 = arith.extui %parallel_loop3A_722 : i1 to i32
          %parallel_loop3A_724 = arith.constant 1 : i32
          %parallel_loop3A_725 = arith.shli %parallel_loop3A_723, %parallel_loop3A_724 : i32
          %parallel_loop3A_726 = arith.ori %parallel_loop3A_721, %parallel_loop3A_725 : i32
          %parallel_loop3A_727 = arith.cmpi eq, %parallel_loop3A_715, %parallel_loop3A_717 : i32
          %parallel_loop3A_728 = arith.extui %parallel_loop3A_727 : i1 to i32
          %parallel_loop3A_729 = arith.ori %parallel_loop3A_726, %parallel_loop3A_728 : i32
          %parallel_loop3A_730 = arith.constant 6 : i32
          %parallel_loop3A_731 = arith.shli %parallel_loop3A_729, %parallel_loop3A_730 : i32
          %parallel_loop3A_732 = arith.constant 4 : i32
          %parallel_loop3A_733 = arith.muli %parallel_loop3A_400, %parallel_loop3A_732 : i32
          %parallel_loop3A_734 = arith.constant 3 : i32
          %parallel_loop3A_735 = arith.addi %parallel_loop3A_733, %parallel_loop3A_734 : i32
          %parallel_loop3A_736 = arith.constant 0 : i32
          %parallel_loop3A_737 = arith.addi %parallel_loop3A_731, %parallel_loop3A_736 : i32
          %parallel_loop3A_738 = arith.index_cast %parallel_loop3A_737 : i32 to index
          %parallel_loop3A_739 = tpu.vector_load %arg12[%parallel_loop3A_738] {strides = array<i32>} : memref<512xf32, #tpu.memory_space<vmem>>, vector<16xf32>,
          %parallel_loop3A_740 = arith.index_cast %parallel_loop3A_735 : i32 to index
          %parallel_loop3A_741 = arith.constant 0 : index
          %parallel_loop3A_742 = tpu.vector_load %arg16[%parallel_loop3A_740, %parallel_loop3A_741] {strides = array<i32>} : memref<256x128xf32, #tpu.memory_space<vmem>>, vector<16xf32>,
          tpu.vector_store %arg16[%parallel_loop3A_740, %parallel_loop3A_741], %parallel_loop3A_739 {strides = array<i32>} : memref<256x128xf32, #tpu.memory_space<vmem>>, vector<16xf32>,
          %parallel_loop3A_743 = arith.constant 16 : i32
          %parallel_loop3A_744 = arith.addi %parallel_loop3A_731, %parallel_loop3A_743 : i32
          %parallel_loop3A_745 = arith.index_cast %parallel_loop3A_744 : i32 to index
          %parallel_loop3A_746 = tpu.vector_load %arg12[%parallel_loop3A_745] {strides = array<i32>} : memref<512xf32, #tpu.memory_space<vmem>>, vector<16xf32>,
          %parallel_loop3A_747 = arith.index_cast %parallel_loop3A_735 : i32 to index
          %parallel_loop3A_748 = arith.constant 16 : index
          %parallel_loop3A_749 = tpu.vector_load %arg16[%parallel_loop3A_747, %parallel_loop3A_748] {strides = array<i32>} : memref<256x128xf32, #tpu.memory_space<vmem>>, vector<16xf32>,
          tpu.vector_store %arg16[%parallel_loop3A_747, %parallel_loop3A_748], %parallel_loop3A_746 {strides = array<i32>} : memref<256x128xf32, #tpu.memory_space<vmem>>, vector<16xf32>,
          %parallel_loop3A_750 = arith.constant 32 : i32
          %parallel_loop3A_751 = arith.addi %parallel_loop3A_731, %parallel_loop3A_750 : i32
          %parallel_loop3A_752 = arith.index_cast %parallel_loop3A_751 : i32 to index
          %parallel_loop3A_753 = tpu.vector_load %arg12[%parallel_loop3A_752] {strides = array<i32>} : memref<512xf32, #tpu.memory_space<vmem>>, vector<16xf32>,
          %parallel_loop3A_754 = arith.index_cast %parallel_loop3A_735 : i32 to index
          %parallel_loop3A_755 = arith.constant 32 : index
          %parallel_loop3A_756 = tpu.vector_load %arg16[%parallel_loop3A_754, %parallel_loop3A_755] {strides = array<i32>} : memref<256x128xf32, #tpu.memory_space<vmem>>, vector<16xf32>,
          tpu.vector_store %arg16[%parallel_loop3A_754, %parallel_loop3A_755], %parallel_loop3A_753 {strides = array<i32>} : memref<256x128xf32, #tpu.memory_space<vmem>>, vector<16xf32>,
          %parallel_loop3A_757 = arith.constant 48 : i32
          %parallel_loop3A_758 = arith.addi %parallel_loop3A_731, %parallel_loop3A_757 : i32
          %parallel_loop3A_759 = arith.index_cast %parallel_loop3A_758 : i32 to index
          %parallel_loop3A_760 = tpu.vector_load %arg12[%parallel_loop3A_759] {strides = array<i32>} : memref<512xf32, #tpu.memory_space<vmem>>, vector<16xf32>,
          %parallel_loop3A_761 = arith.index_cast %parallel_loop3A_735 : i32 to index
          %parallel_loop3A_762 = arith.constant 48 : index
          %parallel_loop3A_763 = tpu.vector_load %arg16[%parallel_loop3A_761, %parallel_loop3A_762] {strides = array<i32>} : memref<256x128xf32, #tpu.memory_space<vmem>>, vector<16xf32>,
          tpu.vector_store %arg16[%parallel_loop3A_761, %parallel_loop3A_762], %parallel_loop3A_760 {strides = array<i32>} : memref<256x128xf32, #tpu.memory_space<vmem>>, vector<16xf32>,
          %parallel_loop3A_764 = vector.extract_strided_slice %parallel_loop3A_404 {offsets = [14], sizes = [1], strides = [1]} : vector<16xi32> to vector<1xi32>
          %parallel_loop3A_765 = vector.extract %parallel_loop3A_764[0] : i32 from vector<1xi32>
          %parallel_loop3A_766 = vector.extract_strided_slice %parallel_loop3A_404 {offsets = [15], sizes = [1], strides = [1]} : vector<16xi32> to vector<1xi32>
          %parallel_loop3A_767 = vector.extract %parallel_loop3A_766[0] : i32 from vector<1xi32>
          %parallel_loop3A_768 = arith.cmpi eq, %parallel_loop3A_413, %parallel_loop3A_765 : i32
          %parallel_loop3A_769 = arith.extui %parallel_loop3A_768 : i1 to i32
          %parallel_loop3A_770 = arith.constant 2 : i32
          %parallel_loop3A_771 = arith.shli %parallel_loop3A_769, %parallel_loop3A_770 : i32
          %parallel_loop3A_772 = arith.cmpi eq, %parallel_loop3A_413, %parallel_loop3A_767 : i32
          %parallel_loop3A_773 = arith.extui %parallel_loop3A_772 : i1 to i32
          %parallel_loop3A_774 = arith.constant 1 : i32
          %parallel_loop3A_775 = arith.shli %parallel_loop3A_773, %parallel_loop3A_774 : i32
          %parallel_loop3A_776 = arith.ori %parallel_loop3A_771, %parallel_loop3A_775 : i32
          %parallel_loop3A_777 = arith.cmpi eq, %parallel_loop3A_765, %parallel_loop3A_767 : i32
          %parallel_loop3A_778 = arith.extui %parallel_loop3A_777 : i1 to i32
          %parallel_loop3A_779 = arith.ori %parallel_loop3A_776, %parallel_loop3A_778 : i32
          %parallel_loop3A_780 = arith.constant 6 : i32
          %parallel_loop3A_781 = arith.shli %parallel_loop3A_779, %parallel_loop3A_780 : i32
          %parallel_loop3A_782 = arith.constant 4 : i32
          %parallel_loop3A_783 = arith.muli %parallel_loop3A_400, %parallel_loop3A_782 : i32
          %parallel_loop3A_784 = arith.constant 3 : i32
          %parallel_loop3A_785 = arith.addi %parallel_loop3A_783, %parallel_loop3A_784 : i32
          %parallel_loop3A_786 = arith.constant 0 : i32
          %parallel_loop3A_787 = arith.addi %parallel_loop3A_781, %parallel_loop3A_786 : i32
          %parallel_loop3A_788 = arith.index_cast %parallel_loop3A_787 : i32 to index
          %parallel_loop3A_789 = tpu.vector_load %arg12[%parallel_loop3A_788] {strides = array<i32>} : memref<512xf32, #tpu.memory_space<vmem>>, vector<16xf32>,
          %parallel_loop3A_790 = arith.index_cast %parallel_loop3A_785 : i32 to index
          %parallel_loop3A_791 = arith.constant 64 : index
          %parallel_loop3A_792 = tpu.vector_load %arg16[%parallel_loop3A_790, %parallel_loop3A_791] {strides = array<i32>} : memref<256x128xf32, #tpu.memory_space<vmem>>, vector<16xf32>,
          tpu.vector_store %arg16[%parallel_loop3A_790, %parallel_loop3A_791], %parallel_loop3A_789 {strides = array<i32>} : memref<256x128xf32, #tpu.memory_space<vmem>>, vector<16xf32>,
          %parallel_loop3A_793 = arith.constant 16 : i32
          %parallel_loop3A_794 = arith.addi %parallel_loop3A_781, %parallel_loop3A_793 : i32
          %parallel_loop3A_795 = arith.index_cast %parallel_loop3A_794 : i32 to index
          %parallel_loop3A_796 = tpu.vector_load %arg12[%parallel_loop3A_795] {strides = array<i32>} : memref<512xf32, #tpu.memory_space<vmem>>, vector<16xf32>,
          %parallel_loop3A_797 = arith.index_cast %parallel_loop3A_785 : i32 to index
          %parallel_loop3A_798 = arith.constant 80 : index
          %parallel_loop3A_799 = tpu.vector_load %arg16[%parallel_loop3A_797, %parallel_loop3A_798] {strides = array<i32>} : memref<256x128xf32, #tpu.memory_space<vmem>>, vector<16xf32>,
          tpu.vector_store %arg16[%parallel_loop3A_797, %parallel_loop3A_798], %parallel_loop3A_796 {strides = array<i32>} : memref<256x128xf32, #tpu.memory_space<vmem>>, vector<16xf32>,
          %parallel_loop3A_800 = arith.constant 32 : i32
          %parallel_loop3A_801 = arith.addi %parallel_loop3A_781, %parallel_loop3A_800 : i32
          %parallel_loop3A_802 = arith.index_cast %parallel_loop3A_801 : i32 to index
          %parallel_loop3A_803 = tpu.vector_load %arg12[%parallel_loop3A_802] {strides = array<i32>} : memref<512xf32, #tpu.memory_space<vmem>>, vector<16xf32>,
          %parallel_loop3A_804 = arith.index_cast %parallel_loop3A_785 : i32 to index
          %parallel_loop3A_805 = arith.constant 96 : index
          %parallel_loop3A_806 = tpu.vector_load %arg16[%parallel_loop3A_804, %parallel_loop3A_805] {strides = array<i32>} : memref<256x128xf32, #tpu.memory_space<vmem>>, vector<16xf32>,
          tpu.vector_store %arg16[%parallel_loop3A_804, %parallel_loop3A_805], %parallel_loop3A_803 {strides = array<i32>} : memref<256x128xf32, #tpu.memory_space<vmem>>, vector<16xf32>,
          %parallel_loop3A_807 = arith.constant 48 : i32
          %parallel_loop3A_808 = arith.addi %parallel_loop3A_781, %parallel_loop3A_807 : i32
          %parallel_loop3A_809 = arith.index_cast %parallel_loop3A_808 : i32 to index
          %parallel_loop3A_810 = tpu.vector_load %arg12[%parallel_loop3A_809] {strides = array<i32>} : memref<512xf32, #tpu.memory_space<vmem>>, vector<16xf32>,
          %parallel_loop3A_811 = arith.index_cast %parallel_loop3A_785 : i32 to index
          %parallel_loop3A_812 = arith.constant 112 : index
          %parallel_loop3A_813 = tpu.vector_load %arg16[%parallel_loop3A_811, %parallel_loop3A_812] {strides = array<i32>} : memref<256x128xf32, #tpu.memory_space<vmem>>, vector<16xf32>,
          tpu.vector_store %arg16[%parallel_loop3A_811, %parallel_loop3A_812], %parallel_loop3A_810 {strides = array<i32>} : memref<256x128xf32, #tpu.memory_space<vmem>>, vector<16xf32>,
        } {sc.loop_unroll_factor = 2 : i64, sc.parallel_access}
        %mul3A_385 = arith.constant 256 : i32
        %mul3A_386 = arith.muli %add3A_369, %mul3A_385 : i32
        %dma_start3A = arith.constant 0 : i32
        %dma_start3A_387 = tpu.memref_slice %arg7[%mul3A_386, %dma_start3A] : memref<320000x128xf32, #tpu.memory_space<hbm>> -> memref<256x128xf32, #tpu.memory_space<hbm>>
        %dma_start3A_388 = arith.constant 0 : i32
        %dma_start3A_389 = tpu.memref_slice %arg7[%mul3A_386, %dma_start3A_388] : memref<320000x128xf32, #tpu.memory_space<hbm>> -> memref<256x128xf32, #tpu.memory_space<hbm>>
        tpu.enqueue_dma source(%arg16 : memref<256x128xf32, #tpu.memory_space<vmem>>) target(%dma_start3A_389 : memref<256x128xf32, #tpu.memory_space<hbm>>) target_semaphore(%arg20 : memref<!tpu.dma_semaphore, #tpu.memory_space<semaphore_mem>>)
        %add3A_390 = arith.constant 2 : i32
        %add3A_391 = arith.addi %add3A_366, %add3A_390 : i32
        %mul3A_392 = arith.constant 32 : i32
        %mul3A_393 = arith.muli %add3A_391, %mul3A_392 : i32
        %add3A_394 = arith.addi %add3A, %mul3A_393 : i32
        %lt3A_395 = arith.constant 1250 : i32
        %lt3A_396 = arith.cmpi slt, %add3A_394, %lt3A_395 : i32
        %convert_element_type3A_397 = arith.extui %lt3A_396 : i1 to i32
        %cond3A_398 = arith.constant 0 : i32
        %cond3A_399 = arith.cmpi ne, %convert_element_type3A_397, %cond3A_398 : i32
        scf.if %cond3A_399 {
          %mul3A_400 = arith.constant 1024 : i32
          %mul3A_401 = arith.muli %add3A_394, %mul3A_400 : i32
          %dma_start3A_402 = tpu.memref_slice %arg3[%mul3A_401] : memref<1280000xi32, #tpu.memory_space<hbm>> -> memref<1024xi32, #tpu.memory_space<hbm>>
          %dma_start3A_403 = tpu.memref_slice %arg3[%mul3A_401] : memref<1280000xi32, #tpu.memory_space<hbm>> -> memref<1024xi32, #tpu.memory_space<hbm>>
          tpu.enqueue_dma source(%dma_start3A_403 : memref<1024xi32, #tpu.memory_space<hbm>>) target(%arg14 : memref<1024xi32, #tpu.memory_space<vmem>>) target_semaphore(%arg18 : memref<!tpu.dma_semaphore, #tpu.memory_space<semaphore_mem>>)
        } else {
        }
      } else {
      }
    }
    %scan3A_338 = arith.constant 20 : i32
    %dma_wait3A = arith.constant 0 : i32
    %dma_wait3A_339 = arith.constant 0 : i32
    %dma_wait3A_340 = tpu.memref_slice %arg7[%dma_wait3A, %dma_wait3A_339] : memref<320000x128xf32, #tpu.memory_space<hbm>> -> memref<256x128xf32, #tpu.memory_space<hbm>>
    %dma_wait3A_341 = arith.constant 0 : i32
    %dma_wait3A_342 = arith.constant 0 : i32
    %dma_wait3A_343 = tpu.memref_slice %arg7[%dma_wait3A_341, %dma_wait3A_342] : memref<320000x128xf32, #tpu.memory_space<hbm>> -> memref<256x128xf32, #tpu.memory_space<hbm>>
    tpu.wait_dma2 semaphore(%arg19 : memref<!tpu.dma_semaphore, #tpu.memory_space<semaphore_mem>>) src(%arg15 : memref<256x128xf32, #tpu.memory_space<vmem>>) dst(%dma_wait3A_343 : memref<256x128xf32, #tpu.memory_space<hbm>>)
    %dma_wait3A_344 = arith.constant 0 : i32
    %dma_wait3A_345 = arith.constant 0 : i32
    %dma_wait3A_346 = tpu.memref_slice %arg7[%dma_wait3A_344, %dma_wait3A_345] : memref<320000x128xf32, #tpu.memory_space<hbm>> -> memref<256x128xf32, #tpu.memory_space<hbm>>
    %dma_wait3A_347 = arith.constant 0 : i32
    %dma_wait3A_348 = arith.constant 0 : i32
    %dma_wait3A_349 = tpu.memref_slice %arg7[%dma_wait3A_347, %dma_wait3A_348] : memref<320000x128xf32, #tpu.memory_space<hbm>> -> memref<256x128xf32, #tpu.memory_space<hbm>>
    tpu.wait_dma2 semaphore(%arg20 : memref<!tpu.dma_semaphore, #tpu.memory_space<semaphore_mem>>) src(%arg16 : memref<256x128xf32, #tpu.memory_space<vmem>>) dst(%dma_wait3A_349 : memref<256x128xf32, #tpu.memory_space<hbm>>)
    return
  }
}

</mosaic_0001>

<sc_bundles>
// kernel: _run.3.cloned.1.call-start
scs
__scs_entry_jumppad:
0x0: {  	(pc) =	sbr.rel $0x88, $3  }
0x1: {  	(tag) =	ssettag $0x0;
	lr =	simm.s32 $0x1  }
0x2: {  	[smem:$0x3F9C] =	sst lr;
	_ =	strace $0xD0000000  }
0x3: {  	_ = 	snop  }
0x4: {  	_ = 	snop  }
0x5: {  	_ = 	snop  }
0x6: {  	_ = 	snop  }
0x7: {  	_ = 	snop  }
__scs_overlays_trampoline_lowered:
0x8: {  	[smem:$0x3FAB] =	sst s0  }
0x9: {  	[smem:$0x3FAC] =	sst s1  }
0xa: {  	[smem:$0x3FAD] =	sst s2  }
0xb: {  	[smem:$0x3FAE] =	sst s3  }
0xc: {  	[smem:$0x3FAF] =	sst s4  }
0xd: {  	[smem:$0x3FB0] =	sst s5  }
0xe: {  	[smem:$0x3FB1] =	sst s6  }
0xf: {  	[smem:$0x3FB2] =	sst s7  }
0x10: {  	[smem:$0x3FB3] =	sst s8  }
0x11: {  	[smem:$0x3FB4] =	sst s9;
	s0 =	simm.s32 @!p0 $0x0  }
0x12: {  	s1 =	sld [smem:$0x3F9A];
	s0 =	simm.s32 @p0 $0x1  }
0x13: {  	[smem:$0x3FB5] =	sst s0;
	s0 =	simm.s32 @!p1 $0x0  }
0x14: {  	s2 =	sld [smem:$0x3F99];
	s0 =	simm.s32 @p1 $0x1  }
0x15: {  	[smem:$0x3FB6] =	sst s0;
	s0 =	simm.s32 @!p2 $0x0  }
0x16: {  	s3 =	sld [smem:$0x3FDB];
	s0 =	simm.s32 @p2 $0x1  }
0x17: {  	s4 =	simm.s32 $0x1BF5;
	[smem:$0x3FB8] =	sst s0  }
0x18: {  	s0 =	sld [smem:$0x3F9B];
	_ =	swait.ge [sflag:s4], $0x0  }
0x19: {  	s7 =	sld [smem:$0x3F9C]  }
0x1a: {  	s8 =	sadd.s32 $0xFFFFE003, lr  }
0x1b: {  	s9 =	sadd.s32 $0xFFFFFEF7, lr;
	s5 =	simm.s32 $0xFFFFFFFF;
	p2 =	slt.u32 s8, $0xFFFFF086  }
0x1c: {  	p1 =	slt.u32 s9, $0xF7A;
	s5 =	simm.s32 @!p2 $0x0  }
0x1d: {  	s5 =	simm.s32 @p1 $0x1;
	p0 =	seq.s32 s7, s2  }
0x1e: {  	s7 =	smul.u32 @!p0 $0xF7A, s2;
	p2 =	seq.s32 @!p0 s5, $0x0  }
0x1f: {  	s9 =	smul.u32 $0xF7A, s1;
	s8 =	simm.s32 @!p0 $0x1BF5;
	p2 =	por !p2, p0  }
0x20: {  	[sflag:s8] =	ssyncset.s32 @!p0 $0xFFFFF086;
	s6 =	sadd.s32 @!p0 s3, s7;
	s7 =	simm.s32 @!p0 $0x108  }
0x21: {  	s3 =	sadd.s32 s3, s9;
	s6 =	sadd.s32 @!p0 $0x88, s6;
	s7 =	simm.s32 @p2 $0x1082  }
0x22: {  	[simem:s7], [sflag:s8] =	dma.local @!p0 [hbm:s6], $0xF7A  }
0x23: {  	s9 =	sor.u32 $0xD0000000, s2;
	s6 =	simm.s32 $0x108;
	_ =	swait.ge @!p0 [sflag:s8], $0x0  }
0x24: {  	s3 =	sadd.s32 $0x88, s3;
	s6 =	simm.s32 @!p1 $0x1082;
	[sflag:s4] =	ssyncset.s32 $0xFFFFF086  }
0x25: {  	[simem:s6], [sflag:s4] =	dma.local [hbm:s3], $0xF7A  }
0x26: {  	[smem:$0x3F9C] =	sst s1;
	(tag) =	ssettag s2;
	_ =	strace s9  }
0x27: {  	s1 =	sld [smem:$0x3FAC]  }
0x28: {  	s2 =	sld [smem:$0x3FAD]  }
0x29: {  	s4 =	sld [smem:$0x3FAF]  }
0x2a: {  	p0 =	seq.s32 s5, $0x0;
	s5 =	sld [smem:$0x3FB0]  }
0x2b: {  	s6 =	sld [smem:$0x3FB1]  }
0x2c: {  	s7 =	sld [smem:$0x3FB2]  }
0x2d: {  	s3 =	simm.s32 $0x108;
	s8 =	sld [smem:$0x3FB3]  }
0x2e: {  	s3 =	simm.s32 @!p0 $0x1082;
	s9 =	sld [smem:$0x3FB4]  }
0x2f: {  	lr =	sadd.s32 s0, s3;
	s0 =	sld [smem:$0x3FAB]  }
0x30: {  	s3 =	sld [smem:$0x3FAE]  }
0x31: {  	[smem:$0x3FB7] =	sst s10  }
0x32: {  	s10 =	sld [smem:$0x3FB5];
	_ =	sdelay $0x3  }
0x33: {  	p0 =	seq.s32 s10, $0x1;
	s10 =	sld [smem:$0x3FB7];
	_ =	sdelay $0x3  }
0x34: {  	[smem:$0x3FB7] =	sst s10  }
0x35: {  	s10 =	sld [smem:$0x3FB6];
	_ =	sdelay $0x3  }
0x36: {  	p1 =	seq.s32 s10, $0x1;
	s10 =	sld [smem:$0x3FB7];
	_ =	sdelay $0x3  }
0x37: {  	[smem:$0x3FB7] =	sst s10  }
0x38: {  	s10 =	sld [smem:$0x3FB8]  }
0x39: {  	_ = 	snop;
	(pc) =	sbr.ind lr, $3  }
0x3a: {  	_ = 	snop  }
0x3b: {  	_ = 	snop  }
0x3c: {  	p2 =	seq.s32 s10, $0x1;
	s10 =	sld [smem:$0x3FB7]  }
0x3d: {  	_ =	shalt  }
0x3e: {  	_ =	shalt  }
0x3f: {  	_ =	shalt  }
0x40: {  	_ =	shalt  }
0x41: {  	_ =	shalt  }
0x42: {  	_ =	shalt  }
0x43: {  	_ =	shalt  }
0x44: {  	_ =	shalt  }
0x45: {  	_ =	shalt  }
0x46: {  	_ =	shalt  }
0x47: {  	_ =	shalt  }
0x48: {  	_ =	shalt  }
0x49: {  	_ =	shalt  }
0x4a: {  	_ =	shalt  }
0x4b: {  	_ =	shalt  }
0x4c: {  	_ =	shalt  }
0x4d: {  	_ =	shalt  }
0x4e: {  	_ =	shalt  }
0x4f: {  	_ =	shalt  }
0x50: {  	_ =	shalt  }
0x51: {  	_ =	shalt  }
0x52: {  	_ =	shalt  }
0x53: {  	_ =	shalt  }
0x54: {  	_ =	shalt  }
0x55: {  	_ =	shalt  }
0x56: {  	_ =	shalt  }
0x57: {  	_ =	shalt  }
0x58: {  	_ =	shalt  }
0x59: {  	_ =	shalt  }
0x5a: {  	_ =	shalt  }
0x5b: {  	_ =	shalt  }
0x5c: {  	_ =	shalt  }
0x5d: {  	_ =	shalt  }
0x5e: {  	_ =	shalt  }
0x5f: {  	_ =	shalt  }
0x60: {  	_ =	shalt  }
0x61: {  	_ =	shalt  }
0x62: {  	_ =	shalt  }
0x63: {  	_ =	shalt  }
0x64: {  	_ =	shalt  }
0x65: {  	_ =	shalt  }
0x66: {  	_ =	shalt  }
0x67: {  	_ =	shalt  }
0x68: {  	_ =	shalt  }
0x69: {  	_ =	shalt  }
0x6a: {  	_ =	shalt  }
0x6b: {  	_ =	shalt  }
0x6c: {  	_ =	shalt  }
0x6d: {  	_ =	shalt  }
0x6e: {  	_ =	shalt  }
0x6f: {  	_ =	shalt  }
0x70: {  	_ =	shalt  }
0x71: {  	_ =	shalt  }
0x72: {  	_ =	shalt  }
0x73: {  	_ =	shalt  }
0x74: {  	_ =	shalt  }
0x75: {  	_ =	shalt  }
0x76: {  	_ =	shalt  }
0x77: {  	_ =	shalt  }
0x78: {  	_ =	shalt  }
0x79: {  	_ =	shalt  }
0x7a: {  	_ =	shalt  }
0x7b: {  	_ =	shalt  }
0x7c: {  	_ =	shalt  }
0x7d: {  	_ =	shalt  }
0x7e: {  	_ =	shalt  }
0x7f: {  	_ =	shalt  }
0x80: {  	_ =	shalt  }
0x81: {  	_ =	shalt  }
0x82: {  	_ =	shalt  }
0x83: {  	_ =	shalt  }
0x84: {  	_ =	shalt  }
0x85: {  	_ =	shalt  }
0x86: {  	_ =	shalt  }
0x87: {  	_ =	shalt  }
.Lfunc_end0:
.L_simem_size_0:
called_computation_lowered:
.L_overlay_start_0:
0x88: {  	s2 =	sld [smem:$0x3FD9]  }
0x89: {  	s3 =	sld [smem:$0x3FFE];
	_ =	sdelay $0x1  }
0x8a: {  	s1 =	srdreg.scid  }
0x8b: {  	s0 =	sand.u32 $0x1, s1  }
0x8c: {  	s18 =	sshll.u32 s0, $0xA;
	s2 =	sadd.s32 s3, s2  }
0x8d: {  	s2 =	sadd.s32 s2, s18  }
0x8e: {  	[smem:$0x3FC3] =	sst s2  }
0x8f: {  	_ = 	snop  }
0x90: {  	s2 =	sld [smem:$0x3FC9]  }
0x91: {  	s19 =	sld [smem:$0x3FC8]  }
0x92: {  	s4 =	sld [smem:$0x3FC7]  }
0x93: {  	s5 =	sld [smem:$0x3FC6]  }
0x94: {  	s6 =	sld [smem:$0x3FC5]  }
0x95: {  	s7 =	sld [smem:$0x3FD0];
	(tm) =	ssettm $0x1  }
0x96: {  	s8 =	sld [smem:$0x3FFB];
	_ =	sdelay $0x3  }
0x97: {  	_ =	strace s8  }
0x98: {  	s8 =	sld [smem:$0x3FFC];
	_ =	sdelay $0x3  }
0x99: {  	_ =	strace s8  }
0x9a: {  	s8 =	sld [smem:$0x3FFD];
	_ =	sdelay $0x3  }
0x9b: {  	_ =	strace s8  }
0x9c: {  	_ =	strace $0x8FFFFFFF  }
0x9d: {  	s20 =	sld [smem:$0x3FDB];
	_ =	sdelay $0x1  }
0x9e: {  	s9 =	simm.s32 $_scs_section_size  }
0x9f: {  	s10 =	simm.s32 $_size__tile_overlayer_lowered;
	s11 =	simm.s32 $_tile_overlayer_lowered  }
0xa0: {  	s23 =	simm.s32 $0x1BFF;
	s22 =	sshll.u32 s11, $0x1;
	s8 =	sadd.s32 s9, s20  }
0xa1: {  	s12 =	simm.s32 $0x0;
	s21 =	sshll.u32 s10, $0x1;
	s10 =	sadd.s32 s22, s8  }
0xa2: {  	[timem:s12], [sflag:s23] =	dma.local [hbm:s10], s21  }
0xa3: {  	_ =	swait.ge [sflag:s23], s21  }
0xa4: {  	s9 =	ssub.s32 $0x0, s21;
	[sflag:s23] =	ssyncset.done $0x0  }
0xa5: {  	[sflag:s23] =	ssyncadd.s32 s9;
	_ =	sdelay $0x1  }
0xa6: {  	s24 =	simm.s32 $0x1B8B  }
0xa7: {  	_ =	swait.ge [sflag:s24], $0x1  }
0xa8: {  	[sflag:s24] =	ssyncset.done $0x0  }
0xa9: {  	s25 =	simm.s32 $0x1B8E;
	[sflag:s24] =	ssyncadd.s32 $0xFFFFFFFF  }
0xaa: {  	s26 =	simm.s32 $execute0_lowered;
	[smem:$0x3FD2] =	sst s25  }
0xab: {  	s9 =	sshll.u32 s26, $0x1;
	_ =	strace $0x80000046;
	[dreg:$0x1] =	wrdreg $0xFFFFFFFF  }
0xac: {  	s28 =	simm.s32 $_size_execute0_lowered;
	s8 =	sadd.s32 s8, s9;
	[dreg:$0x0] =	wrdreg $0x0  }
0xad: {  	s9 =	sshll.u32 s28, $0x1;
	[dreg:$0x2] =	wrdreg s8  }
0xae: {  	[dreg:$0x3] =	wrdreg s9  }
0xaf: {  	[dreg:$0x4] =	wrdreg $0xC0  }
0xb0: {  	_ =	task [dreg:s12], $0x5FFFF  }
0xb1: {  	[dreg:$0x1] =	wrdreg $0xFFFFFFFF  }
0xb2: {  	[dreg:$0x0] =	wrdreg $0x60  }
0xb3: {  	[dreg:$0x2] =	wrdreg s2  }
0xb4: {  	[dreg:$0x3] =	wrdreg s19  }
0xb5: {  	[dreg:$0x4] =	wrdreg s4  }
0xb6: {  	[dreg:$0x5] =	wrdreg s5  }
0xb7: {  	[dreg:$0x6] =	wrdreg s6  }
0xb8: {  	[dreg:$0x7] =	wrdreg s7  }
0xb9: {  	[dreg:$0x8] =	wrdreg $0x9  }
0xba: {  	_ =	task.clear_ibuf [dreg:s12], $0x9FFFF;
	_ =	strace $0x90000046  }
0xbb: {  	s29 =	simm.s32 $0x9;
	_ =	strace $0x80000048  }
0xbc: {  	_ =	swait.ge [sflag:s29], $0x1  }
0xbd: {  	[sflag:s29] =	ssyncadd.s32 $0xFFFFFFFF  }
0xbe: {  	_ =	strace $0x90000048  }
0xbf: {  	_ =	sfence  }
0xc0: {  	s30 =	sld [smem:$0x0];
	_ =	sdelay $0x2  }
0xc1: {  	s31 =	sshll.u32 s1, $0xD;
	s1 =	sshrl.u32 s1, $0x2  }
0xc2: {  	s3 =	sand.u32 $0x4000, s31;
	s1 =	sadd.s32 s1, s30  }
0xc3: {  	s0 =	sor.u32 s3, s0;
	s1 =	sshll.u32 s1, $0x11  }
0xc4: {  	s0 =	sor.u32 s1, s0  }
0xc5: {  	s0 =	sadd.s32 $0x8F2B, s0  }
0xc6: {  	[sflag:s0] =	ssyncadd.remote.s32 $0x1  }
0xc7: {  	_ =	sfence.sel $0xFFFF  }
0xc8: {  	[dreg:$0x0] =	wrdreg $0xFFFFFFFF;
	(pc) =	sbr.abs _section_cstart, $3  }
0xc9: {  	[dreg:$0x1] =	wrdreg $0xFFFFFFFF  }
0xca: {  	_ =	task.clear_ibuf [dreg:s12], $0x2FFFF;
	_ =	strace $0x9FFFFFFF  }
0xcb: {  	(tm) =	ssettm $0x7FFFFFFF  }
tec
execute0_lowered:
.L_overlay_start_1:
0x0: {  	(tag) =	ssettag $0x1  }
0x1: {  	s3 =	rddreg [dreg:$0x1]  }
0x2: {  	s0 =	srdreg.scid;
	s1 =	stileid.u32;
	s2 =	simm.s32 $0x0  }
0x3: {  	s0 =	sand.u32 $0x1, s0;
	s1 =	sshll.u32 s1, $0x1;
	[smem:$0x7FF] =	sst s2  }
0x4: {  	s4 =	sor.u32 s0, s1;
	s0 =	ssub.s32 $0x2, s0;
	_ =	strace $0x80000047  }
0x5: {  	s1 =	sshll.u32 s4, $0x7;
	s30 =	sor.u32 $0x40, s4;
	[dreg:$0x7] =	wrdreg s4  }
.Ltmp0:
0x6: {  	s31 =	sor.u32 $0x60, s4;
	[dreg:$0xa] =	wrdreg s30;
	(pc) =	sbr.rel .LBB2_1-.Ltmp0, $4  }
0x7: {  	s29 =	sshrl.u32 s0, $0x1;
	s1 =	sadd.s32 s3, s1;
	[dreg:$0xb] =	wrdreg s31  }
0x8: {  	s0 =	ssub.s32 s0, s29;
	[dreg:$0x8] =	wrdreg s1;
	s1 =	sadd.s32 $0x1000, s1  }
0x9: {  	s0 =	smax.u32 s0, $0x1;
	[dreg:$0x9] =	wrdreg s1  }
0xa: {  	s2 =	simm.s32 $0x0;
	[dreg:$0xc] =	wrdreg s0  }
.LBB2_9:
0xb: {  	s0 =	simm.s32 $0x3  }
0xc: {  	_ =	swait.ge [sflag:s0], $0x8000  }
0xd: {  	[sflag:s0] =	ssyncset.done $0x0  }
0xe: {  	s1 =	simm.s32 $0x4;
	[sflag:s0] =	ssyncadd.s32 $0xFFFF8000  }
0xf: {  	_ =	swait.ge [sflag:s1], $0x8000  }
0x10: {  	s2 =	rddreg [dreg:$0xd]  }
0x11: {  	s31 =	rddreg [dreg:$0xc];
	s2 =	sadd.s32 $0x1, s2  }
0x12: {  	p0 =	sne.s32 s2, s31  }
.Ltmp1:
0x13: {  	_ = 	snop;
	(pc) =	sbr.rel @!p0 .LBB2_10-.Ltmp1, $3  }
0x14: {  	_ =	sdelay $0x1  }
0x15: {  	[sflag:s1] =	ssyncset.done $0x0  }
0x16: {  	[sflag:s1] =	ssyncadd.s32 $0xFFFF8000  }
.LBB2_1:
0x17: {  	[dreg:$0xd] =	wrdreg s2  }
0x18: {  	s0 =	rddreg [dreg:$0x0];
	s1 =	simm.s32 $0x0;
	s21 =	simm.s32 $0x5  }
0x19: {  	[tilespmem:s1], [sflag:$0x5] =	stream.linear.gather [hbm4b:s0+s1], $0x2710, $0x38;
	[tilespmem:$0x13300] =	vst v63  }
0x1a: {  	_ =	swait.ge [sflag:s21], $0x2710  }
0x1b: {  	[sflag:s21] =	ssyncset.done $0x0  }
0x1c: {  	[sflag:s21] =	ssyncadd.s32 $0xFFFFD8F0  }
0x1d: {  	s3 =	simm.s32 $0x2780;
	s22 =	rddreg [dreg:$0x2]  }
0x1e: {  	[tilespmem:s3], [sflag:$0x5] =	stream.linear.gather [hbm4b:s22+s1], $0x80, $0x38;
	[tilespmem:$0x13300] =	vst v63  }
0x1f: {  	_ =	swait.ge [sflag:s21], $0x80  }
0x20: {  	[sflag:s21] =	ssyncset.done $0x0  }
0x21: {  	[sflag:s21] =	ssyncadd.s32 $0xFFFFFF80  }
0x22: {  	s24 =	simm.s32 $0x2800;
	s23 =	rddreg [dreg:$0x3]  }
0x23: {  	[tilespmem:s24], [sflag:$0x5] =	stream.linear.gather [hbm4b:s23+s1], $0x80, $0x38;
	[tilespmem:$0x13300] =	vst v63  }
0x24: {  	_ =	swait.ge [sflag:s21], $0x80  }
0x25: {  	[sflag:s21] =	ssyncset.done $0x0  }
0x26: {  	[sflag:s21] =	ssyncadd.s32 $0xFFFFFF80  }
0x27: {  	s26 =	simm.s32 $0x2880;
	s25 =	rddreg [dreg:$0x4]  }
0x28: {  	[tilespmem:s26], [sflag:$0x5] =	stream.linear.gather [hbm4b:s25+s1], $0x80, $0x38;
	[tilespmem:$0x13300] =	vst v63  }
0x29: {  	_ =	swait.ge [sflag:s21], $0x80  }
0x2a: {  	[sflag:s21] =	ssyncset.done $0x0  }
0x2b: {  	s29 =	simm.s32 $0x2B00;
	s28 =	rddreg [dreg:$0x8];
	[sflag:s21] =	ssyncadd.s32 $0xFFFFFF80  }
0x2c: {  	[tilespmem:s29], [sflag:$0x1] =	stream.linear.gather [hbm4b:s28+s1], $0x400, $0x38;
	[tilespmem:$0x13300] =	vst v63  }
0x2d: {  	s31 =	simm.s32 $0x2F00;
	s30 =	rddreg [dreg:$0x9]  }
0x2e: {  	[tilespmem:s31], [sflag:$0x2] =	stream.linear.gather [hbm4b:s30+s1], $0x400, $0x38;
	[tilespmem:$0x13300] =	vst v63  }
0x2f: {  	v0 =	vld [tilespmem:$0x2800]  }
0x30: {  	v1 =	vld [tilespmem:$0x2780]  }
0x31: {  	v2 =	vld [tilespmem:$0x2880]  }
0x32: {  	v3 =	vld [tilespmem:$0x2810]  }
0x33: {  	v4 =	vld [tilespmem:$0x2790]  }
0x34: {  	v5 =	vld [tilespmem:$0x2890]  }
0x35: {  	v6 =	vld [tilespmem:$0x2820]  }
0x36: {  	v7 =	vld [tilespmem:$0x27A0]  }
0x37: {  	v8 =	vld [tilespmem:$0x28A0]  }
0x38: {  	v9 =	vld [tilespmem:$0x2830]  }
0x39: {  	v10 =	vld [tilespmem:$0x27B0]  }
0x3a: {  	v11 =	vld [tilespmem:$0x28B0]  }
0x3b: {  	v12 =	vld [tilespmem:$0x2800]  }
0x3c: {  	v13 =	vld [tilespmem:$0x2780]  }
0x3d: {  	v14 =	vld [tilespmem:$0x28C0]  }
0x3e: {  	v15 =	vld [tilespmem:$0x2810]  }
0x3f: {  	v16 =	vld [tilespmem:$0x2790]  }
0x40: {  	v17 =	vld [tilespmem:$0x28D0]  }
0x41: {  	v18 =	vld [tilespmem:$0x2820]  }
0x42: {  	v19 =	vld [tilespmem:$0x27A0]  }
0x43: {  	v20 =	vld [tilespmem:$0x28E0]  }
0x44: {  	v21 =	vld [tilespmem:$0x2830]  }
0x45: {  	v22 =	vld [tilespmem:$0x27B0]  }
0x46: {  	v23 =	vld [tilespmem:$0x28F0]  }
0x47: {  	v24 =	vld [tilespmem:$0x2800]  }
0x48: {  	v25 =	vld [tilespmem:$0x27C0]  }
0x49: {  	v26 =	vld [tilespmem:$0x2880]  }
0x4a: {  	v27 =	vld [tilespmem:$0x2810]  }
0x4b: {  	v28 =	vld [tilespmem:$0x27D0]  }
0x4c: {  	v29 =	vld [tilespmem:$0x2890]  }
0x4d: {  	v30 =	vld [tilespmem:$0x2820]  }
0x4e: {  	v31 =	vld [tilespmem:$0x27E0]  }
0x4f: {  	v32 =	vld [tilespmem:$0x28A0]  }
0x50: {  	v33 =	vld [tilespmem:$0x2830]  }
0x51: {  	v34 =	vld [tilespmem:$0x27F0]  }
0x52: {  	v35 =	vld [tilespmem:$0x28B0]  }
0x53: {  	v36 =	vld [tilespmem:$0x2800]  }
0x54: {  	v37 =	vld [tilespmem:$0x27C0]  }
0x55: {  	v38 =	vld [tilespmem:$0x28C0]  }
0x56: {  	v39 =	vld [tilespmem:$0x2810]  }
0x57: {  	v40 =	vld [tilespmem:$0x27D0]  }
0x58: {  	v41 =	vld [tilespmem:$0x28D0]  }
0x59: {  	v42 =	vld [tilespmem:$0x2820]  }
0x5a: {  	v43 =	vld [tilespmem:$0x27E0]  }
0x5b: {  	v44 =	vld [tilespmem:$0x28E0]  }
0x5c: {  	v45 =	vld [tilespmem:$0x2830]  }
0x5d: {  	v46 =	vld [tilespmem:$0x27F0]  }
0x5e: {  	v47 =	vld [tilespmem:$0x28F0]  }
0x5f: {  	v48 =	vld [tilespmem:$0x2840]  }
0x60: {  	v49 =	vld [tilespmem:$0x2780]  }
0x61: {  	v53 =	vld [tilespmem:$0x2880]  }
0x62: {  	v51 =	vld [tilespmem:$0x2850]  }
0x63: {  	v52 =	vld [tilespmem:$0x2790]  }
0x64: {  	v56 =	vld [tilespmem:$0x2890]  }
0x65: {  	v54 =	vld [tilespmem:$0x2860]  }
0x66: {  	v55 =	vld [tilespmem:$0x27A0]  }
0x67: {  	v62 =	vld [tilespmem:$0x28A0]  }
0x68: {  	v57 =	vld [tilespmem:$0x2870]  }
0x69: {  	v58 =	vld [tilespmem:$0x27B0]  }
0x6a: {  	v63 =	vld [tilespmem:$0x28C0]  }
0x6b: {  	v50 =	vld [tilespmem:$0x28B0]  }
0x6c: {  	v59 =	vld [tilespmem:$0x28D0]  }
0x6d: {  	v60 =	vld [tilespmem:$0x2840]  }
0x6e: {  	v61 =	vld [tilespmem:$0x2780]  }
0x6f: {  	[tilespmem:$0x1FFE0] =	vst v63;
	v63 =	vld [tilespmem:$0x2850]  }
0x70: {  	[tilespmem:$0x1FFD0] =	vst v50;
	v50 =	vld [tilespmem:$0x2790]  }
0x71: {  	[tilespmem:$0x1FFF0] =	vst v59;
	v59 =	vld [tilespmem:$0x2860]  }
0x72: {  	v0 =	vadd.f32 v1, v0;
	v1 =	vld [tilespmem:$0x27A0]  }
0x73: {  	v3 =	vadd.f32 v4, v3;
	v4 =	vld [tilespmem:$0x28E0]  }
0x74: {  	v54 =	vadd.f32 v55, v54;
	v55 =	vld [tilespmem:$0x27C0]  }
0x75: {  	v0 =	vadd.f32 v2, v0;
	v2 =	vadd.f32 v7, v6;
	v6 =	vld [tilespmem:$0x2870]  }
0x76: {  	v12 =	vadd.f32 v13, v12;
	v7 =	vld [tilespmem:$0x27B0]  }
0x77: {  	v3 =	vadd.f32 v5, v3;
	v5 =	vadd.f32 v10, v9;
	v9 =	vld [tilespmem:$0x2840]  }
0x78: {  	v15 =	vadd.f32 v16, v15;
	v10 =	vld [tilespmem:$0x27C0]  }
0x79: {  	v18 =	vadd.f32 v19, v18;
	v16 =	vadd.f32 v14, v12;
	v12 =	vld [tilespmem:$0x2850];
	[tilespmem:$0x2900] =	vst v0  }
0x7a: {  	v21 =	vadd.f32 v22, v21;
	v19 =	vadd.f32 v17, v15;
	v15 =	vld [tilespmem:$0x2860];
	[tilespmem:$0x2910] =	vst v3  }
0x7b: {  	v24 =	vadd.f32 v25, v24;
	v22 =	vadd.f32 v20, v18;
	v17 =	vld [tilespmem:$0x28A0];
	[tilespmem:$0x2940] =	vst v16  }
0x7c: {  	v27 =	vadd.f32 v28, v27;
	v25 =	vadd.f32 v23, v21;
	v18 =	vld [tilespmem:$0x2870];
	[tilespmem:$0x2950] =	vst v19  }
0x7d: {  	v30 =	vadd.f32 v31, v30;
	v28 =	vadd.f32 v26, v24;
	v20 =	vld [tilespmem:$0x28B0];
	[tilespmem:$0x2960] =	vst v22  }
0x7e: {  	v33 =	vadd.f32 v34, v33;
	v31 =	vadd.f32 v29, v27;
	v21 =	vld [tilespmem:$0x2840];
	[tilespmem:$0x2970] =	vst v25  }
0x7f: {  	v36 =	vadd.f32 v37, v36;
	v34 =	vadd.f32 v32, v30;
	v30 =	vld [tilespmem:$0x28C0];
	[tilespmem:$0x2980] =	vst v28  }
0x80: {  	v39 =	vadd.f32 v40, v39;
	v37 =	vadd.f32 v35, v33;
	v33 =	vld [tilespmem:$0x2850];
	[tilespmem:$0x2990] =	vst v31  }
0x81: {  	v42 =	vadd.f32 v43, v42;
	v40 =	vadd.f32 v38, v36;
	v36 =	vld [tilespmem:$0x27D0];
	[tilespmem:$0x29A0] =	vst v34  }
0x82: {  	v45 =	vadd.f32 v46, v45;
	v43 =	vadd.f32 v41, v39;
	v38 =	vld [tilespmem:$0x28D0];
	[tilespmem:$0x29B0] =	vst v37  }
0x83: {  	v48 =	vadd.f32 v49, v48;
	v46 =	vadd.f32 v44, v42;
	v39 =	vld [tilespmem:$0x1FFF0];
	[tilespmem:$0x29C0] =	vst v40  }
0x84: {  	v49 =	vadd.f32 v47, v45;
	v41 =	vld [tilespmem:$0x2860];
	[tilespmem:$0x29D0] =	vst v43  }
0x85: {  	v53 =	vadd.f32 v53, v48;
	v44 =	vld [tilespmem:$0x27E0];
	[tilespmem:$0x29E0] =	vst v46  }
0x86: {  	v52 =	vadd.f32 v52, v51;
	v0 =	vadd.f32 v8, v2;
	[tilespmem:$0x29F0] =	vst v49;
	v34 =	vld [tilespmem:$0x1FFD0]  }
0x87: {  	v29 =	vadd.f32 v58, v57;
	v13 =	vadd.f32 v11, v5;
	[tilespmem:$0x2A00] =	vst v53;
	v37 =	vld [tilespmem:$0x1FFE0]  }
0x88: {  	v8 =	vld [tilespmem:$0x28F0];
	v28 =	vadd.f32 v56, v52;
	v1 =	vadd.f32 v1, v59;
	[tilespmem:$0x2920] =	vst v0  }
0x89: {  	v32 =	vadd.f32 v61, v60;
	v11 =	vld [tilespmem:$0x2880];
	v31 =	vadd.f32 v62, v54;
	[tilespmem:$0x2930] =	vst v13  }
0x8a: {  	v47 =	vld [tilespmem:$0x2870];
	v35 =	vadd.f32 v50, v63;
	[tilespmem:$0x2A10] =	vst v28;
	v42 =	vadd.f32 v4, v1  }
0x8b: {  	v16 =	vld [tilespmem:$0x27E0];
	[tilespmem:$0x2A20] =	vst v31;
	v40 =	vadd.f32 v7, v6;
	v3 =	vadd.f32 v34, v29  }
0x8c: {  	v53 =	vld [tilespmem:$0x28E0];
	v43 =	vadd.f32 v10, v9;
	v0 =	vadd.f32 v37, v32;
	[tilespmem:$0x2A60] =	vst v42  }
0x8d: {  	v19 =	vld [tilespmem:$0x27F0];
	v55 =	vadd.f32 v55, v21;
	v45 =	vadd.f32 v8, v40;
	[tilespmem:$0x2A30] =	vst v3  }
0x8e: {  	v50 =	vld [tilespmem:$0x27F0];
	v58 =	vadd.f32 v36, v33;
	v48 =	vadd.f32 v11, v43;
	[tilespmem:$0x2A40] =	vst v0  }
0x8f: {  	v13 =	vld [tilespmem:$0x27D0];
	v60 =	vadd.f32 v44, v41;
	v59 =	vadd.f32 v30, v55;
	[tilespmem:$0x2A70] =	vst v45  }
0x90: {  	v56 =	vld [tilespmem:$0x28F0];
	v2 =	vadd.f32 v38, v58;
	[tilespmem:$0x2A80] =	vst v48  }
0x91: {  	v14 =	vld [tilespmem:$0x2890];
	v49 =	vadd.f32 v16, v15;
	v62 =	vadd.f32 v53, v60;
	[tilespmem:$0x2AC0] =	vst v59  }
0x92: {  	v52 =	vadd.f32 v19, v18;
	v3 =	vadd.f32 v39, v35;
	[tilespmem:$0x2AD0] =	vst v2  }
0x93: {  	v61 =	vadd.f32 v50, v47;
	v54 =	vadd.f32 v17, v49;
	[tilespmem:$0x2AE0] =	vst v62  }
.Ltmp2:
0x94: {  	v46 =	vadd.f32 v13, v12;
	v57 =	vadd.f32 v20, v52;
	[tilespmem:$0x2A50] =	vst v3;
	(pc) =	sbr.rel .LBB2_2-.Ltmp2, $4  }
0x95: {  	v63 =	vadd.f32 v56, v61;
	[tilespmem:$0x2AA0] =	vst v54  }
0x96: {  	v51 =	vadd.f32 v14, v46;
	[tilespmem:$0x2AB0] =	vst v57  }
0x97: {  	[tilespmem:$0x2AF0] =	vst v63  }
0x98: {  	s2 =	simm.s32 $0x0;
	[tilespmem:$0x2A90] =	vst v51  }
.LBB2_8:
0x99: {  	s2 =	rddreg [dreg:$0xe]  }
0x9a: {  	s2 =	sadd.s32 $0x1, s2  }
0x9b: {  	p0 =	sne.s32 s2, $0x14  }
.Ltmp3:
0x9c: {  	_ = 	snop;
	(pc) =	sbr.rel @!p0 .LBB2_9-.Ltmp3, $1  }
0x9d: {  	_ =	sdelay $0x3  }
.LBB2_2:
0x9e: {  	s1 =	sshll.u32 s2, $0x6;
	s0 =	rddreg [dreg:$0x7]  }
0x9f: {  	s18 =	simm.s32 $0x1;
	p0 =	seq.s32 s2, $0x0;
	[dreg:$0xf] =	wrdreg s1  }
0xa0: {  	s0 =	sor.u32 s0, s1;
	s1 =	simm.s32 @!p0 $0x3;
	_ =	swait.ge [sflag:s18], $0x400  }
0xa1: {  	[dreg:$0x10] =	wrdreg s0;
	s0 =	sshll.u32 s0, $0x3;
	[sflag:s18] =	ssyncset.done $0x0  }
0xa2: {  	[dreg:$0xe] =	wrdreg s2;
	s0 =	sand.u32 $0x3FFFFFF8, s0;
	[sflag:s18] =	ssyncadd.s32 $0xFFFFFC00  }
0xa3: {  	v0 =	vmov s0;
	s0 =	simm.s32 @!p0 $0x0;
	_ =	swait.ge @!p0 [sflag:s1], $0x8000  }
0xa4: {  	s0 =	simm.s32 @p0 $0x1;
	[sflag:s1] =	ssyncset.done @!p0 $0x0  }
0xa5: {  	s19 =	simm.s32 $0x2B10;
	[smem:$0x7A4] =	sst s0;
	[sflag:s1] =	ssyncadd.s32 @!p0 $0xFFFF8000  }
0xa6: {  	v2 =	vld [tilespmem:s19+$0x0]  }
0xa7: {  	s20 =	simm.s32 $0x0  }
0xa8: {  	v1 =	vld.idx.msk [tilespmem:v0+s20+$0x0 ss:$0x1], $0xffff;
	_ =	sdelay $0x2  }
0xa9: {  	(v2sf) =	vpush v2, $0x0  }
0xaa: {  	(v2sf) =	vpush v2, $0x1  }
0xab: {  	(v2sf) =	vpush v1, $0x0;
	v1 =	vld [tilespmem:s19+$0xFFFFFFF0];
	_ =	sdelay $0x4  }
0xac: {  	(v2sf) =	vpush v1, $0x0  }
0xad: {  	(v2sf) =	vpush v1, $0x1;
	_ =	sdelay $0x8  }
0xae: {  	s21 =	spop (v2sf)  }
0xaf: {  	s3 =	simm.s32 $0x100;
	s22 =	spop (v2sf)  }
0xb0: {  	s4 =	simm.s32 $0x80;
	s6 =	simm.s32 $0x80;
	s8 =	spop (v2sf)  }
0xb1: {  	s1 =	simm.s32 $0x40;
	p0 =	seq.s32 s8, s21;
	p1 =	seq.s32 s8, s22  }
0xb2: {  	s3 =	simm.s32 @!p0 $0x0;
	s4 =	simm.s32 @!p1 $0x0;
	p0 =	seq.s32 s21, s22  }
0xb3: {  	s1 =	simm.s32 @!p0 $0x0;
	s23 =	sor.u32 s4, s3;
	s24 =	spop (v2sf)  }
0xb4: {  	s4 =	simm.s32 $0x100;
	s25 =	spop (v2sf);
	p0 =	seq.s32 s8, s24  }
0xb5: {  	s2 =	sor.u32 s1, s23;
	s4 =	simm.s32 @!p0 $0x0;
	p0 =	seq.s32 s8, s25  }
0xb6: {  	s1 =	simm.s32 $0x40;
	s6 =	simm.s32 @!p0 $0x0;
	p0 =	seq.s32 s24, s25  }
0xb7: {  	s1 =	simm.s32 @!p0 $0x0;
	s26 =	sor.u32 s6, s4  }
0xb8: {  	s6 =	sor.u32 s1, s26  }
0xb9: {  	v4 =	vld [tilespmem:s6+$0x2900];
	_ =	sdelay $0x1  }
0xba: {  	(v2sf) =	vpush v1, $0x2  }
0xbb: {  	(v2sf) =	vpush v1, $0x3  }
0xbc: {  	s5 =	simm.s32 $0x3500;
	(v2sf) =	vpush v1, $0x4  }
0xbd: {  	(v2sf) =	vpush v1, $0x5;
	[tilespmem:s5+$0xFFFFFE00] =	vst v4  }
0xbe: {  	(v2sf) =	vpush v1, $0x6;
	v4 =	vld [tilespmem:s6+$0x2910]  }
0xbf: {  	(v2sf) =	vpush v1, $0x7  }
0xc0: {  	(v2sf) =	vpush v2, $0x2  }
0xc1: {  	(v2sf) =	vpush v2, $0x3;
	_ =	sdelay $0x1  }
0xc2: {  	(v2sf) =	vpush v1, $0x8;
	[tilespmem:s5+$0xFFFFFE10] =	vst v4  }
0xc3: {  	(v2sf) =	vpush v1, $0x9;
	v4 =	vld [tilespmem:s6+$0x2920]  }
0xc4: {  	(v2sf) =	vpush v1, $0xA;
	v3 =	vld [tilespmem:s2+$0x2900];
	_ =	sdelay $0x3  }
0xc5: {  	s7 =	spop (v2sf);
	[tilespmem:s5+$0xFFFFFE20] =	vst v4  }
0xc6: {  	(v2sf) =	vpush v1, $0xB;
	s28 =	spop (v2sf);
	[tilespmem:s5+$0x0] =	vst v3;
	v4 =	vld [tilespmem:s6+$0x2930]  }
0xc7: {  	(v2sf) =	vpush v1, $0xC;
	s22 =	spop (v2sf);
	v3 =	vld [tilespmem:s2+$0x2910]  }
0xc8: {  	s4 =	spop (v2sf);
	(v2sf) =	vpush v1, $0xD  }
0xc9: {  	s26 =	spop (v2sf);
	(v2sf) =	vpush v2, $0x4  }
0xca: {  	s0 =	simm.s32 $0x2B30;
	s23 =	spop (v2sf);
	(v2sf) =	vpush v2, $0x5  }
0xcb: {  	s1 =	simm.s32 $0x0;
	s29 =	spop (v2sf);
	(v2sf) =	vpush v1, $0xE;
	[tilespmem:s5+$0xFFFFFE30] =	vst v4;
	v4 =	vld [tilespmem:s0+$0x0]  }
0xcc: {  	s30 =	spop (v2sf);
	(v2sf) =	vpush v1, $0xF;
	v1 =	vld.idx.msk [tilespmem:v0+s1+$0x0 ss:$0x1], $0xffff;
	[tilespmem:s5+$0x10] =	vst v3  }
0xcd: {  	v3 =	vld [tilespmem:s2+$0x2920]  }
0xce: {  	v7 =	vld [tilespmem:s0+$0xFFFFFFF0];
	s25 =	spop (v2sf)  }
0xcf: {  	s16 =	spop (v2sf)  }
0xd0: {  	s14 =	spop (v2sf);
	(v2sf) =	vpush v4, $0x0  }
0xd1: {  	s9 =	simm.s32 $0x100;
	p0 =	seq.s32 s8, s29;
	(v2sf) =	vpush v4, $0x1  }
0xd2: {  	s10 =	simm.s32 $0x80;
	p1 =	seq.s32 s8, s30;
	s9 =	simm.s32 @!p0 $0x0;
	[tilespmem:s5+$0x20] =	vst v3;
	(v2sf) =	vpush v1, $0x0  }
0xd3: {  	p0 =	seq.s32 s29, s30;
	s10 =	simm.s32 @!p1 $0x0;
	v3 =	vld [tilespmem:s2+$0x2930];
	s2 =	simm.s32 $0x40;
	(v2sf) =	vpush v7, $0x0  }
0xd4: {  	s31 =	sor.u32 s10, s9;
	s2 =	simm.s32 @!p0 $0x0;
	(v2sf) =	vpush v7, $0x1  }
0xd5: {  	p0 =	seq.s32 s8, s7;
	s3 =	sor.u32 s2, s31;
	s2 =	simm.s32 $0x100;
	(v2sf) =	vpush v2, $0x6  }
0xd6: {  	s2 =	simm.s32 @!p0 $0x0;
	p0 =	seq.s32 s8, s28;
	s6 =	simm.s32 $0x80;
	(v2sf) =	vpush v2, $0x7  }
0xd7: {  	p1 =	seq.s32 s7, s28;
	s7 =	simm.s32 $0x40;
	s6 =	simm.s32 @!p0 $0x0;
	(v2sf) =	vpush v7, $0x2  }
0xd8: {  	s7 =	simm.s32 @!p1 $0x0;
	s2 =	sor.u32 s6, s2;
	s6 =	spop (v2sf);
	(v2sf) =	vpush v7, $0x3  }
0xd9: {  	s30 =	sor.u32 s7, s2;
	s7 =	spop (v2sf);
	(v2sf) =	vpush v7, $0x4  }
0xda: {  	s13 =	spop (v2sf);
	(v2sf) =	vpush v7, $0x5  }
0xdb: {  	s11 =	spop (v2sf);
	(v2sf) =	vpush v7, $0x6  }
0xdc: {  	s12 =	spop (v2sf)  }
0xdd: {  	s19 =	spop (v2sf);
	(v2sf) =	vpush v7, $0x7  }
0xde: {  	s24 =	spop (v2sf);
	(v2sf) =	vpush v4, $0x2  }
0xdf: {  	[tilespmem:s5+$0x30] =	vst v3;
	(v2sf) =	vpush v4, $0x3;
	s17 =	spop (v2sf)  }
0xe0: {  	v3 =	vld [tilespmem:s3+$0x2900];
	(v2sf) =	vpush v2, $0x8;
	s15 =	spop (v2sf)  }
0xe1: {  	(v2sf) =	vpush v2, $0x9;
	s18 =	spop (v2sf)  }
0xe2: {  	(v2sf) =	vpush v7, $0x8;
	s28 =	spop (v2sf)  }
0xe3: {  	(v2sf) =	vpush v7, $0x9;
	s29 =	spop (v2sf)  }
0xe4: {  	(v2sf) =	vpush v7, $0xA;
	s21 =	spop (v2sf)  }
0xe5: {  	[tilespmem:s5+$0x40] =	vst v3;
	(v2sf) =	vpush v7, $0xB;
	s20 =	spop (v2sf)  }
0xe6: {  	v6 =	vld [tilespmem:s3+$0x2910];
	(v2sf) =	vpush v7, $0xC;
	s2 =	spop (v2sf)  }
0xe7: {  	v3 =	vld [tilespmem:s30+$0x2900];
	[smem:$0x7A5] =	sst s2;
	s9 =	spop (v2sf)  }
0xe8: {  	(v2sf) =	vpush v7, $0xD;
	[smem:$0x7A6] =	sst s9;
	s9 =	simm.s32 $0x2B50;
	s10 =	spop (v2sf)  }
0xe9: {  	v1 =	vld [tilespmem:s9+$0x0];
	[smem:$0x7A7] =	sst s10;
	s31 =	spop (v2sf)  }
0xea: {  	s1 =	simm.s32 $0x0;
	(v2sf) =	vpush v4, $0x4;
	[smem:$0x7A8] =	sst s31;
	s2 =	spop (v2sf)  }
0xeb: {  	v8 =	vld.idx.msk [tilespmem:v0+s1+$0x0 ss:$0x1], $0xffff;
	[smem:$0x7AB] =	sst s2  }
0xec: {  	(v2sf) =	vpush v4, $0x5;
	v5 =	vld [tilespmem:s9+$0xFFFFFFF0];
	s9 =	spop (v2sf)  }
0xed: {  	(v2sf) =	vpush v7, $0xE;
	s10 =	spop (v2sf)  }
0xee: {  	s31 =	spop (v2sf)  }
0xef: {  	[smem:$0x7A9] =	sst s10;
	s10 =	spop (v2sf)  }
0xf0: {  	p3 =	seq.s32 s22, s4;
	[smem:$0x7AC] =	sst s9;
	s9 =	spop (v2sf)  }
0xf1: {  	p0 =	seq.s32 s8, s22;
	[smem:$0x7AA] =	sst s31;
	s1 =	spop (v2sf)  }
0xf2: {  	s0 =	simm.s32 $0x100;
	[smem:$0x7AF] =	sst s1;
	s2 =	spop (v2sf)  }
0xf3: {  	[smem:$0x7B0] =	sst s2;
	s2 =	simm.s32 $0x100;
	s31 =	spop (v2sf)  }
0xf4: {  	[smem:$0x7B1] =	sst s31;
	s2 =	simm.s32 @!p0 $0x0;
	s1 =	spop (v2sf)  }
0xf5: {  	p0 =	seq.s32 s8, s4;
	[smem:$0x7B2] =	sst s1;
	s31 =	spop (v2sf)  }
0xf6: {  	(v2sf) =	vpush v2, $0xA;
	s4 =	simm.s32 $0x80;
	s1 =	simm.s32 $0x80;
	[smem:$0x7B3] =	sst s31  }
0xf7: {  	(v2sf) =	vpush v2, $0xB;
	s1 =	simm.s32 @!p0 $0x0;
	s31 =	spop (v2sf);
	p0 =	seq.s32 s8, s26  }
0xf8: {  	(v2sf) =	vpush v7, $0xF;
	[smem:$0x7B4] =	sst s31;
	s0 =	simm.s32 @!p0 $0x0;
	p0 =	seq.s32 s8, s23  }
0xf9: {  	(v2sf) =	vpush v1, $0x0;
	s31 =	spop (v2sf);
	s4 =	simm.s32 @!p0 $0x0;
	p0 =	seq.s32 s8, s25  }
0xfa: {  	(v2sf) =	vpush v1, $0x1;
	s1 =	sor.u32 s1, s2;
	[smem:$0x7B5] =	sst s31;
	s2 =	simm.s32 @!p0 $0x0  }
0xfb: {  	(v2sf) =	vpush v8, $0x0;
	s22 =	spop (v2sf);
	s2 =	simm.s32 @p0 $0x1;
	p0 =	seq.s32 s25, s16  }
0xfc: {  	(v2sf) =	vpush v5, $0x0;
	s31 =	spop (v2sf);
	[smem:$0x7B7] =	sst s2;
	s2 =	simm.s32 @!p0 $0x0  }
0xfd: {  	(v2sf) =	vpush v5, $0x1;
	[smem:$0x7B6] =	sst s31;
	s2 =	simm.s32 @p0 $0x1;
	p0 =	seq.s32 s8, s16  }
0xfe: {  	[smem:$0x7BB] =	sst s2;
	s2 =	simm.s32 @!p0 $0x0  }
0xff: {  	(v2sf) =	vpush v4, $0x6;
	[tilespmem:s5+$0x50] =	vst v6;
	s2 =	simm.s32 @p0 $0x1;
	p0 =	seq.s32 s8, s14  }
0x100: {  	(v2sf) =	vpush v4, $0x7;
	[smem:$0x7B8] =	sst s2;
	s2 =	simm.s32 @!p0 $0x0  }
0x101: {  	(v2sf) =	vpush v2, $0xC;
	s2 =	simm.s32 @p0 $0x1;
	p0 =	seq.s32 s14, s6  }
0x102: {  	(v2sf) =	vpush v2, $0xD;
	[smem:$0x7B9] =	sst s2;
	s2 =	simm.s32 @!p0 $0x0  }
0x103: {  	p1 =	seq.s32 s26, s23;
	(v2sf) =	vpush v5, $0x2;
	s2 =	simm.s32 @p0 $0x1;
	p0 =	seq.s32 s8, s6  }
0x104: {  	s0 =	sor.u32 s4, s0;
	v6 =	vld [tilespmem:s3+$0x2920];
	[smem:$0x7BC] =	sst s2;
	s2 =	simm.s32 @!p0 $0x0  }
0x105: {  	s23 =	spop (v2sf);
	s2 =	simm.s32 @p0 $0x1;
	p0 =	seq.s32 s8, s7  }
0x106: {  	(v2sf) =	vpush v5, $0x3;
	s4 =	spop (v2sf);
	[smem:$0x7BA] =	sst s2;
	s2 =	simm.s32 @!p0 $0x0  }
0x107: {  	s25 =	spop (v2sf);
	s2 =	simm.s32 @p0 $0x1;
	p0 =	seq.s32 s7, s13  }
0x108: {  	(v2sf) =	vpush v5, $0x4;
	s26 =	spop (v2sf);
	[smem:$0x7BD] =	sst s2;
	s2 =	simm.s32 @!p0 $0x0  }
0x109: {  	(v2sf) =	vpush v5, $0x5;
	s6 =	spop (v2sf);
	s2 =	simm.s32 @p0 $0x1  }
0x10a: {  	p2 =	seq.s32 s8, s11;
	(v2sf) =	vpush v5, $0x6;
	[smem:$0x7C8] =	sst s2;
	s2 =	spop (v2sf)  }
0x10b: {  	p4 =	seq.s32 s8, s12;
	[smem:$0x7C7] =	sst s6;
	s14 =	spop (v2sf)  }
0x10c: {  	(v2sf) =	vpush v5, $0x7;
	s6 =	simm.s32 $0x100;
	[smem:$0x7CA] =	sst s14;
	s16 =	spop (v2sf)  }
0x10d: {  	s6 =	simm.s32 @!p2 $0x0;
	s7 =	simm.s32 $0x80;
	[smem:$0x7CB] =	sst s16  }
0x10e: {  	p2 =	seq.s32 s18, s17;
	s7 =	simm.s32 @!p4 $0x0;
	s16 =	spop (v2sf);
	[tilespmem:s5+$0x60] =	vst v6  }
0x10f: {  	(v2sf) =	vpush v1, $0x2;
	p0 =	seq.s32 s11, s12;
	s14 =	spop (v2sf);
	v6 =	vld [tilespmem:s3+$0x2930];
	s3 =	simm.s32 $0x40  }
0x110: {  	(v2sf) =	vpush v1, $0x3;
	s11 =	spop (v2sf);
	s3 =	simm.s32 @!p0 $0x0;
	p0 =	seq.s32 s8, s13  }
0x111: {  	s6 =	sor.u32 s7, s6;
	s12 =	spop (v2sf);
	s7 =	simm.s32 @!p0 $0x0  }
0x112: {  	s31 =	spop (v2sf);
	s7 =	simm.s32 @p0 $0x1;
	p0 =	seq.s32 s8, s19  }
0x113: {  	s13 =	sor.u32 s3, s6;
	[smem:$0x7DD] =	sst s31;
	s3 =	simm.s32 @!p0 $0x0  }
0x114: {  	[smem:$0x7BE] =	sst s7;
	s3 =	simm.s32 @p0 $0x1;
	p0 =	seq.s32 s19, s24  }
0x115: {  	(v2sf) =	vpush v4, $0x8;
	s6 =	spop (v2sf);
	[smem:$0x7BF] =	sst s3;
	s3 =	simm.s32 @!p0 $0x0  }
0x116: {  	p4 =	seq.s32 s18, s15;
	(v2sf) =	vpush v4, $0x9;
	[smem:$0x7DE] =	sst s6;
	s3 =	simm.s32 @p0 $0x1  }
0x117: {  	(v2sf) =	vpush v5, $0x8;
	s7 =	spop (v2sf);
	s6 =	simm.s32 $0x80;
	[smem:$0x7C9] =	sst s3  }
0x118: {  	(v2sf) =	vpush v5, $0x9;
	s6 =	simm.s32 @!p4 $0x0;
	p0 =	seq.s32 s17, s15;
	s15 =	spop (v2sf);
	[tilespmem:s5+$0x70] =	vst v6  }
0x119: {  	(v2sf) =	vpush v2, $0xE;
	s3 =	simm.s32 $0x100;
	s17 =	spop (v2sf);
	[smem:$0x7E4] =	sst s7  }
0x11a: {  	(v2sf) =	vpush v2, $0xF;
	s3 =	simm.s32 @!p2 $0x0;
	s7 =	simm.s32 $0x40;
	v2 =	vld [tilespmem:s13+$0x2900];
	[smem:$0x7E5] =	sst s15  }
0x11b: {  	s19 =	spop (v2sf);
	s7 =	simm.s32 @!p0 $0x0;
	p0 =	seq.s32 s8, s24;
	[tilespmem:s5+$0xFFFFFE40] =	vst v3  }
0x11c: {  	s3 =	sor.u32 s6, s3;
	s6 =	simm.s32 @!p0 $0x0;
	[smem:$0x7E7] =	sst s17  }
0x11d: {  	s6 =	simm.s32 @p0 $0x1;
	v3 =	vld [tilespmem:s30+$0x2910];
	[dreg:$0x1d] =	wrdreg s19  }
0x11e: {  	s31 =	spop (v2sf);
	s3 =	sor.u32 s7, s3;
	[smem:$0x7C0] =	sst s6  }
0x11f: {  	s7 =	spop (v2sf);
	p0 =	seq.s32 s10, s9;
	[smem:$0x7DB] =	sst s31  }
0x120: {  	[smem:$0x7DC] =	sst s7;
	s6 =	simm.s32 @!p0 $0x0  }
0x121: {  	s6 =	simm.s32 @p0 $0x1;
	p0 =	seq.s32 s8, s9;
	[tilespmem:s5+$0x80] =	vst v2  }
0x122: {  	[smem:$0x7AE] =	sst s6;
	s6 =	simm.s32 @!p0 $0x0  }
0x123: {  	s6 =	simm.s32 @p0 $0x1;
	p0 =	seq.s32 s8, s23  }
0x124: {  	[smem:$0x7AD] =	sst s6;
	s6 =	simm.s32 @!p0 $0x0  }
0x125: {  	s6 =	simm.s32 @p0 $0x1;
	p0 =	seq.s32 s23, s4  }
0x126: {  	v6 =	vld [tilespmem:s13+$0x2910];
	[smem:$0x7C4] =	sst s6;
	s6 =	simm.s32 @!p0 $0x0  }
0x127: {  	s6 =	simm.s32 @p0 $0x1;
	p0 =	seq.s32 s8, s4  }
0x128: {  	[smem:$0x7C6] =	sst s6;
	s4 =	simm.s32 @!p0 $0x0  }
0x129: {  	p5 =	seq.s32 s8, s10;
	[tilespmem:s5+$0xFFFFFE50] =	vst v3;
	s4 =	simm.s32 @p0 $0x1;
	p0 =	seq.s32 s8, s11  }
0x12a: {  	s19 =	spop (v2sf);
	[smem:$0x7C5] =	sst s4;
	s4 =	simm.s32 @!p0 $0x0  }
0x12b: {  	s7 =	spop (v2sf);
	s4 =	simm.s32 @p0 $0x1;
	p0 =	seq.s32 s11, s12  }
0x12c: {  	s23 =	spop (v2sf);
	v7 =	vld [tilespmem:s30+$0x2920];
	[smem:$0x7D7] =	sst s4;
	s4 =	simm.s32 @!p0 $0x0  }
0x12d: {  	s10 =	spop (v2sf);
	s4 =	simm.s32 @p0 $0x1;
	p0 =	seq.s32 s8, s12  }
0x12e: {  	(v2sf) =	vpush v5, $0xA;
	[dreg:$0x1e] =	wrdreg s10;
	s11 =	spop (v2sf);
	s9 =	simm.s32 @!p0 $0x0  }
0x12f: {  	[smem:$0x7DA] =	sst s4;
	s9 =	simm.s32 @p0 $0x1;
	p0 =	seq.s32 s8, s11  }
0x130: {  	(v2sf) =	vpush v5, $0xB;
	s15 =	spop (v2sf);
	v8 =	vld [tilespmem:s3+$0x2900];
	[smem:$0x7D8] =	sst s9;
	s9 =	simm.s32 @!p0 $0x0  }
0x131: {  	p6 =	seq.s32 s8, s21;
	(v2sf) =	vpush v5, $0xC;
	s9 =	simm.s32 @p0 $0x1;
	p0 =	seq.s32 s8, s15  }
0x132: {  	p2 =	seq.s32 s8, s20;
	(v2sf) =	vpush v5, $0xD;
	s6 =	simm.s32 $0x2B70;
	s8 =	simm.s32 @!p0 $0x0  }
0x133: {  	(v2sf) =	vpush v1, $0x4;
	v2 =	vld [tilespmem:s6+$0x0];
	[smem:$0x7E8] =	sst s9;
	s8 =	simm.s32 @p0 $0x1;
	p0 =	seq.s32 s11, s15  }
0x134: {  	(v2sf) =	vpush v1, $0x5;
	s12 =	simm.s32 $0x0;
	[tilespmem:s5+$0x90] =	vst v6;
	s4 =	simm.s32 @!p0 $0x0  }
0x135: {  	(v2sf) =	vpush v5, $0xE;
	v9 =	vld.idx.msk [tilespmem:v0+s12+$0x0 ss:$0x1], $0xffff;
	[smem:$0x7E9] =	sst s8;
	s4 =	simm.s32 @p0 $0x1  }
0x136: {  	(v2sf) =	vpush v4, $0xA;
	v6 =	vld [tilespmem:s13+$0x2920];
	[smem:$0x7EA] =	sst s4  }
0x137: {  	(v2sf) =	vpush v4, $0xB;
	s10 =	simm.s32 $0x40;
	v3 =	vld [tilespmem:s6+$0xFFFFFFF0];
	[tilespmem:s5+$0xFFFFFE60] =	vst v7  }
0x138: {  	(v2sf) =	vpush v5, $0xF;
	s10 =	simm.s32 @!p1 $0x0;
	v5 =	vld [tilespmem:s30+$0x2930]  }
0x139: {  	s4 =	sor.u32 s10, s0;
	s0 =	simm.s32 $0x3900;
	(v2sf) =	vpush v2, $0x0  }
0x13a: {  	[tilespmem:s0+$0x0] =	vst v8;
	(v2sf) =	vpush v2, $0x1  }
0x13b: {  	p4 =	seq.s32 s21, s20;
	s9 =	simm.s32 $0x40;
	v7 =	vld [tilespmem:s3+$0x2910];
	(v2sf) =	vpush v9, $0x0;
	[tilespmem:s5+$0xA0] =	vst v6  }
0x13c: {  	p1 =	seq.s32 s28, s29;
	s9 =	simm.s32 @!p3 $0x0;
	p3 =	seq.s32 s18, s28;
	v6 =	vld [tilespmem:s13+$0x2930];
	(v2sf) =	vpush v3, $0x0  }
0x13d: {  	s11 =	simm.s32 $0x40;
	s1 =	sor.u32 s9, s1;
	[tilespmem:s5+$0xFFFFFE70] =	vst v5;
	s17 =	spop (v2sf)  }
0x13e: {  	s8 =	simm.s32 $0x100;
	s9 =	simm.s32 $0x80;
	[smem:$0x7EC] =	sst s17  }
0x13f: {  	s11 =	simm.s32 @!p4 $0x0;
	p0 =	seq.s32 s18, s29;
	s20 =	sld [smem:$0x7A5]  }
0x140: {  	s8 =	simm.s32 @!p6 $0x0;
	s21 =	sld [smem:$0x7A6];
	s24 =	spop (v2sf);
	[tilespmem:s0+$0x10] =	vst v7  }
0x141: {  	s9 =	simm.s32 @!p2 $0x0;
	v5 =	vld [tilespmem:s1+$0x2900];
	s28 =	spop (v2sf);
	[smem:$0x7ED] =	sst s24  }
0x142: {  	s10 =	simm.s32 $0x100;
	s8 =	sor.u32 s9, s8;
	v7 =	vld [tilespmem:s3+$0x2920];
	[dreg:$0x1f] =	wrdreg s28  }
0x143: {  	s9 =	simm.s32 $0x80;
	s10 =	simm.s32 @!p3 $0x0;
	s29 =	spop (v2sf);
	[tilespmem:s5+$0xB0] =	vst v6  }
0x144: {  	s12 =	sor.u32 s11, s8;
	s30 =	spop (v2sf);
	[smem:$0x7F1] =	sst s29  }
0x145: {  	s9 =	simm.s32 @!p0 $0x0;
	s13 =	simm.s32 $0x40;
	v6 =	vld [tilespmem:s12+$0x2900];
	[smem:$0x7EB] =	sst s30  }
0x146: {  	s8 =	simm.s32 $0x100;
	s9 =	sor.u32 s9, s10;
	s13 =	simm.s32 @!p1 $0x0;
	[tilespmem:s5+$0xFFFFFE80] =	vst v5  }
0x147: {  	s10 =	simm.s32 $0x40;
	s11 =	sor.u32 s13, s9;
	s31 =	sld [smem:$0x7A7]  }
0x148: {  	s9 =	simm.s32 $0x80;
	p1 =	seq.s32 s18, s20;
	p0 =	seq.s32 s20, s21  }
0x149: {  	p2 =	seq.s32 s18, s21;
	s8 =	simm.s32 @!p1 $0x0;
	s15 =	sld [smem:$0x7A8]  }
0x14a: {  	s9 =	simm.s32 @!p2 $0x0;
	s10 =	simm.s32 @!p0 $0x0;
	p0 =	seq.s32 s18, s31  }
0x14b: {  	s8 =	sor.u32 s9, s8;
	s9 =	simm.s32 @!p0 $0x0  }
0x14c: {  	s30 =	spop (v2sf);
	s9 =	simm.s32 @p0 $0x1;
	p0 =	seq.s32 s31, s15  }
0x14d: {  	s8 =	sor.u32 s10, s8;
	s13 =	spop (v2sf);
	s10 =	simm.s32 @!p0 $0x0  }
0x14e: {  	v5 =	vld [tilespmem:s11+$0x2900];
	[dreg:$0x1a] =	wrdreg s13;
	s10 =	simm.s32 @p0 $0x1;
	p0 =	seq.s32 s18, s15  }
0x14f: {  	[smem:$0x7C1] =	sst s9;
	s9 =	simm.s32 @!p0 $0x0  }
0x150: {  	[smem:$0x7C3] =	sst s10;
	s9 =	simm.s32 @p0 $0x1  }
0x151: {  	[smem:$0x7C2] =	sst s9  }
0x152: {  	s13 =	spop (v2sf);
	[tilespmem:s0+$0x20] =	vst v7  }
0x153: {  	(v2sf) =	vpush v3, $0x1;
	s15 =	spop (v2sf);
	v8 =	vld [tilespmem:s1+$0x2910];
	s17 =	sld [smem:$0x7A9]  }
0x154: {  	s24 =	spop (v2sf);
	v7 =	vld [tilespmem:s3+$0x2930];
	s20 =	sld [smem:$0x7AA]  }
0x155: {  	(v2sf) =	vpush v1, $0x6;
	s21 =	spop (v2sf);
	[tilespmem:s5+$0xC0] =	vst v6  }
0x156: {  	s9 =	simm.s32 $0x80;
	v6 =	vld [tilespmem:s12+$0x2910];
	[smem:$0x7F2] =	sst s21  }
0x157: {  	s3 =	simm.s32 $0x100;
	[tilespmem:s0+$0xFFFFFE00] =	vst v5;
	p1 =	seq.s32 s18, s17;
	p2 =	seq.s32 s18, s20  }
0x158: {  	s31 =	spop (v2sf);
	s3 =	simm.s32 @!p1 $0x0;
	s9 =	simm.s32 @!p2 $0x0;
	[tilespmem:s5+$0xFFFFFE90] =	vst v8  }
0x159: {  	s9 =	sor.u32 s9, s3;
	s3 =	spop (v2sf);
	[tilespmem:s0+$0x30] =	vst v7  }
0x15a: {  	v5 =	vld [tilespmem:s11+$0x2910];
	s28 =	sld [smem:$0x7AB];
	s29 =	spop (v2sf)  }
0x15b: {  	v8 =	vld [tilespmem:s1+$0x2920];
	[smem:$0x7F3] =	sst s29  }
0x15c: {  	s10 =	simm.s32 $0x40;
	p0 =	seq.s32 s17, s20;
	s29 =	sld [smem:$0x7AC]  }
0x15d: {  	s10 =	simm.s32 @!p0 $0x0;
	p0 =	seq.s32 s18, s28  }
0x15e: {  	s17 =	sor.u32 s10, s9;
	s9 =	simm.s32 @!p0 $0x0  }
0x15f: {  	s9 =	simm.s32 @p0 $0x1;
	p0 =	seq.s32 s28, s29  }
0x160: {  	[smem:$0x7CC] =	sst s9;
	s9 =	simm.s32 @!p0 $0x0  }
0x161: {  	s9 =	simm.s32 @p0 $0x1  }
0x162: {  	s20 =	spop (v2sf);
	[smem:$0x7CE] =	sst s9  }
0x163: {  	v7 =	vld [tilespmem:s17+$0x2900];
	[smem:$0x7F4] =	sst s20  }
0x164: {  	s21 =	spop (v2sf);
	[tilespmem:s5+$0xD0] =	vst v6  }
0x165: {  	(v2sf) =	vpush v1, $0x7;
	[smem:$0x7F5] =	sst s21  }
0x166: {  	(v2sf) =	vpush v4, $0xC;
	s28 =	sld [smem:$0x7AD]  }
0x167: {  	(v2sf) =	vpush v4, $0xD;
	s21 =	sld [smem:$0x7AE]  }
0x168: {  	(v2sf) =	vpush v3, $0x2  }
0x169: {  	(v2sf) =	vpush v3, $0x3;
	s10 =	simm.s32 $0x80;
	s9 =	simm.s32 $0x100;
	p0 =	seq.s32 s28, $0x1  }
0x16a: {  	(v2sf) =	vpush v3, $0x4;
	s20 =	simm.s32 $0x40;
	s10 =	simm.s32 @!p0 $0x0;
	p0 =	seq.s32 s21, $0x1  }
0x16b: {  	(v2sf) =	vpush v3, $0x5;
	s9 =	simm.s32 @!p5 $0x0;
	s20 =	simm.s32 @!p0 $0x0;
	p0 =	seq.s32 s18, s29  }
0x16c: {  	(v2sf) =	vpush v3, $0x6;
	s9 =	sor.u32 s10, s9;
	s10 =	simm.s32 @!p0 $0x0  }
0x16d: {  	(v2sf) =	vpush v3, $0x7;
	[tilespmem:s0+$0xFFFFFE10] =	vst v5;
	s10 =	simm.s32 @p0 $0x1  }
0x16e: {  	(v2sf) =	vpush v2, $0x2;
	v6 =	vld [tilespmem:s12+$0x2920];
	[smem:$0x7CD] =	sst s10  }
0x16f: {  	(v2sf) =	vpush v2, $0x3;
	[tilespmem:s5+$0xFFFFFEA0] =	vst v8  }
0x170: {  	(v2sf) =	vpush v1, $0x8;
	s29 =	sld [smem:$0x7AF]  }
0x171: {  	(v2sf) =	vpush v1, $0x9  }
0x172: {  	(v2sf) =	vpush v3, $0x8  }
0x173: {  	(v2sf) =	vpush v3, $0x9;
	p0 =	seq.s32 s18, s29  }
0x174: {  	(v2sf) =	vpush v4, $0xE;
	s10 =	sor.u32 s20, s9;
	s20 =	simm.s32 @!p0 $0x0  }
0x175: {  	s28 =	spop (v2sf);
	(v2sf) =	vpush v4, $0xF;
	v4 =	vld [tilespmem:s11+$0x2920];
	s20 =	simm.s32 @p0 $0x1  }
0x176: {  	v5 =	vld [tilespmem:s1+$0x2930];
	[smem:$0x7CF] =	sst s20  }
0x177: {  	s20 =	sld [smem:$0x7B0];
	_ =	sdelay $0x2  }
0x178: {  	p0 =	seq.s32 s29, s20  }
0x179: {  	s1 =	simm.s32 @!p0 $0x0  }
0x17a: {  	s21 =	spop (v2sf);
	s1 =	simm.s32 @p0 $0x1  }
0x17b: {  	s9 =	spop (v2sf);
	p0 =	seq.s32 s18, s20;
	[smem:$0x7D1] =	sst s1  }
0x17c: {  	s29 =	spop (v2sf);
	s1 =	simm.s32 @!p0 $0x0;
	[tilespmem:s0+$0x40] =	vst v7  }
0x17d: {  	s1 =	simm.s32 @p0 $0x1;
	[dreg:$0x1b] =	wrdreg s29  }
0x17e: {  	[smem:$0x7D0] =	sst s1  }
0x17f: {  	s20 =	sld [smem:$0x7B1];
	s29 =	spop (v2sf)  }
0x180: {  	v7 =	vld [tilespmem:s17+$0x2910];
	[dreg:$0x1c] =	wrdreg s29  }
0x181: {  	s29 =	sld [smem:$0x7B2]  }
0x182: {  	p0 =	seq.s32 s18, s20  }
0x183: {  	s1 =	simm.s32 @!p0 $0x0  }
0x184: {  	s1 =	simm.s32 @p0 $0x1;
	p0 =	seq.s32 s20, s29  }
0x185: {  	s20 =	simm.s32 @!p0 $0x0  }
0x186: {  	s20 =	simm.s32 @p0 $0x1;
	p0 =	seq.s32 s18, s29  }
0x187: {  	[smem:$0x7D2] =	sst s1;
	s1 =	simm.s32 @!p0 $0x0  }
0x188: {  	[smem:$0x7D6] =	sst s20;
	s1 =	simm.s32 @p0 $0x1  }
0x189: {  	[smem:$0x7D3] =	sst s1  }
0x18a: {  	[tilespmem:s5+$0xE0] =	vst v6  }
0x18b: {  	s20 =	spop (v2sf);
	s29 =	sld [smem:$0x7B3]  }
0x18c: {  	[dreg:$0x18] =	wrdreg s20  }
0x18d: {  	s20 =	sld [smem:$0x7B4]  }
0x18e: {  	p0 =	seq.s32 s18, s29  }
0x18f: {  	v6 =	vld [tilespmem:s12+$0x2930];
	s12 =	simm.s32 @!p0 $0x0  }
0x190: {  	s12 =	simm.s32 @p0 $0x1;
	p0 =	seq.s32 s29, s20  }
0x191: {  	s1 =	simm.s32 @!p0 $0x0  }
0x192: {  	[smem:$0x7D4] =	sst s12;
	s1 =	simm.s32 @p0 $0x1;
	p0 =	seq.s32 s18, s20  }
0x193: {  	s29 =	spop (v2sf);
	[smem:$0x7D9] =	sst s1;
	s1 =	simm.s32 @!p0 $0x0  }
0x194: {  	[dreg:$0x19] =	wrdreg s29;
	s1 =	simm.s32 @p0 $0x1  }
0x195: {  	[smem:$0x7D5] =	sst s1  }
0x196: {  	[tilespmem:s0+$0xFFFFFE20] =	vst v4  }
0x197: {  	s29 =	spop (v2sf);
	s20 =	sld [smem:$0x7B5]  }
0x198: {  	[dreg:$0x14] =	wrdreg s29  }
0x199: {  	[tilespmem:s5+$0xFFFFFEB0] =	vst v5  }
0x19a: {  	p1 =	seq.s32 s18, s20;
	p2 =	seq.s32 s20, s22;
	s20 =	sld [smem:$0x7B6]  }
0x19b: {  	_ =	sdelay $0x1  }
0x19c: {  	p3 =	seq.s32 s18, s20  }
0x19d: {  	v4 =	vld [tilespmem:s11+$0x2930];
	s11 =	simm.s32 @!p3 $0x0  }
0x19e: {  	s12 =	spop (v2sf);
	s11 =	simm.s32 @p3 $0x1;
	p3 =	seq.s32 s20, s25  }
0x19f: {  	[dreg:$0x15] =	wrdreg s12;
	s1 =	simm.s32 @!p3 $0x0  }
0x1a0: {  	[smem:$0x7E2] =	sst s11;
	s1 =	simm.s32 @p3 $0x1  }
0x1a1: {  	p3 =	seq.s32 s18, s25;
	[smem:$0x7E6] =	sst s1  }
0x1a2: {  	p0 =	seq.s32 s18, s22;
	s22 =	spop (v2sf);
	s1 =	simm.s32 @!p3 $0x0;
	[tilespmem:s0+$0x50] =	vst v7  }
0x1a3: {  	v5 =	vld [tilespmem:s4+$0x2900];
	s1 =	simm.s32 @p3 $0x1;
	[dreg:$0x16] =	wrdreg s22  }
0x1a4: {  	p6 =	seq.s32 s18, s19;
	s29 =	spop (v2sf);
	[smem:$0x7E3] =	sst s1  }
0x1a5: {  	s1 =	simm.s32 @!p6 $0x0;
	v7 =	vld [tilespmem:s17+$0x2920];
	[dreg:$0x17] =	wrdreg s29  }
0x1a6: {  	s1 =	simm.s32 @p6 $0x1;
	p6 =	seq.s32 s19, s7;
	[tilespmem:s5+$0xF0] =	vst v6  }
0x1a7: {  	s11 =	spop (v2sf);
	[smem:$0x7DF] =	sst s1;
	s1 =	simm.s32 @!p6 $0x0  }
0x1a8: {  	[dreg:$0x12] =	wrdreg s11;
	s1 =	simm.s32 @p6 $0x1;
	p6 =	seq.s32 s18, s7  }
0x1a9: {  	s12 =	spop (v2sf);
	[smem:$0x7E1] =	sst s1;
	s1 =	simm.s32 @!p6 $0x0  }
0x1aa: {  	v6 =	vld [tilespmem:s10+$0x2900];
	[dreg:$0x13] =	wrdreg s12;
	s1 =	simm.s32 @p6 $0x1;
	p6 =	seq.s32 s18, s13  }
0x1ab: {  	[smem:$0x7E0] =	sst s1;
	s1 =	simm.s32 @!p6 $0x0  }
0x1ac: {  	[tilespmem:s0+$0xFFFFFE30] =	vst v4;
	s1 =	simm.s32 @p6 $0x1;
	p6 =	seq.s32 s13, s15  }
0x1ad: {  	p5 =	seq.s32 s16, s14;
	[smem:$0x7EE] =	sst s1;
	s1 =	simm.s32 @!p6 $0x0  }
0x1ae: {  	p3 =	seq.s32 s18, s14;
	s1 =	simm.s32 @p6 $0x1;
	p6 =	seq.s32 s18, s15  }
0x1af: {  	s14 =	spop (v2sf);
	[smem:$0x7F0] =	sst s1;
	s1 =	simm.s32 @!p6 $0x0  }
0x1b0: {  	[smem:$0x7FA] =	sst s14;
	s1 =	simm.s32 @p6 $0x1;
	p6 =	seq.s32 s18, s21  }
0x1b1: {  	[smem:$0x7EF] =	sst s1;
	s1 =	simm.s32 @!p6 $0x0  }
0x1b2: {  	[tilespmem:s5+$0xFFFFFEC0] =	vst v5;
	s1 =	simm.s32 @p6 $0x1;
	p6 =	seq.s32 s21, s9  }
0x1b3: {  	v4 =	vld [tilespmem:s8+$0x2900];
	[smem:$0x7F6] =	sst s1;
	s1 =	simm.s32 @!p6 $0x0  }
0x1b4: {  	s29 =	spop (v2sf);
	s1 =	simm.s32 @p6 $0x1;
	p6 =	seq.s32 s18, s9  }
0x1b5: {  	s15 =	spop (v2sf);
	[smem:$0x7F8] =	sst s1;
	s7 =	simm.s32 @!p6 $0x0  }
0x1b6: {  	p4 =	seq.s32 s18, s16;
	v5 =	vld [tilespmem:s4+$0x2910];
	[tilespmem:s0+$0x60] =	vst v7;
	s7 =	simm.s32 @p6 $0x1;
	p6 =	seq.s32 s18, s15  }
0x1b7: {  	s16 =	spop (v2sf);
	v7 =	vld [tilespmem:s17+$0x2930];
	[smem:$0x7F7] =	sst s7;
	s7 =	simm.s32 @!p6 $0x0  }
0x1b8: {  	s11 =	simm.s32 $0x80;
	s7 =	simm.s32 @p6 $0x1;
	p6 =	seq.s32 s18, s16  }
0x1b9: {  	s11 =	simm.s32 @!p0 $0x0;
	s9 =	simm.s32 @!p6 $0x0  }
0x1ba: {  	p0 =	seq.s32 s15, s16;
	[smem:$0x7FB] =	sst s7;
	s9 =	simm.s32 @p6 $0x1  }
0x1bb: {  	s1 =	simm.s32 @!p0 $0x0;
	[smem:$0x7FC] =	sst s9  }
0x1bc: {  	s1 =	simm.s32 @p0 $0x1;
	[tilespmem:s5+$0x100] =	vst v6  }
0x1bd: {  	v6 =	vld [tilespmem:s10+$0x2910];
	[smem:$0x7FD] =	sst s1  }
0x1be: {  	s12 =	simm.s32 $0x40;
	[tilespmem:s0+$0xFFFFFE40] =	vst v4  }
0x1bf: {  	s12 =	simm.s32 @!p2 $0x0;
	s13 =	simm.s32 $0x40;
	s9 =	simm.s32 $0x100;
	[tilespmem:s5+$0xFFFFFED0] =	vst v5  }
0x1c0: {  	s7 =	simm.s32 $0x80;
	s9 =	simm.s32 @!p1 $0x0;
	v4 =	vld [tilespmem:s8+$0x2910];
	s18 =	sld [smem:$0x7B7]  }
0x1c1: {  	p1 =	seq.s32 s2, s26;
	s17 =	sor.u32 s11, s9;
	s19 =	sld [smem:$0x7B8];
	v5 =	vld [tilespmem:s4+$0x2920];
	[tilespmem:s0+$0x70] =	vst v7  }
0x1c2: {  	s1 =	simm.s32 $0x100;
	s11 =	sor.u32 s12, s17;
	s20 =	sld [smem:$0x7B9]  }
0x1c3: {  	s9 =	simm.s32 $0x100;
	v7 =	vld [tilespmem:s11+$0x2900];
	s21 =	sld [smem:$0x7BA];
	p0 =	seq.s32 s18, $0x1;
	[tilespmem:s5+$0x110] =	vst v6  }
0x1c4: {  	s1 =	simm.s32 @!p0 $0x0;
	p0 =	seq.s32 s19, $0x1;
	s22 =	sld [smem:$0x7BB]  }
0x1c5: {  	s25 =	sld [smem:$0x7BC];
	s7 =	simm.s32 @!p0 $0x0;
	p0 =	seq.s32 s20, $0x1;
	[tilespmem:s0+$0xFFFFFE50] =	vst v4  }
0x1c6: {  	s1 =	sor.u32 s7, s1;
	s9 =	simm.s32 @!p0 $0x0;
	s14 =	sld [smem:$0x7BD];
	[tilespmem:s5+$0xFFFFFEE0] =	vst v5  }
0x1c7: {  	s7 =	simm.s32 $0x80;
	p0 =	seq.s32 s21, $0x1;
	s15 =	sld [smem:$0x7BE]  }
0x1c8: {  	s12 =	simm.s32 $0x40;
	s7 =	simm.s32 @!p0 $0x0;
	s16 =	sld [smem:$0x7BF];
	[tilespmem:s0+$0x80] =	vst v7  }
0x1c9: {  	p0 =	seq.s32 s22, $0x1;
	v5 =	vld [tilespmem:s4+$0x2930];
	s4 =	simm.s32 $0x80;
	s17 =	sld [smem:$0x7C0]  }
0x1ca: {  	v6 =	vld [tilespmem:s10+$0x2920];
	s12 =	simm.s32 @!p0 $0x0;
	p0 =	seq.s32 s25, $0x1;
	s18 =	sld [smem:$0x7C1]  }
0x1cb: {  	v4 =	vld [tilespmem:s8+$0x2920];
	s9 =	sor.u32 s7, s9;
	s19 =	sld [smem:$0x7C2];
	s13 =	simm.s32 @!p0 $0x0  }
0x1cc: {  	s7 =	sor.u32 s12, s1;
	s1 =	simm.s32 $0x100;
	p0 =	seq.s32 s14, $0x1  }
0x1cd: {  	s12 =	simm.s32 $0x80;
	s14 =	simm.s32 $0x100;
	s9 =	sor.u32 s13, s9  }
0x1ce: {  	s1 =	simm.s32 @!p0 $0x0;
	s13 =	simm.s32 $0x100;
	p0 =	seq.s32 s15, $0x1  }
0x1cf: {  	v7 =	vld [tilespmem:s11+$0x2910];
	[tilespmem:s5+$0x120] =	vst v6;
	s15 =	simm.s32 $0x80;
	s12 =	simm.s32 @!p0 $0x0;
	p0 =	seq.s32 s16, $0x1  }
0x1d0: {  	v6 =	vld [tilespmem:s10+$0x2930];
	s10 =	simm.s32 $0x40;
	s21 =	sld [smem:$0x7C3];
	[tilespmem:s0+$0xFFFFFE60] =	vst v4;
	s13 =	simm.s32 @!p0 $0x0  }
0x1d1: {  	p0 =	seq.s32 s17, $0x1;
	s1 =	sor.u32 s12, s1;
	s22 =	sld [smem:$0x7C4]  }
0x1d2: {  	s25 =	sld [smem:$0x7C5];
	[tilespmem:s5+$0xFFFFFEF0] =	vst v5;
	s12 =	simm.s32 $0x100;
	s4 =	simm.s32 @!p0 $0x0  }
0x1d3: {  	p0 =	seq.s32 s18, $0x1;
	s16 =	sld [smem:$0x7C6];
	s12 =	simm.s32 @!p1 $0x0  }
0x1d4: {  	s14 =	simm.s32 @!p0 $0x0;
	p0 =	seq.s32 s19, $0x1;
	s4 =	sor.u32 s4, s13  }
0x1d5: {  	[tilespmem:s0+$0x90] =	vst v7;
	s13 =	simm.s32 $0x100;
	s15 =	simm.s32 @!p0 $0x0;
	p0 =	seq.s32 s21, $0x1  }
0x1d6: {  	v4 =	vld [tilespmem:s8+$0x2930];
	s17 =	sld [smem:$0x7C7];
	s20 =	sor.u32 s15, s14;
	s10 =	simm.s32 @!p0 $0x0  }
0x1d7: {  	v5 =	vld [tilespmem:s7+$0x2900];
	[tilespmem:s5+$0x130] =	vst v6;
	s14 =	simm.s32 $0x80;
	p0 =	seq.s32 s22, $0x1;
	s15 =	simm.s32 $0x40  }
0x1d8: {  	v7 =	vld [tilespmem:s11+$0x2920];
	s18 =	sld [smem:$0x7C8];
	s13 =	simm.s32 @!p0 $0x0;
	p0 =	seq.s32 s25, $0x1  }
0x1d9: {  	s8 =	sor.u32 s10, s20;
	s14 =	simm.s32 @!p0 $0x0;
	p0 =	seq.s32 s16, $0x1  }
0x1da: {  	p2 =	seq.s32 s2, s17;
	s14 =	sor.u32 s14, s13;
	s15 =	simm.s32 @!p0 $0x0  }
0x1db: {  	s10 =	simm.s32 $0x40;
	[tilespmem:s0+$0xFFFFFE70] =	vst v4;
	s16 =	simm.s32 $0x40;
	s13 =	sor.u32 s15, s14  }
0x1dc: {  	s19 =	sld [smem:$0x7C9];
	[tilespmem:s5+$0xFFFFFF00] =	vst v5;
	p0 =	seq.s32 s26, s17;
	p6 =	seq.s32 s18, $0x1;
	v6 =	vld [tilespmem:s13+$0x2900]  }
0x1dd: {  	[tilespmem:s0+$0xA0] =	vst v7;
	s10 =	simm.s32 @!p6 $0x0;
	s14 =	simm.s32 $0x80;
	s15 =	simm.s32 $0x40  }
0x1de: {  	v4 =	vld [tilespmem:s8+$0x2900];
	s16 =	simm.s32 @!p0 $0x0;
	s20 =	sld [smem:$0x7CA];
	s14 =	simm.s32 @!p2 $0x0  }
0x1df: {  	v5 =	vld [tilespmem:s7+$0x2910];
	s21 =	sld [smem:$0x7CB];
	p1 =	seq.s32 s19, $0x1;
	s12 =	sor.u32 s14, s12  }
0x1e0: {  	v7 =	vld [tilespmem:s11+$0x2930];
	s1 =	sor.u32 s10, s1;
	s15 =	simm.s32 @!p1 $0x0;
	s12 =	sor.u32 s16, s12  }
0x1e1: {  	s10 =	simm.s32 $0x80;
	s18 =	sor.u32 s15, s4;
	s4 =	simm.s32 $0x100;
	[tilespmem:s5+$0x140] =	vst v6;
	v6 =	vld [tilespmem:s12+$0x2900]  }
0x1e2: {  	s10 =	simm.s32 @!p3 $0x0;
	s4 =	simm.s32 @!p4 $0x0  }
0x1e3: {  	[tilespmem:s0+$0xFFFFFE80] =	vst v4;
	s4 =	sor.u32 s10, s4;
	s10 =	simm.s32 $0x40  }
0x1e4: {  	[tilespmem:s5+$0xFFFFFF10] =	vst v5;
	s10 =	simm.s32 @!p5 $0x0  }
0x1e5: {  	s14 =	simm.s32 $0x100;
	[tilespmem:s0+$0xB0] =	vst v7;
	s11 =	sor.u32 s10, s4;
	s4 =	simm.s32 $0x3D00  }
0x1e6: {  	p1 =	seq.s32 s2, s20;
	p0 =	seq.s32 s20, s21;
	v8 =	vld [tilespmem:s13+$0x2910];
	s25 =	sld [smem:$0x7CC];
	[tilespmem:s4+$0x0] =	vst v6  }
0x1e7: {  	p2 =	seq.s32 s2, s21;
	s15 =	simm.s32 $0x80;
	v4 =	vld [tilespmem:s8+$0x2910];
	s26 =	sld [smem:$0x7CD]  }
0x1e8: {  	s16 =	simm.s32 $0x40;
	s14 =	simm.s32 @!p1 $0x0;
	s15 =	simm.s32 @!p2 $0x0  }
0x1e9: {  	s22 =	sor.u32 s15, s14;
	v5 =	vld [tilespmem:s7+$0x2920];
	s14 =	simm.s32 $0x100;
	p1 =	seq.s32 s25, $0x1  }
0x1ea: {  	s15 =	simm.s32 $0x80;
	s14 =	simm.s32 @!p1 $0x0;
	v6 =	vld [tilespmem:s11+$0x2900];
	p1 =	seq.s32 s26, $0x1  }
0x1eb: {  	s16 =	simm.s32 @!p0 $0x0;
	[tilespmem:s5+$0x150] =	vst v8;
	s15 =	simm.s32 @!p1 $0x0  }
0x1ec: {  	v7 =	vld [tilespmem:s12+$0x2910];
	s15 =	sor.u32 s15, s14;
	s14 =	sor.u32 s16, s22;
	s16 =	sld [smem:$0x7CE];
	[tilespmem:s0+$0xFFFFFE90] =	vst v4  }
0x1ed: {  	s19 =	sld [smem:$0x7CF]  }
0x1ee: {  	s20 =	sld [smem:$0x7D0];
	[tilespmem:s5+$0xFFFFFF20] =	vst v5  }
0x1ef: {  	s17 =	simm.s32 $0x40;
	s21 =	sld [smem:$0x7D1];
	[tilespmem:s0+$0xC0] =	vst v6;
	p0 =	seq.s32 s16, $0x1  }
0x1f0: {  	s16 =	simm.s32 $0x80;
	s22 =	sld [smem:$0x7D2];
	s17 =	simm.s32 @!p0 $0x0  }
0x1f1: {  	v8 =	vld [tilespmem:s13+$0x2920];
	[tilespmem:s4+$0x10] =	vst v7;
	p0 =	seq.s32 s19, $0x1;
	s10 =	sor.u32 s17, s15;
	s15 =	simm.s32 $0x100  }
0x1f2: {  	s25 =	sld [smem:$0x7D3];
	s15 =	simm.s32 @!p0 $0x0;
	p0 =	seq.s32 s20, $0x1  }
0x1f3: {  	v4 =	vld [tilespmem:s14+$0x2900];
	s17 =	simm.s32 $0x40;
	s16 =	simm.s32 @!p0 $0x0;
	p0 =	seq.s32 s21, $0x1  }
0x1f4: {  	v5 =	vld [tilespmem:s8+$0x2920];
	s15 =	sor.u32 s16, s15;
	s17 =	simm.s32 @!p0 $0x0  }
0x1f5: {  	v61 =	vld [tilespmem:s7+$0x2930];
	s16 =	simm.s32 $0x100;
	p0 =	seq.s32 s22, $0x1;
	s7 =	sor.u32 s17, s15  }
0x1f6: {  	[tilespmem:s5+$0x160] =	vst v8;
	s16 =	simm.s32 @!p0 $0x0;
	s15 =	simm.s32 $0x80;
	p0 =	seq.s32 s25, $0x1  }
0x1f7: {  	v6 =	vld [tilespmem:s11+$0x2910];
	s26 =	sld [smem:$0x7D4];
	s15 =	simm.s32 @!p0 $0x0  }
0x1f8: {  	s15 =	sor.u32 s15, s16;
	s16 =	sld [smem:$0x7D5];
	[tilespmem:s4+$0xFFFFFE00] =	vst v4  }
0x1f9: {  	[tilespmem:s0+$0xFFFFFEA0] =	vst v5  }
0x1fa: {  	s19 =	simm.s32 $0x80;
	s20 =	sld [smem:$0x7D6]  }
0x1fb: {  	s17 =	simm.s32 $0x100;
	p0 =	seq.s32 s26, $0x1;
	s21 =	sld [smem:$0x7D7];
	[tilespmem:s5+$0xFFFFFF30] =	vst v61  }
0x1fc: {  	v7 =	vld [tilespmem:s12+$0x2920];
	s17 =	simm.s32 @!p0 $0x0;
	s22 =	sld [smem:$0x7D8];
	[tilespmem:s0+$0xD0] =	vst v6;
	p0 =	seq.s32 s16, $0x1  }
0x1fd: {  	v8 =	vld [tilespmem:s13+$0x2930];
	s16 =	simm.s32 $0x40;
	s25 =	sld [smem:$0x7D9];
	s19 =	simm.s32 @!p0 $0x0  }
0x1fe: {  	s26 =	sld [smem:$0x7DA];
	p0 =	seq.s32 s20, $0x1;
	s13 =	sor.u32 s19, s17  }
0x1ff: {  	v4 =	vld [tilespmem:s14+$0x2910];
	s17 =	simm.s32 $0x100;
	s16 =	simm.s32 @!p0 $0x0;
	p0 =	seq.s32 s21, $0x1  }
0x200: {  	v5 =	vld [tilespmem:s8+$0x2930];
	s8 =	simm.s32 $0x80;
	s17 =	simm.s32 @!p0 $0x0;
	p0 =	seq.s32 s22, $0x1  }
0x201: {  	v9 =	vld [tilespmem:s9+$0x2900];
	[tilespmem:s4+$0x20] =	vst v7;
	s19 =	simm.s32 $0x40;
	s8 =	simm.s32 @!p0 $0x0;
	p0 =	seq.s32 s25, $0x1  }
0x202: {  	[tilespmem:s5+$0x170] =	vst v8;
	s20 =	simm.s32 $0x40;
	s19 =	simm.s32 @!p0 $0x0;
	p0 =	seq.s32 s26, $0x1  }
0x203: {  	v6 =	vld [tilespmem:s11+$0x2920];
	s21 =	sld [smem:$0x7DC];
	s17 =	sor.u32 s8, s17;
	s20 =	simm.s32 @!p0 $0x0  }
0x204: {  	v7 =	vld [tilespmem:s12+$0x2930];
	s8 =	sor.u32 s16, s15;
	s15 =	sor.u32 s20, s17;
	s20 =	sld [smem:$0x7DB];
	[tilespmem:s4+$0xFFFFFE10] =	vst v4  }
0x205: {  	[tilespmem:s0+$0xFFFFFEB0] =	vst v5  }
0x206: {  	[tilespmem:s5+$0xFFFFFF40] =	vst v9  }
0x207: {  	s12 =	simm.s32 $0x100;
	p1 =	seq.s32 s2, s21;
	s22 =	sld [smem:$0x7DD]  }
0x208: {  	s16 =	sor.u32 s19, s13;
	s13 =	simm.s32 $0x80;
	v8 =	vld [tilespmem:s15+$0x2900];
	s25 =	sld [smem:$0x7DE];
	[tilespmem:s0+$0xE0] =	vst v6  }
0x209: {  	s13 =	simm.s32 @!p1 $0x0;
	s17 =	simm.s32 $0x40;
	v4 =	vld [tilespmem:s14+$0x2920];
	[tilespmem:s4+$0x30] =	vst v7;
	p0 =	seq.s32 s2, s20  }
0x20a: {  	v5 =	vld [tilespmem:s10+$0x2900];
	s26 =	sld [smem:$0x7DF];
	p2 =	seq.s32 s20, s21;
	s12 =	simm.s32 @!p0 $0x0  }
0x20b: {  	s19 =	simm.s32 $0x80;
	v9 =	vld [tilespmem:s9+$0x2910];
	s17 =	simm.s32 @!p2 $0x0;
	s12 =	sor.u32 s13, s12  }
0x20c: {  	v6 =	vld [tilespmem:s11+$0x2930];
	s11 =	simm.s32 $0x100;
	s20 =	sld [smem:$0x7E0];
	s12 =	sor.u32 s17, s12  }
0x20d: {  	p1 =	seq.s32 s2, s22;
	p0 =	seq.s32 s22, s25;
	p2 =	seq.s32 s26, $0x1;
	[tilespmem:s5+$0x180] =	vst v8;
	v7 =	vld [tilespmem:s12+$0x2900]  }
0x20e: {  	s13 =	simm.s32 $0x80;
	s11 =	simm.s32 @!p2 $0x0;
	s21 =	sld [smem:$0x7E1];
	v8 =	vld [tilespmem:s15+$0x2910];
	[tilespmem:s4+$0xFFFFFE20] =	vst v4  }
0x20f: {  	p2 =	seq.s32 s20, $0x1;
	s17 =	simm.s32 $0x40;
	s20 =	simm.s32 $0x40;
	[tilespmem:s0+$0xFFFFFEC0] =	vst v5  }
0x210: {  	s13 =	simm.s32 @!p2 $0x0;
	p2 =	seq.s32 s2, s25;
	v4 =	vld [tilespmem:s14+$0x2930];
	s22 =	sld [smem:$0x7E2];
	[tilespmem:s5+$0xFFFFFF50] =	vst v9  }
0x211: {  	s20 =	simm.s32 @!p0 $0x0;
	s11 =	sor.u32 s13, s11;
	s13 =	simm.s32 $0x100;
	[tilespmem:s0+$0xF0] =	vst v6  }
0x212: {  	s14 =	simm.s32 $0x100;
	s25 =	sld [smem:$0x7E3];
	p3 =	seq.s32 s21, $0x1;
	[tilespmem:s4+$0x40] =	vst v7  }
0x213: {  	v5 =	vld [tilespmem:s10+$0x2910];
	s14 =	simm.s32 @!p1 $0x0;
	s17 =	simm.s32 @!p3 $0x0;
	p3 =	seq.s32 s22, $0x1;
	[tilespmem:s5+$0x190] =	vst v8  }
0x214: {  	v9 =	vld [tilespmem:s9+$0x2920];
	s11 =	sor.u32 s17, s11;
	s13 =	simm.s32 @!p3 $0x0;
	s21 =	sld [smem:$0x7E4]  }
0x215: {  	s17 =	simm.s32 $0x80;
	p1 =	seq.s32 s25, $0x1;
	v6 =	vld [tilespmem:s11+$0x2900];
	s22 =	sld [smem:$0x7E5];
	[tilespmem:s4+$0xFFFFFE30] =	vst v4  }
0x216: {  	s17 =	simm.s32 @!p2 $0x0;
	s19 =	simm.s32 @!p1 $0x0;
	s25 =	sld [smem:$0x7E6]  }
0x217: {  	v7 =	vld [tilespmem:s12+$0x2910];
	s14 =	sor.u32 s17, s14;
	s26 =	sor.u32 s19, s13;
	s19 =	simm.s32 $0x100  }
0x218: {  	v8 =	vld [tilespmem:s15+$0x2920];
	[tilespmem:s0+$0xFFFFFED0] =	vst v5;
	s13 =	sor.u32 s20, s14;
	s14 =	simm.s32 $0x40;
	s20 =	simm.s32 $0x80  }
0x219: {  	[tilespmem:s5+$0xFFFFFF60] =	vst v9;
	p1 =	seq.s32 s2, s21;
	p0 =	seq.s32 s21, s22;
	v4 =	vld [tilespmem:s13+$0x2900];
	p3 =	seq.s32 s25, $0x1  }
0x21a: {  	v5 =	vld [tilespmem:s10+$0x2920];
	p2 =	seq.s32 s2, s22;
	s19 =	simm.s32 @!p1 $0x0;
	s14 =	simm.s32 @!p3 $0x0;
	[tilespmem:s0+$0x100] =	vst v6  }
0x21b: {  	v9 =	vld [tilespmem:s9+$0x2930];
	s20 =	simm.s32 @!p2 $0x0;
	s17 =	sor.u32 s14, s26;
	s14 =	sld [smem:$0x7E7]  }
0x21c: {  	s21 =	simm.s32 $0x40;
	s26 =	sor.u32 s20, s19;
	s20 =	rddreg [dreg:$0x1d];
	[tilespmem:s4+$0x50] =	vst v7  }
0x21d: {  	s21 =	simm.s32 @!p0 $0x0;
	[tilespmem:s5+$0x1A0] =	vst v8  }
0x21e: {  	v6 =	vld [tilespmem:s11+$0x2910];
	s19 =	simm.s32 $0x80;
	s9 =	sor.u32 s21, s26;
	p2 =	seq.s32 s2, s20;
	[tilespmem:s4+$0xFFFFFE40] =	vst v4  }
0x21f: {  	v8 =	vld [tilespmem:s15+$0x2930];
	s15 =	simm.s32 $0x100;
	p0 =	seq.s32 s2, s14;
	s21 =	sld [smem:$0x7E8];
	[tilespmem:s0+$0xFFFFFEE0] =	vst v5  }
0x220: {  	v7 =	vld [tilespmem:s12+$0x2920];
	p1 =	seq.s32 s14, s20;
	s14 =	simm.s32 $0x100;
	s22 =	sld [smem:$0x7E9];
	[tilespmem:s5+$0xFFFFFF70] =	vst v9  }
0x221: {  	s19 =	simm.s32 @!p2 $0x0;
	v4 =	vld [tilespmem:s13+$0x2910];
	s14 =	simm.s32 @!p0 $0x0;
	s26 =	sld [smem:$0x7EA]  }
0x222: {  	v5 =	vld [tilespmem:s10+$0x2930];
	s10 =	simm.s32 $0x40;
	s19 =	sor.u32 s19, s14;
	p0 =	seq.s32 s21, $0x1  }
0x223: {  	s14 =	simm.s32 $0x80;
	s15 =	simm.s32 @!p0 $0x0;
	p0 =	seq.s32 s22, $0x1  }
0x224: {  	s25 =	rddreg [dreg:$0x1e];
	v9 =	vld [tilespmem:s1+$0x2900];
	[tilespmem:s0+$0x110] =	vst v6;
	s14 =	simm.s32 @!p0 $0x0;
	p2 =	seq.s32 s26, $0x1  }
0x225: {  	p6 =	seq.s32 s2, s30;
	[tilespmem:s4+$0x60] =	vst v7;
	v6 =	vld [tilespmem:s11+$0x2920];
	s14 =	sor.u32 s14, s15;
	s10 =	simm.s32 @!p2 $0x0  }
0x226: {  	s20 =	simm.s32 $0x80;
	v7 =	vld [tilespmem:s12+$0x2930];
	s15 =	sld [smem:$0x7EB];
	[tilespmem:s5+$0x1B0] =	vst v8;
	s14 =	sor.u32 s10, s14  }
0x227: {  	p3 =	seq.s32 s2, s23;
	s20 =	simm.s32 @!p6 $0x0;
	[tilespmem:s4+$0xFFFFFE50] =	vst v4;
	v8 =	vld [tilespmem:s14+$0x2900]  }
0x228: {  	s21 =	simm.s32 $0x80;
	s12 =	simm.s32 $0x100;
	p2 =	seq.s32 s2, s25;
	[tilespmem:s0+$0xFFFFFEF0] =	vst v5  }
0x229: {  	s22 =	simm.s32 $0x40;
	s10 =	simm.s32 $0x40;
	[tilespmem:s5+$0xFFFFFF80] =	vst v9;
	s21 =	simm.s32 @!p2 $0x0  }
0x22a: {  	[tilespmem:s0+$0x120] =	vst v6;
	p5 =	seq.s32 s2, s15;
	p4 =	seq.s32 s15, s30;
	s15 =	simm.s32 $0x100  }
0x22b: {  	v4 =	vld [tilespmem:s13+$0x2920];
	s10 =	simm.s32 @!p1 $0x0;
	[tilespmem:s4+$0x70] =	vst v7;
	s15 =	simm.s32 @!p3 $0x0;
	s12 =	simm.s32 @!p5 $0x0  }
0x22c: {  	v5 =	vld [tilespmem:s7+$0x2900];
	s22 =	simm.s32 @!p4 $0x0;
	s20 =	sor.u32 s20, s12;
	s12 =	sor.u32 s10, s19;
	[tilespmem:s5+$0x1C0] =	vst v8  }
0x22d: {  	s10 =	sor.u32 s21, s15;
	s21 =	sor.u32 s22, s20;
	s20 =	sld [smem:$0x7EC]  }
0x22e: {  	s22 =	sld [smem:$0x7ED]  }
0x22f: {  	p0 =	seq.s32 s23, s25;
	s23 =	sld [smem:$0x7EE]  }
0x230: {  	v9 =	vld [tilespmem:s1+$0x2910];
	s25 =	sld [smem:$0x7EF];
	[tilespmem:s4+$0xFFFFFE60] =	vst v4  }
0x231: {  	v6 =	vld [tilespmem:s11+$0x2930];
	[tilespmem:s0+$0xFFFFFF00] =	vst v5  }
0x232: {  	s26 =	sld [smem:$0x7F0]  }
0x233: {  	s11 =	simm.s32 $0x100;
	v7 =	vld [tilespmem:s21+$0x2900];
	p3 =	seq.s32 s23, $0x1  }
0x234: {  	s15 =	simm.s32 $0x80;
	v8 =	vld [tilespmem:s14+$0x2910];
	s11 =	simm.s32 @!p3 $0x0;
	p3 =	seq.s32 s25, $0x1  }
0x235: {  	v4 =	vld [tilespmem:s13+$0x2930];
	s13 =	simm.s32 $0x40;
	[tilespmem:s5+$0xFFFFFF90] =	vst v9;
	p4 =	seq.s32 s26, $0x1;
	s15 =	simm.s32 @!p3 $0x0  }
0x236: {  	v5 =	vld [tilespmem:s7+$0x2910];
	[tilespmem:s0+$0x130] =	vst v6;
	s13 =	simm.s32 @!p4 $0x0;
	s11 =	sor.u32 s15, s11  }
0x237: {  	v9 =	vld [tilespmem:s1+$0x2920];
	s25 =	rddreg [dreg:$0x1f];
	s11 =	sor.u32 s13, s11  }
0x238: {  	s19 =	simm.s32 $0x80;
	p2 =	seq.s32 s2, s20;
	s26 =	sld [smem:$0x7F1];
	[tilespmem:s4+$0x80] =	vst v7;
	v6 =	vld [tilespmem:s11+$0x2900]  }
0x239: {  	p1 =	seq.s32 s20, s22;
	s20 =	simm.s32 $0x80;
	s23 =	simm.s32 $0x40;
	[tilespmem:s5+$0x1D0] =	vst v8;
	v7 =	vld [tilespmem:s21+$0x2910]  }
0x23a: {  	p3 =	seq.s32 s2, s22;
	s22 =	simm.s32 $0x40;
	s15 =	simm.s32 $0x100;
	v8 =	vld [tilespmem:s14+$0x2920];
	[tilespmem:s4+$0xFFFFFE70] =	vst v4  }
0x23b: {  	s19 =	simm.s32 @!p3 $0x0;
	p3 =	seq.s32 s2, s25;
	[tilespmem:s0+$0xFFFFFF10] =	vst v5;
	s15 =	simm.s32 @!p2 $0x0;
	v4 =	vld [tilespmem:s9+$0x2900]  }
0x23c: {  	p4 =	seq.s32 s2, s26;
	[tilespmem:s5+$0xFFFFFFA0] =	vst v9;
	s30 =	sor.u32 s19, s15;
	s19 =	simm.s32 $0x100  }
0x23d: {  	s22 =	simm.s32 @!p1 $0x0;
	s20 =	simm.s32 @!p4 $0x0;
	s19 =	simm.s32 @!p3 $0x0;
	[tilespmem:s0+$0x140] =	vst v6  }
0x23e: {  	s19 =	sor.u32 s20, s19;
	s20 =	sor.u32 s22, s30;
	s30 =	sld [smem:$0x7F2];
	[tilespmem:s4+$0x90] =	vst v7  }
0x23f: {  	p1 =	seq.s32 s3, s31;
	p2 =	seq.s32 s25, s26;
	s15 =	simm.s32 $0x40;
	[tilespmem:s5+$0x1E0] =	vst v8  }
0x240: {  	s23 =	simm.s32 @!p2 $0x0;
	v9 =	vld [tilespmem:s1+$0x2930];
	s1 =	simm.s32 $0x100;
	s15 =	simm.s32 @!p0 $0x0;
	[tilespmem:s4+$0xFFFFFE80] =	vst v4  }
0x241: {  	v5 =	vld [tilespmem:s7+$0x2920];
	p0 =	seq.s32 s3, s30;
	p2 =	seq.s32 s30, s31;
	s31 =	rddreg [dreg:$0x1a]  }
0x242: {  	s1 =	simm.s32 @!p0 $0x0;
	p0 =	seq.s32 s31, s24  }
0x243: {  	s10 =	sor.u32 s15, s10;
	v6 =	vld [tilespmem:s11+$0x2910];
	s15 =	simm.s32 @!p0 $0x0  }
0x244: {  	v7 =	vld [tilespmem:s21+$0x2920];
	s15 =	simm.s32 @p0 $0x1  }
0x245: {  	s13 =	simm.s32 $0x80;
	v8 =	vld [tilespmem:s14+$0x2930];
	[smem:$0x7F9] =	sst s15  }
0x246: {  	s13 =	simm.s32 @!p1 $0x0;
	s14 =	simm.s32 $0x40;
	[tilespmem:s0+$0xFFFFFF20] =	vst v5  }
0x247: {  	s14 =	simm.s32 @!p2 $0x0;
	s1 =	sor.u32 s13, s1;
	v4 =	vld [tilespmem:s9+$0x2910];
	s13 =	sld [smem:$0x7F3]  }
0x248: {  	s15 =	sor.u32 s14, s1;
	v5 =	vld [tilespmem:s7+$0x2930];
	s14 =	sld [smem:$0x7F4];
	[tilespmem:s5+$0xFFFFFFB0] =	vst v9  }
0x249: {  	s19 =	sor.u32 s23, s19;
	s22 =	sld [smem:$0x7F5];
	v9 =	vld [tilespmem:s18+$0x2900];
	[tilespmem:s0+$0x150] =	vst v6  }
0x24a: {  	p1 =	seq.s32 s2, s31;
	p0 =	seq.s32 s2, s28;
	s7 =	simm.s32 $0x80;
	[tilespmem:s4+$0xA0] =	vst v7;
	v6 =	vld [tilespmem:s11+$0x2920]  }
0x24b: {  	s1 =	simm.s32 $0x100;
	s7 =	simm.s32 @!p0 $0x0;
	[tilespmem:s5+$0x1F0] =	vst v8;
	v7 =	vld [tilespmem:s21+$0x2930];
	s21 =	simm.s32 $0x80  }
0x24c: {  	p4 =	seq.s32 s3, s13;
	p2 =	seq.s32 s13, s14;
	p3 =	seq.s32 s3, s14;
	[tilespmem:s4+$0xFFFFFE90] =	vst v4  }
0x24d: {  	v8 =	vld [tilespmem:s15+$0x2900];
	s13 =	simm.s32 $0x40;
	p5 =	seq.s32 s2, s22;
	p6 =	seq.s32 s22, s28;
	[tilespmem:s0+$0xFFFFFF30] =	vst v5  }
0x24e: {  	s14 =	simm.s32 $0x100;
	s1 =	simm.s32 @!p5 $0x0;
	s13 =	simm.s32 @!p6 $0x0;
	v4 =	vld [tilespmem:s9+$0x2920];
	[tilespmem:s5+$0xFFFFFFC0] =	vst v9  }
0x24f: {  	s1 =	sor.u32 s7, s1;
	s7 =	simm.s32 $0x100;
	s23 =	sld [smem:$0x7F6]  }
0x250: {  	v5 =	vld [tilespmem:s8+$0x2900];
	s1 =	sor.u32 s13, s1;
	s13 =	simm.s32 $0x80;
	s25 =	sld [smem:$0x7F7];
	[tilespmem:s0+$0x160] =	vst v6  }
0x251: {  	s7 =	simm.s32 @!p4 $0x0;
	[tilespmem:s4+$0xB0] =	vst v7;
	s13 =	simm.s32 @!p3 $0x0;
	v62 =	vld [tilespmem:s11+$0x2930];
	s11 =	simm.s32 $0x4100  }
0x252: {  	s22 =	simm.s32 $0x40;
	v6 =	vld [tilespmem:s18+$0x2910];
	p4 =	seq.s32 s2, s24;
	s7 =	sor.u32 s13, s7;
	[tilespmem:s11+$0x0] =	vst v8  }
0x253: {  	s13 =	simm.s32 $0x40;
	p0 =	seq.s32 s23, $0x1;
	s26 =	sld [smem:$0x7F8];
	[tilespmem:s4+$0xFFFFFEA0] =	vst v4  }
0x254: {  	v7 =	vld [tilespmem:s1+$0x2900];
	s14 =	simm.s32 @!p0 $0x0;
	p0 =	seq.s32 s25, $0x1;
	s28 =	rddreg [dreg:$0x1b]  }
0x255: {  	s13 =	simm.s32 @!p2 $0x0;
	v8 =	vld [tilespmem:s15+$0x2910];
	s30 =	rddreg [dreg:$0x1c];
	s21 =	simm.s32 @!p0 $0x0  }
0x256: {  	[tilespmem:s0+$0xFFFFFF40] =	vst v5;
	v5 =	vld [tilespmem:s9+$0x2930];
	s9 =	simm.s32 $0x80;
	s14 =	sor.u32 s21, s14;
	s21 =	sor.u32 s13, s7  }
0x257: {  	p3 =	seq.s32 s3, s28;
	[tilespmem:s5+$0xFFFFFFD0] =	vst v6;
	s9 =	simm.s32 @!p4 $0x0;
	p0 =	seq.s32 s26, $0x1;
	v4 =	vld [tilespmem:s21+$0x2900]  }
0x258: {  	s7 =	simm.s32 $0x100;
	[tilespmem:s0+$0x170] =	vst v62;
	s22 =	simm.s32 @!p0 $0x0;
	p0 =	seq.s32 s3, s30  }
0x259: {  	v6 =	vld [tilespmem:s8+$0x2910];
	[tilespmem:s4+$0xC0] =	vst v7;
	s13 =	sor.u32 s22, s14;
	s14 =	simm.s32 $0x100;
	s22 =	simm.s32 $0x80  }
0x25a: {  	s23 =	rddreg [dreg:$0x19];
	s14 =	simm.s32 @!p3 $0x0;
	v7 =	vld [tilespmem:s13+$0x2900];
	s22 =	simm.s32 @!p0 $0x0  }
0x25b: {  	s7 =	simm.s32 @!p1 $0x0;
	s31 =	sor.u32 s22, s14;
	s22 =	rddreg [dreg:$0x18];
	[tilespmem:s11+$0x10] =	vst v8;
	v8 =	vld [tilespmem:s1+$0x2910]  }
0x25c: {  	s25 =	simm.s32 $0x40;
	p2 =	seq.s32 s28, s30;
	s7 =	sor.u32 s9, s7;
	[tilespmem:s11+$0xFFFFFE00] =	vst v4  }
0x25d: {  	(v2sf) =	vpush v3, $0xA;
	p3 =	seq.s32 s3, s23;
	p0 =	seq.s32 s3, s22;
	v4 =	vld [tilespmem:s15+$0x2920];
	s24 =	sld [smem:$0x7F9];
	[tilespmem:s4+$0xFFFFFEB0] =	vst v5  }
0x25e: {  	(v2sf) =	vpush v3, $0xB;
	p1 =	seq.s32 s22, s23;
	s22 =	simm.s32 $0x100;
	s23 =	simm.s32 $0x80;
	[tilespmem:s0+$0xFFFFFF50] =	vst v6  }
0x25f: {  	s14 =	simm.s32 $0x40;
	s22 =	simm.s32 @!p0 $0x0;
	s23 =	simm.s32 @!p3 $0x0;
	v63 =	vld [tilespmem:s21+$0x2910];
	[tilespmem:s0+$0x180] =	vst v7  }
0x260: {  	s25 =	simm.s32 @!p1 $0x0;
	s22 =	sor.u32 s23, s22;
	v5 =	vld [tilespmem:s12+$0x2900];
	[tilespmem:s4+$0xD0] =	vst v8;
	p4 =	seq.s32 s24, $0x1  }
0x261: {  	v6 =	vld [tilespmem:s8+$0x2920];
	s24 =	simm.s32 $0x40;
	s26 =	rddreg [dreg:$0x15];
	s14 =	simm.s32 @!p4 $0x0  }
0x262: {  	v7 =	vld [tilespmem:s13+$0x2910];
	s14 =	sor.u32 s14, s7;
	s7 =	sor.u32 s25, s22;
	s25 =	rddreg [dreg:$0x14];
	[tilespmem:s11+$0x20] =	vst v4  }
0x263: {  	s23 =	simm.s32 $0x100;
	s24 =	simm.s32 @!p2 $0x0;
	v4 =	vld [tilespmem:s1+$0x2920];
	s28 =	rddreg [dreg:$0x16]  }
0x264: {  	p3 =	seq.s32 s3, s26;
	s9 =	sor.u32 s24, s31;
	s30 =	rddreg [dreg:$0x17];
	[tilespmem:s11+$0xFFFFFE10] =	vst v63  }
0x265: {  	s22 =	simm.s32 $0x80;
	s24 =	simm.s32 $0x80;
	p4 =	seq.s32 s3, s25;
	v8 =	vld [tilespmem:s15+$0x2930];
	[tilespmem:s4+$0xFFFFFEC0] =	vst v5  }
0x266: {  	p0 =	seq.s32 s25, s26;
	s15 =	simm.s32 $0x100;
	s22 =	simm.s32 @!p3 $0x0;
	[tilespmem:s0+$0xFFFFFF60] =	vst v6;
	v9 =	vld [tilespmem:s21+$0x2920]  }
0x267: {  	s25 =	simm.s32 $0x40;
	p2 =	seq.s32 s3, s28;
	p1 =	seq.s32 s28, s30;
	v5 =	vld [tilespmem:s12+$0x2910];
	[tilespmem:s0+$0x190] =	vst v7  }
0x268: {  	p5 =	seq.s32 s3, s30;
	s15 =	simm.s32 @!p4 $0x0;
	v6 =	vld [tilespmem:s8+$0x2930];
	s23 =	simm.s32 @!p2 $0x0;
	[tilespmem:s4+$0xE0] =	vst v4  }
0x269: {  	s24 =	simm.s32 @!p5 $0x0;
	s8 =	sor.u32 s22, s15;
	v4 =	vld [tilespmem:s13+$0x2920];
	s15 =	rddreg [dreg:$0x12]  }
0x26a: {  	s25 =	simm.s32 @!p1 $0x0;
	s31 =	sor.u32 s24, s23;
	v7 =	vld [tilespmem:s1+$0x2930];
	s22 =	rddreg [dreg:$0x13];
	[tilespmem:s11+$0x30] =	vst v8  }
0x26b: {  	s25 =	sor.u32 s25, s31;
	[tilespmem:s11+$0xFFFFFE20] =	vst v9  }
0x26c: {  	s30 =	spop (v2sf);
	v8 =	vld [tilespmem:s25+$0x2900];
	[tilespmem:s4+$0xFFFFFED0] =	vst v5  }
0x26d: {  	s31 =	spop (v2sf);
	s1 =	simm.s32 $0x100;
	[tilespmem:s0+$0xFFFFFF70] =	vst v6;
	v9 =	vld [tilespmem:s21+$0x2930]  }
0x26e: {  	p2 =	seq.s32 s2, s15;
	p1 =	seq.s32 s15, s22;
	p3 =	seq.s32 s2, s22;
	v5 =	vld [tilespmem:s12+$0x2920];
	[tilespmem:s0+$0x1A0] =	vst v4  }
0x26f: {  	s15 =	simm.s32 $0x80;
	s1 =	simm.s32 @!p2 $0x0;
	v10 =	vld [tilespmem:s16+$0x2900];
	s23 =	sld [smem:$0x7FA];
	[tilespmem:s4+$0xF0] =	vst v7  }
0x270: {  	s15 =	simm.s32 @!p3 $0x0;
	s21 =	simm.s32 $0x40;
	s24 =	sld [smem:$0x7FB]  }
0x271: {  	s1 =	sor.u32 s15, s1;
	s21 =	simm.s32 @!p1 $0x0;
	s26 =	sld [smem:$0x7FC];
	[tilespmem:s11+$0x40] =	vst v8  }
0x272: {  	(v2sf) =	vpush v3, $0xC;
	s22 =	simm.s32 $0x100;
	s15 =	simm.s32 $0x40;
	s21 =	sor.u32 s21, s1;
	v4 =	vld [tilespmem:s13+$0x2930];
	[tilespmem:s11+$0xFFFFFE30] =	vst v9  }
0x273: {  	(v2sf) =	vpush v3, $0xD;
	s15 =	simm.s32 @!p0 $0x0;
	s1 =	simm.s32 $0x100;
	s13 =	simm.s32 $0x80;
	v7 =	vld [tilespmem:s21+$0x2900];
	[tilespmem:s4+$0xFFFFFEE0] =	vst v5  }
0x274: {  	v8 =	vld [tilespmem:s25+$0x2910];
	[tilespmem:s0+$0xFFFFFF80] =	vst v10;
	p1 =	seq.s32 s3, s23;
	p0 =	seq.s32 s23, s29;
	s23 =	simm.s32 $0x40  }
0x275: {  	v6 =	vld [tilespmem:s12+$0x2930];
	s28 =	sld [smem:$0x7FD];
	s12 =	simm.s32 $0x100;
	p2 =	seq.s32 s24, $0x1  }
0x276: {  	(v2sf) =	vpush v2, $0x4;
	s22 =	simm.s32 @!p1 $0x0;
	s1 =	simm.s32 @!p2 $0x0;
	p2 =	seq.s32 s26, $0x1  }
0x277: {  	(v2sf) =	vpush v2, $0x5;
	v9 =	vld [tilespmem:s9+$0x2900];
	s24 =	sor.u32 s15, s8;
	s13 =	simm.s32 @!p2 $0x0;
	p2 =	seq.s32 s3, s29  }
0x278: {  	(v2sf) =	vpush v3, $0xE;
	p1 =	seq.s32 s28, $0x1;
	s1 =	sor.u32 s13, s1;
	s13 =	simm.s32 $0x80  }
0x279: {  	(v2sf) =	vpush v1, $0xA;
	v5 =	vld [tilespmem:s16+$0x2910];
	s8 =	simm.s32 $0x6;
	[tilespmem:s4+$0x100] =	vst v7;
	s23 =	simm.s32 @!p1 $0x0;
	s13 =	simm.s32 @!p2 $0x0  }
0x27a: {  	(v2sf) =	vpush v1, $0xB;
	[tilespmem:s11+$0x50] =	vst v8;
	v7 =	vld [tilespmem:s21+$0x2910];
	p1 =	seq.s32 s30, s31;
	s29 =	sor.u32 s13, s22;
	s13 =	simm.s32 $0x40  }
0x27b: {  	(v2sf) =	vpush v3, $0xF;
	[tilespmem:s0+$0x1B0] =	vst v4;
	s1 =	sor.u32 s23, s1;
	v3 =	vld [tilespmem:s25+$0x2920];
	s13 =	simm.s32 @!p0 $0x0;
	p0 =	seq.s32 s3, s30  }
0x27c: {  	p2 =	seq.s32 s3, s31;
	[tilespmem:s11+$0xFFFFFE40] =	vst v9;
	v4 =	vld [tilespmem:s1+$0x2900];
	s22 =	sor.u32 s13, s29;
	s12 =	simm.s32 @!p0 $0x0  }
.LBB2_3:
0x27d: {  	s8 =	sadd.s32 $0x2, s8  }
0x27e: {  	s13 =	simm.s32 $0x80;
	s6 =	sadd.s32 $0x20, s6;
	s23 =	simm.s32 $0x40  }
0x27f: {  	v8 =	vld [tilespmem:s9+$0x2910];
	[tilespmem:s4+$0xFFFFFEF0] =	vst v6;
	s26 =	simm.s32 $0x100;
	s28 =	simm.s32 $0x80;
	s13 =	simm.s32 @!p2 $0x0  }
0x280: {  	s15 =	sshrl.u32 s8, $0x3;
	s23 =	simm.s32 @!p1 $0x0;
	v6 =	vld [tilespmem:s6+$0x0];
	s12 =	sor.u32 s13, s12;
	[tilespmem:s0+$0xFFFFFF90] =	vst v5  }
0x281: {  	p0 =	slt.u32 s8, $0x3E;
	v5 =	vld.idx.msk [tilespmem:v0+s15+$0x0 ss:$0x1], $0xffff;
	s12 =	sor.u32 s23, s12;
	s15 =	spop (v2sf);
	[tilespmem:s0+$0x1C0] =	vst v4  }
0x282: {  	s13 =	smov.u32 s4;
	p1 =	seq.s32 s3, s15;
	s23 =	spop (v2sf)  }
0x283: {  	[tilespmem:s4+$0x110] =	vst v7;
	v4 =	vld [tilespmem:s1+$0x2910];
	s4 =	smov.u32 s11;
	s26 =	simm.s32 @!p1 $0x0;
	p1 =	seq.s32 s3, s23  }
0x284: {  	p2 =	seq.s32 s15, s23;
	[tilespmem:s11+$0x60] =	vst v3;
	v7 =	vld [tilespmem:s21+$0x2920];
	s15 =	simm.s32 $0x80;
	s23 =	simm.s32 $0x40  }
0x285: {  	[tilespmem:s11+$0xFFFFFE50] =	vst v8;
	s15 =	simm.s32 @!p1 $0x0;
	v8 =	vld [tilespmem:s25+$0x2930];
	s25 =	spop (v2sf);
	s23 =	simm.s32 @!p2 $0x0  }
0x286: {  	s15 =	sor.u32 s15, s26;
	s26 =	spop (v2sf);
	p1 =	seq.s32 s3, s25  }
0x287: {  	v3 =	vld [tilespmem:s6+$0xFFFFFFF0];
	s23 =	sor.u32 s23, s15;
	p2 =	seq.s32 s3, s26;
	s15 =	simm.s32 $0x100  }
0x288: {  	v9 =	vld [tilespmem:s9+$0x2920];
	s15 =	simm.s32 @!p1 $0x0;
	p1 =	seq.s32 s25, s26;
	s25 =	simm.s32 $0x40  }
0x289: {  	(v2sf) =	vpush v6, $0x0;
	s28 =	simm.s32 @!p2 $0x0;
	v10 =	vld [tilespmem:s10+$0x2900];
	[tilespmem:s0+$0x1D0] =	vst v4;
	s25 =	simm.s32 @!p1 $0x0  }
0x28a: {  	(v2sf) =	vpush v6, $0x1;
	s15 =	sor.u32 s28, s15;
	s26 =	spop (v2sf);
	[tilespmem:s13+$0x120] =	vst v7;
	v4 =	vld [tilespmem:s1+$0x2920];
	s28 =	simm.s32 $0x100  }
0x28b: {  	(v2sf) =	vpush v5, $0x0;
	p1 =	seq.s32 s3, s26;
	[tilespmem:s11+$0x70] =	vst v8;
	s25 =	sor.u32 s25, s15;
	v5 =	vld [tilespmem:s21+$0x2930];
	s21 =	spop (v2sf)  }
0x28c: {  	s15 =	smov.u32 s24;
	(v2sf) =	vpush v3, $0x0;
	s28 =	simm.s32 @!p1 $0x0;
	v7 =	vld [tilespmem:s25+$0x2900];
	s29 =	spop (v2sf)  }
0x28d: {  	p1 =	seq.s32 s2, s21;
	[tilespmem:s11+$0xFFFFFE60] =	vst v9;
	s24 =	spop (v2sf);
	p2 =	seq.s32 s2, s29;
	v8 =	vld [tilespmem:s16+$0x2920]  }
0x28e: {  	s30 =	simm.s32 $0x80;
	v9 =	vld [tilespmem:s9+$0x2930];
	s9 =	simm.s32 $0x100  }
0x28f: {  	s30 =	simm.s32 @!p2 $0x0;
	p2 =	seq.s32 s3, s24;
	s9 =	simm.s32 @!p1 $0x0  }
0x290: {  	(v2sf) =	vpush v3, $0x1;
	[tilespmem:s13+$0xFFFFFF00] =	vst v10;
	p1 =	seq.s32 s21, s29;
	s21 =	simm.s32 $0x40;
	s29 =	simm.s32 $0x80  }
0x291: {  	(v2sf) =	vpush v2, $0x6;
	v10 =	vld [tilespmem:s10+$0x2910];
	s21 =	simm.s32 @!p1 $0x0;
	s9 =	sor.u32 s30, s9;
	[tilespmem:s0+$0x1E0] =	vst v4;
	s29 =	simm.s32 @!p2 $0x0  }
0x292: {  	p1 =	seq.s32 s26, s24;
	(v2sf) =	vpush v2, $0x7;
	[tilespmem:s13+$0x130] =	vst v5;
	s9 =	sor.u32 s21, s9;
	v4 =	vld [tilespmem:s1+$0x2930];
	s1 =	simm.s32 $0x40  }
0x293: {  	s24 =	smov.u32 s10;
	s21 =	sor.u32 s29, s28;
	s1 =	simm.s32 @!p1 $0x0;
	[tilespmem:s11+$0x80] =	vst v7;
	v5 =	vld [tilespmem:s9+$0x2900]  }
0x294: {  	s10 =	smov.u32 s22;
	s1 =	sor.u32 s1, s21;
	v7 =	vld [tilespmem:s25+$0x2910];
	[tilespmem:s0+$0xFFFFFFA0] =	vst v8  }
0x295: {  	[tilespmem:s11+$0xFFFFFE70] =	vst v9;
	v8 =	vld [tilespmem:s16+$0x2930];
	s16 =	smov.u32 s19;
	s19 =	smov.u32 s23  }
0x296: {  	v9 =	vld [tilespmem:s7+$0x2900];
	[tilespmem:s13+$0xFFFFFF10] =	vst v10;
	(v2sf) =	vpush v1, $0xC  }
0x297: {  	v10 =	vld [tilespmem:s24+$0x2920];
	(v2sf) =	vpush v1, $0xD;
	[tilespmem:s0+$0x1F0] =	vst v4  }
0x298: {  	[tilespmem:s13+$0x140] =	vst v5;
	v4 =	vld [tilespmem:s18+$0x2920]  }
0x299: {  	[tilespmem:s11+$0x90] =	vst v7;
	v5 =	vld [tilespmem:s9+$0x2910]  }
0x29a: {  	(v2sf) =	vpush v3, $0x2;
	s21 =	spop (v2sf);
	v7 =	vld [tilespmem:s25+$0x2920];
	[tilespmem:s0+$0xFFFFFFB0] =	vst v8  }
0x29b: {  	(v2sf) =	vpush v3, $0x3;
	s22 =	spop (v2sf);
	[tilespmem:s11+$0xFFFFFE80] =	vst v9;
	v8 =	vld [tilespmem:s17+$0x2900]  }
0x29c: {  	s23 =	spop (v2sf)  }
0x29d: {  	s28 =	simm.s32 $0x80;
	v9 =	vld [tilespmem:s7+$0x2910];
	[tilespmem:s13+$0xFFFFFF20] =	vst v10;
	p1 =	seq.s32 s23, s21  }
0x29e: {  	p2 =	seq.s32 s23, s22;
	s26 =	spop (v2sf);
	v10 =	vld [tilespmem:s24+$0x2930];
	[tilespmem:s5+$0xFFFFFFE0] =	vst v4;
	s24 =	simm.s32 $0x100  }
0x29f: {  	s24 =	simm.s32 @!p1 $0x0;
	p1 =	seq.s32 s21, s22;
	v4 =	vld [tilespmem:s18+$0x2930];
	s18 =	simm.s32 $0x40  }
0x2a0: {  	s29 =	simm.s32 $0x100;
	s28 =	simm.s32 @!p2 $0x0;
	(v2sf) =	vpush v3, $0x4;
	[tilespmem:s13+$0x150] =	vst v5;
	s18 =	simm.s32 @!p1 $0x0  }
0x2a1: {  	s21 =	sor.u32 s28, s24;
	s22 =	spop (v2sf);
	p1 =	seq.s32 s23, s26  }
0x2a2: {  	(v2sf) =	vpush v3, $0x5;
	[tilespmem:s11+$0xA0] =	vst v7;
	v5 =	vld [tilespmem:s9+$0x2920];
	s24 =	simm.s32 $0x100;
	s28 =	simm.s32 $0x80;
	s21 =	sor.u32 s18, s21  }
0x2a3: {  	v7 =	vld [tilespmem:s25+$0x2930];
	s18 =	spop (v2sf);
	[tilespmem:s0+$0xFFFFFFC0] =	vst v8;
	s24 =	simm.s32 @!p1 $0x0;
	p1 =	seq.s32 s23, s22  }
0x2a4: {  	v8 =	vld [tilespmem:s21+$0x2900];
	[tilespmem:s11+$0xFFFFFE90] =	vst v9;
	s25 =	spop (v2sf);
	s28 =	simm.s32 @!p1 $0x0;
	p1 =	seq.s32 s3, s18  }
0x2a5: {  	s30 =	simm.s32 $0x80;
	(v2sf) =	vpush v3, $0x6;
	v9 =	vld [tilespmem:s7+$0x2920];
	p2 =	seq.s32 s3, s25;
	[tilespmem:s13+$0xFFFFFF30] =	vst v10;
	s29 =	simm.s32 @!p1 $0x0  }
0x2a6: {  	(v2sf) =	vpush v3, $0x7;
	s30 =	simm.s32 @!p2 $0x0;
	p2 =	seq.s32 s18, s25;
	v10 =	vld [tilespmem:s20+$0x2900];
	[tilespmem:s5+$0xFFFFFFF0] =	vst v4;
	s5 =	simm.s32 $0x40  }
0x2a7: {  	p1 =	seq.s32 s26, s22;
	(v2sf) =	vpush v6, $0x2;
	s5 =	simm.s32 @!p2 $0x0;
	s18 =	sor.u32 s30, s29;
	[tilespmem:s13+$0x160] =	vst v5;
	v4 =	vld [tilespmem:s17+$0x2910]  }
0x2a8: {  	s11 =	sadd.s32 $0x400, s11;
	[tilespmem:s4+$0xB0] =	vst v7;
	s22 =	sor.u32 s5, s18;
	v5 =	vld [tilespmem:s9+$0x2930];
	s9 =	simm.s32 $0x40  }
0x2a9: {  	(v2sf) =	vpush v6, $0x3;
	s5 =	spop (v2sf);
	s18 =	sor.u32 s28, s24;
	s9 =	simm.s32 @!p1 $0x0  }
0x2aa: {  	[tilespmem:s11+$0x0] =	vst v8;
	v7 =	vld [tilespmem:s22+$0x2900];
	s24 =	spop (v2sf);
	p1 =	seq.s32 s2, s5;
	s26 =	sor.u32 s9, s18  }
0x2ab: {  	v8 =	vld [tilespmem:s21+$0x2910];
	[tilespmem:s4+$0xFFFFFEA0] =	vst v9;
	p2 =	seq.s32 s2, s24;
	s9 =	simm.s32 $0x100;
	s18 =	simm.s32 $0x80  }
0x2ac: {  	v9 =	vld [tilespmem:s26+$0x2900];
	[tilespmem:s13+$0xFFFFFF40] =	vst v10;
	s9 =	simm.s32 @!p1 $0x0;
	s18 =	simm.s32 @!p2 $0x0;
	p1 =	seq.s32 s5, s24  }
0x2ad: {  	v10 =	vld [tilespmem:s7+$0x2930];
	s7 =	simm.s32 $0x40  }
0x2ae: {  	s5 =	spop (v2sf);
	s9 =	sor.u32 s18, s9;
	s7 =	simm.s32 @!p1 $0x0  }
0x2af: {  	(v2sf) =	vpush v2, $0x8;
	[tilespmem:s0+$0xFFFFFFD0] =	vst v4;
	p1 =	seq.s32 s23, s5;
	s28 =	sor.u32 s7, s9;
	s7 =	simm.s32 $0x100  }
0x2b0: {  	s18 =	spop (v2sf);
	(v2sf) =	vpush v2, $0x9;
	v4 =	vld [tilespmem:s20+$0x2910];
	[tilespmem:s13+$0x170] =	vst v5;
	s9 =	simm.s32 $0x40;
	s7 =	simm.s32 @!p1 $0x0  }
0x2b1: {  	p1 =	seq.s32 s23, s18;
	p2 =	seq.s32 s5, s18;
	(v2sf) =	vpush v3, $0x8;
	[tilespmem:s4+$0xC0] =	vst v7;
	v5 =	vld [tilespmem:s28+$0x2900];
	s5 =	simm.s32 $0x80  }
0x2b2: {  	s18 =	smov.u32 s17;
	s5 =	simm.s32 @!p1 $0x0;
	s9 =	simm.s32 @!p2 $0x0;
	[tilespmem:s11+$0x10] =	vst v8;
	v7 =	vld [tilespmem:s22+$0x2910]  }
0x2b3: {  	s5 =	sor.u32 s5, s7;
	s7 =	spop (v2sf)  }
0x2b4: {  	s24 =	simm.s32 $0x100;
	s17 =	smov.u32 s14;
	[tilespmem:s11+$0xFFFFFE00] =	vst v9;
	v8 =	vld [tilespmem:s21+$0x2920];
	(v2sf) =	vpush v3, $0x9;
	p1 =	seq.s32 s23, s7  }
0x2b5: {  	s9 =	sor.u32 s9, s5;
	s5 =	spop (v2sf);
	s24 =	simm.s32 @!p1 $0x0  }
0x2b6: {  	v9 =	vld [tilespmem:s26+$0x2910];
	[tilespmem:s4+$0xFFFFFEB0] =	vst v10;
	(v2sf) =	vpush v1, $0xE;
	p1 =	seq.s32 s23, s5;
	p2 =	seq.s32 s7, s5;
	s5 =	simm.s32 $0x80  }
0x2b7: {  	s25 =	simm.s32 $0x80;
	v10 =	vld [tilespmem:s15+$0x2900];
	[tilespmem:s13+$0xFFFFFF50] =	vst v4;
	(v2sf) =	vpush v1, $0xF;
	v1 =	vmov v2;
	v2 =	vmov v6;
	s7 =	simm.s32 $0x40;
	s5 =	simm.s32 @!p1 $0x0  }
0x2b8: {  	s14 =	smov.u32 s1;
	s7 =	simm.s32 @!p2 $0x0;
	v4 =	vld [tilespmem:s20+$0x2920];
	[tilespmem:s13+$0x180] =	vst v5;
	s1 =	sor.u32 s5, s24  }
0x2b9: {  	s24 =	spop (v2sf);
	[tilespmem:s4+$0xD0] =	vst v7;
	v5 =	vld [tilespmem:s28+$0x2910];
	s5 =	smov.u32 s0;
	s7 =	sor.u32 s7, s1  }
0x2ba: {  	p1 =	seq.s32 s23, s24;
	[tilespmem:s11+$0x20] =	vst v8;
	s0 =	spop (v2sf);
	v6 =	vld [tilespmem:s22+$0x2920];
	s1 =	simm.s32 $0x100  }
0x2bb: {  	[tilespmem:s11+$0xFFFFFE10] =	vst v9;
	s1 =	simm.s32 @!p1 $0x0;
	p1 =	seq.s32 s23, s0;
	v7 =	vld [tilespmem:s21+$0x2930];
	s21 =	spop (v2sf)  }
0x2bc: {  	s25 =	simm.s32 @!p1 $0x0;
	p1 =	seq.s32 s24, s0;
	s0 =	spop (v2sf)  }
0x2bd: {  	v8 =	vld [tilespmem:s26+$0x2920];
	(v2sf) =	vpush v3, $0xA;
	[tilespmem:s4+$0xFFFFFEC0] =	vst v10;
	p2 =	seq.s32 s23, s21;
	s24 =	simm.s32 $0x100;
	s1 =	sor.u32 s25, s1  }
0x2be: {  	p3 =	seq.s32 s23, s0;
	(v2sf) =	vpush v3, $0xB;
	v9 =	vld [tilespmem:s15+$0x2910];
	[tilespmem:s13+$0xFFFFFF60] =	vst v4;
	s24 =	simm.s32 @!p2 $0x0;
	s25 =	simm.s32 $0x80  }
0x2bf: {  	p2 =	seq.s32 s21, s0;
	s0 =	simm.s32 $0x40;
	v4 =	vld [tilespmem:s20+$0x2930];
	s20 =	simm.s32 $0x40  }
0x2c0: {  	s25 =	simm.s32 @!p3 $0x0;
	[tilespmem:s13+$0x190] =	vst v5;
	s0 =	simm.s32 @!p1 $0x0;
	s20 =	simm.s32 @!p2 $0x0  }
0x2c1: {  	s21 =	sor.u32 s25, s24;
	[tilespmem:s4+$0xE0] =	vst v6;
	v5 =	vld [tilespmem:s28+$0x2920];
	s24 =	sor.u32 s0, s1;
	s0 =	smov.u32 s13  }
0x2c2: {  	s13 =	simm.s32 $0x100;
	[tilespmem:s11+$0x30] =	vst v7;
	s25 =	sor.u32 s20, s21;
	v6 =	vld [tilespmem:s22+$0x2930];
	s1 =	spop (v2sf)  }
0x2c3: {  	s20 =	smov.u32 s12;
	s22 =	simm.s32 $0x80;
	[tilespmem:s11+$0xFFFFFE20] =	vst v8;
	v7 =	vld [tilespmem:s25+$0x2900];
	(v2sf) =	vpush v3, $0xC;
	s21 =	spop (v2sf)  }
0x2c4: {  	p1 =	seq.s32 s3, s1;
	s12 =	spop (v2sf);
	p2 =	seq.s32 s3, s21  }
0x2c5: {  	v8 =	vld [tilespmem:s26+$0x2930];
	(v2sf) =	vpush v3, $0xD;
	[tilespmem:s4+$0xFFFFFED0] =	vst v9;
	s13 =	simm.s32 @!p1 $0x0;
	p1 =	seq.s32 s1, s21;
	s21 =	simm.s32 $0x40  }
0x2c6: {  	v9 =	vld [tilespmem:s15+$0x2920];
	s22 =	simm.s32 @!p2 $0x0;
	[tilespmem:s0+$0xFFFFFF70] =	vst v4;
	s21 =	simm.s32 @!p1 $0x0  }
0x2c7: {  	p1 =	seq.s32 s23, s12;
	s1 =	spop (v2sf);
	(v2sf) =	vpush v2, $0x4;
	s13 =	sor.u32 s22, s13;
	v4 =	vld [tilespmem:s16+$0x2900];
	[tilespmem:s0+$0x1A0] =	vst v5  }
0x2c8: {  	s22 =	simm.s32 $0x100;
	s21 =	sor.u32 s21, s13;
	s13 =	spop (v2sf)  }
0x2c9: {  	(v2sf) =	vpush v2, $0x5;
	[tilespmem:s4+$0xF0] =	vst v6;
	v10 =	vld [tilespmem:s28+$0x2930];
	s22 =	simm.s32 @!p1 $0x0;
	p1 =	seq.s32 s23, s1;
	s28 =	simm.s32 $0x80  }
0x2ca: {  	s29 =	simm.s32 $0x80;
	s26 =	spop (v2sf);
	s28 =	simm.s32 @!p1 $0x0  }
0x2cb: {  	p1 =	seq.s32 s2, s13;
	p2 =	seq.s32 s2, s26;
	s2 =	simm.s32 $0x100  }
0x2cc: {  	[tilespmem:s11+$0x40] =	vst v7;
	v7 =	vld [tilespmem:s21+$0x2900];
	s2 =	simm.s32 @!p1 $0x0;
	s29 =	simm.s32 @!p2 $0x0  }
0x2cd: {  	[tilespmem:s11+$0xFFFFFE30] =	vst v8;
	v8 =	vld [tilespmem:s25+$0x2910];
	p1 =	seq.s32 s13, s26;
	p2 =	seq.s32 s12, s1;
	s1 =	simm.s32 $0x40  }
0x2ce: {  	v11 =	vld [tilespmem:s9+$0x2900];
	(v2sf) =	vpush v3, $0xE;
	[tilespmem:s4+$0xFFFFFEE0] =	vst v9;
	s12 =	simm.s32 $0x40;
	s13 =	sor.u32 s28, s22;
	s1 =	simm.s32 @!p1 $0x0  }
.Ltmp4:
0x2cf: {  	v6 =	vld [tilespmem:s15+$0x2930];
	(v2sf) =	vpush v1, $0xA;
	[tilespmem:s0+$0xFFFFFF80] =	vst v4;
	s2 =	sor.u32 s29, s2;
	s12 =	simm.s32 @!p2 $0x0;
	(pc) =	sbr.rel @p0 .LBB2_3-.Ltmp4, $4  }
0x2d0: {  	(v2sf) =	vpush v1, $0xB;
	v5 =	vld [tilespmem:s16+$0x2910];
	[tilespmem:s0+$0x1B0] =	vst v10;
	s1 =	sor.u32 s1, s2;
	s22 =	sor.u32 s12, s13  }
0x2d1: {  	s2 =	smov.u32 s3;
	s3 =	smov.u32 s23;
	s13 =	spop (v2sf);
	(v2sf) =	vpush v3, $0xF;
	[tilespmem:s4+$0x100] =	vst v7;
	v4 =	vld [tilespmem:s1+$0x2900]  }
0x2d2: {  	s12 =	simm.s32 $0x100;
	p1 =	seq.s32 s23, s13;
	[tilespmem:s11+$0x50] =	vst v8;
	s15 =	spop (v2sf);
	v7 =	vld [tilespmem:s21+$0x2910]  }
0x2d3: {  	[tilespmem:s11+$0xFFFFFE40] =	vst v11;
	s12 =	simm.s32 @!p1 $0x0;
	p2 =	seq.s32 s3, s15;
	p1 =	seq.s32 s13, s15;
	v3 =	vld [tilespmem:s25+$0x2920]  }
0x2d4: {  	v0 =	vld [tilespmem:s9+$0x2910];
	_ =	sdelay $0x4  }
0x2d5: {  	[tilespmem:s11+$0xFFFFFE50] =	vst v0  }
0x2d6: {  	v0 =	vld [tilespmem:s9+$0x2920];
	_ =	sdelay $0x2  }
0x2d7: {  	s15 =	spop (v2sf)  }
0x2d8: {  	s13 =	spop (v2sf);
	[tilespmem:s11+$0x60] =	vst v3  }
0x2d9: {  	s6 =	spop (v2sf);
	v3 =	vld [tilespmem:s25+$0x2930];
	[tilespmem:s11+$0xFFFFFE60] =	vst v0  }
0x2da: {  	s23 =	simm.s32 $0x100;
	p0 =	seq.s32 s3, s6;
	s8 =	spop (v2sf);
	v0 =	vld [tilespmem:s9+$0x2930]  }
0x2db: {  	s23 =	simm.s32 @!p0 $0x0;
	p3 =	seq.s32 s3, s8;
	s9 =	simm.s32 $0x80  }
0x2dc: {  	p0 =	seq.s32 s6, s8;
	s6 =	simm.s32 $0x40;
	s9 =	simm.s32 @!p3 $0x0  }
0x2dd: {  	s6 =	simm.s32 @!p0 $0x0;
	s28 =	sor.u32 s9, s23  }
0x2de: {  	[tilespmem:s11+$0x70] =	vst v3;
	s23 =	sor.u32 s6, s28  }
0x2df: {  	v3 =	vld [tilespmem:s23+$0x2900];
	[tilespmem:s11+$0xFFFFFE70] =	vst v0  }
0x2e0: {  	v0 =	vld [tilespmem:s7+$0x2900];
	_ =	sdelay $0x1  }
0x2e1: {  	(v2sf) =	vpush v2, $0x6  }
0x2e2: {  	(v2sf) =	vpush v2, $0x7  }
0x2e3: {  	[tilespmem:s11+$0x80] =	vst v3  }
0x2e4: {  	v3 =	vld [tilespmem:s23+$0x2910];
	[tilespmem:s11+$0xFFFFFE80] =	vst v0  }
0x2e5: {  	v0 =	vld [tilespmem:s7+$0x2910];
	_ =	sdelay $0x3  }
0x2e6: {  	[tilespmem:s11+$0x90] =	vst v3  }
0x2e7: {  	v3 =	vld [tilespmem:s23+$0x2920];
	[tilespmem:s11+$0xFFFFFE90] =	vst v0  }
0x2e8: {  	v0 =	vld [tilespmem:s7+$0x2920]  }
0x2e9: {  	s6 =	spop (v2sf)  }
0x2ea: {  	s26 =	spop (v2sf)  }
0x2eb: {  	s29 =	spop (v2sf)  }
0x2ec: {  	s8 =	spop (v2sf);
	[tilespmem:s11+$0xA0] =	vst v3  }
0x2ed: {  	s30 =	spop (v2sf);
	v3 =	vld [tilespmem:s23+$0x2930];
	[tilespmem:s11+$0xFFFFFEA0] =	vst v0  }
0x2ee: {  	s25 =	simm.s32 $0x40;
	s31 =	spop (v2sf);
	p0 =	seq.s32 s3, s30;
	v0 =	vld [tilespmem:s7+$0x2930]  }
0x2ef: {  	p4 =	seq.s32 s3, s31;
	s23 =	simm.s32 $0x80;
	s7 =	simm.s32 $0x100  }
0x2f0: {  	p3 =	seq.s32 s30, s31;
	s23 =	simm.s32 @!p4 $0x0;
	s7 =	simm.s32 @!p0 $0x0  }
0x2f1: {  	s25 =	simm.s32 @!p3 $0x0;
	s7 =	sor.u32 s23, s7  }
0x2f2: {  	s7 =	sor.u32 s25, s7;
	[tilespmem:s11+$0xB0] =	vst v3  }
0x2f3: {  	(v2sf) =	vpush v1, $0xC;
	v3 =	vld [tilespmem:s7+$0x2900];
	[tilespmem:s11+$0xFFFFFEB0] =	vst v0  }
0x2f4: {  	(v2sf) =	vpush v1, $0xD;
	v0 =	vld [tilespmem:s24+$0x2900]  }
0x2f5: {  	(v2sf) =	vpush v2, $0x8  }
0x2f6: {  	(v2sf) =	vpush v2, $0x9;
	_ =	sdelay $0x1  }
0x2f7: {  	[tilespmem:s11+$0xC0] =	vst v3  }
0x2f8: {  	v3 =	vld [tilespmem:s7+$0x2910];
	[tilespmem:s11+$0xFFFFFEC0] =	vst v0  }
0x2f9: {  	v0 =	vld [tilespmem:s24+$0x2910];
	_ =	sdelay $0x3  }
0x2fa: {  	[tilespmem:s11+$0xD0] =	vst v3  }
0x2fb: {  	v3 =	vld [tilespmem:s7+$0x2920];
	[tilespmem:s11+$0xFFFFFED0] =	vst v0  }
0x2fc: {  	v0 =	vld [tilespmem:s24+$0x2920];
	_ =	sdelay $0x1  }
0x2fd: {  	s25 =	spop (v2sf)  }
0x2fe: {  	s30 =	spop (v2sf)  }
0x2ff: {  	s28 =	spop (v2sf);
	[tilespmem:s11+$0xE0] =	vst v3  }
0x300: {  	s31 =	spop (v2sf);
	v3 =	vld [tilespmem:s7+$0x2930];
	[tilespmem:s11+$0xFFFFFEE0] =	vst v0  }
0x301: {  	p0 =	seq.s32 s3, s28;
	p3 =	seq.s32 s28, s31;
	v0 =	vld [tilespmem:s24+$0x2930]  }
0x302: {  	p4 =	seq.s32 s3, s31;
	s7 =	simm.s32 $0x100;
	s24 =	simm.s32 $0x80  }
0x303: {  	s28 =	simm.s32 $0x40;
	s7 =	simm.s32 @!p0 $0x0;
	s24 =	simm.s32 @!p4 $0x0  }
0x304: {  	[tilespmem:s4+$0xFFFFFEF0] =	vst v6;
	s28 =	simm.s32 @!p3 $0x0;
	s7 =	sor.u32 s24, s7  }
0x305: {  	v6 =	vld [tilespmem:s10+$0x2900];
	(v2sf) =	vpush v1, $0xE;
	s24 =	sor.u32 s28, s7;
	[tilespmem:s11+$0xF0] =	vst v3  }
0x306: {  	(v2sf) =	vpush v1, $0xF;
	v3 =	vld [tilespmem:s24+$0x2900];
	[tilespmem:s11+$0xFFFFFEF0] =	vst v0  }
0x307: {  	(v2sf) =	vpush v2, $0xA;
	v0 =	vld [tilespmem:s22+$0x2900]  }
0x308: {  	(v2sf) =	vpush v2, $0xB  }
0x309: {  	[tilespmem:s4+$0x110] =	vst v7  }
0x30a: {  	v61 =	vld [tilespmem:s21+$0x2920];
	[tilespmem:s4+$0xFFFFFF00] =	vst v6  }
0x30b: {  	v60 =	vld [tilespmem:s10+$0x2910];
	[tilespmem:s11+$0x100] =	vst v3  }
0x30c: {  	v59 =	vld [tilespmem:s24+$0x2910];
	[tilespmem:s11+$0xFFFFFF00] =	vst v0  }
0x30d: {  	v0 =	vld [tilespmem:s22+$0x2910];
	_ =	sdelay $0x1  }
0x30e: {  	[tilespmem:s4+$0x120] =	vst v61  }
0x30f: {  	v6 =	vld [tilespmem:s21+$0x2930];
	[tilespmem:s4+$0xFFFFFF10] =	vst v60  }
0x310: {  	v3 =	vld [tilespmem:s10+$0x2920];
	[tilespmem:s11+$0x110] =	vst v59  }
0x311: {  	v1 =	vld [tilespmem:s24+$0x2920];
	[tilespmem:s11+$0xFFFFFF10] =	vst v0  }
0x312: {  	s21 =	simm.s32 $0x80;
	p3 =	seq.s32 s2, s26;
	v0 =	vld [tilespmem:s22+$0x2920]  }
0x313: {  	p0 =	seq.s32 s26, s29;
	s26 =	simm.s32 $0x100;
	s7 =	spop (v2sf)  }
0x314: {  	s26 =	simm.s32 @!p3 $0x0;
	p4 =	seq.s32 s2, s29;
	s9 =	spop (v2sf)  }
0x315: {  	s21 =	simm.s32 @!p4 $0x0;
	s28 =	simm.s32 $0x40;
	s29 =	spop (v2sf);
	[tilespmem:s4+$0xFFFFFF20] =	vst v3  }
0x316: {  	s21 =	sor.u32 s21, s26;
	s28 =	simm.s32 @!p0 $0x0;
	s26 =	spop (v2sf);
	v3 =	vld [tilespmem:s10+$0x2930];
	[tilespmem:s11+$0x120] =	vst v1  }
0x317: {  	s21 =	sor.u32 s28, s21;
	p0 =	seq.s32 s3, s29;
	p3 =	seq.s32 s29, s26;
	v1 =	vld [tilespmem:s24+$0x2930];
	[tilespmem:s11+$0xFFFFFF20] =	vst v0  }
0x318: {  	p4 =	seq.s32 s3, s26;
	s10 =	simm.s32 $0x100;
	v0 =	vld [tilespmem:s22+$0x2930];
	s22 =	simm.s32 $0x80  }
0x319: {  	s10 =	simm.s32 @!p0 $0x0;
	s24 =	simm.s32 $0x40;
	s22 =	simm.s32 @!p4 $0x0  }
0x31a: {  	[tilespmem:s4+$0x130] =	vst v6;
	s24 =	simm.s32 @!p3 $0x0;
	s10 =	sor.u32 s22, s10;
	s22 =	simm.s32 $0x80  }
0x31b: {  	(v2sf) =	vpush v2, $0xC;
	v6 =	vld [tilespmem:s21+$0x2900];
	[tilespmem:s4+$0xFFFFFF30] =	vst v3;
	s24 =	sor.u32 s24, s10;
	s22 =	simm.s32 @!p2 $0x0;
	s10 =	simm.s32 $0x40  }
0x31c: {  	(v2sf) =	vpush v2, $0xD;
	v3 =	vld [tilespmem:s20+$0x2900];
	[tilespmem:s11+$0x130] =	vst v1;
	s12 =	sor.u32 s22, s12;
	s10 =	simm.s32 @!p1 $0x0  }
0x31d: {  	v1 =	vld [tilespmem:s24+$0x2900];
	s12 =	sor.u32 s10, s12;
	[tilespmem:s11+$0xFFFFFF30] =	vst v0  }
0x31e: {  	v0 =	vld [tilespmem:s12+$0x2900];
	_ =	sdelay $0x1  }
0x31f: {  	[tilespmem:s4+$0x140] =	vst v6  }
0x320: {  	v6 =	vld [tilespmem:s21+$0x2910];
	[tilespmem:s4+$0xFFFFFF40] =	vst v3  }
0x321: {  	v3 =	vld [tilespmem:s20+$0x2910];
	[tilespmem:s11+$0x140] =	vst v1  }
0x322: {  	v1 =	vld [tilespmem:s24+$0x2910];
	[tilespmem:s11+$0xFFFFFF40] =	vst v0  }
0x323: {  	v0 =	vld [tilespmem:s12+$0x2910];
	_ =	sdelay $0x1  }
0x324: {  	[tilespmem:s4+$0x150] =	vst v6  }
0x325: {  	v6 =	vld [tilespmem:s21+$0x2920];
	[tilespmem:s4+$0xFFFFFF50] =	vst v3  }
0x326: {  	v3 =	vld [tilespmem:s20+$0x2920];
	[tilespmem:s11+$0x150] =	vst v1  }
0x327: {  	p5 =	seq.s32 s25, s30;
	p0 =	seq.s32 s15, s13;
	v1 =	vld [tilespmem:s24+$0x2920];
	[tilespmem:s11+$0xFFFFFF50] =	vst v0  }
0x328: {  	p3 =	seq.s32 s2, s25;
	p4 =	seq.s32 s2, s30;
	s30 =	spop (v2sf);
	v0 =	vld [tilespmem:s12+$0x2920]  }
0x329: {  	s31 =	spop (v2sf);
	p2 =	seq.s32 s3, s15;
	s15 =	simm.s32 $0x40  }
0x32a: {  	[tilespmem:s4+$0x160] =	vst v6;
	p1 =	seq.s32 s3, s13;
	s13 =	simm.s32 $0x80;
	s10 =	simm.s32 $0x100  }
0x32b: {  	v6 =	vld [tilespmem:s21+$0x2930];
	s15 =	simm.s32 @!p5 $0x0;
	s13 =	simm.s32 @!p4 $0x0;
	s10 =	simm.s32 @!p3 $0x0;
	[tilespmem:s4+$0xFFFFFF60] =	vst v3  }
0x32c: {  	p4 =	seq.s32 s30, s31;
	p3 =	seq.s32 s3, s31;
	s10 =	sor.u32 s13, s10;
	v3 =	vld [tilespmem:s20+$0x2930];
	[tilespmem:s11+$0x160] =	vst v1  }
0x32d: {  	s13 =	simm.s32 $0x100;
	s10 =	sor.u32 s15, s10;
	s15 =	simm.s32 $0x100;
	v1 =	vld [tilespmem:s24+$0x2930];
	[tilespmem:s11+$0xFFFFFF60] =	vst v0  }
0x32e: {  	s15 =	simm.s32 @!p2 $0x0;
	p2 =	seq.s32 s3, s30;
	s20 =	simm.s32 $0x80;
	v0 =	vld [tilespmem:s12+$0x2930]  }
0x32f: {  	s13 =	simm.s32 @!p2 $0x0;
	s20 =	simm.s32 @!p3 $0x0;
	s12 =	simm.s32 $0x40  }
0x330: {  	(v2sf) =	vpush v2, $0xE;
	[tilespmem:s4+$0x170] =	vst v6;
	s13 =	sor.u32 s20, s13;
	s20 =	simm.s32 $0x80;
	s12 =	simm.s32 @!p4 $0x0  }
0x331: {  	(v2sf) =	vpush v2, $0xF;
	v6 =	vld [tilespmem:s10+$0x2900];
	s20 =	simm.s32 @!p1 $0x0;
	[tilespmem:s4+$0xFFFFFF70] =	vst v3;
	s12 =	sor.u32 s12, s13;
	s13 =	simm.s32 $0x40  }
0x332: {  	s15 =	sor.u32 s20, s15;
	v3 =	vld [tilespmem:s19+$0x2900];
	[tilespmem:s11+$0x170] =	vst v1;
	s13 =	simm.s32 @!p0 $0x0  }
0x333: {  	v1 =	vld [tilespmem:s12+$0x2900];
	s13 =	sor.u32 s13, s15;
	[tilespmem:s11+$0xFFFFFF70] =	vst v0  }
0x334: {  	v0 =	vld [tilespmem:s13+$0x2900];
	_ =	sdelay $0x1  }
0x335: {  	v63 =	vld [tilespmem:s18+$0x2920];
	[tilespmem:s4+$0x180] =	vst v6  }
0x336: {  	v62 =	vld [tilespmem:s10+$0x2910];
	[tilespmem:s4+$0xFFFFFF80] =	vst v3  }
0x337: {  	v3 =	vld [tilespmem:s19+$0x2910];
	[tilespmem:s11+$0x180] =	vst v1  }
0x338: {  	v1 =	vld [tilespmem:s12+$0x2910];
	[tilespmem:s11+$0xFFFFFF80] =	vst v0  }
0x339: {  	[tilespmem:s0+$0xFFFFFF90] =	vst v5;
	v0 =	vld [tilespmem:s13+$0x2910]  }
0x33a: {  	v5 =	vld [tilespmem:s16+$0x2920];
	[tilespmem:s5+$0xFFFFFFE0] =	vst v63  }
0x33b: {  	v6 =	vld [tilespmem:s18+$0x2930];
	[tilespmem:s4+$0x190] =	vst v62  }
0x33c: {  	v2 =	vld [tilespmem:s10+$0x2920];
	[tilespmem:s4+$0xFFFFFF90] =	vst v3  }
0x33d: {  	v3 =	vld [tilespmem:s19+$0x2920];
	[tilespmem:s11+$0x190] =	vst v1  }
0x33e: {  	p6 =	seq.s32 s2, s9;
	s21 =	spop (v2sf);
	v1 =	vld [tilespmem:s12+$0x2920];
	[tilespmem:s11+$0xFFFFFF90] =	vst v0  }
0x33f: {  	[tilespmem:s0+$0xFFFFFFA0] =	vst v5;
	p2 =	seq.s32 s3, s6;
	s22 =	spop (v2sf);
	p5 =	seq.s32 s3, s21;
	v0 =	vld [tilespmem:s13+$0x2920]  }
0x340: {  	p1 =	seq.s32 s3, s8;
	p3 =	seq.s32 s3, s22;
	s3 =	simm.s32 $0x80;
	[tilespmem:s5+$0xFFFFFFF0] =	vst v6  }
0x341: {  	v5 =	vld [tilespmem:s16+$0x2930];
	s3 =	simm.s32 @!p6 $0x0;
	s5 =	simm.s32 $0x80;
	p4 =	seq.s32 s2, s7;
	[tilespmem:s4+$0x1A0] =	vst v2  }
0x342: {  	p0 =	seq.s32 s6, s8;
	v2 =	vld [tilespmem:s10+$0x2930];
	s6 =	simm.s32 $0x100;
	s15 =	simm.s32 $0x100;
	[tilespmem:s4+$0xFFFFFFA0] =	vst v3  }
0x343: {  	s5 =	simm.s32 @!p3 $0x0;
	s6 =	simm.s32 @!p4 $0x0;
	s15 =	simm.s32 @!p2 $0x0;
	v3 =	vld [tilespmem:s19+$0x2930];
	[tilespmem:s11+$0x1A0] =	vst v1  }
0x344: {  	p2 =	seq.s32 s7, s9;
	s23 =	sor.u32 s3, s6;
	s3 =	simm.s32 $0x40;
	v1 =	vld [tilespmem:s12+$0x2930];
	[tilespmem:s11+$0xFFFFFFA0] =	vst v0  }
0x345: {  	p4 =	seq.s32 s21, s22;
	s6 =	simm.s32 $0x100;
	s3 =	simm.s32 @!p2 $0x0;
	v0 =	vld [tilespmem:s13+$0x2930]  }
0x346: {  	[tilespmem:s0+$0xFFFFFFB0] =	vst v5;
	s6 =	simm.s32 @!p5 $0x0;
	s2 =	sor.u32 s3, s23;
	s3 =	simm.s32 $0x40  }
0x347: {  	v5 =	vld [tilespmem:s17+$0x2900];
	s5 =	sor.u32 s5, s6;
	s6 =	simm.s32 $0x80;
	[tilespmem:s4+$0x1B0] =	vst v2;
	s3 =	simm.s32 @!p4 $0x0  }
0x348: {  	s6 =	simm.s32 @!p1 $0x0;
	v2 =	vld [tilespmem:s2+$0x2900];
	s3 =	sor.u32 s3, s5;
	s5 =	simm.s32 $0x40;
	[tilespmem:s4+$0xFFFFFFB0] =	vst v3  }
0x349: {  	s6 =	sor.u32 s6, s15;
	s5 =	simm.s32 @!p0 $0x0;
	v3 =	vld [tilespmem:s14+$0x2900];
	[tilespmem:s11+$0x1B0] =	vst v1  }
0x34a: {  	s5 =	sor.u32 s5, s6;
	v1 =	vld [tilespmem:s3+$0x2900];
	[tilespmem:s11+$0xFFFFFFB0] =	vst v0  }
0x34b: {  	[tilespmem:s0+$0x1C0] =	vst v4;
	v0 =	vld [tilespmem:s5+$0x2900]  }
0x34c: {  	v4 =	vld [tilespmem:s1+$0x2910];
	[tilespmem:s0+$0xFFFFFFC0] =	vst v5  }
0x34d: {  	v5 =	vld [tilespmem:s17+$0x2910];
	[tilespmem:s4+$0x1C0] =	vst v2  }
0x34e: {  	v2 =	vld [tilespmem:s2+$0x2910];
	[tilespmem:s4+$0xFFFFFFC0] =	vst v3  }
0x34f: {  	v3 =	vld [tilespmem:s14+$0x2910];
	[tilespmem:s11+$0x1C0] =	vst v1  }
0x350: {  	v1 =	vld [tilespmem:s3+$0x2910];
	[tilespmem:s11+$0xFFFFFFC0] =	vst v0  }
0x351: {  	[tilespmem:s0+$0x1D0] =	vst v4;
	v0 =	vld [tilespmem:s5+$0x2910]  }
0x352: {  	v4 =	vld [tilespmem:s1+$0x2920];
	[tilespmem:s0+$0xFFFFFFD0] =	vst v5  }
0x353: {  	v5 =	vld [tilespmem:s17+$0x2920];
	[tilespmem:s4+$0x1D0] =	vst v2  }
0x354: {  	v2 =	vld [tilespmem:s2+$0x2920];
	[tilespmem:s4+$0xFFFFFFD0] =	vst v3  }
0x355: {  	v3 =	vld [tilespmem:s14+$0x2920];
	[tilespmem:s11+$0x1D0] =	vst v1  }
0x356: {  	v1 =	vld [tilespmem:s3+$0x2920];
	[tilespmem:s11+$0xFFFFFFD0] =	vst v0  }
0x357: {  	[tilespmem:s0+$0x1E0] =	vst v4;
	v0 =	vld [tilespmem:s5+$0x2920]  }
0x358: {  	v4 =	vld [tilespmem:s1+$0x2930];
	[tilespmem:s0+$0xFFFFFFE0] =	vst v5  }
0x359: {  	v5 =	vld [tilespmem:s17+$0x2930];
	[tilespmem:s4+$0x1E0] =	vst v2  }
0x35a: {  	v2 =	vld [tilespmem:s2+$0x2930];
	[tilespmem:s4+$0xFFFFFFE0] =	vst v3  }
0x35b: {  	v3 =	vld [tilespmem:s14+$0x2930];
	[tilespmem:s11+$0x1E0] =	vst v1  }
0x35c: {  	v1 =	vld [tilespmem:s3+$0x2930];
	[tilespmem:s11+$0xFFFFFFE0] =	vst v0  }
0x35d: {  	[tilespmem:s0+$0x1F0] =	vst v4;
	v0 =	vld [tilespmem:s5+$0x2930]  }
0x35e: {  	[tilespmem:s0+$0xFFFFFFF0] =	vst v5  }
0x35f: {  	[tilespmem:s4+$0x1F0] =	vst v2  }
0x360: {  	[tilespmem:s4+$0xFFFFFFF0] =	vst v3  }
0x361: {  	s26 =	rddreg [dreg:$0x5];
	[tilespmem:s11+$0x1F0] =	vst v1  }
0x362: {  	s24 =	rddreg [dreg:$0x10];
	[tilespmem:s11+$0xFFFFFFF0] =	vst v0  }
0x363: {  	s28 =	simm.s32 $0x0;
	s25 =	sshll.u32 s24, $0xC;
	s30 =	rddreg [dreg:$0xa]  }
0x364: {  	s29 =	simm.s32 $0x3300;
	s0 =	sadd.s32 s26, s25;
	s31 =	rddreg [dreg:$0xf]  }
0x365: {  	[hbm4b:s0+s28] =	stream.linear.scatter [tilespmem:s29], [sflag:$0x3], $0x8000, $0x38;
	[tilespmem:$0x13300] =	vst v63  }
0x366: {  	s0 =	sadd.s32 s30, s31  }
0x367: {  	p0 =	sgt.u32 s0, $0x4E1  }
0x368: {  	s1 =	rddreg [dreg:$0x1];
	s0 =	sshll.u32 @!p0 s0, $0x7  }
0x369: {  	s2 =	simm.s32 @!p0 $0x2B00;
	s0 =	sadd.s32 @!p0 s1, s0;
	s1 =	simm.s32 @!p0 $0x0  }
0x36a: {  	[tilespmem:s2], [sflag:$0x1] =	stream.linear.gather @!p0 [hbm4b:s0+s1], $0x400, $0x38;
	[tilespmem:$0x13300] =	vst v63  }
0x36b: {  	s0 =	sor.u32 $0x20, s24  }
0x36c: {  	p0 =	sgt.u32 s0, $0x4E1  }
.Ltmp5:
0x36d: {  	_ = 	snop;
	(pc) =	sbr.rel @p0 .LBB2_8-.Ltmp5, $1  }
0x36e: {  	_ =	sdelay $0x3  }
0x36f: {  	s1 =	simm.s32 $0x2  }
0x370: {  	_ =	swait.ge [sflag:s1], $0x400  }
0x371: {  	s10 =	sld [smem:$0x7A4];
	_ =	sdelay $0x1  }
0x372: {  	s9 =	sshll.u32 s0, $0x3  }
0x373: {  	[dreg:$0x11] =	wrdreg s0;
	[sflag:s1] =	ssyncset.done $0x0;
	p0 =	seq.s32 s10, $0x1  }
0x374: {  	s0 =	sand.u32 $0x3FFFFFF8, s9;
	[sflag:s1] =	ssyncadd.s32 $0xFFFFFC00;
	s1 =	simm.s32 @!p0 $0x4  }
0x375: {  	v0 =	vmov s0;
	_ =	swait.ge @!p0 [sflag:s1], $0x8000  }
0x376: {  	[sflag:s1] =	ssyncset.done @!p0 $0x0  }
0x377: {  	s11 =	simm.s32 $0x2F10;
	[sflag:s1] =	ssyncadd.s32 @!p0 $0xFFFF8000  }
0x378: {  	v2 =	vld [tilespmem:s11+$0x0]  }
0x379: {  	s12 =	simm.s32 $0x0  }
0x37a: {  	v1 =	vld.idx.msk [tilespmem:v0+s12+$0x0 ss:$0x1], $0xffff;
	_ =	sdelay $0x2  }
0x37b: {  	(v2sf) =	vpush v2, $0x0  }
0x37c: {  	(v2sf) =	vpush v2, $0x1  }
0x37d: {  	(v2sf) =	vpush v1, $0x0  }
0x37e: {  	v1 =	vld [tilespmem:s11+$0xFFFFFFF0];
	_ =	sdelay $0x4  }
0x37f: {  	(v2sf) =	vpush v1, $0x0  }
0x380: {  	(v2sf) =	vpush v1, $0x1;
	_ =	sdelay $0x5  }
0x381: {  	s13 =	spop (v2sf)  }
0x382: {  	s14 =	spop (v2sf)  }
0x383: {  	s2 =	simm.s32 $0x100;
	s3 =	simm.s32 $0x80;
	s10 =	spop (v2sf)  }
0x384: {  	s0 =	simm.s32 $0x40;
	p0 =	seq.s32 s10, s13;
	p1 =	seq.s32 s10, s14  }
0x385: {  	(v2sf) =	vpush v1, $0x2;
	s2 =	simm.s32 @!p0 $0x0;
	s3 =	simm.s32 @!p1 $0x0;
	p0 =	seq.s32 s13, s14  }
0x386: {  	(v2sf) =	vpush v1, $0x3;
	s0 =	simm.s32 @!p0 $0x0;
	s15 =	sor.u32 s3, s2  }
0x387: {  	(v2sf) =	vpush v1, $0x4;
	s0 =	sor.u32 s0, s15  }
0x388: {  	(v2sf) =	vpush v1, $0x5;
	v3 =	vld [tilespmem:s0+$0x2900]  }
0x389: {  	s5 =	simm.s32 $0xB500;
	(v2sf) =	vpush v1, $0x6;
	s16 =	spop (v2sf)  }
0x38a: {  	(v2sf) =	vpush v1, $0x7;
	s3 =	simm.s32 $0x100;
	s17 =	spop (v2sf);
	p0 =	seq.s32 s10, s16  }
0x38b: {  	s4 =	simm.s32 $0x80;
	(v2sf) =	vpush v2, $0x2;
	s3 =	simm.s32 @!p0 $0x0;
	p0 =	seq.s32 s10, s17  }
0x38c: {  	s1 =	simm.s32 $0x40;
	(v2sf) =	vpush v2, $0x3;
	s4 =	simm.s32 @!p0 $0x0;
	p0 =	seq.s32 s16, s17  }
0x38d: {  	s1 =	simm.s32 @!p0 $0x0;
	s18 =	sor.u32 s4, s3;
	[tilespmem:s5+$0x0] =	vst v3  }
0x38e: {  	s2 =	sor.u32 s1, s18;
	v3 =	vld [tilespmem:s0+$0x2910]  }
0x38f: {  	v4 =	vld [tilespmem:s2+$0x2900];
	_ =	sdelay $0x1  }
0x390: {  	(v2sf) =	vpush v1, $0x8;
	_ =	sdelay $0x1  }
0x391: {  	(v2sf) =	vpush v1, $0x9;
	[tilespmem:s5+$0x10] =	vst v3  }
0x392: {  	s8 =	simm.s32 $0x100;
	s19 =	spop (v2sf);
	[tilespmem:s5+$0xFFFFFE00] =	vst v4;
	v3 =	vld [tilespmem:s0+$0x2920]  }
0x393: {  	s29 =	simm.s32 $0x2F30;
	s31 =	simm.s32 $0x0;
	s20 =	spop (v2sf);
	v4 =	vld [tilespmem:s2+$0x2910]  }
0x394: {  	s12 =	simm.s32 $0x100;
	s13 =	simm.s32 $0x80;
	(v2sf) =	vpush v1, $0xA;
	s6 =	spop (v2sf)  }
0x395: {  	p0 =	seq.s32 s10, s19;
	s4 =	simm.s32 $0x80;
	s7 =	spop (v2sf)  }
0x396: {  	s8 =	simm.s32 @!p0 $0x0;
	p0 =	seq.s32 s10, s20;
	s21 =	spop (v2sf)  }
0x397: {  	s4 =	simm.s32 @!p0 $0x0;
	p0 =	seq.s32 s10, s6;
	s9 =	spop (v2sf);
	[tilespmem:s5+$0x20] =	vst v3  }
0x398: {  	s24 =	sor.u32 s4, s8;
	s4 =	simm.s32 $0x100;
	s22 =	spop (v2sf);
	[tilespmem:s5+$0xFFFFFE10] =	vst v4;
	v3 =	vld [tilespmem:s0+$0x2930]  }
0x399: {  	s8 =	simm.s32 $0x80;
	s11 =	spop (v2sf);
	p1 =	seq.s32 s10, s22;
	v4 =	vld [tilespmem:s2+$0x2920]  }
0x39a: {  	s4 =	simm.s32 @!p0 $0x0;
	p2 =	seq.s32 s10, s11;
	s12 =	simm.s32 @!p1 $0x0  }
0x39b: {  	p1 =	seq.s32 s22, s11;
	s13 =	simm.s32 @!p2 $0x0;
	s0 =	simm.s32 $0x40  }
0x39c: {  	(v2sf) =	vpush v1, $0xB;
	p0 =	seq.s32 s10, s7;
	s23 =	sor.u32 s13, s12;
	s0 =	simm.s32 @!p1 $0x0  }
0x39d: {  	(v2sf) =	vpush v1, $0xC;
	s1 =	simm.s32 $0x40;
	s8 =	simm.s32 @!p0 $0x0;
	s0 =	sor.u32 s0, s23;
	[tilespmem:s5+$0x30] =	vst v3  }
0x39e: {  	p0 =	seq.s32 s10, s21;
	s11 =	simm.s32 $0x40;
	s25 =	spop (v2sf);
	[tilespmem:s5+$0xFFFFFE20] =	vst v4;
	v3 =	vld [tilespmem:s0+$0x2900]  }
0x39f: {  	(v2sf) =	vpush v1, $0xD;
	s4 =	sor.u32 s8, s4;
	s8 =	simm.s32 $0x40;
	p2 =	seq.s32 s19, s20;
	v4 =	vld [tilespmem:s2+$0x2930]  }
0x3a0: {  	(v2sf) =	vpush v2, $0x4;
	s26 =	spop (v2sf);
	p1 =	seq.s32 s6, s7;
	s7 =	simm.s32 $0x100  }
0x3a1: {  	s11 =	simm.s32 @!p2 $0x0;
	s13 =	simm.s32 $0x80;
	s7 =	simm.s32 @!p0 $0x0  }
0x3a2: {  	p0 =	seq.s32 s10, s9;
	s2 =	sor.u32 s11, s24;
	s11 =	simm.s32 $0x80  }
0x3a3: {  	(v2sf) =	vpush v2, $0x5;
	s12 =	simm.s32 $0x80;
	s28 =	spop (v2sf);
	s11 =	simm.s32 @!p0 $0x0;
	[tilespmem:s5+$0x40] =	vst v3  }
0x3a4: {  	(v2sf) =	vpush v1, $0xE;
	s6 =	simm.s32 $0x40;
	p0 =	seq.s32 s21, s9;
	s30 =	sor.u32 s11, s7;
	[tilespmem:s5+$0xFFFFFE30] =	vst v4;
	v4 =	vld [tilespmem:s0+$0x2910]  }
0x3a5: {  	s1 =	simm.s32 @!p0 $0x0;
	p0 =	seq.s32 s10, s25;
	s7 =	simm.s32 $0x100;
	v5 =	vld [tilespmem:s2+$0x2900];
	(v2sf) =	vpush v1, $0xF  }
0x3a6: {  	s6 =	simm.s32 @!p1 $0x0;
	s7 =	simm.s32 @!p0 $0x0;
	p0 =	seq.s32 s10, s26;
	v3 =	vld [tilespmem:s29+$0x0]  }
0x3a7: {  	s11 =	simm.s32 $0x40;
	s13 =	simm.s32 @!p0 $0x0;
	p0 =	seq.s32 s25, s26  }
0x3a8: {  	s4 =	sor.u32 s6, s4;
	s6 =	simm.s32 $0x40;
	s11 =	simm.s32 @!p0 $0x0;
	v6 =	vld.idx.msk [tilespmem:v0+s31+$0x0 ss:$0x1], $0xffff  }
0x3a9: {  	s14 =	sor.u32 s13, s7;
	p0 =	seq.s32 s10, s28;
	s7 =	simm.s32 $0x100  }
0x3aa: {  	s3 =	sor.u32 s1, s30;
	s13 =	simm.s32 $0x80;
	s7 =	simm.s32 @!p0 $0x0;
	v1 =	vld [tilespmem:s29+$0xFFFFFFF0]  }
0x3ab: {  	s9 =	sor.u32 s11, s14;
	s11 =	simm.s32 $0x40;
	s15 =	spop (v2sf);
	(v2sf) =	vpush v3, $0x0  }
0x3ac: {  	p0 =	seq.s32 s10, s15;
	p1 =	seq.s32 s28, s15;
	s16 =	spop (v2sf);
	[tilespmem:s5+$0x50] =	vst v4;
	(v2sf) =	vpush v3, $0x1  }
0x3ad: {  	s15 =	simm.s32 $0x80;
	s12 =	simm.s32 @!p0 $0x0;
	s6 =	simm.s32 @!p1 $0x0;
	v4 =	vld [tilespmem:s0+$0x2920];
	(v2sf) =	vpush v6, $0x0  }
0x3ae: {  	p0 =	seq.s32 s10, s16;
	s18 =	spop (v2sf);
	s17 =	sor.u32 s12, s7  }
0x3af: {  	s7 =	simm.s32 $0x100;
	p1 =	seq.s32 s16, s18;
	s19 =	spop (v2sf);
	[tilespmem:s5+$0xFFFFFE40] =	vst v5;
	(v2sf) =	vpush v1, $0x0  }
0x3b0: {  	s12 =	simm.s32 $0x100;
	s16 =	simm.s32 $0x80;
	s1 =	sor.u32 s6, s17;
	v5 =	vld [tilespmem:s2+$0x2910];
	(v2sf) =	vpush v1, $0x1  }
0x3b1: {  	s7 =	simm.s32 @!p0 $0x0;
	p0 =	seq.s32 s10, s18;
	s6 =	simm.s32 $0x80  }
0x3b2: {  	s11 =	simm.s32 @!p1 $0x0;
	s20 =	spop (v2sf);
	s6 =	simm.s32 @!p0 $0x0;
	[tilespmem:s5+$0x60] =	vst v4;
	(v2sf) =	vpush v2, $0x6  }
0x3b3: {  	p0 =	seq.s32 s10, s19;
	p1 =	seq.s32 s10, s20;
	s21 =	spop (v2sf);
	v4 =	vld [tilespmem:s0+$0x2930];
	(v2sf) =	vpush v2, $0x7  }
0x3b4: {  	s7 =	sor.u32 s6, s7;
	s12 =	simm.s32 @!p0 $0x0;
	s13 =	simm.s32 @!p1 $0x0  }
0x3b5: {  	p0 =	seq.s32 s19, s20;
	s22 =	sor.u32 s13, s12;
	s13 =	simm.s32 $0x80;
	[tilespmem:s5+$0xFFFFFE50] =	vst v5  }
0x3b6: {  	s18 =	sor.u32 s11, s7;
	s12 =	simm.s32 $0x80;
	s0 =	simm.s32 $0x40;
	v5 =	vld [tilespmem:s2+$0x2920]  }
0x3b7: {  	s7 =	simm.s32 $0x40;
	s0 =	simm.s32 @!p0 $0x0;
	p0 =	seq.s32 s10, s21  }
0x3b8: {  	(v2sf) =	vpush v1, $0x2;
	s6 =	sor.u32 s0, s22;
	s0 =	simm.s32 $0x100;
	s23 =	spop (v2sf);
	[tilespmem:s5+$0x70] =	vst v4  }
0x3b9: {  	s11 =	simm.s32 $0x40;
	s0 =	simm.s32 @!p0 $0x0;
	p0 =	seq.s32 s10, s23;
	v4 =	vld [tilespmem:s6+$0x2900]  }
0x3ba: {  	(v2sf) =	vpush v1, $0x3;
	s13 =	simm.s32 @!p0 $0x0;
	p0 =	seq.s32 s21, s23;
	s24 =	spop (v2sf)  }
0x3bb: {  	[tilespmem:s5+$0xFFFFFE60] =	vst v5;
	s8 =	simm.s32 @!p0 $0x0;
	s0 =	sor.u32 s13, s0;
	s26 =	spop (v2sf)  }
0x3bc: {  	s13 =	simm.s32 $0x100;
	v5 =	vld [tilespmem:s2+$0x2930];
	s2 =	simm.s32 $0x100;
	(v2sf) =	vpush v1, $0x4;
	s25 =	spop (v2sf)  }
0x3bd: {  	s0 =	sor.u32 s8, s0;
	s8 =	simm.s32 $0x100;
	p0 =	seq.s32 s25, s24  }
0x3be: {  	(v2sf) =	vpush v1, $0x5;
	[tilespmem:s5+$0x80] =	vst v4;
	p1 =	seq.s32 s25, s26;
	s28 =	spop (v2sf);
	s8 =	simm.s32 @!p0 $0x0  }
0x3bf: {  	v4 =	vld [tilespmem:s6+$0x2910];
	s12 =	simm.s32 @!p1 $0x0;
	p0 =	seq.s32 s24, s26;
	s29 =	spop (v2sf)  }
0x3c0: {  	(v2sf) =	vpush v1, $0x6;
	s7 =	simm.s32 @!p0 $0x0;
	s8 =	sor.u32 s12, s8;
	p0 =	seq.s32 s25, s28  }
0x3c1: {  	s30 =	spop (v2sf);
	s12 =	simm.s32 $0x40;
	s8 =	sor.u32 s7, s8  }
0x3c2: {  	[tilespmem:s5+$0xFFFFFE70] =	vst v5;
	(v2sf) =	vpush v1, $0x7;
	s13 =	simm.s32 @!p0 $0x0;
	p0 =	seq.s32 s25, s29;
	s14 =	spop (v2sf)  }
0x3c3: {  	v6 =	vld [tilespmem:s4+$0x2900];
	s15 =	simm.s32 @!p0 $0x0;
	p0 =	seq.s32 s10, s30;
	p1 =	seq.s32 s10, s14  }
0x3c4: {  	s7 =	simm.s32 $0x40;
	v5 =	vld [tilespmem:s8+$0x2900];
	[tilespmem:s5+$0x90] =	vst v4;
	s2 =	simm.s32 @!p0 $0x0;
	s16 =	simm.s32 @!p1 $0x0  }
0x3c5: {  	(v2sf) =	vpush v3, $0x2;
	p0 =	seq.s32 s30, s14;
	p1 =	seq.s32 s28, s29;
	s31 =	sor.u32 s15, s13;
	v4 =	vld [tilespmem:s6+$0x2920]  }
0x3c6: {  	(v2sf) =	vpush v3, $0x3;
	s15 =	simm.s32 $0x100;
	s13 =	simm.s32 $0x40;
	s7 =	simm.s32 @!p0 $0x0  }
0x3c7: {  	s2 =	sor.u32 s16, s2;
	s11 =	simm.s32 @!p1 $0x0;
	s16 =	spop (v2sf)  }
0x3c8: {  	[tilespmem:s5+$0xFFFFFE80] =	vst v6;
	s7 =	sor.u32 s7, s2;
	s2 =	simm.s32 $0xB900;
	p0 =	seq.s32 s25, s16  }
0x3c9: {  	(v2sf) =	vpush v2, $0x8;
	v6 =	vld [tilespmem:s4+$0x2910];
	s17 =	spop (v2sf);
	s14 =	sor.u32 s11, s31;
	s11 =	simm.s32 $0x40;
	[tilespmem:s2+$0x0] =	vst v5  }
0x3ca: {  	(v2sf) =	vpush v2, $0x9;
	s15 =	simm.s32 @!p0 $0x0;
	p0 =	seq.s32 s25, s17;
	p1 =	seq.s32 s16, s17;
	v5 =	vld [tilespmem:s8+$0x2910];
	[tilespmem:s5+$0xA0] =	vst v4  }
0x3cb: {  	(v2sf) =	vpush v1, $0x8;
	s16 =	simm.s32 $0x100;
	v4 =	vld [tilespmem:s6+$0x2930];
	s6 =	simm.s32 $0x80;
	s19 =	spop (v2sf)  }
0x3cc: {  	s17 =	simm.s32 $0x80;
	s6 =	simm.s32 @!p0 $0x0;
	p0 =	seq.s32 s25, s19  }
0x3cd: {  	v7 =	vld [tilespmem:s14+$0x2900];
	s13 =	simm.s32 @!p1 $0x0;
	s20 =	spop (v2sf);
	s16 =	simm.s32 @!p0 $0x0  }
0x3ce: {  	[tilespmem:s5+$0xFFFFFE90] =	vst v6;
	p0 =	seq.s32 s25, s20;
	p1 =	seq.s32 s19, s20;
	s6 =	sor.u32 s6, s15  }
0x3cf: {  	v6 =	vld [tilespmem:s4+$0x2920];
	s22 =	spop (v2sf);
	s15 =	simm.s32 $0x100;
	s19 =	simm.s32 $0x40  }
0x3d0: {  	(v2sf) =	vpush v1, $0x9;
	s20 =	simm.s32 $0x80;
	s17 =	simm.s32 @!p0 $0x0;
	s11 =	simm.s32 @!p1 $0x0;
	[tilespmem:s2+$0x10] =	vst v5  }
0x3d1: {  	s6 =	sor.u32 s13, s6;
	p0 =	seq.s32 s25, s22;
	s23 =	spop (v2sf);
	v5 =	vld [tilespmem:s8+$0x2920];
	[tilespmem:s5+$0xB0] =	vst v4  }
0x3d2: {  	[tilespmem:s2+$0xFFFFFE00] =	vst v7;
	s21 =	sor.u32 s17, s16;
	s15 =	simm.s32 @!p0 $0x0;
	p0 =	seq.s32 s25, s23;
	v4 =	vld [tilespmem:s7+$0x2900]  }
0x3d3: {  	(v2sf) =	vpush v1, $0xA;
	v7 =	vld [tilespmem:s14+$0x2910];
	s16 =	simm.s32 $0x80;
	s17 =	simm.s32 $0x80;
	s11 =	sor.u32 s11, s21  }
0x3d4: {  	(v2sf) =	vpush v1, $0xB;
	s24 =	spop (v2sf);
	s16 =	simm.s32 @!p0 $0x0;
	p0 =	seq.s32 s22, s23;
	[tilespmem:s5+$0xFFFFFEA0] =	vst v6  }
0x3d5: {  	s26 =	spop (v2sf);
	s28 =	sor.u32 s16, s15;
	p1 =	seq.s32 s25, s24;
	v6 =	vld [tilespmem:s4+$0x2930]  }
0x3d6: {  	s15 =	simm.s32 $0x100;
	s16 =	simm.s32 $0x80;
	s19 =	simm.s32 @!p0 $0x0;
	(v2sf) =	vpush v1, $0xC;
	[tilespmem:s2+$0x20] =	vst v5  }
0x3d7: {  	s4 =	simm.s32 $0x40;
	p2 =	seq.s32 s25, s26;
	s15 =	simm.s32 @!p1 $0x0;
	v5 =	vld [tilespmem:s8+$0x2930];
	[tilespmem:s5+$0xC0] =	vst v4  }
0x3d8: {  	p1 =	seq.s32 s24, s26;
	s29 =	spop (v2sf);
	(v2sf) =	vpush v1, $0xD;
	[tilespmem:s2+$0xFFFFFE10] =	vst v7;
	s26 =	simm.s32 $0x2F50;
	v4 =	vld [tilespmem:s7+$0x2910]  }
0x3d9: {  	s16 =	simm.s32 @!p2 $0x0;
	s12 =	simm.s32 @!p1 $0x0;
	s30 =	spop (v2sf);
	(v2sf) =	vpush v3, $0x4;
	v7 =	vld [tilespmem:s14+$0x2920]  }
0x3da: {  	p0 =	seq.s32 s10, s29;
	s15 =	sor.u32 s16, s15;
	s31 =	spop (v2sf);
	(v2sf) =	vpush v3, $0x5;
	[tilespmem:s5+$0xFFFFFEB0] =	vst v6  }
0x3db: {  	p1 =	seq.s32 s10, s30;
	s16 =	simm.s32 $0x40;
	s8 =	sor.u32 s19, s28;
	v6 =	vld [tilespmem:s3+$0x2900]  }
0x3dc: {  	s12 =	sor.u32 s12, s15;
	s15 =	simm.s32 $0x100;
	s17 =	simm.s32 @!p1 $0x0;
	[tilespmem:s2+$0x30] =	vst v5  }
0x3dd: {  	p1 =	seq.s32 s25, s31;
	s19 =	simm.s32 $0x100;
	(v2sf) =	vpush v1, $0xE;
	s15 =	simm.s32 @!p0 $0x0;
	v5 =	vld [tilespmem:s12+$0x2900];
	[tilespmem:s5+$0xD0] =	vst v4  }
0x3de: {  	p0 =	seq.s32 s29, s30;
	s19 =	simm.s32 @!p1 $0x0;
	(v2sf) =	vpush v2, $0xA;
	s29 =	simm.s32 $0x0;
	[tilespmem:s2+$0xFFFFFE20] =	vst v7;
	v4 =	vld [tilespmem:s7+$0x2920]  }
0x3df: {  	s16 =	simm.s32 @!p0 $0x0;
	s22 =	sor.u32 s17, s15;
	v7 =	vld [tilespmem:s14+$0x2930];
	s21 =	spop (v2sf);
	(v2sf) =	vpush v2, $0xB  }
0x3e0: {  	s15 =	simm.s32 $0x40;
	s17 =	simm.s32 $0x100;
	s13 =	sor.u32 s16, s22;
	(v2sf) =	vpush v1, $0xF;
	v1 =	vld [tilespmem:s26+$0x0];
	[tilespmem:s5+$0xFFFFFEC0] =	vst v6  }
0x3e1: {  	s14 =	simm.s32 $0x100;
	p0 =	seq.s32 s25, s21;
	p1 =	seq.s32 s31, s21;
	v6 =	vld [tilespmem:s3+$0x2910]  }
0x3e2: {  	s24 =	spop (v2sf);
	s20 =	simm.s32 @!p0 $0x0;
	s4 =	simm.s32 @!p1 $0x0;
	[tilespmem:s2+$0x40] =	vst v5  }
0x3e3: {  	p0 =	seq.s32 s25, s24;
	s28 =	spop (v2sf);
	s23 =	sor.u32 s20, s19;
	v5 =	vld.idx.msk [tilespmem:v0+s29+$0x0 ss:$0x1], $0xffff;
	[tilespmem:s5+$0xE0] =	vst v4  }
0x3e4: {  	s14 =	simm.s32 @!p0 $0x0;
	p0 =	seq.s32 s25, s28;
	s19 =	simm.s32 $0x80;
	v4 =	vld [tilespmem:s7+$0x2930]  }
0x3e5: {  	p1 =	seq.s32 s24, s28;
	s19 =	simm.s32 @!p0 $0x0;
	s30 =	spop (v2sf)  }
0x3e6: {  	s14 =	sor.u32 s19, s14;
	s19 =	simm.s32 $0x100;
	v8 =	vld [tilespmem:s12+$0x2910];
	p0 =	seq.s32 s25, s30;
	(v2sf) =	vpush v1, $0x0;
	[tilespmem:s5+$0xFFFFFED0] =	vst v6  }
0x3e7: {  	s20 =	simm.s32 $0x80;
	[tilespmem:s2+$0xFFFFFE30] =	vst v7;
	s31 =	spop (v2sf);
	s19 =	simm.s32 @!p0 $0x0;
	(v2sf) =	vpush v1, $0x1;
	v6 =	vld [tilespmem:s3+$0x2920]  }
0x3e8: {  	p0 =	seq.s32 s25, s31;
	s21 =	spop (v2sf);
	s7 =	sor.u32 s4, s23;
	(v2sf) =	vpush v5, $0x0;
	v5 =	vld [tilespmem:s6+$0x2900]  }
0x3e9: {  	s4 =	simm.s32 $0x40;
	s20 =	simm.s32 @!p0 $0x0;
	s23 =	spop (v2sf);
	[tilespmem:s5+$0xF0] =	vst v4;
	v4 =	vld [tilespmem:s26+$0xFFFFFFF0]  }
0x3ea: {  	p0 =	seq.s32 s25, s21;
	s4 =	simm.s32 @!p1 $0x0;
	p1 =	seq.s32 s30, s31;
	v9 =	vld [tilespmem:s13+$0x2900]  }
0x3eb: {  	s22 =	sor.u32 s20, s19;
	s19 =	simm.s32 $0x80;
	s17 =	simm.s32 @!p0 $0x0;
	[tilespmem:s2+$0x50] =	vst v8  }
0x3ec: {  	p0 =	seq.s32 s21, s23;
	s15 =	simm.s32 @!p1 $0x0;
	p1 =	seq.s32 s25, s23;
	v7 =	vld [tilespmem:s12+$0x2920];
	[tilespmem:s5+$0xFFFFFEE0] =	vst v6  }
0x3ed: {  	s24 =	spop (v2sf);
	s21 =	simm.s32 $0x100;
	s19 =	simm.s32 @!p1 $0x0;
	v6 =	vld [tilespmem:s3+$0x2930];
	[tilespmem:s2+$0xFFFFFE40] =	vst v5  }
0x3ee: {  	s20 =	simm.s32 $0x40;
	s29 =	spop (v2sf);
	s28 =	sor.u32 s19, s17;
	v5 =	vld [tilespmem:s6+$0x2910];
	(v2sf) =	vpush v4, $0x0  }
0x3ef: {  	s19 =	simm.s32 $0x100;
	s17 =	simm.s32 $0x80;
	s26 =	sor.u32 s4, s14;
	[tilespmem:s5+$0x100] =	vst v9;
	(v2sf) =	vpush v4, $0x1  }
0x3f0: {  	s4 =	sor.u32 s15, s22;
	s14 =	simm.s32 $0x40;
	s22 =	simm.s32 $0x80;
	v8 =	vld [tilespmem:s13+$0x2910]  }
0x3f1: {  	s14 =	simm.s32 @!p0 $0x0;
	p0 =	seq.s32 s25, s24;
	s3 =	simm.s32 $0x40;
	[tilespmem:s2+$0x60] =	vst v7;
	(v2sf) =	vpush v3, $0x6  }
0x3f2: {  	s30 =	spop (v2sf);
	s19 =	simm.s32 @!p0 $0x0;
	p0 =	seq.s32 s10, s29;
	v7 =	vld [tilespmem:s12+$0x2930];
	[tilespmem:s5+$0xFFFFFEF0] =	vst v6;
	(v2sf) =	vpush v3, $0x7  }
0x3f3: {  	s15 =	sor.u32 s14, s28;
	s31 =	spop (v2sf);
	p1 =	seq.s32 s10, s30;
	v6 =	vld [tilespmem:s9+$0x2900];
	[tilespmem:s2+$0xFFFFFE50] =	vst v5  }
0x3f4: {  	s21 =	simm.s32 @!p0 $0x0;
	p0 =	seq.s32 s29, s30;
	s22 =	simm.s32 @!p1 $0x0;
	v5 =	vld [tilespmem:s6+$0x2920];
	(v2sf) =	vpush v2, $0xC  }
0x3f5: {  	p1 =	seq.s32 s25, s31;
	s3 =	simm.s32 @!p0 $0x0;
	p0 =	seq.s32 s24, s31;
	[tilespmem:s5+$0x110] =	vst v8  }
0x3f6: {  	s23 =	sor.u32 s22, s21;
	s17 =	simm.s32 @!p1 $0x0;
	s24 =	spop (v2sf);
	(v2sf) =	vpush v2, $0xD;
	v8 =	vld [tilespmem:s13+$0x2920]  }
0x3f7: {  	s21 =	simm.s32 $0x80;
	s12 =	sor.u32 s3, s23;
	s3 =	simm.s32 $0x40;
	[tilespmem:s2+$0x70] =	vst v7  }
0x3f8: {  	s17 =	sor.u32 s17, s19;
	s3 =	simm.s32 @!p0 $0x0;
	s28 =	spop (v2sf);
	v7 =	vld [tilespmem:s15+$0x2900];
	(v2sf) =	vpush v4, $0x2;
	[tilespmem:s5+$0xFFFFFF00] =	vst v6  }
0x3f9: {  	s19 =	simm.s32 $0x80;
	s3 =	sor.u32 s3, s17;
	s16 =	spop (v2sf);
	(v2sf) =	vpush v4, $0x3;
	v6 =	vld [tilespmem:s9+$0x2910];
	[tilespmem:s2+$0xFFFFFE60] =	vst v5  }
0x3fa: {  	s17 =	simm.s32 $0x100;
	p0 =	seq.s32 s16, s24;
	p1 =	seq.s32 s16, s28;
	v5 =	vld [tilespmem:s6+$0x2930]  }
0x3fb: {  	s22 =	simm.s32 $0x100;
	s17 =	simm.s32 @!p0 $0x0;
	s19 =	simm.s32 @!p1 $0x0;
	[tilespmem:s5+$0x120] =	vst v8  }
0x3fc: {  	s23 =	simm.s32 $0x80;
	p0 =	seq.s32 s24, s28;
	s30 =	sor.u32 s19, s17;
	v8 =	vld [tilespmem:s13+$0x2930]  }
0x3fd: {  	s19 =	simm.s32 $0x100;
	[tilespmem:s2+$0x80] =	vst v7;
	s13 =	simm.s32 $0x40;
	s29 =	spop (v2sf)  }
0x3fe: {  	s6 =	simm.s32 $0xBD00;
	v7 =	vld [tilespmem:s15+$0x2910];
	[tilespmem:s5+$0xFFFFFF10] =	vst v6;
	s13 =	simm.s32 @!p0 $0x0;
	s31 =	spop (v2sf)  }
0x3ff: {  	v6 =	vld [tilespmem:s9+$0x2920];
	[tilespmem:s2+$0xFFFFFE70] =	vst v5;
	p0 =	seq.s32 s16, s29;
	s14 =	sor.u32 s13, s30;
	s13 =	simm.s32 $0x40  }
0x400: {  	(v2sf) =	vpush v4, $0x4;
	v5 =	vld [tilespmem:s11+$0x2900];
	s24 =	spop (v2sf);
	s19 =	simm.s32 @!p0 $0x0;
	p0 =	seq.s32 s16, s31  }
0x401: {  	(v2sf) =	vpush v4, $0x5;
	s28 =	spop (v2sf);
	s21 =	simm.s32 @!p0 $0x0;
	p0 =	seq.s32 s25, s24;
	[tilespmem:s5+$0x130] =	vst v8  }
0x402: {  	p1 =	seq.s32 s25, s28;
	s22 =	simm.s32 @!p0 $0x0;
	p0 =	seq.s32 s24, s28;
	v8 =	vld [tilespmem:s12+$0x2900]  }
0x403: {  	[tilespmem:s2+$0x90] =	vst v7;
	(v2sf) =	vpush v4, $0x6;
	s30 =	spop (v2sf);
	s19 =	sor.u32 s21, s19;
	s21 =	simm.s32 $0x100  }
0x404: {  	v7 =	vld [tilespmem:s15+$0x2920];
	(v2sf) =	vpush v4, $0x7;
	[tilespmem:s5+$0xFFFFFF20] =	vst v6;
	s23 =	simm.s32 @!p1 $0x0;
	p1 =	seq.s32 s29, s31;
	s13 =	simm.s32 @!p0 $0x0  }
0x405: {  	s31 =	spop (v2sf);
	p0 =	seq.s32 s10, s30;
	v9 =	vld [tilespmem:s9+$0x2930];
	s9 =	simm.s32 $0x80;
	[tilespmem:s2+$0xFFFFFE80] =	vst v5  }
0x406: {  	(v2sf) =	vpush v1, $0x2;
	s29 =	sor.u32 s23, s22;
	s22 =	simm.s32 $0x100;
	s23 =	simm.s32 $0x80;
	v5 =	vld [tilespmem:s11+$0x2910]  }
0x407: {  	(v2sf) =	vpush v1, $0x3;
	s24 =	spop (v2sf);
	s17 =	sor.u32 s13, s29;
	s13 =	simm.s32 $0x40;
	[tilespmem:s5+$0x140] =	vst v8  }
0x408: {  	s22 =	simm.s32 @!p0 $0x0;
	p0 =	seq.s32 s30, s31;
	s28 =	spop (v2sf);
	v8 =	vld [tilespmem:s12+$0x2910]  }
0x409: {  	v6 =	vld [tilespmem:s14+$0x2900];
	(v2sf) =	vpush v3, $0x8;
	s13 =	simm.s32 @!p1 $0x0;
	p1 =	seq.s32 s10, s31;
	[tilespmem:s2+$0xA0] =	vst v7;
	s20 =	simm.s32 @!p0 $0x0  }
0x40a: {  	p0 =	seq.s32 s16, s24;
	s23 =	simm.s32 @!p1 $0x0;
	v7 =	vld [tilespmem:s15+$0x2930];
	s19 =	sor.u32 s13, s19  }
0x40b: {  	(v2sf) =	vpush v3, $0x9;
	s21 =	simm.s32 @!p0 $0x0;
	p0 =	seq.s32 s16, s28;
	p1 =	seq.s32 s24, s28;
	[tilespmem:s2+$0xFFFFFE90] =	vst v5  }
0x40c: {  	s13 =	simm.s32 $0x40;
	(v2sf) =	vpush v4, $0x8;
	s9 =	simm.s32 @!p0 $0x0;
	s29 =	sor.u32 s23, s22;
	[tilespmem:s5+$0xFFFFFF30] =	vst v9;
	v5 =	vld [tilespmem:s11+$0x2920]  }
0x40d: {  	s13 =	simm.s32 @!p1 $0x0;
	s22 =	simm.s32 $0x80;
	s23 =	simm.s32 $0x100;
	v9 =	vld [tilespmem:s1+$0x2900];
	[tilespmem:s5+$0x150] =	vst v8  }
0x40e: {  	[tilespmem:s6+$0x0] =	vst v6;
	s9 =	sor.u32 s9, s21;
	s15 =	sor.u32 s20, s29;
	s21 =	simm.s32 $0x100;
	v8 =	vld [tilespmem:s12+$0x2920]  }
0x40f: {  	s20 =	simm.s32 $0x40;
	s13 =	sor.u32 s13, s9;
	[tilespmem:s2+$0xB0] =	vst v7;
	v7 =	vld [tilespmem:s14+$0x2910];
	s30 =	spop (v2sf)  }
0x410: {  	s9 =	simm.s32 $0x40;
	v6 =	vld [tilespmem:s17+$0x2900];
	p0 =	seq.s32 s16, s30;
	s31 =	spop (v2sf);
	(v2sf) =	vpush v4, $0x9  }
0x411: {  	s21 =	simm.s32 @!p0 $0x0;
	p0 =	seq.s32 s16, s31;
	p1 =	seq.s32 s30, s31;
	(v2sf) =	vpush v2, $0xE;
	[tilespmem:s2+$0xFFFFFEA0] =	vst v5  }
0x412: {  	[tilespmem:s5+$0xFFFFFF40] =	vst v9;
	s24 =	spop (v2sf);
	s22 =	simm.s32 @!p0 $0x0;
	s9 =	simm.s32 @!p1 $0x0;
	(v2sf) =	vpush v2, $0xF;
	v2 =	vld [tilespmem:s11+$0x2930]  }
0x413: {  	p0 =	seq.s32 s16, s24;
	s28 =	spop (v2sf);
	s11 =	simm.s32 $0x80;
	[tilespmem:s5+$0x160] =	vst v8;
	v8 =	vld [tilespmem:s19+$0x2900]  }
0x414: {  	[tilespmem:s6+$0x10] =	vst v7;
	v7 =	vld [tilespmem:s1+$0x2910];
	s22 =	sor.u32 s22, s21;
	s23 =	simm.s32 @!p0 $0x0;
	p1 =	seq.s32 s16, s28  }
0x415: {  	[tilespmem:s2+$0xC0] =	vst v6;
	s29 =	spop (v2sf);
	p0 =	seq.s32 s24, s28;
	v6 =	vld [tilespmem:s14+$0x2920];
	s21 =	simm.s32 $0x100  }
0x416: {  	v5 =	vld [tilespmem:s17+$0x2910];
	s30 =	spop (v2sf);
	p2 =	seq.s32 s16, s29;
	s11 =	simm.s32 @!p1 $0x0  }
0x417: {  	p1 =	seq.s32 s16, s30;
	s21 =	simm.s32 @!p2 $0x0;
	p2 =	seq.s32 s29, s30;
	v10 =	vld [tilespmem:s12+$0x2930];
	[tilespmem:s2+$0xFFFFFEB0] =	vst v2  }
0x418: {  	s11 =	sor.u32 s11, s23;
	s31 =	spop (v2sf);
	s12 =	sor.u32 s9, s22;
	v2 =	vld [tilespmem:s8+$0x2900];
	[tilespmem:s6+$0xFFFFFE00] =	vst v8  }
0x419: {  	s22 =	simm.s32 $0x80;
	s9 =	simm.s32 $0x40;
	s20 =	simm.s32 @!p2 $0x0;
	[tilespmem:s5+$0xFFFFFF50] =	vst v7;
	v8 =	vld [tilespmem:s19+$0x2910]  }
0x41a: {  	(v2sf) =	vpush v4, $0xA;
	s24 =	spop (v2sf);
	s22 =	simm.s32 @!p1 $0x0;
	s9 =	simm.s32 @!p0 $0x0;
	[tilespmem:s6+$0x20] =	vst v6;
	v7 =	vld [tilespmem:s1+$0x2920]  }
0x41b: {  	(v2sf) =	vpush v4, $0xB;
	s28 =	spop (v2sf);
	p0 =	seq.s32 s25, s31;
	p1 =	seq.s32 s25, s24;
	[tilespmem:s2+$0xD0] =	vst v5;
	v6 =	vld [tilespmem:s14+$0x2930]  }
0x41c: {  	p2 =	seq.s32 s31, s24;
	s24 =	simm.s32 $0x80;
	s21 =	sor.u32 s22, s21;
	v5 =	vld [tilespmem:s17+$0x2920];
	[tilespmem:s5+$0x170] =	vst v10  }
0x41d: {  	s9 =	sor.u32 s9, s11;
	s22 =	simm.s32 $0x100;
	s11 =	simm.s32 $0x80;
	v9 =	vld [tilespmem:s15+$0x2900];
	[tilespmem:s2+$0xFFFFFEC0] =	vst v2  }
0x41e: {  	(v2sf) =	vpush v4, $0xC;
	s22 =	simm.s32 @!p0 $0x0;
	s11 =	simm.s32 @!p1 $0x0;
	p0 =	seq.s32 s16, s28;
	v2 =	vld [tilespmem:s8+$0x2910];
	[tilespmem:s6+$0xFFFFFE10] =	vst v8  }
0x41f: {  	(v2sf) =	vpush v4, $0xD;
	s11 =	sor.u32 s11, s22;
	s22 =	simm.s32 $0x100;
	[tilespmem:s5+$0xFFFFFF60] =	vst v7;
	s29 =	spop (v2sf);
	v8 =	vld [tilespmem:s19+$0x2920]  }
0x420: {  	(v2sf) =	vpush v1, $0x4;
	s21 =	sor.u32 s20, s21;
	s22 =	simm.s32 @!p0 $0x0;
	[tilespmem:s6+$0x30] =	vst v6;
	v7 =	vld [tilespmem:s1+$0x2930];
	s30 =	spop (v2sf)  }
0x421: {  	s1 =	simm.s32 $0x100;
	[tilespmem:s2+$0xE0] =	vst v5;
	v6 =	vld [tilespmem:s21+$0x2900];
	p0 =	seq.s32 s16, s29;
	s31 =	spop (v2sf)  }
0x422: {  	v5 =	vld [tilespmem:s17+$0x2930];
	[tilespmem:s5+$0x180] =	vst v9;
	s24 =	simm.s32 @!p0 $0x0;
	p0 =	seq.s32 s10, s30;
	p1 =	seq.s32 s10, s31  }
0x423: {  	(v2sf) =	vpush v1, $0x5;
	v9 =	vld [tilespmem:s15+$0x2910];
	s1 =	simm.s32 @!p0 $0x0;
	p0 =	seq.s32 s30, s31;
	s31 =	simm.s32 $0x0  }
0x424: {  	s23 =	simm.s32 $0x40;
	(v2sf) =	vpush v4, $0xE;
	v11 =	vld.idx.msk [tilespmem:v0+s31+$0x0 ss:$0x1], $0xffff;
	[tilespmem:s6+$0xFFFFFE20] =	vst v8  }
0x425: {  	s23 =	simm.s32 @!p2 $0x0;
	(v2sf) =	vpush v3, $0xA;
	[tilespmem:s2+$0xFFFFFED0] =	vst v2;
	v8 =	vld [tilespmem:s19+$0x2930]  }
0x426: {  	s14 =	simm.s32 $0x40;
	s11 =	sor.u32 s23, s11;
	s10 =	simm.s32 $0x80;
	v10 =	vld [tilespmem:s8+$0x2920];
	[tilespmem:s6+$0x40] =	vst v6  }
0x427: {  	s23 =	simm.s32 $0x100;
	s17 =	simm.s32 $0x40;
	s10 =	simm.s32 @!p1 $0x0;
	[tilespmem:s2+$0xF0] =	vst v5;
	v6 =	vld [tilespmem:s21+$0x2910]  }
0x428: {  	p1 =	seq.s32 s28, s29;
	s1 =	sor.u32 s10, s1;
	s10 =	simm.s32 $0x2F70;
	v5 =	vld [tilespmem:s11+$0x2900]  }
0x429: {  	s17 =	simm.s32 @!p0 $0x0;
	s28 =	spop (v2sf);
	s29 =	sor.u32 s24, s22;
	(v2sf) =	vpush v3, $0xB;
	v2 =	vld [tilespmem:s10+$0x0];
	[tilespmem:s5+$0x190] =	vst v9  }
0x42a: {  	s22 =	simm.s32 $0x40;
	s14 =	simm.s32 @!p1 $0x0;
	s30 =	spop (v2sf);
	(v2sf) =	vpush v4, $0xF;
	v9 =	vld [tilespmem:s15+$0x2920];
	[tilespmem:s6+$0xFFFFFE30] =	vst v8  }
0x42b: {  	[tilespmem:s5+$0xFFFFFF70] =	vst v7;
	p0 =	seq.s32 s16, s28;
	p1 =	seq.s32 s16, s30;
	p2 =	seq.s32 s28, s30;
	v8 =	vld [tilespmem:s13+$0x2900]  }
0x42c: {  	s23 =	simm.s32 @!p0 $0x0;
	s1 =	sor.u32 s17, s1;
	v4 =	vld [tilespmem:s10+$0xFFFFFFF0];
	s14 =	sor.u32 s14, s29;
	[tilespmem:s6+$0x50] =	vst v6  }
0x42d: {  	s28 =	spop (v2sf);
	s17 =	simm.s32 $0x40;
	s22 =	simm.s32 @!p2 $0x0;
	[tilespmem:s2+$0x100] =	vst v5;
	v6 =	vld [tilespmem:s21+$0x2920]  }
0x42e: {  	p0 =	seq.s32 s16, s28;
	s29 =	spop (v2sf);
	s19 =	simm.s32 $0x80;
	[tilespmem:s2+$0xFFFFFEE0] =	vst v10;
	v5 =	vld [tilespmem:s11+$0x2910]  }
0x42f: {  	s30 =	spop (v2sf);
	s19 =	simm.s32 @!p1 $0x0;
	p1 =	seq.s32 s28, s29;
	v10 =	vld [tilespmem:s18+$0x2900];
	(v2sf) =	vpush v2, $0x0;
	[tilespmem:s5+$0x1A0] =	vst v9  }
0x430: {  	s24 =	sor.u32 s19, s23;
	s17 =	simm.s32 @!p1 $0x0;
	s23 =	simm.s32 $0x80;
	(v2sf) =	vpush v2, $0x1;
	[tilespmem:s6+$0xFFFFFE40] =	vst v8;
	v8 =	vld [tilespmem:s15+$0x2930]  }
0x431: {  	s20 =	sor.u32 s22, s24;
	s22 =	simm.s32 $0x100;
	v7 =	vld [tilespmem:s8+$0x2930];
	s8 =	simm.s32 $0x40;
	(v2sf) =	vpush v11, $0x0  }
0x432: {  	s22 =	simm.s32 @!p0 $0x0;
	p0 =	seq.s32 s16, s29;
	s31 =	spop (v2sf);
	[tilespmem:s6+$0x60] =	vst v6;
	v9 =	vld [tilespmem:s13+$0x2910]  }
0x433: {  	(v2sf) =	vpush v4, $0x0;
	p1 =	seq.s32 s16, s31;
	s28 =	spop (v2sf);
	[tilespmem:s2+$0x110] =	vst v5;
	v6 =	vld [tilespmem:s21+$0x2930];
	s15 =	simm.s32 $0x80  }
0x434: {  	(v2sf) =	vpush v4, $0x1;
	[tilespmem:s5+$0xFFFFFF80] =	vst v10;
	s23 =	simm.s32 @!p1 $0x0;
	s29 =	spop (v2sf);
	v5 =	vld [tilespmem:s11+$0x2920];
	s15 =	simm.s32 @!p0 $0x0  }
0x435: {  	v10 =	vld [tilespmem:s18+$0x2910];
	p0 =	seq.s32 s16, s30;
	s19 =	sor.u32 s15, s22;
	s22 =	simm.s32 $0x100;
	[tilespmem:s5+$0x1B0] =	vst v8  }
0x436: {  	[tilespmem:s2+$0xFFFFFEF0] =	vst v7;
	p1 =	seq.s32 s25, s29;
	s22 =	simm.s32 @!p0 $0x0;
	p0 =	seq.s32 s30, s31;
	v8 =	vld [tilespmem:s1+$0x2900]  }
0x437: {  	(v2sf) =	vpush v1, $0x6;
	s15 =	simm.s32 $0x80;
	s8 =	simm.s32 @!p0 $0x0;
	s24 =	sor.u32 s23, s22;
	[tilespmem:s6+$0xFFFFFE50] =	vst v9;
	v9 =	vld [tilespmem:s7+$0x2900]  }
0x438: {  	(v2sf) =	vpush v1, $0x7;
	s30 =	spop (v2sf);
	p0 =	seq.s32 s16, s28;
	[tilespmem:s6+$0x70] =	vst v6;
	s8 =	sor.u32 s8, s24;
	v7 =	vld [tilespmem:s13+$0x2920]  }
0x439: {  	s23 =	simm.s32 $0x100;
	p2 =	seq.s32 s25, s30;
	s31 =	spop (v2sf);
	[tilespmem:s2+$0x120] =	vst v5;
	v6 =	vld [tilespmem:s8+$0x2900]  }
0x43a: {  	[tilespmem:s5+$0xFFFFFF90] =	vst v10;
	s22 =	simm.s32 $0x80;
	s23 =	simm.s32 @!p0 $0x0;
	v5 =	vld [tilespmem:s11+$0x2930];
	s11 =	simm.s32 $0x100  }
0x43b: {  	v10 =	vld [tilespmem:s18+$0x2920];
	p0 =	seq.s32 s29, s30;
	s15 =	simm.s32 @!p2 $0x0;
	s11 =	simm.s32 @!p1 $0x0;
	[tilespmem:s5+$0x1C0] =	vst v8  }
0x43c: {  	p1 =	seq.s32 s16, s31;
	s11 =	sor.u32 s15, s11;
	s15 =	simm.s32 $0x40;
	[tilespmem:s2+$0xFFFFFF00] =	vst v9;
	v8 =	vld [tilespmem:s1+$0x2910]  }
0x43d: {  	(v2sf) =	vpush v3, $0xC;
	s22 =	simm.s32 @!p1 $0x0;
	s15 =	simm.s32 @!p0 $0x0;
	p0 =	seq.s32 s28, s31;
	[tilespmem:s6+$0xFFFFFE60] =	vst v7;
	v9 =	vld [tilespmem:s7+$0x2910]  }
0x43e: {  	(v2sf) =	vpush v3, $0xD;
	s28 =	spop (v2sf);
	s15 =	sor.u32 s15, s11;
	s11 =	simm.s32 $0x40;
	[tilespmem:s6+$0x80] =	vst v6;
	v7 =	vld [tilespmem:s13+$0x2930]  }
0x43f: {  	s29 =	sor.u32 s22, s23;
	s30 =	spop (v2sf);
	[tilespmem:s2+$0x130] =	vst v5;
	s11 =	simm.s32 @!p0 $0x0;
	v6 =	vld [tilespmem:s8+$0x2910]  }
0x440: {  	s19 =	sor.u32 s17, s19;
	[tilespmem:s5+$0xFFFFFFA0] =	vst v10;
	v5 =	vld [tilespmem:s15+$0x2900];
	s17 =	sor.u32 s11, s29;
	s11 =	spop (v2sf);
	(v2sf) =	vpush v4, $0x2  }
0x441: {  	s21 =	simm.s32 $0x40;
	s24 =	simm.s32 $0x100;
	s23 =	simm.s32 $0x100;
	v10 =	vld [tilespmem:s18+$0x2930];
	(v2sf) =	vpush v4, $0x3;
	[tilespmem:s5+$0x1D0] =	vst v8  }
0x442: {  	s22 =	simm.s32 $0x40;
	s18 =	simm.s32 $0x80;
	s31 =	spop (v2sf);
	(v2sf) =	vpush v4, $0x4;
	[tilespmem:s2+$0xFFFFFF10] =	vst v9;
	v8 =	vld [tilespmem:s1+$0x2920]  }
0x443: {  	p2 =	seq.s32 s28, s30;
	p0 =	seq.s32 s11, s28;
	s28 =	spop (v2sf);
	(v2sf) =	vpush v4, $0x5;
	[tilespmem:s6+$0xFFFFFE70] =	vst v7;
	v9 =	vld [tilespmem:s7+$0x2920]  }
0x444: {  	s22 =	simm.s32 @!p2 $0x0;
	p1 =	seq.s32 s11, s30;
	s13 =	simm.s32 $0x80;
	[tilespmem:s6+$0x90] =	vst v6;
	v7 =	vld [tilespmem:s12+$0x2900]  }
0x445: {  	s23 =	simm.s32 @!p0 $0x0;
	s13 =	simm.s32 @!p1 $0x0;
	p0 =	seq.s32 s11, s31;
	[tilespmem:s2+$0x140] =	vst v5;
	v6 =	vld [tilespmem:s8+$0x2920]  }
0x446: {  	[tilespmem:s5+$0xFFFFFFB0] =	vst v10;
	s13 =	sor.u32 s13, s23;
	s29 =	spop (v2sf);
	s24 =	simm.s32 @!p0 $0x0;
	v5 =	vld [tilespmem:s15+$0x2910]  }
0x447: {  	p0 =	seq.s32 s11, s28;
	v10 =	vld [tilespmem:s0+$0x2900];
	s23 =	simm.s32 $0x80;
	s30 =	spop (v2sf);
	[tilespmem:s5+$0x1E0] =	vst v8  }
0x448: {  	s13 =	sor.u32 s22, s13;
	p1 =	seq.s32 s16, s29;
	(v2sf) =	vpush v4, $0x6;
	p2 =	seq.s32 s16, s30;
	[tilespmem:s2+$0xFFFFFF20] =	vst v9;
	v8 =	vld [tilespmem:s1+$0x2930]  }
0x449: {  	s22 =	simm.s32 $0x40;
	p3 =	seq.s32 s29, s30;
	s18 =	simm.s32 @!p2 $0x0;
	[tilespmem:s6+$0xFFFFFE80] =	vst v7;
	v9 =	vld [tilespmem:s7+$0x2930]  }
0x44a: {  	(v2sf) =	vpush v4, $0x7;
	s22 =	simm.s32 @!p3 $0x0;
	[tilespmem:s6+$0xA0] =	vst v6;
	s1 =	simm.s32 $0x100;
	s7 =	simm.s32 $0x80;
	v7 =	vld [tilespmem:s12+$0x2910]  }
0x44b: {  	(v2sf) =	vpush v2, $0x2;
	[tilespmem:s2+$0x150] =	vst v5;
	v6 =	vld [tilespmem:s8+$0x2930];
	s8 =	simm.s32 $0x40;
	s1 =	simm.s32 @!p1 $0x0;
	s7 =	simm.s32 @!p0 $0x0  }
0x44c: {  	v5 =	vld [tilespmem:s15+$0x2920];
	p0 =	seq.s32 s31, s28;
	s31 =	spop (v2sf);
	s1 =	sor.u32 s18, s1  }
0x44d: {  	(v2sf) =	vpush v2, $0x3;
	s18 =	simm.s32 $0xC100;
	s7 =	sor.u32 s7, s24;
	s24 =	spop (v2sf);
	[tilespmem:s5+$0x1F0] =	vst v8  }
0x44e: {  	(v2sf) =	vpush v1, $0x8;
	s1 =	sor.u32 s22, s1;
	s22 =	simm.s32 $0x40;
	p1 =	seq.s32 s25, s24;
	v8 =	vld [tilespmem:s13+$0x2900];
	[tilespmem:s2+$0xFFFFFF30] =	vst v9  }
0x44f: {  	s28 =	spop (v2sf);
	s22 =	simm.s32 @!p0 $0x0;
	p0 =	seq.s32 s25, s31;
	[tilespmem:s6+$0xFFFFFE90] =	vst v7;
	v9 =	vld [tilespmem:s26+$0x2900]  }
0x450: {  	[tilespmem:s5+$0xFFFFFFC0] =	vst v10;
	s23 =	simm.s32 @!p1 $0x0;
	s29 =	spop (v2sf);
	s7 =	sor.u32 s22, s7;
	v7 =	vld [tilespmem:s12+$0x2920]  }
0x451: {  	s22 =	simm.s32 $0x100;
	[tilespmem:s2+$0x160] =	vst v5;
	v5 =	vld [tilespmem:s0+$0x2910];
	p1 =	seq.s32 s11, s29;
	s30 =	spop (v2sf)  }
0x452: {  	(v2sf) =	vpush v1, $0x9;
	[tilespmem:s6+$0xB0] =	vst v6;
	s22 =	simm.s32 @!p0 $0x0;
	p0 =	seq.s32 s31, s24;
	v6 =	vld [tilespmem:s15+$0x2930];
	s31 =	spop (v2sf)  }
0x453: {  	(v2sf) =	vpush v4, $0x8;
	s24 =	simm.s32 $0x40;
	s15 =	simm.s32 $0x80;
	s8 =	simm.s32 @!p0 $0x0;
	[tilespmem:s18+$0x0] =	vst v8;
	v8 =	vld [tilespmem:s1+$0x2900]  }
0x454: {  	(v2sf) =	vpush v4, $0x9;
	s22 =	sor.u32 s23, s22;
	p0 =	seq.s32 s11, s28;
	s23 =	simm.s32 $0x100;
	v10 =	vld [tilespmem:s13+$0x2910];
	[tilespmem:s2+$0xFFFFFF40] =	vst v9  }
0x455: {  	(v2sf) =	vpush v3, $0xE;
	p2 =	seq.s32 s11, s31;
	p3 =	seq.s32 s30, s31;
	s22 =	sor.u32 s8, s22;
	[tilespmem:s6+$0xFFFFFEA0] =	vst v7;
	v7 =	vld [tilespmem:s7+$0x2900]  }
0x456: {  	(v2sf) =	vpush v3, $0xF;
	s23 =	simm.s32 @!p0 $0x0;
	p0 =	seq.s32 s28, s29;
	s8 =	simm.s32 $0x80;
	[tilespmem:s5+$0xFFFFFFD0] =	vst v5;
	v5 =	vld [tilespmem:s26+$0x2910]  }
0x457: {  	s15 =	simm.s32 @!p2 $0x0;
	s21 =	simm.s32 @!p3 $0x0;
	s28 =	spop (v2sf);
	[tilespmem:s2+$0x170] =	vst v6;
	v3 =	vld [tilespmem:s12+$0x2930]  }
0x458: {  	s8 =	simm.s32 @!p1 $0x0;
	p1 =	seq.s32 s11, s30;
	s24 =	simm.s32 @!p0 $0x0;
	v6 =	vld [tilespmem:s22+$0x2900];
	[tilespmem:s6+$0xC0] =	vst v8  }
0x459: {  	p2 =	seq.s32 s11, s28;
	s29 =	spop (v2sf);
	s8 =	sor.u32 s8, s23;
	[tilespmem:s18+$0x10] =	vst v10;
	v8 =	vld [tilespmem:s1+$0x2910]  }
0x45a: {  	p4 =	seq.s32 s11, s29;
	p0 =	seq.s32 s28, s29;
	s30 =	spop (v2sf);
	[tilespmem:s18+$0xFFFFFE00] =	vst v7;
	v7 =	vld [tilespmem:s13+$0x2920]  }
0x45b: {  	(v2sf) =	vpush v4, $0xA;
	s23 =	simm.s32 $0x80;
	s29 =	simm.s32 $0x40;
	s8 =	sor.u32 s24, s8;
	[tilespmem:s2+$0xFFFFFF50] =	vst v5;
	v9 =	vld [tilespmem:s7+$0x2910]  }
0x45c: {  	p3 =	seq.s32 s11, s30;
	s31 =	spop (v2sf);
	s12 =	simm.s32 $0x100;
	[tilespmem:s6+$0xFFFFFEB0] =	vst v3;
	v5 =	vld [tilespmem:s26+$0x2920]  }
0x45d: {  	s23 =	simm.s32 @!p4 $0x0;
	s24 =	spop (v2sf);
	s12 =	simm.s32 @!p1 $0x0;
	[tilespmem:s2+$0x180] =	vst v6;
	v3 =	vld [tilespmem:s9+$0x2900]  }
0x45e: {  	p5 =	seq.s32 s16, s24;
	p1 =	seq.s32 s30, s31;
	s12 =	sor.u32 s15, s12;
	v6 =	vld [tilespmem:s22+$0x2910];
	[tilespmem:s6+$0xD0] =	vst v8  }
0x45f: {  	s29 =	simm.s32 @!p1 $0x0;
	s15 =	sor.u32 s21, s12;
	s21 =	simm.s32 $0x100;
	[tilespmem:s18+$0x20] =	vst v7;
	v7 =	vld [tilespmem:s1+$0x2920]  }
0x460: {  	(v2sf) =	vpush v4, $0xB;
	s12 =	simm.s32 $0x100;
	s21 =	simm.s32 @!p2 $0x0;
	p2 =	seq.s32 s11, s31;
	v8 =	vld [tilespmem:s13+$0x2930];
	[tilespmem:s18+$0xFFFFFE10] =	vst v9  }
0x461: {  	s12 =	simm.s32 @!p3 $0x0;
	s28 =	spop (v2sf);
	s13 =	simm.s32 $0x80;
	[tilespmem:s2+$0xFFFFFF60] =	vst v5;
	v9 =	vld [tilespmem:s7+$0x2920]  }
0x462: {  	s30 =	spop (v2sf);
	p4 =	seq.s32 s24, s28;
	[tilespmem:s6+$0xFFFFFEC0] =	vst v3;
	s13 =	simm.s32 @!p2 $0x0;
	v5 =	vld [tilespmem:s26+$0x2930]  }
0x463: {  	p6 =	seq.s32 s16, s28;
	s31 =	spop (v2sf);
	[tilespmem:s2+$0x190] =	vst v6;
	s13 =	sor.u32 s13, s12;
	v3 =	vld [tilespmem:s9+$0x2910]  }
0x464: {  	v6 =	vld [tilespmem:s22+$0x2920];
	s12 =	sor.u32 s23, s21;
	s23 =	spop (v2sf);
	s26 =	sor.u32 s29, s13;
	[tilespmem:s6+$0xE0] =	vst v7  }
0x465: {  	s24 =	spop (v2sf);
	p3 =	seq.s32 s25, s23;
	s13 =	simm.s32 $0x80;
	v7 =	vld [tilespmem:s1+$0x2930];
	[tilespmem:s18+$0x30] =	vst v8  }
0x466: {  	p2 =	seq.s32 s25, s24;
	p1 =	seq.s32 s23, s24;
	s1 =	simm.s32 $0x100;
	[tilespmem:s18+$0xFFFFFE20] =	vst v9;
	v8 =	vld [tilespmem:s26+$0x2900]  }
0x467: {  	s13 =	simm.s32 @!p6 $0x0;
	s23 =	simm.s32 $0x80;
	s1 =	simm.s32 @!p5 $0x0;
	[tilespmem:s2+$0xFFFFFF70] =	vst v5;
	v9 =	vld [tilespmem:s7+$0x2930]  }
0x468: {  	(v2sf) =	vpush v4, $0xC;
	[tilespmem:s6+$0xFFFFFED0] =	vst v3;
	s7 =	simm.s32 $0x40;
	s1 =	sor.u32 s13, s1;
	s13 =	simm.s32 $0x40;
	v5 =	vld [tilespmem:s4+$0x2900]  }
0x469: {  	(v2sf) =	vpush v4, $0xD;
	[tilespmem:s2+$0x1A0] =	vst v6;
	v3 =	vld [tilespmem:s9+$0x2920];
	s7 =	simm.s32 @!p4 $0x0;
	p4 =	seq.s32 s11, s30;
	s13 =	simm.s32 @!p0 $0x0  }
0x46a: {  	p0 =	seq.s32 s30, s31;
	s30 =	spop (v2sf);
	s21 =	sor.u32 s7, s1;
	[tilespmem:s6+$0xF0] =	vst v7;
	v7 =	vld [tilespmem:s22+$0x2930]  }
0x46b: {  	s1 =	simm.s32 $0x100;
	s7 =	simm.s32 $0x100;
	s22 =	simm.s32 $0x80;
	[tilespmem:s18+$0x40] =	vst v8;
	v8 =	vld [tilespmem:s21+$0x2900]  }
0x46c: {  	(v2sf) =	vpush v2, $0x4;
	s24 =	sor.u32 s13, s12;
	s7 =	simm.s32 @!p3 $0x0;
	s22 =	simm.s32 @!p2 $0x0;
	[tilespmem:s18+$0xFFFFFE30] =	vst v9;
	v9 =	vld [tilespmem:s26+$0x2910]  }
0x46d: {  	(v2sf) =	vpush v2, $0x5;
	p2 =	seq.s32 s11, s31;
	s7 =	sor.u32 s22, s7;
	s22 =	simm.s32 $0x40;
	[tilespmem:s2+$0xFFFFFF80] =	vst v5;
	v10 =	vld [tilespmem:s8+$0x2900]  }
0x46e: {  	s1 =	simm.s32 @!p4 $0x0;
	s23 =	simm.s32 @!p2 $0x0;
	[tilespmem:s6+$0xFFFFFEE0] =	vst v3;
	s22 =	simm.s32 @!p1 $0x0;
	v5 =	vld [tilespmem:s4+$0x2910]  }
0x46f: {  	(v2sf) =	vpush v4, $0xE;
	s31 =	spop (v2sf);
	s29 =	sor.u32 s23, s1;
	v6 =	vld [tilespmem:s9+$0x2930];
	s1 =	sor.u32 s22, s7;
	[tilespmem:s2+$0x1B0] =	vst v7  }
0x470: {  	(v2sf) =	vpush v1, $0xA;
	p2 =	seq.s32 s11, s31;
	s23 =	simm.s32 $0x40;
	p1 =	seq.s32 s30, s31;
	[tilespmem:s6+$0x100] =	vst v8;
	v3 =	vld [tilespmem:s1+$0x2900]  }
0x471: {  	(v2sf) =	vpush v1, $0xB;
	s23 =	simm.s32 @!p0 $0x0;
	p0 =	seq.s32 s11, s30;
	s9 =	simm.s32 $0x100;
	[tilespmem:s18+$0x50] =	vst v9;
	v7 =	vld [tilespmem:s21+$0x2910]  }
0x472: {  	(v2sf) =	vpush v4, $0xF;
	s7 =	simm.s32 $0x6;
	s22 =	sor.u32 s23, s29;
	s9 =	simm.s32 @!p0 $0x0;
	[tilespmem:s18+$0xFFFFFE40] =	vst v10;
	v8 =	vld [tilespmem:s26+$0x2920]  }
.LBB2_6:
0x473: {  	s7 =	sadd.s32 $0x2, s7  }
0x474: {  	s12 =	simm.s32 $0x80;
	s10 =	sadd.s32 $0x20, s10;
	s23 =	simm.s32 $0x40  }
0x475: {  	v9 =	vld [tilespmem:s8+$0x2910];
	[tilespmem:s6+$0xFFFFFEF0] =	vst v6;
	s25 =	simm.s32 $0x100;
	s28 =	simm.s32 $0x80;
	s12 =	simm.s32 @!p2 $0x0  }
0x476: {  	s13 =	sshrl.u32 s7, $0x3;
	s23 =	simm.s32 @!p1 $0x0;
	v4 =	vld [tilespmem:s10+$0x0];
	s9 =	sor.u32 s12, s9;
	[tilespmem:s2+$0xFFFFFF90] =	vst v5  }
0x477: {  	p0 =	slt.u32 s7, $0x3E;
	v5 =	vld.idx.msk [tilespmem:v0+s13+$0x0 ss:$0x1], $0xffff;
	s9 =	sor.u32 s23, s9;
	s13 =	spop (v2sf);
	[tilespmem:s2+$0x1C0] =	vst v3  }
0x478: {  	s12 =	smov.u32 s6;
	p1 =	seq.s32 s11, s13;
	s23 =	spop (v2sf)  }
0x479: {  	[tilespmem:s6+$0x110] =	vst v7;
	v6 =	vld [tilespmem:s1+$0x2910];
	s6 =	smov.u32 s18;
	s25 =	simm.s32 @!p1 $0x0;
	p1 =	seq.s32 s11, s23  }
0x47a: {  	p2 =	seq.s32 s13, s23;
	[tilespmem:s18+$0x60] =	vst v8;
	v7 =	vld [tilespmem:s21+$0x2920];
	s13 =	simm.s32 $0x80;
	s23 =	simm.s32 $0x40  }
0x47b: {  	[tilespmem:s18+$0xFFFFFE50] =	vst v9;
	s13 =	simm.s32 @!p1 $0x0;
	v8 =	vld [tilespmem:s26+$0x2930];
	s26 =	spop (v2sf);
	s23 =	simm.s32 @!p2 $0x0  }
0x47c: {  	s13 =	sor.u32 s13, s25;
	s25 =	spop (v2sf);
	p1 =	seq.s32 s11, s26  }
0x47d: {  	v3 =	vld [tilespmem:s10+$0xFFFFFFF0];
	s23 =	sor.u32 s23, s13;
	p2 =	seq.s32 s11, s25;
	s13 =	simm.s32 $0x100  }
0x47e: {  	v9 =	vld [tilespmem:s8+$0x2920];
	s13 =	simm.s32 @!p1 $0x0;
	p1 =	seq.s32 s26, s25;
	s25 =	simm.s32 $0x40  }
0x47f: {  	(v2sf) =	vpush v4, $0x0;
	s28 =	simm.s32 @!p2 $0x0;
	v10 =	vld [tilespmem:s14+$0x2900];
	[tilespmem:s2+$0x1D0] =	vst v6;
	s25 =	simm.s32 @!p1 $0x0  }
0x480: {  	(v2sf) =	vpush v4, $0x1;
	s13 =	sor.u32 s28, s13;
	s26 =	spop (v2sf);
	[tilespmem:s12+$0x120] =	vst v7;
	v6 =	vld [tilespmem:s1+$0x2920];
	s28 =	simm.s32 $0x100  }
0x481: {  	(v2sf) =	vpush v5, $0x0;
	p1 =	seq.s32 s11, s26;
	[tilespmem:s18+$0x70] =	vst v8;
	s25 =	sor.u32 s25, s13;
	v5 =	vld [tilespmem:s21+$0x2930];
	s21 =	spop (v2sf)  }
0x482: {  	s13 =	smov.u32 s24;
	(v2sf) =	vpush v3, $0x0;
	s28 =	simm.s32 @!p1 $0x0;
	v7 =	vld [tilespmem:s25+$0x2900];
	s29 =	spop (v2sf)  }
0x483: {  	p1 =	seq.s32 s16, s21;
	[tilespmem:s18+$0xFFFFFE60] =	vst v9;
	s24 =	spop (v2sf);
	p2 =	seq.s32 s16, s29;
	v8 =	vld [tilespmem:s4+$0x2920]  }
0x484: {  	s30 =	simm.s32 $0x80;
	v9 =	vld [tilespmem:s8+$0x2930];
	s8 =	simm.s32 $0x100  }
0x485: {  	s30 =	simm.s32 @!p2 $0x0;
	p2 =	seq.s32 s11, s24;
	s8 =	simm.s32 @!p1 $0x0  }
0x486: {  	(v2sf) =	vpush v3, $0x1;
	[tilespmem:s12+$0xFFFFFF00] =	vst v10;
	p1 =	seq.s32 s21, s29;
	s21 =	simm.s32 $0x40;
	s29 =	simm.s32 $0x80  }
0x487: {  	(v2sf) =	vpush v2, $0x6;
	v10 =	vld [tilespmem:s14+$0x2910];
	s21 =	simm.s32 @!p1 $0x0;
	s8 =	sor.u32 s30, s8;
	[tilespmem:s2+$0x1E0] =	vst v6;
	s29 =	simm.s32 @!p2 $0x0  }
0x488: {  	p1 =	seq.s32 s26, s24;
	(v2sf) =	vpush v2, $0x7;
	[tilespmem:s12+$0x130] =	vst v5;
	s8 =	sor.u32 s21, s8;
	v5 =	vld [tilespmem:s1+$0x2930];
	s1 =	simm.s32 $0x40  }
0x489: {  	s24 =	smov.u32 s14;
	s21 =	sor.u32 s29, s28;
	s1 =	simm.s32 @!p1 $0x0;
	[tilespmem:s18+$0x80] =	vst v7;
	v6 =	vld [tilespmem:s8+$0x2900]  }
0x48a: {  	s14 =	smov.u32 s22;
	s1 =	sor.u32 s1, s21;
	v7 =	vld [tilespmem:s25+$0x2910];
	[tilespmem:s2+$0xFFFFFFA0] =	vst v8  }
0x48b: {  	[tilespmem:s18+$0xFFFFFE70] =	vst v9;
	v8 =	vld [tilespmem:s4+$0x2930];
	s4 =	smov.u32 s19;
	s19 =	smov.u32 s23  }
0x48c: {  	v9 =	vld [tilespmem:s15+$0x2900];
	[tilespmem:s12+$0xFFFFFF10] =	vst v10;
	(v2sf) =	vpush v1, $0xC  }
0x48d: {  	v10 =	vld [tilespmem:s24+$0x2920];
	(v2sf) =	vpush v1, $0xD;
	[tilespmem:s2+$0x1F0] =	vst v5  }
0x48e: {  	[tilespmem:s12+$0x140] =	vst v6;
	v5 =	vld [tilespmem:s0+$0x2920]  }
0x48f: {  	[tilespmem:s18+$0x90] =	vst v7;
	v6 =	vld [tilespmem:s8+$0x2910]  }
0x490: {  	(v2sf) =	vpush v3, $0x2;
	s21 =	spop (v2sf);
	v7 =	vld [tilespmem:s25+$0x2920];
	[tilespmem:s2+$0xFFFFFFB0] =	vst v8  }
0x491: {  	(v2sf) =	vpush v3, $0x3;
	s22 =	spop (v2sf);
	[tilespmem:s18+$0xFFFFFE80] =	vst v9;
	v8 =	vld [tilespmem:s3+$0x2900]  }
0x492: {  	s23 =	spop (v2sf)  }
0x493: {  	s28 =	simm.s32 $0x80;
	v9 =	vld [tilespmem:s15+$0x2910];
	[tilespmem:s12+$0xFFFFFF20] =	vst v10;
	p1 =	seq.s32 s23, s21  }
0x494: {  	p2 =	seq.s32 s23, s22;
	s26 =	spop (v2sf);
	v10 =	vld [tilespmem:s24+$0x2930];
	[tilespmem:s5+$0xFFFFFFE0] =	vst v5;
	s24 =	simm.s32 $0x100  }
0x495: {  	s24 =	simm.s32 @!p1 $0x0;
	p1 =	seq.s32 s21, s22;
	v5 =	vld [tilespmem:s0+$0x2930];
	s0 =	simm.s32 $0x40  }
0x496: {  	s29 =	simm.s32 $0x100;
	s28 =	simm.s32 @!p2 $0x0;
	(v2sf) =	vpush v3, $0x4;
	[tilespmem:s12+$0x150] =	vst v6;
	s0 =	simm.s32 @!p1 $0x0  }
0x497: {  	s21 =	sor.u32 s28, s24;
	s22 =	spop (v2sf);
	p1 =	seq.s32 s23, s26  }
0x498: {  	(v2sf) =	vpush v3, $0x5;
	[tilespmem:s18+$0xA0] =	vst v7;
	v6 =	vld [tilespmem:s8+$0x2920];
	s24 =	simm.s32 $0x100;
	s28 =	simm.s32 $0x80;
	s21 =	sor.u32 s0, s21  }
0x499: {  	v7 =	vld [tilespmem:s25+$0x2930];
	s0 =	spop (v2sf);
	[tilespmem:s2+$0xFFFFFFC0] =	vst v8;
	s24 =	simm.s32 @!p1 $0x0;
	p1 =	seq.s32 s23, s22  }
0x49a: {  	s25 =	spop (v2sf);
	s28 =	simm.s32 @!p1 $0x0;
	p1 =	seq.s32 s11, s0  }
0x49b: {  	s30 =	simm.s32 $0x80;
	v8 =	vld [tilespmem:s21+$0x2900];
	[tilespmem:s18+$0xFFFFFE90] =	vst v9;
	p2 =	seq.s32 s11, s25;
	s29 =	simm.s32 @!p1 $0x0  }
0x49c: {  	(v2sf) =	vpush v3, $0x6;
	v9 =	vld [tilespmem:s15+$0x2920];
	[tilespmem:s12+$0xFFFFFF30] =	vst v10;
	s30 =	simm.s32 @!p2 $0x0;
	p2 =	seq.s32 s0, s25;
	s0 =	simm.s32 $0x40  }
0x49d: {  	s18 =	sadd.s32 $0x400, s18;
	(v2sf) =	vpush v3, $0x7;
	v10 =	vld [tilespmem:s20+$0x2900];
	[tilespmem:s5+$0xFFFFFFF0] =	vst v5;
	s0 =	simm.s32 @!p2 $0x0;
	s5 =	sor.u32 s30, s29  }
0x49e: {  	p1 =	seq.s32 s26, s22;
	(v2sf) =	vpush v4, $0x2;
	[tilespmem:s12+$0x160] =	vst v6;
	v5 =	vld [tilespmem:s3+$0x2910];
	s22 =	sor.u32 s0, s5;
	s5 =	simm.s32 $0x40  }
0x49f: {  	(v2sf) =	vpush v4, $0x3;
	[tilespmem:s6+$0xB0] =	vst v7;
	v6 =	vld [tilespmem:s8+$0x2930];
	s0 =	spop (v2sf);
	s8 =	sor.u32 s28, s24;
	s5 =	simm.s32 @!p1 $0x0  }
0x4a0: {  	[tilespmem:s18+$0x0] =	vst v8;
	v7 =	vld [tilespmem:s22+$0x2900];
	s24 =	spop (v2sf);
	p1 =	seq.s32 s16, s0;
	s25 =	sor.u32 s5, s8  }
0x4a1: {  	v8 =	vld [tilespmem:s21+$0x2910];
	[tilespmem:s6+$0xFFFFFEA0] =	vst v9;
	p2 =	seq.s32 s16, s24;
	s5 =	simm.s32 $0x100;
	s8 =	simm.s32 $0x80  }
0x4a2: {  	v9 =	vld [tilespmem:s25+$0x2900];
	[tilespmem:s12+$0xFFFFFF40] =	vst v10;
	s5 =	simm.s32 @!p1 $0x0;
	s8 =	simm.s32 @!p2 $0x0;
	p1 =	seq.s32 s0, s24  }
0x4a3: {  	v10 =	vld [tilespmem:s15+$0x2930];
	s15 =	simm.s32 $0x40  }
0x4a4: {  	s0 =	spop (v2sf);
	s5 =	sor.u32 s8, s5;
	s15 =	simm.s32 @!p1 $0x0  }
0x4a5: {  	(v2sf) =	vpush v2, $0x8;
	[tilespmem:s2+$0xFFFFFFD0] =	vst v5;
	p1 =	seq.s32 s23, s0;
	s28 =	sor.u32 s15, s5;
	s5 =	simm.s32 $0x100  }
0x4a6: {  	s8 =	spop (v2sf);
	(v2sf) =	vpush v2, $0x9;
	v5 =	vld [tilespmem:s20+$0x2910];
	[tilespmem:s12+$0x170] =	vst v6;
	s15 =	simm.s32 $0x40;
	s5 =	simm.s32 @!p1 $0x0  }
0x4a7: {  	p1 =	seq.s32 s23, s8;
	p2 =	seq.s32 s0, s8;
	(v2sf) =	vpush v3, $0x8;
	[tilespmem:s6+$0xC0] =	vst v7;
	v6 =	vld [tilespmem:s28+$0x2900];
	s8 =	simm.s32 $0x80  }
0x4a8: {  	s0 =	smov.u32 s3;
	s8 =	simm.s32 @!p1 $0x0;
	s15 =	simm.s32 @!p2 $0x0;
	[tilespmem:s18+$0x10] =	vst v8;
	v7 =	vld [tilespmem:s22+$0x2910]  }
0x4a9: {  	s3 =	smov.u32 s17;
	s5 =	sor.u32 s8, s5;
	s24 =	spop (v2sf)  }
0x4aa: {  	[tilespmem:s18+$0xFFFFFE00] =	vst v9;
	v8 =	vld [tilespmem:s21+$0x2920];
	(v2sf) =	vpush v3, $0x9;
	s8 =	sor.u32 s15, s5;
	p1 =	seq.s32 s23, s24;
	s15 =	simm.s32 $0x100  }
0x4ab: {  	s5 =	spop (v2sf);
	s15 =	simm.s32 @!p1 $0x0  }
0x4ac: {  	v9 =	vld [tilespmem:s25+$0x2910];
	[tilespmem:s6+$0xFFFFFEB0] =	vst v10;
	(v2sf) =	vpush v1, $0xE;
	p1 =	seq.s32 s23, s5;
	p2 =	seq.s32 s24, s5;
	s5 =	simm.s32 $0x80  }
0x4ad: {  	v10 =	vld [tilespmem:s13+$0x2900];
	[tilespmem:s12+$0xFFFFFF50] =	vst v5;
	(v2sf) =	vpush v1, $0xF;
	v1 =	vmov v2;
	v2 =	vmov v4;
	s24 =	simm.s32 $0x40;
	s5 =	simm.s32 @!p1 $0x0  }
0x4ae: {  	s17 =	smov.u32 s1;
	s24 =	simm.s32 @!p2 $0x0;
	v4 =	vld [tilespmem:s20+$0x2920];
	[tilespmem:s12+$0x180] =	vst v6;
	s1 =	sor.u32 s5, s15  }
0x4af: {  	s26 =	spop (v2sf);
	[tilespmem:s6+$0xD0] =	vst v7;
	v5 =	vld [tilespmem:s28+$0x2910];
	s5 =	smov.u32 s2;
	s2 =	simm.s32 $0x100  }
0x4b0: {  	s15 =	sor.u32 s24, s1;
	p1 =	seq.s32 s23, s26;
	s1 =	spop (v2sf)  }
0x4b1: {  	[tilespmem:s18+$0x20] =	vst v8;
	v6 =	vld [tilespmem:s22+$0x2920];
	s24 =	simm.s32 $0x80;
	s2 =	simm.s32 @!p1 $0x0;
	p1 =	seq.s32 s23, s1  }
0x4b2: {  	[tilespmem:s18+$0xFFFFFE10] =	vst v9;
	v7 =	vld [tilespmem:s21+$0x2930];
	s21 =	spop (v2sf);
	s24 =	simm.s32 @!p1 $0x0;
	p1 =	seq.s32 s26, s1  }
0x4b3: {  	s1 =	spop (v2sf);
	p2 =	seq.s32 s23, s21;
	s26 =	simm.s32 $0x80  }
0x4b4: {  	v8 =	vld [tilespmem:s25+$0x2920];
	(v2sf) =	vpush v3, $0xA;
	[tilespmem:s6+$0xFFFFFEC0] =	vst v10;
	s2 =	sor.u32 s24, s2;
	p3 =	seq.s32 s23, s1;
	s24 =	simm.s32 $0x100  }
0x4b5: {  	(v2sf) =	vpush v3, $0xB;
	v9 =	vld [tilespmem:s13+$0x2910];
	[tilespmem:s12+$0xFFFFFF60] =	vst v4;
	s24 =	simm.s32 @!p2 $0x0;
	s26 =	simm.s32 @!p3 $0x0  }
0x4b6: {  	p2 =	seq.s32 s21, s1;
	v4 =	vld [tilespmem:s20+$0x2930];
	s1 =	simm.s32 $0x40;
	s20 =	simm.s32 $0x40  }
0x4b7: {  	[tilespmem:s12+$0x190] =	vst v5;
	s1 =	simm.s32 @!p1 $0x0;
	s20 =	simm.s32 @!p2 $0x0;
	s21 =	sor.u32 s26, s24  }
0x4b8: {  	[tilespmem:s6+$0xE0] =	vst v6;
	v5 =	vld [tilespmem:s28+$0x2920];
	s24 =	sor.u32 s1, s2;
	s26 =	sor.u32 s20, s21  }
0x4b9: {  	[tilespmem:s18+$0x30] =	vst v7;
	v6 =	vld [tilespmem:s22+$0x2930];
	s1 =	spop (v2sf);
	s20 =	smov.u32 s9;
	s2 =	smov.u32 s12  }
0x4ba: {  	s12 =	simm.s32 $0x100;
	s22 =	simm.s32 $0x80;
	[tilespmem:s18+$0xFFFFFE20] =	vst v8;
	v7 =	vld [tilespmem:s26+$0x2900];
	(v2sf) =	vpush v3, $0xC;
	s21 =	spop (v2sf)  }
0x4bb: {  	p1 =	seq.s32 s11, s1;
	s9 =	spop (v2sf);
	p2 =	seq.s32 s11, s21  }
0x4bc: {  	v8 =	vld [tilespmem:s25+$0x2930];
	(v2sf) =	vpush v3, $0xD;
	[tilespmem:s6+$0xFFFFFED0] =	vst v9;
	s12 =	simm.s32 @!p1 $0x0;
	p1 =	seq.s32 s1, s21;
	s21 =	simm.s32 $0x40  }
0x4bd: {  	v9 =	vld [tilespmem:s13+$0x2920];
	s22 =	simm.s32 @!p2 $0x0;
	[tilespmem:s2+$0xFFFFFF70] =	vst v4;
	s21 =	simm.s32 @!p1 $0x0  }
0x4be: {  	p1 =	seq.s32 s23, s9;
	s1 =	spop (v2sf);
	(v2sf) =	vpush v2, $0x4;
	s12 =	sor.u32 s22, s12;
	v4 =	vld [tilespmem:s4+$0x2900];
	[tilespmem:s2+$0x1A0] =	vst v5  }
0x4bf: {  	s22 =	simm.s32 $0x100;
	s21 =	sor.u32 s21, s12;
	s12 =	spop (v2sf)  }
0x4c0: {  	(v2sf) =	vpush v2, $0x5;
	[tilespmem:s6+$0xF0] =	vst v6;
	v10 =	vld [tilespmem:s28+$0x2930];
	s22 =	simm.s32 @!p1 $0x0;
	p1 =	seq.s32 s23, s1;
	s28 =	simm.s32 $0x80  }
0x4c1: {  	s29 =	simm.s32 $0x80;
	s25 =	spop (v2sf);
	s28 =	simm.s32 @!p1 $0x0  }
0x4c2: {  	p1 =	seq.s32 s16, s12;
	p2 =	seq.s32 s16, s25;
	s16 =	simm.s32 $0x100  }
0x4c3: {  	[tilespmem:s18+$0x40] =	vst v7;
	v7 =	vld [tilespmem:s21+$0x2900];
	s16 =	simm.s32 @!p1 $0x0;
	s29 =	simm.s32 @!p2 $0x0  }
0x4c4: {  	[tilespmem:s18+$0xFFFFFE30] =	vst v8;
	v8 =	vld [tilespmem:s26+$0x2910];
	p1 =	seq.s32 s12, s25;
	p2 =	seq.s32 s9, s1;
	s1 =	simm.s32 $0x40  }
0x4c5: {  	v11 =	vld [tilespmem:s8+$0x2900];
	(v2sf) =	vpush v3, $0xE;
	[tilespmem:s6+$0xFFFFFEE0] =	vst v9;
	s12 =	simm.s32 $0x40;
	s1 =	simm.s32 @!p1 $0x0  }
.Ltmp6:
0x4c6: {  	v6 =	vld [tilespmem:s13+$0x2930];
	(v2sf) =	vpush v1, $0xA;
	[tilespmem:s2+$0xFFFFFF80] =	vst v4;
	s9 =	sor.u32 s29, s16;
	s12 =	simm.s32 @!p2 $0x0;
	(pc) =	sbr.rel @p0 .LBB2_6-.Ltmp6, $4  }
0x4c7: {  	s13 =	sor.u32 s28, s22;
	s16 =	smov.u32 s11;
	(v2sf) =	vpush v1, $0xB;
	v5 =	vld [tilespmem:s4+$0x2910];
	[tilespmem:s2+$0x1B0] =	vst v10;
	s1 =	sor.u32 s1, s9  }
0x4c8: {  	s11 =	smov.u32 s23;
	s22 =	sor.u32 s12, s13;
	s12 =	spop (v2sf);
	(v2sf) =	vpush v3, $0xF;
	[tilespmem:s6+$0x100] =	vst v7;
	v3 =	vld [tilespmem:s1+$0x2900]  }
0x4c9: {  	s9 =	simm.s32 $0x100;
	p1 =	seq.s32 s23, s12;
	[tilespmem:s18+$0x50] =	vst v8;
	s13 =	spop (v2sf);
	v7 =	vld [tilespmem:s21+$0x2910]  }
0x4ca: {  	[tilespmem:s18+$0xFFFFFE40] =	vst v11;
	s9 =	simm.s32 @!p1 $0x0;
	p2 =	seq.s32 s11, s13;
	p1 =	seq.s32 s12, s13;
	v8 =	vld [tilespmem:s26+$0x2920]  }
0x4cb: {  	v0 =	vld [tilespmem:s8+$0x2910];
	_ =	sdelay $0x4  }
0x4cc: {  	[tilespmem:s18+$0xFFFFFE50] =	vst v0  }
0x4cd: {  	v0 =	vld [tilespmem:s8+$0x2920];
	_ =	sdelay $0x1  }
0x4ce: {  	s10 =	spop (v2sf)  }
0x4cf: {  	s12 =	spop (v2sf)  }
0x4d0: {  	s7 =	spop (v2sf);
	[tilespmem:s18+$0x60] =	vst v8  }
0x4d1: {  	s13 =	spop (v2sf);
	v4 =	vld [tilespmem:s26+$0x2930];
	[tilespmem:s18+$0xFFFFFE60] =	vst v0  }
0x4d2: {  	p0 =	seq.s32 s11, s7;
	p3 =	seq.s32 s11, s13;
	v0 =	vld [tilespmem:s8+$0x2930]  }
0x4d3: {  	p4 =	seq.s32 s7, s13;
	s7 =	simm.s32 $0x80;
	s8 =	simm.s32 $0x100  }
0x4d4: {  	s13 =	simm.s32 $0x40;
	s7 =	simm.s32 @!p3 $0x0;
	s8 =	simm.s32 @!p0 $0x0  }
0x4d5: {  	s13 =	simm.s32 @!p4 $0x0;
	s7 =	sor.u32 s7, s8  }
0x4d6: {  	[tilespmem:s18+$0x70] =	vst v4;
	s13 =	sor.u32 s13, s7  }
0x4d7: {  	v4 =	vld [tilespmem:s13+$0x2900];
	[tilespmem:s18+$0xFFFFFE70] =	vst v0  }
0x4d8: {  	v0 =	vld [tilespmem:s15+$0x2900]  }
0x4d9: {  	(v2sf) =	vpush v2, $0x6  }
0x4da: {  	(v2sf) =	vpush v2, $0x7;
	_ =	sdelay $0x1  }
0x4db: {  	[tilespmem:s18+$0x80] =	vst v4  }
0x4dc: {  	v4 =	vld [tilespmem:s13+$0x2910];
	[tilespmem:s18+$0xFFFFFE80] =	vst v0  }
0x4dd: {  	v0 =	vld [tilespmem:s15+$0x2910];
	_ =	sdelay $0x3  }
0x4de: {  	[tilespmem:s18+$0x90] =	vst v4  }
0x4df: {  	v4 =	vld [tilespmem:s13+$0x2920];
	[tilespmem:s18+$0xFFFFFE90] =	vst v0  }
0x4e0: {  	s8 =	spop (v2sf);
	v0 =	vld [tilespmem:s15+$0x2920]  }
0x4e1: {  	s26 =	spop (v2sf)  }
0x4e2: {  	s28 =	spop (v2sf)  }
0x4e3: {  	s7 =	spop (v2sf)  }
0x4e4: {  	s23 =	spop (v2sf);
	[tilespmem:s18+$0xA0] =	vst v4  }
0x4e5: {  	s29 =	spop (v2sf);
	v4 =	vld [tilespmem:s13+$0x2930];
	[tilespmem:s18+$0xFFFFFEA0] =	vst v0  }
0x4e6: {  	p0 =	seq.s32 s11, s23;
	p3 =	seq.s32 s23, s29;
	v0 =	vld [tilespmem:s15+$0x2930]  }
0x4e7: {  	p4 =	seq.s32 s11, s29;
	s13 =	simm.s32 $0x100;
	s15 =	simm.s32 $0x80  }
0x4e8: {  	s23 =	simm.s32 $0x40;
	s13 =	simm.s32 @!p0 $0x0;
	s15 =	simm.s32 @!p4 $0x0  }
0x4e9: {  	s23 =	simm.s32 @!p3 $0x0;
	s13 =	sor.u32 s15, s13  }
0x4ea: {  	s13 =	sor.u32 s23, s13;
	[tilespmem:s18+$0xB0] =	vst v4  }
0x4eb: {  	v4 =	vld [tilespmem:s13+$0x2900];
	[tilespmem:s18+$0xFFFFFEB0] =	vst v0  }
0x4ec: {  	(v2sf) =	vpush v1, $0xC;
	v0 =	vld [tilespmem:s24+$0x2900]  }
0x4ed: {  	(v2sf) =	vpush v1, $0xD  }
0x4ee: {  	(v2sf) =	vpush v2, $0x8  }
0x4ef: {  	(v2sf) =	vpush v2, $0x9  }
0x4f0: {  	[tilespmem:s18+$0xC0] =	vst v4  }
0x4f1: {  	v4 =	vld [tilespmem:s13+$0x2910];
	[tilespmem:s18+$0xFFFFFEC0] =	vst v0  }
0x4f2: {  	v0 =	vld [tilespmem:s24+$0x2910];
	_ =	sdelay $0x3  }
0x4f3: {  	[tilespmem:s18+$0xD0] =	vst v4  }
0x4f4: {  	v4 =	vld [tilespmem:s13+$0x2920];
	[tilespmem:s18+$0xFFFFFED0] =	vst v0  }
0x4f5: {  	v0 =	vld [tilespmem:s24+$0x2920];
	_ =	sdelay $0x2  }
0x4f6: {  	s23 =	spop (v2sf)  }
0x4f7: {  	s25 =	spop (v2sf);
	[tilespmem:s18+$0xE0] =	vst v4  }
0x4f8: {  	s30 =	spop (v2sf);
	v4 =	vld [tilespmem:s13+$0x2930];
	[tilespmem:s18+$0xFFFFFEE0] =	vst v0  }
0x4f9: {  	s15 =	simm.s32 $0x80;
	s31 =	spop (v2sf);
	p0 =	seq.s32 s11, s30;
	v0 =	vld [tilespmem:s24+$0x2930]  }
0x4fa: {  	p3 =	seq.s32 s30, s31;
	p4 =	seq.s32 s11, s31;
	s13 =	simm.s32 $0x100  }
0x4fb: {  	s15 =	simm.s32 @!p4 $0x0;
	s13 =	simm.s32 @!p0 $0x0;
	s24 =	simm.s32 $0x40  }
0x4fc: {  	[tilespmem:s6+$0xFFFFFEF0] =	vst v6;
	s13 =	sor.u32 s15, s13;
	s24 =	simm.s32 @!p3 $0x0  }
0x4fd: {  	v6 =	vld [tilespmem:s14+$0x2900];
	(v2sf) =	vpush v1, $0xE;
	s24 =	sor.u32 s24, s13;
	[tilespmem:s18+$0xF0] =	vst v4  }
0x4fe: {  	(v2sf) =	vpush v1, $0xF;
	v53 =	vld [tilespmem:s24+$0x2900];
	[tilespmem:s18+$0xFFFFFEF0] =	vst v0  }
0x4ff: {  	(v2sf) =	vpush v2, $0xA;
	v0 =	vld [tilespmem:s22+$0x2900]  }
0x500: {  	(v2sf) =	vpush v2, $0xB;
	_ =	sdelay $0x1  }
0x501: {  	[tilespmem:s6+$0xFFFFFF00] =	vst v6  }
0x502: {  	v54 =	vld [tilespmem:s14+$0x2910];
	[tilespmem:s18+$0x100] =	vst v53  }
0x503: {  	v1 =	vld [tilespmem:s24+$0x2910];
	[tilespmem:s18+$0xFFFFFF00] =	vst v0  }
0x504: {  	v0 =	vld [tilespmem:s22+$0x2910];
	_ =	sdelay $0x1  }
0x505: {  	[tilespmem:s6+$0x110] =	vst v7  }
0x506: {  	v55 =	vld [tilespmem:s21+$0x2920];
	[tilespmem:s6+$0xFFFFFF10] =	vst v54  }
0x507: {  	v4 =	vld [tilespmem:s14+$0x2920];
	[tilespmem:s18+$0x110] =	vst v1  }
0x508: {  	v1 =	vld [tilespmem:s24+$0x2920];
	[tilespmem:s18+$0xFFFFFF10] =	vst v0  }
0x509: {  	s29 =	simm.s32 $0x100;
	v0 =	vld [tilespmem:s22+$0x2920]  }
0x50a: {  	s30 =	simm.s32 $0x80;
	p4 =	seq.s32 s16, s28;
	s13 =	spop (v2sf)  }
0x50b: {  	[tilespmem:s6+$0x120] =	vst v55;
	s30 =	simm.s32 @!p4 $0x0;
	p0 =	seq.s32 s16, s26;
	s15 =	spop (v2sf)  }
0x50c: {  	v6 =	vld [tilespmem:s21+$0x2930];
	s29 =	simm.s32 @!p0 $0x0;
	p3 =	seq.s32 s26, s28;
	s26 =	spop (v2sf);
	[tilespmem:s6+$0xFFFFFF20] =	vst v4  }
0x50d: {  	s21 =	simm.s32 $0x100;
	s28 =	sor.u32 s30, s29;
	s29 =	spop (v2sf);
	v4 =	vld [tilespmem:s14+$0x2930];
	[tilespmem:s18+$0x120] =	vst v1  }
0x50e: {  	p4 =	seq.s32 s11, s26;
	p0 =	seq.s32 s26, s29;
	s14 =	simm.s32 $0x40;
	v1 =	vld [tilespmem:s24+$0x2930];
	[tilespmem:s18+$0xFFFFFF20] =	vst v0  }
0x50f: {  	p5 =	seq.s32 s11, s29;
	s14 =	simm.s32 @!p3 $0x0;
	v0 =	vld [tilespmem:s22+$0x2930];
	s22 =	simm.s32 $0x80  }
0x510: {  	s21 =	simm.s32 @!p4 $0x0;
	s14 =	sor.u32 s14, s28;
	s22 =	simm.s32 @!p5 $0x0  }
0x511: {  	[tilespmem:s6+$0x130] =	vst v6;
	s24 =	simm.s32 $0x40;
	s21 =	sor.u32 s22, s21;
	s22 =	simm.s32 $0x80  }
0x512: {  	(v2sf) =	vpush v2, $0xC;
	s26 =	simm.s32 $0x40;
	v6 =	vld [tilespmem:s14+$0x2900];
	[tilespmem:s6+$0xFFFFFF30] =	vst v4;
	s24 =	simm.s32 @!p0 $0x0;
	s22 =	simm.s32 @!p2 $0x0  }
0x513: {  	(v2sf) =	vpush v2, $0xD;
	s26 =	simm.s32 @!p1 $0x0;
	v4 =	vld [tilespmem:s20+$0x2900];
	s21 =	sor.u32 s24, s21;
	[tilespmem:s18+$0x130] =	vst v1;
	s9 =	sor.u32 s22, s9  }
0x514: {  	v1 =	vld [tilespmem:s21+$0x2900];
	s22 =	sor.u32 s26, s9;
	[tilespmem:s18+$0xFFFFFF30] =	vst v0  }
0x515: {  	v0 =	vld [tilespmem:s22+$0x2900];
	_ =	sdelay $0x1  }
0x516: {  	[tilespmem:s6+$0x140] =	vst v6  }
0x517: {  	v6 =	vld [tilespmem:s14+$0x2910];
	[tilespmem:s6+$0xFFFFFF40] =	vst v4  }
0x518: {  	v4 =	vld [tilespmem:s20+$0x2910];
	[tilespmem:s18+$0x140] =	vst v1  }
0x519: {  	v1 =	vld [tilespmem:s21+$0x2910];
	[tilespmem:s18+$0xFFFFFF40] =	vst v0  }
0x51a: {  	v0 =	vld [tilespmem:s22+$0x2910];
	_ =	sdelay $0x1  }
0x51b: {  	[tilespmem:s6+$0x150] =	vst v6  }
0x51c: {  	v6 =	vld [tilespmem:s14+$0x2920];
	[tilespmem:s6+$0xFFFFFF50] =	vst v4  }
0x51d: {  	v4 =	vld [tilespmem:s20+$0x2920];
	[tilespmem:s18+$0x150] =	vst v1  }
0x51e: {  	p4 =	seq.s32 s23, s25;
	v1 =	vld [tilespmem:s21+$0x2920];
	[tilespmem:s18+$0xFFFFFF50] =	vst v0  }
0x51f: {  	p1 =	seq.s32 s11, s12;
	p3 =	seq.s32 s16, s25;
	s30 =	spop (v2sf);
	v0 =	vld [tilespmem:s22+$0x2920]  }
0x520: {  	s31 =	spop (v2sf);
	p0 =	seq.s32 s10, s12;
	s12 =	simm.s32 $0x80  }
0x521: {  	s12 =	simm.s32 @!p3 $0x0;
	p2 =	seq.s32 s11, s10;
	s10 =	simm.s32 $0x100;
	[tilespmem:s6+$0x160] =	vst v6  }
0x522: {  	s10 =	simm.s32 @!p2 $0x0;
	p2 =	seq.s32 s16, s23;
	s9 =	simm.s32 $0x100;
	v6 =	vld [tilespmem:s14+$0x2930];
	[tilespmem:s6+$0xFFFFFF60] =	vst v4  }
0x523: {  	p3 =	seq.s32 s30, s31;
	s9 =	simm.s32 @!p2 $0x0;
	s14 =	simm.s32 $0x40;
	v4 =	vld [tilespmem:s20+$0x2930];
	[tilespmem:s18+$0x160] =	vst v1  }
0x524: {  	p2 =	seq.s32 s11, s31;
	s9 =	sor.u32 s12, s9;
	s14 =	simm.s32 @!p4 $0x0;
	v1 =	vld [tilespmem:s21+$0x2930];
	[tilespmem:s18+$0xFFFFFF60] =	vst v0  }
0x525: {  	s12 =	simm.s32 $0x80;
	s9 =	sor.u32 s14, s9;
	s14 =	simm.s32 $0x80;
	v0 =	vld [tilespmem:s22+$0x2930]  }
0x526: {  	s14 =	simm.s32 @!p1 $0x0;
	p1 =	seq.s32 s11, s30;
	s21 =	simm.s32 $0x100  }
0x527: {  	s12 =	simm.s32 @!p2 $0x0;
	s20 =	simm.s32 $0x40;
	[tilespmem:s6+$0x170] =	vst v6;
	s21 =	simm.s32 @!p1 $0x0  }
0x528: {  	s20 =	simm.s32 @!p3 $0x0;
	v6 =	vld [tilespmem:s9+$0x2900];
	[tilespmem:s6+$0xFFFFFF70] =	vst v4;
	s12 =	sor.u32 s12, s21;
	s21 =	simm.s32 $0x40  }
0x529: {  	s10 =	sor.u32 s14, s10;
	v4 =	vld [tilespmem:s19+$0x2900];
	s12 =	sor.u32 s20, s12;
	s21 =	simm.s32 @!p0 $0x0;
	[tilespmem:s18+$0x170] =	vst v1  }
0x52a: {  	s10 =	sor.u32 s21, s10;
	v1 =	vld [tilespmem:s12+$0x2900];
	[tilespmem:s18+$0xFFFFFF70] =	vst v0  }
0x52b: {  	(v2sf) =	vpush v2, $0xE;
	v0 =	vld [tilespmem:s10+$0x2900]  }
0x52c: {  	(v2sf) =	vpush v2, $0xF  }
0x52d: {  	v57 =	vld [tilespmem:s0+$0x2920];
	[tilespmem:s6+$0x180] =	vst v6  }
0x52e: {  	v56 =	vld [tilespmem:s9+$0x2910];
	[tilespmem:s6+$0xFFFFFF80] =	vst v4  }
0x52f: {  	v4 =	vld [tilespmem:s19+$0x2910];
	[tilespmem:s18+$0x180] =	vst v1  }
0x530: {  	v1 =	vld [tilespmem:s12+$0x2910];
	[tilespmem:s18+$0xFFFFFF80] =	vst v0  }
0x531: {  	[tilespmem:s2+$0xFFFFFF90] =	vst v5;
	v0 =	vld [tilespmem:s10+$0x2910]  }
0x532: {  	[tilespmem:s5+$0xFFFFFFE0] =	vst v57  }
0x533: {  	v58 =	vld [tilespmem:s4+$0x2920];
	[tilespmem:s6+$0x190] =	vst v56  }
0x534: {  	v2 =	vld [tilespmem:s9+$0x2920];
	p0 =	seq.s32 s8, s7;
	[tilespmem:s6+$0xFFFFFF90] =	vst v4  }
0x535: {  	p4 =	seq.s32 s11, s8;
	s8 =	simm.s32 @!p0 $0x0;
	v4 =	vld [tilespmem:s19+$0x2920];
	[tilespmem:s18+$0x190] =	vst v1  }
0x536: {  	s8 =	simm.s32 @p0 $0x1;
	v1 =	vld [tilespmem:s12+$0x2920];
	[tilespmem:s18+$0xFFFFFF90] =	vst v0  }
0x537: {  	v0 =	vld [tilespmem:s10+$0x2920];
	[smem:$0x7A3] =	sst s8  }
0x538: {  	[tilespmem:s2+$0xFFFFFFA0] =	vst v58;
	v5 =	vld [tilespmem:s0+$0x2930]  }
0x539: {  	[tilespmem:s6+$0x1A0] =	vst v2;
	v6 =	vld [tilespmem:s4+$0x2930]  }
0x53a: {  	p2 =	seq.s32 s13, s15;
	s22 =	spop (v2sf);
	[tilespmem:s6+$0xFFFFFFA0] =	vst v4;
	v2 =	vld [tilespmem:s9+$0x2930]  }
0x53b: {  	p3 =	seq.s32 s16, s13;
	p1 =	seq.s32 s16, s15;
	s23 =	spop (v2sf);
	v4 =	vld [tilespmem:s19+$0x2930];
	[tilespmem:s18+$0x1A0] =	vst v1  }
0x53c: {  	p6 =	seq.s32 s11, s22;
	p5 =	seq.s32 s11, s23;
	s8 =	simm.s32 $0x100;
	[tilespmem:s18+$0xFFFFFFA0] =	vst v0  }
0x53d: {  	p0 =	seq.s32 s11, s7;
	s7 =	simm.s32 $0x80;
	s8 =	simm.s32 @!p4 $0x0;
	[tilespmem:s5+$0xFFFFFFF0] =	vst v5  }
0x53e: {  	p4 =	seq.s32 s22, s23;
	s0 =	simm.s32 $0x100;
	s4 =	simm.s32 $0x80;
	[tilespmem:s2+$0xFFFFFFB0] =	vst v6  }
0x53f: {  	s0 =	simm.s32 @!p3 $0x0;
	s9 =	simm.s32 $0x40;
	s4 =	simm.s32 @!p1 $0x0;
	v1 =	vld [tilespmem:s12+$0x2930];
	[tilespmem:s6+$0x1B0] =	vst v2  }
0x540: {  	s9 =	simm.s32 @!p2 $0x0;
	s0 =	sor.u32 s4, s0;
	s4 =	simm.s32 $0x80;
	[tilespmem:s6+$0xFFFFFFB0] =	vst v4  }
0x541: {  	s4 =	simm.s32 @!p5 $0x0;
	v0 =	vld [tilespmem:s10+$0x2930];
	s5 =	simm.s32 $0x100;
	s24 =	sld [smem:$0x7A3]  }
0x542: {  	s0 =	sor.u32 s9, s0;
	s9 =	simm.s32 $0x40;
	s5 =	simm.s32 @!p6 $0x0;
	v59 =	vld [tilespmem:s3+$0x2900]  }
0x543: {  	s7 =	simm.s32 @!p0 $0x0;
	s9 =	simm.s32 @!p4 $0x0;
	s4 =	sor.u32 s4, s5;
	v2 =	vld [tilespmem:s0+$0x2900]  }
0x544: {  	s5 =	simm.s32 $0x40;
	v4 =	vld [tilespmem:s17+$0x2900];
	s4 =	sor.u32 s9, s4;
	[tilespmem:s18+$0x1B0] =	vst v1;
	p0 =	seq.s32 s24, $0x1  }
0x545: {  	s7 =	sor.u32 s7, s8;
	[tilespmem:s2+$0x1C0] =	vst v3;
	v1 =	vld [tilespmem:s4+$0x2900];
	s5 =	simm.s32 @!p0 $0x0  }
0x546: {  	v3 =	vld [tilespmem:s1+$0x2910];
	[tilespmem:s18+$0xFFFFFFB0] =	vst v0;
	s5 =	sor.u32 s5, s7  }
0x547: {  	[tilespmem:s2+$0xFFFFFFC0] =	vst v59;
	v0 =	vld [tilespmem:s5+$0x2900]  }
0x548: {  	[tilespmem:s6+$0x1C0] =	vst v2;
	v5 =	vld [tilespmem:s3+$0x2910]  }
0x549: {  	[tilespmem:s6+$0xFFFFFFC0] =	vst v4;
	v2 =	vld [tilespmem:s0+$0x2910]  }
0x54a: {  	v4 =	vld [tilespmem:s17+$0x2910];
	[tilespmem:s18+$0x1C0] =	vst v1  }
0x54b: {  	[tilespmem:s2+$0x1D0] =	vst v3;
	v1 =	vld [tilespmem:s4+$0x2910]  }
0x54c: {  	v3 =	vld [tilespmem:s1+$0x2920];
	[tilespmem:s18+$0xFFFFFFC0] =	vst v0  }
0x54d: {  	[tilespmem:s2+$0xFFFFFFD0] =	vst v5;
	v0 =	vld [tilespmem:s5+$0x2910]  }
0x54e: {  	[tilespmem:s6+$0x1D0] =	vst v2;
	v60 =	vld [tilespmem:s3+$0x2920]  }
0x54f: {  	[tilespmem:s6+$0xFFFFFFD0] =	vst v4;
	v61 =	vld [tilespmem:s0+$0x2920]  }
0x550: {  	v62 =	vld [tilespmem:s17+$0x2920];
	[tilespmem:s18+$0x1D0] =	vst v1  }
0x551: {  	[tilespmem:s2+$0x1E0] =	vst v3;
	v63 =	vld [tilespmem:s4+$0x2920]  }
0x552: {  	v3 =	vld [tilespmem:s1+$0x2930];
	[tilespmem:s18+$0xFFFFFFD0] =	vst v0  }
0x553: {  	[tilespmem:s2+$0xFFFFFFE0] =	vst v60;
	v0 =	vld [tilespmem:s5+$0x2920]  }
0x554: {  	[tilespmem:s6+$0x1E0] =	vst v61;
	v2 =	vld [tilespmem:s3+$0x2930]  }
0x555: {  	[tilespmem:s6+$0xFFFFFFE0] =	vst v62;
	v5 =	vld [tilespmem:s0+$0x2930]  }
0x556: {  	v1 =	vld [tilespmem:s17+$0x2930];
	[tilespmem:s18+$0x1E0] =	vst v63  }
0x557: {  	[tilespmem:s2+$0x1F0] =	vst v3;
	v4 =	vld [tilespmem:s4+$0x2930]  }
0x558: {  	[tilespmem:s18+$0xFFFFFFE0] =	vst v0  }
0x559: {  	[tilespmem:s2+$0xFFFFFFF0] =	vst v2  }
0x55a: {  	[tilespmem:s6+$0x1F0] =	vst v5;
	v0 =	vld [tilespmem:s5+$0x2930]  }
0x55b: {  	[tilespmem:s6+$0xFFFFFFF0] =	vst v1  }
0x55c: {  	[tilespmem:s18+$0x1F0] =	vst v4  }
0x55d: {  	s25 =	rddreg [dreg:$0x11]  }
0x55e: {  	s26 =	rddreg [dreg:$0x5];
	s0 =	sshll.u32 s25, $0xC  }
0x55f: {  	s29 =	simm.s32 $0xB300;
	s28 =	simm.s32 $0x0;
	s0 =	sadd.s32 s26, s0;
	[tilespmem:s18+$0xFFFFFFF0] =	vst v0  }
0x560: {  	[hbm4b:s0+s28] =	stream.linear.scatter [tilespmem:s29], [sflag:$0x4], $0x8000, $0x38;
	[tilespmem:$0x13300] =	vst v63  }
0x561: {  	s30 =	rddreg [dreg:$0xb]  }
0x562: {  	s31 =	rddreg [dreg:$0xf]  }
.Ltmp7:
0x563: {  	s0 =	sadd.s32 s30, s31;
	(pc) =	sbr.rel .LBB2_8-.Ltmp7, $4  }
0x564: {  	p0 =	sgt.u32 s0, $0x4E1  }
0x565: {  	s1 =	rddreg [dreg:$0x1];
	s0 =	sshll.u32 @!p0 s0, $0x7  }
0x566: {  	s2 =	simm.s32 @!p0 $0x2F00;
	s0 =	sadd.s32 @!p0 s1, s0;
	s1 =	simm.s32 @!p0 $0x0  }
0x567: {  	[tilespmem:s2], [sflag:$0x2] =	stream.linear.gather @!p0 [hbm4b:s0+s1], $0x400, $0x38;
	[tilespmem:$0x13300] =	vst v63  }
.LBB2_10:
0x568: {  	_ =	sfence.sel $0x180000  }
0x569: {  	[bflag:$0x0] =	sbarrier.arrive $0xFFFF  }
0x56a: {  	_ =	strace $0x90000047  }
0x56b: {  	s0 =	stileid.u32;
	[bflag:$0x2] =	sbarrier.arrive $0xFFFF  }
0x56c: {  	p0 =	sne.s32 s0, $0x0;
	s0 =	rddreg [dreg:$0x6]  }
0x56d: {  	s0 =	sadd.s32 @!p0 $0x100000, s0  }
0x56e: {  	[sflag:s0] =	ssyncadd.tile.s32 @!p0 $0x1;
	_ =	shalt  }
.Lfunc_end2:
_tile_overlayer_lowered:
.L_overlay_start_2:
0x56f: {  	(tag) =	ssettag $0x2  }
0x570: {  	s0 =	rddreg [dreg:$0x0];
	s2 =	stileid.u32  }
0x571: {  	s1 =	rddreg [dreg:$0x1];
	p0 =	sne.s32 s2, $0x0  }
0x572: {  	s3 =	rddreg [dreg:$0x2];
	[bflag:$0x3] =	sbarrier.arrive $0xFFFF;
	s2 =	simm.s32 @!p0 $0x1C05  }
0x573: {  	[timem:s3], [sflag:s2] =	dma.local @!p0 [hbm:s0], s1  }
0x574: {  	s0 =	simm.s32 @!p0 $0x5  }
0x575: {  	_ =	swait.ge @!p0 [sflag:s0], s1  }
0x576: {  	s1 =	ssub.s32 @!p0 $0x0, s1;
	[sflag:s0] =	ssyncset.done @!p0 $0x0  }
0x577: {  	[sflag:s0] =	ssyncadd.s32 @!p0 s1  }
0x578: {  	[bflag:$0x3] =	sbarrier.arrive $0xFFFF  }
0x579: {  	_ =	shalt  }

</sc_bundles>
